<compile_context>
chip_gen: v7x
topology: tpu7x:2x2x1
jax: 0.10.2.dev20260603
libtpu: 0.0.44.dev20260713+nightly
codegen_flags: <defaults>
</compile_context>

<pallas_src>
import functools

import jax
import jax.numpy as jnp
from jax import lax
from jax.experimental import pallas as pl
from jax.experimental.pallas import tpu as pltpu
from jax.experimental.pallas import tpu_sc as plsc

N_T = 6000
N_O = 4000
N = N_T + N_O
NROWS = 10240
E = 320000
D_BASE = 128
D_OTHER = 256
EMB = 64
IN_DIM = D_BASE + EMB
HID = 64
OUT = 16
R = 4
CNT_STRIDE = 8

NC, NS = 2, 16
NW = NC * NS
CHUNK = 128
GROUP1 = 4
GROUP2 = 8
CHUNKS = 80
EPW = CHUNKS * CHUNK
EPAD = NW * EPW

_f32 = jnp.float32


EROWS = E // 128
PROWS = EPAD // 128 - EROWS


def _a_body(xt_ref, xo_ref, a0_ref, a1_ref, wmap_ref, bmap_ref, rel1_ref,
            wi1_ref, wl1_ref, wr1_ref, wi2_ref, ei_ref, et_ref,
            g1_ref, l1_ref, rp1_ref, rp2_ref, srcp_ref, dstp_ref, cidxp_ref):
    aug = (a0_ref[...] + a1_ref[...]) * 0.5
    xt = xt_ref[...]
    xo = xo_ref[...]
    for wref, out, odt in ((wi1_ref, g1_ref, jnp.bfloat16),
                           (wl1_ref, l1_ref, _f32)):
        w = wref[...]
        wo = jnp.dot(wmap_ref[...], w, preferred_element_type=_f32)
        bo = jnp.dot(bmap_ref[...][None, :], w, preferred_element_type=_f32)
        out[0:N_T, :] = (jnp.dot(xt, w[0:D_BASE, :],
                                 preferred_element_type=_f32)
                         + jnp.dot(aug, w[D_BASE:, :],
                                   preferred_element_type=_f32)).astype(odt)
        out[N_T:N, :] = (jnp.dot(xo, wo, preferred_element_type=_f32)
                         + bo).astype(odt)
        out[N:, :] = jnp.zeros((NROWS - N, HID), odt)
    z = jnp.zeros((CNT_STRIDE - R, HID), _f32)
    rp1 = jnp.dot(rel1_ref[...], wi1_ref[...], preferred_element_type=_f32)
    rp1_ref[...] = jnp.concatenate([rp1, z], axis=0)
    rel2 = jnp.dot(rel1_ref[...], wr1_ref[...], preferred_element_type=_f32)
    rp2 = jnp.dot(rel2, wi2_ref[...], preferred_element_type=_f32)
    rp2_ref[...] = jnp.concatenate([rp2, jnp.zeros((CNT_STRIDE - R, OUT), _f32)],
                                   axis=0)
    src2 = ei_ref[0]
    dst2 = ei_ref[1]
    srcp_ref[0:EROWS, :] = src2
    dstp_ref[0:EROWS, :] = dst2
    cidxp_ref[0:EROWS, :] = dst2 * CNT_STRIDE + et_ref[...]
    flat = (lax.broadcasted_iota(jnp.int32, (PROWS, 128), 0) * 128
            + lax.broadcasted_iota(jnp.int32, (PROWS, 128), 1))
    junk = N + lax.rem(flat, NROWS - N)
    srcp_ref[EROWS:, :] = jnp.zeros((PROWS, 128), jnp.int32)
    dstp_ref[EROWS:, :] = junk
    cidxp_ref[EROWS:, :] = junk * CNT_STRIDE


def _stage_a(x_target, x_other, a0, a1, W_map, b_map, rel1, W_in1, W_loop1,
             W_rel1, W_in2, ei3, et2):
    return pl.pallas_call(
        _a_body,
        out_shape=(
            jax.ShapeDtypeStruct((NROWS, HID), jnp.bfloat16),
            jax.ShapeDtypeStruct((NROWS, HID), _f32),
            jax.ShapeDtypeStruct((CNT_STRIDE, HID), _f32),
            jax.ShapeDtypeStruct((CNT_STRIDE, OUT), _f32),
            jax.ShapeDtypeStruct((EROWS + PROWS, 128), jnp.int32),
            jax.ShapeDtypeStruct((EROWS + PROWS, 128), jnp.int32),
            jax.ShapeDtypeStruct((EROWS + PROWS, 128), jnp.int32),
        ),
    )(x_target, x_other, a0, a1, W_map, b_map, rel1, W_in1, W_loop1,
      W_rel1, W_in2, ei3, et2)


def _seg_kernel_body(width, group, phases, src_hbm, dst_hbm, cidx_hbm,
                     tab_hbm, out_rows, out_cnt,
                     src_v, dst_v, cidx_v, buf0, buf1, ones_v, zcnt_v,
                     tab_sp, acc, acc_cnt, sem_g0, sem_g1, sem_s0, sem_s1):
    cid = lax.axis_index("c")
    sid = lax.axis_index("s")
    wid = cid * NS + sid
    rpt = NROWS // NS
    pltpu.sync_copy(tab_hbm.at[pl.ds(sid * rpt, rpt)],
                    tab_sp.at[pl.ds(sid * rpt, rpt)])

    nzr = buf0.shape[0]
    if width >= 32:
        def zrow_body(r, carry):
            for j in range(width // 32):
                buf0[r, pl.ds(j * 32, 32)] = jnp.zeros((32,), buf0.dtype)
            return carry

        lax.fori_loop(0, nzr, zrow_body, 0)
    else:
        def zrow_body(r, carry):
            buf0[pl.ds(r * 2, 2), :] = jnp.zeros((2, width), buf0.dtype)
            return carry

        lax.fori_loop(0, nzr // 2, zrow_body, 0)
    done = 0
    while done < rpt:
        step = min(nzr, rpt - done)
        pltpu.sync_copy(buf0.at[pl.ds(0, step)],
                        acc.at[pl.ds(sid * rpt + done, step)])
        done += step
    do_cnt = cidx_hbm is not None
    if do_cnt:
        cpt = (NROWS * CNT_STRIDE) // NS

        def zcnt_body(i, carry):
            zcnt_v[pl.ds(i * 16, 16)] = jnp.zeros((16,), _f32)
            return carry

        lax.fori_loop(0, zcnt_v.shape[0] // 16, zcnt_body, 0)
        pltpu.sync_copy(zcnt_v, acc_cnt.at[pl.ds(sid * cpt, cpt)])
        for i in range(CHUNK // 16):
            ones_v[pl.ds(i * 16, 16)] = jnp.full((16,), 1.0, _f32)
    plsc.subcore_barrier()

    cpp = CHUNKS // phases
    ng = cpp // group

    def fire_gathers(g, buf, sem):
        for b in range(group):
            c = g * group + b
            pltpu.async_copy(tab_sp.at[src_v.at[c]],
                             buf.at[pl.ds(b * CHUNK, CHUNK)], sem)

    def wait_gathers(buf, sem):
        for b in range(group):
            pltpu.make_async_copy(tab_sp.at[src_v.at[0]],
                                  buf.at[pl.ds(b * CHUNK, CHUNK)], sem).wait()

    def fire_scatters(g, buf, sem):
        for b in range(group):
            c = g * group + b
            pltpu.async_copy(buf.at[pl.ds(b * CHUNK, CHUNK)],
                             acc.at[dst_v.at[c]], sem, add=True)
            if do_cnt:
                pltpu.async_copy(ones_v, acc_cnt.at[cidx_v.at[c]], sem,
                                 add=True)

    def wait_scatters(buf, sem):
        for b in range(group):
            pltpu.make_async_copy(buf.at[pl.ds(b * CHUNK, CHUNK)],
                                  acc.at[dst_v.at[0]], sem).wait()
            if do_cnt:
                pltpu.make_async_copy(ones_v, acc_cnt.at[cidx_v.at[0]],
                                      sem).wait()

    for p in range(phases):
        pltpu.sync_copy(src_hbm.at[wid, pl.ds(p * cpp, cpp)], src_v)
        pltpu.sync_copy(dst_hbm.at[wid, pl.ds(p * cpp, cpp)], dst_v)
        if do_cnt:
            pltpu.sync_copy(cidx_hbm.at[wid, pl.ds(p * cpp, cpp)], cidx_v)

        fire_gathers(0, buf0, sem_g0)
        fire_gathers(1, buf1, sem_g1)

        def body(i, carry):
            g = i * 2
            wait_gathers(buf0, sem_g0)
            fire_scatters(g, buf0, sem_s0)
            wait_gathers(buf1, sem_g1)
            wait_scatters(buf0, sem_s0)

            @pl.when(g + 2 < ng)
            def _():
                fire_gathers(g + 2, buf0, sem_g0)

            fire_scatters(g + 1, buf1, sem_s1)
            wait_scatters(buf1, sem_s1)

            @pl.when(g + 3 < ng)
            def _():
                fire_gathers(g + 3, buf1, sem_g1)

            return carry

        lax.fori_loop(0, ng // 2, body, 0)

    plsc.subcore_barrier()
    out_tiles = out_rows.shape[1] // rpt

    @pl.when(sid < out_tiles)
    def _():
        pltpu.sync_copy(acc.at[pl.ds(sid * rpt, rpt)],
                        out_rows.at[cid, pl.ds(sid * rpt, rpt)])
    if do_cnt:
        pltpu.sync_copy(acc_cnt.at[pl.ds(sid * cpt, cpt)],
                        out_cnt.at[cid, pl.ds(sid * cpt, cpt)])


def _sc_layer1(srcp, dstp, cidxp, g1):
    phases = 1

    def body(src_hbm, dst_hbm, cidx_hbm, tab_hbm,
             out_rows, out_cnt, src_v, dst_v, cidx_v, buf0, buf1, ones_v,
             zcnt_v, tab_sp, acc, acc_cnt, sem_g0, sem_g1, sem_s0, sem_s1):
        _seg_kernel_body(HID, GROUP1, phases, src_hbm, dst_hbm, cidx_hbm,
                         tab_hbm, out_rows, out_cnt,
                         src_v, dst_v, cidx_v, buf0, buf1, ones_v, zcnt_v,
                         tab_sp, acc, acc_cnt, sem_g0, sem_g1, sem_s0, sem_s1)

    k = pl.kernel(
        body,
        out_type=(
            jax.ShapeDtypeStruct((NC, NROWS, HID), jnp.bfloat16),
            jax.ShapeDtypeStruct((NC, NROWS * CNT_STRIDE), _f32),
        ),
        mesh=plsc.VectorSubcoreMesh(core_axis_name="c", subcore_axis_name="s"),
        compiler_params=pltpu.CompilerParams(use_tc_tiling_on_sc=False),
        scratch_types=[
            pltpu.VMEM((CHUNKS, CHUNK), jnp.int32),
            pltpu.VMEM((CHUNKS, CHUNK), jnp.int32),
            pltpu.VMEM((CHUNKS, CHUNK), jnp.int32),
            pltpu.VMEM((GROUP1 * CHUNK, HID), jnp.bfloat16),
            pltpu.VMEM((GROUP1 * CHUNK, HID), jnp.bfloat16),
            pltpu.VMEM((CHUNK,), _f32),
            pltpu.VMEM((NROWS * CNT_STRIDE // NS,), _f32),
            pltpu.VMEM_SHARED((NROWS, HID), jnp.bfloat16),
            pltpu.VMEM_SHARED((NROWS, HID), jnp.bfloat16),
            pltpu.VMEM_SHARED((NROWS * CNT_STRIDE,), _f32),
            pltpu.SemaphoreType.DMA,
            pltpu.SemaphoreType.DMA,
            pltpu.SemaphoreType.DMA,
            pltpu.SemaphoreType.DMA,
        ],
    )

    return k(srcp, dstp, cidxp, g1)


def _sc_layer2(srcp, dstp, g2):
    def body(src_hbm, dst_hbm, tab_hbm, out_rows, src_v, dst_v,
             buf0, buf1, tab_sp, acc, sem_g0, sem_g1, sem_s0, sem_s1):
        _seg_kernel_body(OUT, GROUP2, 1, src_hbm, dst_hbm, None, tab_hbm,
                         out_rows, None, src_v, dst_v, None,
                         buf0, buf1, None, None, tab_sp, acc, None,
                         sem_g0, sem_g1, sem_s0, sem_s1)

    k = pl.kernel(
        body,
        out_type=jax.ShapeDtypeStruct((NC, 10 * NROWS // NS, OUT),
                                      jnp.bfloat16),
        mesh=plsc.VectorSubcoreMesh(core_axis_name="c", subcore_axis_name="s"),
        compiler_params=pltpu.CompilerParams(use_tc_tiling_on_sc=False),
        scratch_types=[
            pltpu.VMEM((CHUNKS, CHUNK), jnp.int32),
            pltpu.VMEM((CHUNKS, CHUNK), jnp.int32),
            pltpu.VMEM((GROUP2 * CHUNK, OUT), jnp.bfloat16),
            pltpu.VMEM((GROUP2 * CHUNK, OUT), jnp.bfloat16),
            pltpu.VMEM_SHARED((NROWS, OUT), jnp.bfloat16),
            pltpu.VMEM_SHARED((NROWS, OUT), jnp.bfloat16),
            pltpu.SemaphoreType.DMA,
            pltpu.SemaphoreType.DMA,
            pltpu.SemaphoreType.DMA,
            pltpu.SemaphoreType.DMA,
        ],
    )
    return k(srcp, dstp, g2)




def _b0_body(cntp_ref, rp1_ref, rp2_ref, cc1_ref, cc2_ref):
    cnt = cntp_ref[0] + cntp_ref[1]
    bd1 = jnp.tile(rp1_ref[...], (16, 16))
    ii = lax.broadcasted_iota(jnp.int32, (128, 16 * HID), 0)
    jj = lax.broadcasted_iota(jnp.int32, (128, 16 * HID), 1)
    bd1 = jnp.where(ii // CNT_STRIDE == jj // HID, bd1, 0.0)
    cc1_ref[...] = jnp.dot(cnt, bd1, preferred_element_type=_f32)
    bd2 = jnp.tile(rp2_ref[...], (16, 16))
    i2 = lax.broadcasted_iota(jnp.int32, (128, 16 * OUT), 0)
    j2 = lax.broadcasted_iota(jnp.int32, (128, 16 * OUT), 1)
    bd2 = jnp.where(i2 // CNT_STRIDE == j2 // OUT, bd2, 0.0)
    cc2_ref[...] = jnp.dot(cnt, bd2, preferred_element_type=_f32)


def _stage_b0(cntp3, relp1, relp2):
    return pl.pallas_call(
        _b0_body,
        out_shape=(
            jax.ShapeDtypeStruct((NROWS * CNT_STRIDE // 128, 16 * HID), _f32),
            jax.ShapeDtypeStruct((NROWS * CNT_STRIDE // 128, 16 * OUT), _f32),
        ),
    )(cntp3, relp1, relp2)


def _b1_body(p1_ref, l1_ref, cc1_ref, wi2_ref, wl2_ref, cc2_ref,
             g2_ref, corr2_ref):
    h1 = jnp.maximum(p1_ref[0].astype(_f32) + p1_ref[1].astype(_f32)
                     + l1_ref[...] - cc1_ref[...], 0.0)
    g2_ref[...] = jnp.dot(h1, wi2_ref[...],
                          preferred_element_type=_f32).astype(jnp.bfloat16)
    corr2_ref[...] = (jnp.dot(h1, wl2_ref[...], preferred_element_type=_f32)
                      - cc2_ref[...])


def _stage_b1(p1, loop1, cc1, W_in2, W_loop2, cc2):
    return pl.pallas_call(
        _b1_body,
        out_shape=(
            jax.ShapeDtypeStruct((NROWS, OUT), jnp.bfloat16),
            jax.ShapeDtypeStruct((NROWS, OUT), _f32),
        ),
    )(p1, loop1, cc1, W_in2, W_loop2, cc2)


def _c_body(p2_ref, corr2_ref, out_ref):
    out_ref[...] = (p2_ref[0, :N_T, :].astype(_f32)
                    + p2_ref[1, :N_T, :].astype(_f32)
                    + corr2_ref[:N_T, :])


def _stage_c(p2, corr2):
    return pl.pallas_call(
        _c_body,
        out_shape=jax.ShapeDtypeStruct((N_T, OUT), _f32),
    )(p2, corr2)


def kernel(x_target, x_other, aug_feat_0, aug_feat_1, W_map, b_map, rel1,
           W_in1, W_loop1, W_rel1, W_in2, W_loop2, edge_index, edge_type):
    ei3 = edge_index.astype(jnp.int32).reshape(2, EROWS, 128)
    et2 = edge_type.astype(jnp.int32).reshape(EROWS, 128)

    (g1, loop1, relp1, relp2, srcp2, dstp2, cidxp2) = _stage_a(
        x_target, x_other, aug_feat_0, aug_feat_1, W_map, b_map, rel1,
        W_in1, W_loop1, W_rel1, W_in2, ei3, et2)

    srcp = srcp2.reshape(NW, CHUNKS, CHUNK)
    dstp = dstp2.reshape(NW, CHUNKS, CHUNK)
    cidxp = cidxp2.reshape(NW, CHUNKS, CHUNK)

    p1, cntp = _sc_layer1(srcp, dstp, cidxp, g1)

    cc1_2d, cc2_2d = _stage_b0(
        cntp.reshape(NC, NROWS * CNT_STRIDE // 128, 128), relp1, relp2)
    g2, corr2 = _stage_b1(p1, loop1, cc1_2d.reshape(NROWS, HID), W_in2,
                          W_loop2, cc2_2d.reshape(NROWS, OUT))

    p2 = _sc_layer2(srcp, dstp, g2)

    return _stage_c(p2, corr2)

# --- scband reference (transcript-rebuilt; emitter-appended) ---
"""Pipeline reference for scband-comp-gcn-aug-45715631899431 (READ-ONLY COPY).

The authoritative reference and input builder live on the scoring server;
editing this copy changes nothing except your own understanding.
"""

import jax, jax.numpy as jnp
import numpy as np

N_T = 6000
N_O = 4000
N = N_T + N_O
E = 320000
D_BASE = 128
D_OTHER = 256
EMB = 64
IN_DIM = D_BASE + EMB  # 192, after augmentation concat
HID = 64
OUT = 16
R = 4


def setup_inputs(seed: int = 0) -> dict:
    key = jax.random.key(seed)
    ks = jax.random.split(key, 16)
    x_target = jax.random.normal(ks[0], (N_T, D_BASE), dtype=jnp.float32)
    x_other = jax.random.normal(ks[1], (N_O, D_OTHER), dtype=jnp.float32)
    aug_feat_0 = jax.random.normal(ks[2], (N_T, EMB), dtype=jnp.float32)
    aug_feat_1 = jax.random.normal(ks[3], (N_T, EMB), dtype=jnp.float32)
    edge_index = jax.random.randint(ks[4], (2, E), 0, N, dtype=jnp.int64) if jax.config.jax_enable_x64 else jax.random.randint(ks[4], (2, E), 0, N, dtype=jnp.int32)
    edge_type = jax.random.randint(ks[5], (E,), 0, R, dtype=jnp.int32)
    # learned params
    W_map = jax.random.normal(ks[6], (D_OTHER, IN_DIM), dtype=jnp.float32) * 0.02  # look_up_table linear for non-target ntype
    b_map = jnp.zeros((IN_DIM,), dtype=jnp.float32)
    rel1 = jax.random.normal(ks[7], (R, IN_DIM), dtype=jnp.float32) * 0.02  # relation embeddings, layer 1
    W_in1 = jax.random.normal(ks[8], (IN_DIM, HID), dtype=jnp.float32) * 0.02
    W_loop1 = jax.random.normal(ks[9], (IN_DIM, HID), dtype=jnp.float32) * 0.02
    W_rel1 = jax.random.normal(ks[10], (IN_DIM, HID), dtype=jnp.float32) * 0.02  # relation update
    W_in2 = jax.random.normal(ks[11], (HID, OUT), dtype=jnp.float32) * 0.02
    W_loop2 = jax.random.normal(ks[12], (HID, OUT), dtype=jnp.float32) * 0.02
    return {
        "x_target": x_target,
        "x_other": x_other,
        "aug_feat_0": aug_feat_0,
        "aug_feat_1": aug_feat_1,
        "W_map": W_map,
        "b_map": b_map,
        "rel1": rel1,
        "W_in1": W_in1,
        "W_loop1": W_loop1,
        "W_rel1": W_rel1,
        "W_in2": W_in2,
        "W_loop2": W_loop2,
        "edge_index": edge_index,
        "edge_type": edge_type,
    }


def reference(x_target, x_other, aug_feat_0, aug_feat_1, W_map, b_map, rel1,
              W_in1, W_loop1, W_rel1, W_in2, W_loop2, edge_index, edge_type):
    # ---- CompGCN_AUG.forward, is_augmentation=True, method='mean', augmentated_num=2 ----
    # mean over augmented views for the single aug_type
    aug = (aug_feat_0 + aug_feat_1) / 2.0
    # concat augmented features onto target-category node features
    h_t = jnp.concatenate([x_target, aug], axis=-1)                 # [N_T, IN_DIM]
    # look_up_table: linear map for the non-target node type into IN_DIM
    h_o = x_other @ W_map + b_map                                   # [N_O, IN_DIM]
    # stack all node features (target nodes first)
    h = jnp.concatenate([h_t, h_o], axis=0)                          # [N, IN_DIM]

    src = edge_index[0]
    dst = edge_index[1]

    # ---- CompGCN layer 1 (comp_fn='sub'): msg = h_src - rel[etype], sum-aggregate at dst ----
    msg1 = h[src] - rel1[edge_type]                                  # [E, IN_DIM] gather
    agg1 = jax.ops.segment_sum(msg1, dst, num_segments=N)            # scatter-add
    h1 = jax.nn.relu(agg1 @ W_in1 + h @ W_loop1)                     # neighbor + self-loop transform, F.relu
    rel2 = rel1 @ W_rel1                                             # relation embedding update -> [R, HID]

    # ---- CompGCN layer 2 (output layer, no activation) ----
    msg2 = h1[src] - rel2[edge_type]                                 # [E, HID]
    agg2 = jax.ops.segment_sum(msg2, dst, num_segments=N)
    h2 = agg2 @ W_in2 + h1 @ W_loop2                                 # [N, OUT]

    # return logits for the target category's nodes
    logits = h2[:N_T]
    return logits

if __name__ == "__main__":
    import jax
    _d = setup_inputs()
    print(jax.jit(kernel)(*tuple(_d.values())))

</pallas_src>

<mosaic_0001>
#map = affine_map<(d0, d1) -> (0, 0, 0)>
#map1 = affine_map<(d0, d1) -> (0, 0)>
module attributes {stable_mosaic.version = 14 : i64} {
  func.func @body(%arg0: i32, %arg1: i32, %arg2: memref<32x80x128xi32, #tpu.memory_space<hbm>>, %arg3: memref<32x80x128xi32, #tpu.memory_space<hbm>>, %arg4: memref<10240x16xbf16, #tpu.memory_space<hbm>>, %arg5: memref<2x6400x16xbf16, #tpu.memory_space<hbm>>, %arg6: memref<80x128xi32, #tpu.memory_space<vmem>>, %arg7: memref<80x128xi32, #tpu.memory_space<vmem>>, %arg8: memref<1024x16xbf16, #tpu.memory_space<vmem>>, %arg9: memref<1024x16xbf16, #tpu.memory_space<vmem>>, %arg10: memref<10240x16xbf16, #tpu.memory_space<vmem_shared>>, %arg11: memref<10240x16xbf16, #tpu.memory_space<vmem_shared>>, %arg12: memref<!tpu.dma_semaphore, #tpu.memory_space<semaphore_mem>>, %arg13: memref<!tpu.dma_semaphore, #tpu.memory_space<semaphore_mem>>, %arg14: memref<!tpu.dma_semaphore, #tpu.memory_space<semaphore_mem>>, %arg15: memref<!tpu.dma_semaphore, #tpu.memory_space<semaphore_mem>>) attributes {dimension_semantics = [#tpu.dimension_semantics<core_parallel>, #tpu.dimension_semantics<subcore_parallel>], iteration_bounds = array<i64: 2, 16>, scalar_prefetch = 0 : i64, scratch_operands = 10 : i64, tpu.core_type = #tpu.core_type<sc_vector_subcore>, window_params = [{transform_indices = #map}, {transform_indices = #map}, {transform_indices = #map1}, {transform_indices = #map}]} {
    %mul3A = arith.constant 16 : i32
    %mul3A_0 = arith.muli %arg0, %mul3A : i32
    %add3A = arith.addi %mul3A_0, %arg1 : i32
    %mul3A_1 = arith.constant 640 : i32
    %mul3A_2 = arith.muli %arg1, %mul3A_1 : i32
    %mul3A_3 = arith.constant 640 : i32
    %mul3A_4 = arith.muli %arg1, %mul3A_3 : i32
    "tpu.region"() ({
      %run_scoped3A = tpu.sem_alloc : memref<!tpu.dma_semaphore, #tpu.memory_space<semaphore_mem>>
      %dma_start3A_182 = arith.constant 0 : i32
      %dma_start3A_183 = tpu.memref_slice %arg10[%mul3A_4, %dma_start3A_182] : memref<10240x16xbf16, #tpu.memory_space<vmem_shared>> -> memref<640x16xbf16, #tpu.memory_space<vmem_shared>>
      %dma_start3A_184 = arith.constant 0 : i32
      %dma_start3A_185 = tpu.memref_slice %arg4[%mul3A_2, %dma_start3A_184] : memref<10240x16xbf16, #tpu.memory_space<hbm>> -> memref<640x16xbf16, #tpu.memory_space<hbm>>
      tpu.enqueue_dma source(%dma_start3A_185 : memref<640x16xbf16, #tpu.memory_space<hbm>>) target(%dma_start3A_183 : memref<640x16xbf16, #tpu.memory_space<vmem_shared>>) target_semaphore(%run_scoped3A : memref<!tpu.dma_semaphore, #tpu.memory_space<semaphore_mem>>)
      %dma_wait3A = arith.constant 0 : i32
      %dma_wait3A_186 = tpu.memref_slice %arg10[%mul3A_4, %dma_wait3A] : memref<10240x16xbf16, #tpu.memory_space<vmem_shared>> -> memref<640x16xbf16, #tpu.memory_space<vmem_shared>>
      %dma_wait3A_187 = arith.constant 0 : i32
      %dma_wait3A_188 = tpu.memref_slice %arg4[%mul3A_2, %dma_wait3A_187] : memref<10240x16xbf16, #tpu.memory_space<hbm>> -> memref<640x16xbf16, #tpu.memory_space<hbm>>
      tpu.wait_dma2 semaphore(%run_scoped3A : memref<!tpu.dma_semaphore, #tpu.memory_space<semaphore_mem>>) src(%dma_wait3A_188 : memref<640x16xbf16, #tpu.memory_space<hbm>>) dst(%dma_wait3A_186 : memref<640x16xbf16, #tpu.memory_space<vmem_shared>>)
      tpu.yield
    }) : () -> ()
    %scan3A = arith.constant 0 : i32
    %scan3A_5 = arith.constant 0 : i32
    %scan3A_6 = arith.constant 512 : i32
    %scan3A_7 = arith.addi %scan3A_5, %scan3A_6 : i32
    %scan3A_8 = arith.constant 1 : i32
    scf.for %scan3A_182 = %scan3A_5 to %scan3A_7 step %scan3A_8  : i32 {
      %broadcast_in_dim3A = arith.constant 0.000000e+00 : bf16
      %broadcast_in_dim3A_183 = vector.broadcast %broadcast_in_dim3A : bf16 to vector<2x16xbf16>
      %mul3A_184 = arith.constant 2 : i32
      %mul3A_185 = arith.muli %scan3A_182, %mul3A_184 : i32
      %swap3A = arith.index_cast %mul3A_185 : i32 to index
      %swap3A_186 = arith.constant 0 : index
      %swap3A_187 = tpu.vector_load %arg8[%swap3A, %swap3A_186] {strides = array<i32>} : memref<1024x16xbf16, #tpu.memory_space<vmem>>, vector<2x16xbf16>,
      %swap3A_188 = vector.shape_cast %swap3A_187 : vector<2x16xbf16> to vector<2x16xbf16>
      %swap3A_189 = vector.shape_cast %broadcast_in_dim3A_183 : vector<2x16xbf16> to vector<2x16xbf16>
      tpu.vector_store %arg8[%swap3A, %swap3A_186], %swap3A_189 {strides = array<i32>} : memref<1024x16xbf16, #tpu.memory_space<vmem>>, vector<2x16xbf16>,
    }
    %scan3A_9 = arith.constant 512 : i32
    %mul3A_10 = arith.constant 640 : i32
    %mul3A_11 = arith.muli %arg1, %mul3A_10 : i32
    %add3A_12 = arith.constant 0 : i32
    %add3A_13 = arith.addi %mul3A_11, %add3A_12 : i32
    "tpu.region"() ({
      %run_scoped3A = tpu.sem_alloc : memref<!tpu.dma_semaphore, #tpu.memory_space<semaphore_mem>>
      %dma_start3A_182 = arith.constant 0 : i32
      %dma_start3A_183 = arith.constant 0 : i32
      %dma_start3A_184 = tpu.memref_slice %arg8[%dma_start3A_182, %dma_start3A_183] : memref<1024x16xbf16, #tpu.memory_space<vmem>> -> memref<640x16xbf16, #tpu.memory_space<vmem>>
      %dma_start3A_185 = arith.constant 0 : i32
      %dma_start3A_186 = tpu.memref_slice %arg11[%add3A_13, %dma_start3A_185] : memref<10240x16xbf16, #tpu.memory_space<vmem_shared>> -> memref<640x16xbf16, #tpu.memory_space<vmem_shared>>
      %dma_start3A_187 = arith.constant 0 : i32
      %dma_start3A_188 = tpu.memref_slice %arg11[%add3A_13, %dma_start3A_187] : memref<10240x16xbf16, #tpu.memory_space<vmem_shared>> -> memref<640x16xbf16, #tpu.memory_space<vmem_shared>>
      %dma_start3A_189 = arith.constant 0 : i32
      %dma_start3A_190 = arith.constant 0 : i32
      %dma_start3A_191 = tpu.memref_slice %arg8[%dma_start3A_189, %dma_start3A_190] : memref<1024x16xbf16, #tpu.memory_space<vmem>> -> memref<640x16xbf16, #tpu.memory_space<vmem>>
      tpu.enqueue_dma source(%dma_start3A_191 : memref<640x16xbf16, #tpu.memory_space<vmem>>) target(%dma_start3A_188 : memref<640x16xbf16, #tpu.memory_space<vmem_shared>>) target_semaphore(%run_scoped3A : memref<!tpu.dma_semaphore, #tpu.memory_space<semaphore_mem>>)
      %dma_wait3A = arith.constant 0 : i32
      %dma_wait3A_192 = arith.constant 0 : i32
      %dma_wait3A_193 = tpu.memref_slice %arg8[%dma_wait3A, %dma_wait3A_192] : memref<1024x16xbf16, #tpu.memory_space<vmem>> -> memref<640x16xbf16, #tpu.memory_space<vmem>>
      %dma_wait3A_194 = arith.constant 0 : i32
      %dma_wait3A_195 = tpu.memref_slice %arg11[%add3A_13, %dma_wait3A_194] : memref<10240x16xbf16, #tpu.memory_space<vmem_shared>> -> memref<640x16xbf16, #tpu.memory_space<vmem_shared>>
      %dma_wait3A_196 = arith.constant 0 : i32
      %dma_wait3A_197 = tpu.memref_slice %arg11[%add3A_13, %dma_wait3A_196] : memref<10240x16xbf16, #tpu.memory_space<vmem_shared>> -> memref<640x16xbf16, #tpu.memory_space<vmem_shared>>
      %dma_wait3A_198 = arith.constant 0 : i32
      %dma_wait3A_199 = arith.constant 0 : i32
      %dma_wait3A_200 = tpu.memref_slice %arg8[%dma_wait3A_198, %dma_wait3A_199] : memref<1024x16xbf16, #tpu.memory_space<vmem>> -> memref<640x16xbf16, #tpu.memory_space<vmem>>
      tpu.wait_dma2 semaphore(%run_scoped3A : memref<!tpu.dma_semaphore, #tpu.memory_space<semaphore_mem>>) src(%dma_wait3A_200 : memref<640x16xbf16, #tpu.memory_space<vmem>>) dst(%dma_wait3A_197 : memref<640x16xbf16, #tpu.memory_space<vmem_shared>>)
      tpu.yield
    }) : () -> ()
    %barrier3A = arith.constant 0 : index
    tpu.barrier barrier_id(%barrier3A)
    "tpu.region"() ({
      %run_scoped3A = tpu.sem_alloc : memref<!tpu.dma_semaphore, #tpu.memory_space<semaphore_mem>>
      %dma_start3A_182 = arith.constant 0 : i32
      %dma_start3A_183 = arith.constant 0 : i32
      %dma_start3A_184 = tpu.memref_slice %arg2[%add3A, %dma_start3A_182, %dma_start3A_183] : memref<32x80x128xi32, #tpu.memory_space<hbm>> -> memref<1x80x128xi32, #tpu.memory_space<hbm>>
      %dma_start3A_185 = tpu.memref_squeeze %dma_start3A_184 : memref<1x80x128xi32, #tpu.memory_space<hbm>> -> memref<80x128xi32, #tpu.memory_space<hbm>>
      %dma_start3A_186 = arith.constant 0 : i32
      %dma_start3A_187 = arith.constant 0 : i32
      %dma_start3A_188 = tpu.memref_slice %arg2[%add3A, %dma_start3A_186, %dma_start3A_187] : memref<32x80x128xi32, #tpu.memory_space<hbm>> -> memref<1x80x128xi32, #tpu.memory_space<hbm>>
      %dma_start3A_189 = tpu.memref_squeeze %dma_start3A_188 : memref<1x80x128xi32, #tpu.memory_space<hbm>> -> memref<80x128xi32, #tpu.memory_space<hbm>>
      tpu.enqueue_dma source(%dma_start3A_189 : memref<80x128xi32, #tpu.memory_space<hbm>>) target(%arg6 : memref<80x128xi32, #tpu.memory_space<vmem>>) target_semaphore(%run_scoped3A : memref<!tpu.dma_semaphore, #tpu.memory_space<semaphore_mem>>)
      %dma_wait3A = arith.constant 0 : i32
      %dma_wait3A_190 = arith.constant 0 : i32
      %dma_wait3A_191 = tpu.memref_slice %arg2[%add3A, %dma_wait3A, %dma_wait3A_190] : memref<32x80x128xi32, #tpu.memory_space<hbm>> -> memref<1x80x128xi32, #tpu.memory_space<hbm>>
      %dma_wait3A_192 = tpu.memref_squeeze %dma_wait3A_191 : memref<1x80x128xi32, #tpu.memory_space<hbm>> -> memref<80x128xi32, #tpu.memory_space<hbm>>
      %dma_wait3A_193 = arith.constant 0 : i32
      %dma_wait3A_194 = arith.constant 0 : i32
      %dma_wait3A_195 = tpu.memref_slice %arg2[%add3A, %dma_wait3A_193, %dma_wait3A_194] : memref<32x80x128xi32, #tpu.memory_space<hbm>> -> memref<1x80x128xi32, #tpu.memory_space<hbm>>
      %dma_wait3A_196 = tpu.memref_squeeze %dma_wait3A_195 : memref<1x80x128xi32, #tpu.memory_space<hbm>> -> memref<80x128xi32, #tpu.memory_space<hbm>>
      tpu.wait_dma2 semaphore(%run_scoped3A : memref<!tpu.dma_semaphore, #tpu.memory_space<semaphore_mem>>) src(%dma_wait3A_196 : memref<80x128xi32, #tpu.memory_space<hbm>>) dst(%arg6 : memref<80x128xi32, #tpu.memory_space<vmem>>)
      tpu.yield
    }) : () -> ()
    "tpu.region"() ({
      %run_scoped3A = tpu.sem_alloc : memref<!tpu.dma_semaphore, #tpu.memory_space<semaphore_mem>>
      %dma_start3A_182 = arith.constant 0 : i32
      %dma_start3A_183 = arith.constant 0 : i32
      %dma_start3A_184 = tpu.memref_slice %arg3[%add3A, %dma_start3A_182, %dma_start3A_183] : memref<32x80x128xi32, #tpu.memory_space<hbm>> -> memref<1x80x128xi32, #tpu.memory_space<hbm>>
      %dma_start3A_185 = tpu.memref_squeeze %dma_start3A_184 : memref<1x80x128xi32, #tpu.memory_space<hbm>> -> memref<80x128xi32, #tpu.memory_space<hbm>>
      %dma_start3A_186 = arith.constant 0 : i32
      %dma_start3A_187 = arith.constant 0 : i32
      %dma_start3A_188 = tpu.memref_slice %arg3[%add3A, %dma_start3A_186, %dma_start3A_187] : memref<32x80x128xi32, #tpu.memory_space<hbm>> -> memref<1x80x128xi32, #tpu.memory_space<hbm>>
      %dma_start3A_189 = tpu.memref_squeeze %dma_start3A_188 : memref<1x80x128xi32, #tpu.memory_space<hbm>> -> memref<80x128xi32, #tpu.memory_space<hbm>>
      tpu.enqueue_dma source(%dma_start3A_189 : memref<80x128xi32, #tpu.memory_space<hbm>>) target(%arg7 : memref<80x128xi32, #tpu.memory_space<vmem>>) target_semaphore(%run_scoped3A : memref<!tpu.dma_semaphore, #tpu.memory_space<semaphore_mem>>)
      %dma_wait3A = arith.constant 0 : i32
      %dma_wait3A_190 = arith.constant 0 : i32
      %dma_wait3A_191 = tpu.memref_slice %arg3[%add3A, %dma_wait3A, %dma_wait3A_190] : memref<32x80x128xi32, #tpu.memory_space<hbm>> -> memref<1x80x128xi32, #tpu.memory_space<hbm>>
      %dma_wait3A_192 = tpu.memref_squeeze %dma_wait3A_191 : memref<1x80x128xi32, #tpu.memory_space<hbm>> -> memref<80x128xi32, #tpu.memory_space<hbm>>
      %dma_wait3A_193 = arith.constant 0 : i32
      %dma_wait3A_194 = arith.constant 0 : i32
      %dma_wait3A_195 = tpu.memref_slice %arg3[%add3A, %dma_wait3A_193, %dma_wait3A_194] : memref<32x80x128xi32, #tpu.memory_space<hbm>> -> memref<1x80x128xi32, #tpu.memory_space<hbm>>
      %dma_wait3A_196 = tpu.memref_squeeze %dma_wait3A_195 : memref<1x80x128xi32, #tpu.memory_space<hbm>> -> memref<80x128xi32, #tpu.memory_space<hbm>>
      tpu.wait_dma2 semaphore(%run_scoped3A : memref<!tpu.dma_semaphore, #tpu.memory_space<semaphore_mem>>) src(%dma_wait3A_196 : memref<80x128xi32, #tpu.memory_space<hbm>>) dst(%arg7 : memref<80x128xi32, #tpu.memory_space<vmem>>)
      tpu.yield
    }) : () -> ()
    %dma_start3A = arith.constant 0 : i32
    %dma_start3A_14 = arith.constant 0 : i32
    %dma_start3A_15 = arith.constant 0 : i32
    %dma_start3A_16 = tpu.memref_slice %arg8[%dma_start3A_14, %dma_start3A_15] : memref<1024x16xbf16, #tpu.memory_space<vmem>> -> memref<128x16xbf16, #tpu.memory_space<vmem>>
    %dma_start3A_17 = arith.constant 0 : i32
    %dma_start3A_18 = tpu.memref_slice %arg6[%dma_start3A, %dma_start3A_17] : memref<80x128xi32, #tpu.memory_space<vmem>> -> memref<1x128xi32, #tpu.memory_space<vmem>>
    %dma_start3A_19 = tpu.memref_squeeze %dma_start3A_18 : memref<1x128xi32, #tpu.memory_space<vmem>> -> memref<128xi32, #tpu.memory_space<vmem>>
    %dma_start3A_20 = arith.constant 0 : i32
    %dma_start3A_21 = arith.constant 0 : i32
    %dma_start3A_22 = tpu.memref_slice %arg10[%dma_start3A_20, %dma_start3A_21] : memref<10240x16xbf16, #tpu.memory_space<vmem_shared>> -> memref<10240x16xbf16, #tpu.memory_space<vmem_shared>>
    tpu.enqueue_indirect_dma source(%dma_start3A_22 : memref<10240x16xbf16, #tpu.memory_space<vmem_shared>>) target(%dma_start3A_16 : memref<128x16xbf16, #tpu.memory_space<vmem>>) offsets(%dma_start3A_19 : memref<128xi32, #tpu.memory_space<vmem>>) semaphore(%arg12 : memref<!tpu.dma_semaphore, #tpu.memory_space<semaphore_mem>>)
    %dma_start3A_23 = arith.constant 1 : i32
    %dma_start3A_24 = arith.constant 128 : i32
    %dma_start3A_25 = arith.constant 0 : i32
    %dma_start3A_26 = tpu.memref_slice %arg8[%dma_start3A_24, %dma_start3A_25] : memref<1024x16xbf16, #tpu.memory_space<vmem>> -> memref<128x16xbf16, #tpu.memory_space<vmem>>
    %dma_start3A_27 = arith.constant 0 : i32
    %dma_start3A_28 = tpu.memref_slice %arg6[%dma_start3A_23, %dma_start3A_27] : memref<80x128xi32, #tpu.memory_space<vmem>> -> memref<1x128xi32, #tpu.memory_space<vmem>>
    %dma_start3A_29 = tpu.memref_squeeze %dma_start3A_28 : memref<1x128xi32, #tpu.memory_space<vmem>> -> memref<128xi32, #tpu.memory_space<vmem>>
    %dma_start3A_30 = arith.constant 0 : i32
    %dma_start3A_31 = arith.constant 0 : i32
    %dma_start3A_32 = tpu.memref_slice %arg10[%dma_start3A_30, %dma_start3A_31] : memref<10240x16xbf16, #tpu.memory_space<vmem_shared>> -> memref<10240x16xbf16, #tpu.memory_space<vmem_shared>>
    tpu.enqueue_indirect_dma source(%dma_start3A_32 : memref<10240x16xbf16, #tpu.memory_space<vmem_shared>>) target(%dma_start3A_26 : memref<128x16xbf16, #tpu.memory_space<vmem>>) offsets(%dma_start3A_29 : memref<128xi32, #tpu.memory_space<vmem>>) semaphore(%arg12 : memref<!tpu.dma_semaphore, #tpu.memory_space<semaphore_mem>>)
    %dma_start3A_33 = arith.constant 2 : i32
    %dma_start3A_34 = arith.constant 256 : i32
    %dma_start3A_35 = arith.constant 0 : i32
    %dma_start3A_36 = tpu.memref_slice %arg8[%dma_start3A_34, %dma_start3A_35] : memref<1024x16xbf16, #tpu.memory_space<vmem>> -> memref<128x16xbf16, #tpu.memory_space<vmem>>
    %dma_start3A_37 = arith.constant 0 : i32
    %dma_start3A_38 = tpu.memref_slice %arg6[%dma_start3A_33, %dma_start3A_37] : memref<80x128xi32, #tpu.memory_space<vmem>> -> memref<1x128xi32, #tpu.memory_space<vmem>>
    %dma_start3A_39 = tpu.memref_squeeze %dma_start3A_38 : memref<1x128xi32, #tpu.memory_space<vmem>> -> memref<128xi32, #tpu.memory_space<vmem>>
    %dma_start3A_40 = arith.constant 0 : i32
    %dma_start3A_41 = arith.constant 0 : i32
    %dma_start3A_42 = tpu.memref_slice %arg10[%dma_start3A_40, %dma_start3A_41] : memref<10240x16xbf16, #tpu.memory_space<vmem_shared>> -> memref<10240x16xbf16, #tpu.memory_space<vmem_shared>>
    tpu.enqueue_indirect_dma source(%dma_start3A_42 : memref<10240x16xbf16, #tpu.memory_space<vmem_shared>>) target(%dma_start3A_36 : memref<128x16xbf16, #tpu.memory_space<vmem>>) offsets(%dma_start3A_39 : memref<128xi32, #tpu.memory_space<vmem>>) semaphore(%arg12 : memref<!tpu.dma_semaphore, #tpu.memory_space<semaphore_mem>>)
    %dma_start3A_43 = arith.constant 3 : i32
    %dma_start3A_44 = arith.constant 384 : i32
    %dma_start3A_45 = arith.constant 0 : i32
    %dma_start3A_46 = tpu.memref_slice %arg8[%dma_start3A_44, %dma_start3A_45] : memref<1024x16xbf16, #tpu.memory_space<vmem>> -> memref<128x16xbf16, #tpu.memory_space<vmem>>
    %dma_start3A_47 = arith.constant 0 : i32
    %dma_start3A_48 = tpu.memref_slice %arg6[%dma_start3A_43, %dma_start3A_47] : memref<80x128xi32, #tpu.memory_space<vmem>> -> memref<1x128xi32, #tpu.memory_space<vmem>>
    %dma_start3A_49 = tpu.memref_squeeze %dma_start3A_48 : memref<1x128xi32, #tpu.memory_space<vmem>> -> memref<128xi32, #tpu.memory_space<vmem>>
    %dma_start3A_50 = arith.constant 0 : i32
    %dma_start3A_51 = arith.constant 0 : i32
    %dma_start3A_52 = tpu.memref_slice %arg10[%dma_start3A_50, %dma_start3A_51] : memref<10240x16xbf16, #tpu.memory_space<vmem_shared>> -> memref<10240x16xbf16, #tpu.memory_space<vmem_shared>>
    tpu.enqueue_indirect_dma source(%dma_start3A_52 : memref<10240x16xbf16, #tpu.memory_space<vmem_shared>>) target(%dma_start3A_46 : memref<128x16xbf16, #tpu.memory_space<vmem>>) offsets(%dma_start3A_49 : memref<128xi32, #tpu.memory_space<vmem>>) semaphore(%arg12 : memref<!tpu.dma_semaphore, #tpu.memory_space<semaphore_mem>>)
    %dma_start3A_53 = arith.constant 4 : i32
    %dma_start3A_54 = arith.constant 512 : i32
    %dma_start3A_55 = arith.constant 0 : i32
    %dma_start3A_56 = tpu.memref_slice %arg8[%dma_start3A_54, %dma_start3A_55] : memref<1024x16xbf16, #tpu.memory_space<vmem>> -> memref<128x16xbf16, #tpu.memory_space<vmem>>
    %dma_start3A_57 = arith.constant 0 : i32
    %dma_start3A_58 = tpu.memref_slice %arg6[%dma_start3A_53, %dma_start3A_57] : memref<80x128xi32, #tpu.memory_space<vmem>> -> memref<1x128xi32, #tpu.memory_space<vmem>>
    %dma_start3A_59 = tpu.memref_squeeze %dma_start3A_58 : memref<1x128xi32, #tpu.memory_space<vmem>> -> memref<128xi32, #tpu.memory_space<vmem>>
    %dma_start3A_60 = arith.constant 0 : i32
    %dma_start3A_61 = arith.constant 0 : i32
    %dma_start3A_62 = tpu.memref_slice %arg10[%dma_start3A_60, %dma_start3A_61] : memref<10240x16xbf16, #tpu.memory_space<vmem_shared>> -> memref<10240x16xbf16, #tpu.memory_space<vmem_shared>>
    tpu.enqueue_indirect_dma source(%dma_start3A_62 : memref<10240x16xbf16, #tpu.memory_space<vmem_shared>>) target(%dma_start3A_56 : memref<128x16xbf16, #tpu.memory_space<vmem>>) offsets(%dma_start3A_59 : memref<128xi32, #tpu.memory_space<vmem>>) semaphore(%arg12 : memref<!tpu.dma_semaphore, #tpu.memory_space<semaphore_mem>>)
    %dma_start3A_63 = arith.constant 5 : i32
    %dma_start3A_64 = arith.constant 640 : i32
    %dma_start3A_65 = arith.constant 0 : i32
    %dma_start3A_66 = tpu.memref_slice %arg8[%dma_start3A_64, %dma_start3A_65] : memref<1024x16xbf16, #tpu.memory_space<vmem>> -> memref<128x16xbf16, #tpu.memory_space<vmem>>
    %dma_start3A_67 = arith.constant 0 : i32
    %dma_start3A_68 = tpu.memref_slice %arg6[%dma_start3A_63, %dma_start3A_67] : memref<80x128xi32, #tpu.memory_space<vmem>> -> memref<1x128xi32, #tpu.memory_space<vmem>>
    %dma_start3A_69 = tpu.memref_squeeze %dma_start3A_68 : memref<1x128xi32, #tpu.memory_space<vmem>> -> memref<128xi32, #tpu.memory_space<vmem>>
    %dma_start3A_70 = arith.constant 0 : i32
    %dma_start3A_71 = arith.constant 0 : i32
    %dma_start3A_72 = tpu.memref_slice %arg10[%dma_start3A_70, %dma_start3A_71] : memref<10240x16xbf16, #tpu.memory_space<vmem_shared>> -> memref<10240x16xbf16, #tpu.memory_space<vmem_shared>>
    tpu.enqueue_indirect_dma source(%dma_start3A_72 : memref<10240x16xbf16, #tpu.memory_space<vmem_shared>>) target(%dma_start3A_66 : memref<128x16xbf16, #tpu.memory_space<vmem>>) offsets(%dma_start3A_69 : memref<128xi32, #tpu.memory_space<vmem>>) semaphore(%arg12 : memref<!tpu.dma_semaphore, #tpu.memory_space<semaphore_mem>>)
    %dma_start3A_73 = arith.constant 6 : i32
    %dma_start3A_74 = arith.constant 768 : i32
    %dma_start3A_75 = arith.constant 0 : i32
    %dma_start3A_76 = tpu.memref_slice %arg8[%dma_start3A_74, %dma_start3A_75] : memref<1024x16xbf16, #tpu.memory_space<vmem>> -> memref<128x16xbf16, #tpu.memory_space<vmem>>
    %dma_start3A_77 = arith.constant 0 : i32
    %dma_start3A_78 = tpu.memref_slice %arg6[%dma_start3A_73, %dma_start3A_77] : memref<80x128xi32, #tpu.memory_space<vmem>> -> memref<1x128xi32, #tpu.memory_space<vmem>>
    %dma_start3A_79 = tpu.memref_squeeze %dma_start3A_78 : memref<1x128xi32, #tpu.memory_space<vmem>> -> memref<128xi32, #tpu.memory_space<vmem>>
    %dma_start3A_80 = arith.constant 0 : i32
    %dma_start3A_81 = arith.constant 0 : i32
    %dma_start3A_82 = tpu.memref_slice %arg10[%dma_start3A_80, %dma_start3A_81] : memref<10240x16xbf16, #tpu.memory_space<vmem_shared>> -> memref<10240x16xbf16, #tpu.memory_space<vmem_shared>>
    tpu.enqueue_indirect_dma source(%dma_start3A_82 : memref<10240x16xbf16, #tpu.memory_space<vmem_shared>>) target(%dma_start3A_76 : memref<128x16xbf16, #tpu.memory_space<vmem>>) offsets(%dma_start3A_79 : memref<128xi32, #tpu.memory_space<vmem>>) semaphore(%arg12 : memref<!tpu.dma_semaphore, #tpu.memory_space<semaphore_mem>>)
    %dma_start3A_83 = arith.constant 7 : i32
    %dma_start3A_84 = arith.constant 896 : i32
    %dma_start3A_85 = arith.constant 0 : i32
    %dma_start3A_86 = tpu.memref_slice %arg8[%dma_start3A_84, %dma_start3A_85] : memref<1024x16xbf16, #tpu.memory_space<vmem>> -> memref<128x16xbf16, #tpu.memory_space<vmem>>
    %dma_start3A_87 = arith.constant 0 : i32
    %dma_start3A_88 = tpu.memref_slice %arg6[%dma_start3A_83, %dma_start3A_87] : memref<80x128xi32, #tpu.memory_space<vmem>> -> memref<1x128xi32, #tpu.memory_space<vmem>>
    %dma_start3A_89 = tpu.memref_squeeze %dma_start3A_88 : memref<1x128xi32, #tpu.memory_space<vmem>> -> memref<128xi32, #tpu.memory_space<vmem>>
    %dma_start3A_90 = arith.constant 0 : i32
    %dma_start3A_91 = arith.constant 0 : i32
    %dma_start3A_92 = tpu.memref_slice %arg10[%dma_start3A_90, %dma_start3A_91] : memref<10240x16xbf16, #tpu.memory_space<vmem_shared>> -> memref<10240x16xbf16, #tpu.memory_space<vmem_shared>>
    tpu.enqueue_indirect_dma source(%dma_start3A_92 : memref<10240x16xbf16, #tpu.memory_space<vmem_shared>>) target(%dma_start3A_86 : memref<128x16xbf16, #tpu.memory_space<vmem>>) offsets(%dma_start3A_89 : memref<128xi32, #tpu.memory_space<vmem>>) semaphore(%arg12 : memref<!tpu.dma_semaphore, #tpu.memory_space<semaphore_mem>>)
    %dma_start3A_93 = arith.constant 8 : i32
    %dma_start3A_94 = arith.constant 0 : i32
    %dma_start3A_95 = arith.constant 0 : i32
    %dma_start3A_96 = tpu.memref_slice %arg9[%dma_start3A_94, %dma_start3A_95] : memref<1024x16xbf16, #tpu.memory_space<vmem>> -> memref<128x16xbf16, #tpu.memory_space<vmem>>
    %dma_start3A_97 = arith.constant 0 : i32
    %dma_start3A_98 = tpu.memref_slice %arg6[%dma_start3A_93, %dma_start3A_97] : memref<80x128xi32, #tpu.memory_space<vmem>> -> memref<1x128xi32, #tpu.memory_space<vmem>>
    %dma_start3A_99 = tpu.memref_squeeze %dma_start3A_98 : memref<1x128xi32, #tpu.memory_space<vmem>> -> memref<128xi32, #tpu.memory_space<vmem>>
    %dma_start3A_100 = arith.constant 0 : i32
    %dma_start3A_101 = arith.constant 0 : i32
    %dma_start3A_102 = tpu.memref_slice %arg10[%dma_start3A_100, %dma_start3A_101] : memref<10240x16xbf16, #tpu.memory_space<vmem_shared>> -> memref<10240x16xbf16, #tpu.memory_space<vmem_shared>>
    tpu.enqueue_indirect_dma source(%dma_start3A_102 : memref<10240x16xbf16, #tpu.memory_space<vmem_shared>>) target(%dma_start3A_96 : memref<128x16xbf16, #tpu.memory_space<vmem>>) offsets(%dma_start3A_99 : memref<128xi32, #tpu.memory_space<vmem>>) semaphore(%arg13 : memref<!tpu.dma_semaphore, #tpu.memory_space<semaphore_mem>>)
    %dma_start3A_103 = arith.constant 9 : i32
    %dma_start3A_104 = arith.constant 128 : i32
    %dma_start3A_105 = arith.constant 0 : i32
    %dma_start3A_106 = tpu.memref_slice %arg9[%dma_start3A_104, %dma_start3A_105] : memref<1024x16xbf16, #tpu.memory_space<vmem>> -> memref<128x16xbf16, #tpu.memory_space<vmem>>
    %dma_start3A_107 = arith.constant 0 : i32
    %dma_start3A_108 = tpu.memref_slice %arg6[%dma_start3A_103, %dma_start3A_107] : memref<80x128xi32, #tpu.memory_space<vmem>> -> memref<1x128xi32, #tpu.memory_space<vmem>>
    %dma_start3A_109 = tpu.memref_squeeze %dma_start3A_108 : memref<1x128xi32, #tpu.memory_space<vmem>> -> memref<128xi32, #tpu.memory_space<vmem>>
    %dma_start3A_110 = arith.constant 0 : i32
    %dma_start3A_111 = arith.constant 0 : i32
    %dma_start3A_112 = tpu.memref_slice %arg10[%dma_start3A_110, %dma_start3A_111] : memref<10240x16xbf16, #tpu.memory_space<vmem_shared>> -> memref<10240x16xbf16, #tpu.memory_space<vmem_shared>>
    tpu.enqueue_indirect_dma source(%dma_start3A_112 : memref<10240x16xbf16, #tpu.memory_space<vmem_shared>>) target(%dma_start3A_106 : memref<128x16xbf16, #tpu.memory_space<vmem>>) offsets(%dma_start3A_109 : memref<128xi32, #tpu.memory_space<vmem>>) semaphore(%arg13 : memref<!tpu.dma_semaphore, #tpu.memory_space<semaphore_mem>>)
    %dma_start3A_113 = arith.constant 10 : i32
    %dma_start3A_114 = arith.constant 256 : i32
    %dma_start3A_115 = arith.constant 0 : i32
    %dma_start3A_116 = tpu.memref_slice %arg9[%dma_start3A_114, %dma_start3A_115] : memref<1024x16xbf16, #tpu.memory_space<vmem>> -> memref<128x16xbf16, #tpu.memory_space<vmem>>
    %dma_start3A_117 = arith.constant 0 : i32
    %dma_start3A_118 = tpu.memref_slice %arg6[%dma_start3A_113, %dma_start3A_117] : memref<80x128xi32, #tpu.memory_space<vmem>> -> memref<1x128xi32, #tpu.memory_space<vmem>>
    %dma_start3A_119 = tpu.memref_squeeze %dma_start3A_118 : memref<1x128xi32, #tpu.memory_space<vmem>> -> memref<128xi32, #tpu.memory_space<vmem>>
    %dma_start3A_120 = arith.constant 0 : i32
    %dma_start3A_121 = arith.constant 0 : i32
    %dma_start3A_122 = tpu.memref_slice %arg10[%dma_start3A_120, %dma_start3A_121] : memref<10240x16xbf16, #tpu.memory_space<vmem_shared>> -> memref<10240x16xbf16, #tpu.memory_space<vmem_shared>>
    tpu.enqueue_indirect_dma source(%dma_start3A_122 : memref<10240x16xbf16, #tpu.memory_space<vmem_shared>>) target(%dma_start3A_116 : memref<128x16xbf16, #tpu.memory_space<vmem>>) offsets(%dma_start3A_119 : memref<128xi32, #tpu.memory_space<vmem>>) semaphore(%arg13 : memref<!tpu.dma_semaphore, #tpu.memory_space<semaphore_mem>>)
    %dma_start3A_123 = arith.constant 11 : i32
    %dma_start3A_124 = arith.constant 384 : i32
    %dma_start3A_125 = arith.constant 0 : i32
    %dma_start3A_126 = tpu.memref_slice %arg9[%dma_start3A_124, %dma_start3A_125] : memref<1024x16xbf16, #tpu.memory_space<vmem>> -> memref<128x16xbf16, #tpu.memory_space<vmem>>
    %dma_start3A_127 = arith.constant 0 : i32
    %dma_start3A_128 = tpu.memref_slice %arg6[%dma_start3A_123, %dma_start3A_127] : memref<80x128xi32, #tpu.memory_space<vmem>> -> memref<1x128xi32, #tpu.memory_space<vmem>>
    %dma_start3A_129 = tpu.memref_squeeze %dma_start3A_128 : memref<1x128xi32, #tpu.memory_space<vmem>> -> memref<128xi32, #tpu.memory_space<vmem>>
    %dma_start3A_130 = arith.constant 0 : i32
    %dma_start3A_131 = arith.constant 0 : i32
    %dma_start3A_132 = tpu.memref_slice %arg10[%dma_start3A_130, %dma_start3A_131] : memref<10240x16xbf16, #tpu.memory_space<vmem_shared>> -> memref<10240x16xbf16, #tpu.memory_space<vmem_shared>>
    tpu.enqueue_indirect_dma source(%dma_start3A_132 : memref<10240x16xbf16, #tpu.memory_space<vmem_shared>>) target(%dma_start3A_126 : memref<128x16xbf16, #tpu.memory_space<vmem>>) offsets(%dma_start3A_129 : memref<128xi32, #tpu.memory_space<vmem>>) semaphore(%arg13 : memref<!tpu.dma_semaphore, #tpu.memory_space<semaphore_mem>>)
    %dma_start3A_133 = arith.constant 12 : i32
    %dma_start3A_134 = arith.constant 512 : i32
    %dma_start3A_135 = arith.constant 0 : i32
    %dma_start3A_136 = tpu.memref_slice %arg9[%dma_start3A_134, %dma_start3A_135] : memref<1024x16xbf16, #tpu.memory_space<vmem>> -> memref<128x16xbf16, #tpu.memory_space<vmem>>
    %dma_start3A_137 = arith.constant 0 : i32
    %dma_start3A_138 = tpu.memref_slice %arg6[%dma_start3A_133, %dma_start3A_137] : memref<80x128xi32, #tpu.memory_space<vmem>> -> memref<1x128xi32, #tpu.memory_space<vmem>>
    %dma_start3A_139 = tpu.memref_squeeze %dma_start3A_138 : memref<1x128xi32, #tpu.memory_space<vmem>> -> memref<128xi32, #tpu.memory_space<vmem>>
    %dma_start3A_140 = arith.constant 0 : i32
    %dma_start3A_141 = arith.constant 0 : i32
    %dma_start3A_142 = tpu.memref_slice %arg10[%dma_start3A_140, %dma_start3A_141] : memref<10240x16xbf16, #tpu.memory_space<vmem_shared>> -> memref<10240x16xbf16, #tpu.memory_space<vmem_shared>>
    tpu.enqueue_indirect_dma source(%dma_start3A_142 : memref<10240x16xbf16, #tpu.memory_space<vmem_shared>>) target(%dma_start3A_136 : memref<128x16xbf16, #tpu.memory_space<vmem>>) offsets(%dma_start3A_139 : memref<128xi32, #tpu.memory_space<vmem>>) semaphore(%arg13 : memref<!tpu.dma_semaphore, #tpu.memory_space<semaphore_mem>>)
    %dma_start3A_143 = arith.constant 13 : i32
    %dma_start3A_144 = arith.constant 640 : i32
    %dma_start3A_145 = arith.constant 0 : i32
    %dma_start3A_146 = tpu.memref_slice %arg9[%dma_start3A_144, %dma_start3A_145] : memref<1024x16xbf16, #tpu.memory_space<vmem>> -> memref<128x16xbf16, #tpu.memory_space<vmem>>
    %dma_start3A_147 = arith.constant 0 : i32
    %dma_start3A_148 = tpu.memref_slice %arg6[%dma_start3A_143, %dma_start3A_147] : memref<80x128xi32, #tpu.memory_space<vmem>> -> memref<1x128xi32, #tpu.memory_space<vmem>>
    %dma_start3A_149 = tpu.memref_squeeze %dma_start3A_148 : memref<1x128xi32, #tpu.memory_space<vmem>> -> memref<128xi32, #tpu.memory_space<vmem>>
    %dma_start3A_150 = arith.constant 0 : i32
    %dma_start3A_151 = arith.constant 0 : i32
    %dma_start3A_152 = tpu.memref_slice %arg10[%dma_start3A_150, %dma_start3A_151] : memref<10240x16xbf16, #tpu.memory_space<vmem_shared>> -> memref<10240x16xbf16, #tpu.memory_space<vmem_shared>>
    tpu.enqueue_indirect_dma source(%dma_start3A_152 : memref<10240x16xbf16, #tpu.memory_space<vmem_shared>>) target(%dma_start3A_146 : memref<128x16xbf16, #tpu.memory_space<vmem>>) offsets(%dma_start3A_149 : memref<128xi32, #tpu.memory_space<vmem>>) semaphore(%arg13 : memref<!tpu.dma_semaphore, #tpu.memory_space<semaphore_mem>>)
    %dma_start3A_153 = arith.constant 14 : i32
    %dma_start3A_154 = arith.constant 768 : i32
    %dma_start3A_155 = arith.constant 0 : i32
    %dma_start3A_156 = tpu.memref_slice %arg9[%dma_start3A_154, %dma_start3A_155] : memref<1024x16xbf16, #tpu.memory_space<vmem>> -> memref<128x16xbf16, #tpu.memory_space<vmem>>
    %dma_start3A_157 = arith.constant 0 : i32
    %dma_start3A_158 = tpu.memref_slice %arg6[%dma_start3A_153, %dma_start3A_157] : memref<80x128xi32, #tpu.memory_space<vmem>> -> memref<1x128xi32, #tpu.memory_space<vmem>>
    %dma_start3A_159 = tpu.memref_squeeze %dma_start3A_158 : memref<1x128xi32, #tpu.memory_space<vmem>> -> memref<128xi32, #tpu.memory_space<vmem>>
    %dma_start3A_160 = arith.constant 0 : i32
    %dma_start3A_161 = arith.constant 0 : i32
    %dma_start3A_162 = tpu.memref_slice %arg10[%dma_start3A_160, %dma_start3A_161] : memref<10240x16xbf16, #tpu.memory_space<vmem_shared>> -> memref<10240x16xbf16, #tpu.memory_space<vmem_shared>>
    tpu.enqueue_indirect_dma source(%dma_start3A_162 : memref<10240x16xbf16, #tpu.memory_space<vmem_shared>>) target(%dma_start3A_156 : memref<128x16xbf16, #tpu.memory_space<vmem>>) offsets(%dma_start3A_159 : memref<128xi32, #tpu.memory_space<vmem>>) semaphore(%arg13 : memref<!tpu.dma_semaphore, #tpu.memory_space<semaphore_mem>>)
    %dma_start3A_163 = arith.constant 15 : i32
    %dma_start3A_164 = arith.constant 896 : i32
    %dma_start3A_165 = arith.constant 0 : i32
    %dma_start3A_166 = tpu.memref_slice %arg9[%dma_start3A_164, %dma_start3A_165] : memref<1024x16xbf16, #tpu.memory_space<vmem>> -> memref<128x16xbf16, #tpu.memory_space<vmem>>
    %dma_start3A_167 = arith.constant 0 : i32
    %dma_start3A_168 = tpu.memref_slice %arg6[%dma_start3A_163, %dma_start3A_167] : memref<80x128xi32, #tpu.memory_space<vmem>> -> memref<1x128xi32, #tpu.memory_space<vmem>>
    %dma_start3A_169 = tpu.memref_squeeze %dma_start3A_168 : memref<1x128xi32, #tpu.memory_space<vmem>> -> memref<128xi32, #tpu.memory_space<vmem>>
    %dma_start3A_170 = arith.constant 0 : i32
    %dma_start3A_171 = arith.constant 0 : i32
    %dma_start3A_172 = tpu.memref_slice %arg10[%dma_start3A_170, %dma_start3A_171] : memref<10240x16xbf16, #tpu.memory_space<vmem_shared>> -> memref<10240x16xbf16, #tpu.memory_space<vmem_shared>>
    tpu.enqueue_indirect_dma source(%dma_start3A_172 : memref<10240x16xbf16, #tpu.memory_space<vmem_shared>>) target(%dma_start3A_166 : memref<128x16xbf16, #tpu.memory_space<vmem>>) offsets(%dma_start3A_169 : memref<128xi32, #tpu.memory_space<vmem>>) semaphore(%arg13 : memref<!tpu.dma_semaphore, #tpu.memory_space<semaphore_mem>>)
    %scan3A_173 = arith.constant 0 : i32
    %scan3A_174 = arith.constant 0 : i32
    %scan3A_175 = arith.constant 5 : i32
    %scan3A_176 = arith.addi %scan3A_174, %scan3A_175 : i32
    %scan3A_177 = arith.constant 1 : i32
    scf.for %scan3A_182 = %scan3A_174 to %scan3A_176 step %scan3A_177  : i32 {
      %mul3A_183 = arith.constant 2 : i32
      %mul3A_184 = arith.muli %scan3A_182, %mul3A_183 : i32
      %dma_wait3A = arith.constant 0 : i32
      %dma_wait3A_185 = arith.constant 0 : i32
      %dma_wait3A_186 = arith.constant 0 : i32
      %dma_wait3A_187 = tpu.memref_slice %arg8[%dma_wait3A_185, %dma_wait3A_186] : memref<1024x16xbf16, #tpu.memory_space<vmem>> -> memref<128x16xbf16, #tpu.memory_space<vmem>>
      %dma_wait3A_188 = arith.constant 0 : i32
      %dma_wait3A_189 = tpu.memref_slice %arg6[%dma_wait3A, %dma_wait3A_188] : memref<80x128xi32, #tpu.memory_space<vmem>> -> memref<1x128xi32, #tpu.memory_space<vmem>>
      %dma_wait3A_190 = tpu.memref_squeeze %dma_wait3A_189 : memref<1x128xi32, #tpu.memory_space<vmem>> -> memref<128xi32, #tpu.memory_space<vmem>>
      %dma_wait3A_191 = arith.constant 0 : i32
      %dma_wait3A_192 = arith.constant 0 : i32
      %dma_wait3A_193 = tpu.memref_slice %arg10[%dma_wait3A_191, %dma_wait3A_192] : memref<10240x16xbf16, #tpu.memory_space<vmem_shared>> -> memref<10240x16xbf16, #tpu.memory_space<vmem_shared>>
      tpu.wait_indirect_dma semaphore(%arg12 : memref<!tpu.dma_semaphore, #tpu.memory_space<semaphore_mem>>) src(%dma_wait3A_193 : memref<10240x16xbf16, #tpu.memory_space<vmem_shared>>) dst(%dma_wait3A_187 : memref<128x16xbf16, #tpu.memory_space<vmem>>)
      %dma_wait3A_194 = arith.constant 0 : i32
      %dma_wait3A_195 = arith.constant 128 : i32
      %dma_wait3A_196 = arith.constant 0 : i32
      %dma_wait3A_197 = tpu.memref_slice %arg8[%dma_wait3A_195, %dma_wait3A_196] : memref<1024x16xbf16, #tpu.memory_space<vmem>> -> memref<128x16xbf16, #tpu.memory_space<vmem>>
      %dma_wait3A_198 = arith.constant 0 : i32
      %dma_wait3A_199 = tpu.memref_slice %arg6[%dma_wait3A_194, %dma_wait3A_198] : memref<80x128xi32, #tpu.memory_space<vmem>> -> memref<1x128xi32, #tpu.memory_space<vmem>>
      %dma_wait3A_200 = tpu.memref_squeeze %dma_wait3A_199 : memref<1x128xi32, #tpu.memory_space<vmem>> -> memref<128xi32, #tpu.memory_space<vmem>>
      %dma_wait3A_201 = arith.constant 0 : i32
      %dma_wait3A_202 = arith.constant 0 : i32
      %dma_wait3A_203 = tpu.memref_slice %arg10[%dma_wait3A_201, %dma_wait3A_202] : memref<10240x16xbf16, #tpu.memory_space<vmem_shared>> -> memref<10240x16xbf16, #tpu.memory_space<vmem_shared>>
      tpu.wait_indirect_dma semaphore(%arg12 : memref<!tpu.dma_semaphore, #tpu.memory_space<semaphore_mem>>) src(%dma_wait3A_203 : memref<10240x16xbf16, #tpu.memory_space<vmem_shared>>) dst(%dma_wait3A_197 : memref<128x16xbf16, #tpu.memory_space<vmem>>)
      %dma_wait3A_204 = arith.constant 0 : i32
      %dma_wait3A_205 = arith.constant 256 : i32
      %dma_wait3A_206 = arith.constant 0 : i32
      %dma_wait3A_207 = tpu.memref_slice %arg8[%dma_wait3A_205, %dma_wait3A_206] : memref<1024x16xbf16, #tpu.memory_space<vmem>> -> memref<128x16xbf16, #tpu.memory_space<vmem>>
      %dma_wait3A_208 = arith.constant 0 : i32
      %dma_wait3A_209 = tpu.memref_slice %arg6[%dma_wait3A_204, %dma_wait3A_208] : memref<80x128xi32, #tpu.memory_space<vmem>> -> memref<1x128xi32, #tpu.memory_space<vmem>>
      %dma_wait3A_210 = tpu.memref_squeeze %dma_wait3A_209 : memref<1x128xi32, #tpu.memory_space<vmem>> -> memref<128xi32, #tpu.memory_space<vmem>>
      %dma_wait3A_211 = arith.constant 0 : i32
      %dma_wait3A_212 = arith.constant 0 : i32
      %dma_wait3A_213 = tpu.memref_slice %arg10[%dma_wait3A_211, %dma_wait3A_212] : memref<10240x16xbf16, #tpu.memory_space<vmem_shared>> -> memref<10240x16xbf16, #tpu.memory_space<vmem_shared>>
      tpu.wait_indirect_dma semaphore(%arg12 : memref<!tpu.dma_semaphore, #tpu.memory_space<semaphore_mem>>) src(%dma_wait3A_213 : memref<10240x16xbf16, #tpu.memory_space<vmem_shared>>) dst(%dma_wait3A_207 : memref<128x16xbf16, #tpu.memory_space<vmem>>)
      %dma_wait3A_214 = arith.constant 0 : i32
      %dma_wait3A_215 = arith.constant 384 : i32
      %dma_wait3A_216 = arith.constant 0 : i32
      %dma_wait3A_217 = tpu.memref_slice %arg8[%dma_wait3A_215, %dma_wait3A_216] : memref<1024x16xbf16, #tpu.memory_space<vmem>> -> memref<128x16xbf16, #tpu.memory_space<vmem>>
      %dma_wait3A_218 = arith.constant 0 : i32
      %dma_wait3A_219 = tpu.memref_slice %arg6[%dma_wait3A_214, %dma_wait3A_218] : memref<80x128xi32, #tpu.memory_space<vmem>> -> memref<1x128xi32, #tpu.memory_space<vmem>>
      %dma_wait3A_220 = tpu.memref_squeeze %dma_wait3A_219 : memref<1x128xi32, #tpu.memory_space<vmem>> -> memref<128xi32, #tpu.memory_space<vmem>>
      %dma_wait3A_221 = arith.constant 0 : i32
      %dma_wait3A_222 = arith.constant 0 : i32
      %dma_wait3A_223 = tpu.memref_slice %arg10[%dma_wait3A_221, %dma_wait3A_222] : memref<10240x16xbf16, #tpu.memory_space<vmem_shared>> -> memref<10240x16xbf16, #tpu.memory_space<vmem_shared>>
      tpu.wait_indirect_dma semaphore(%arg12 : memref<!tpu.dma_semaphore, #tpu.memory_space<semaphore_mem>>) src(%dma_wait3A_223 : memref<10240x16xbf16, #tpu.memory_space<vmem_shared>>) dst(%dma_wait3A_217 : memref<128x16xbf16, #tpu.memory_space<vmem>>)
      %dma_wait3A_224 = arith.constant 0 : i32
      %dma_wait3A_225 = arith.constant 512 : i32
      %dma_wait3A_226 = arith.constant 0 : i32
      %dma_wait3A_227 = tpu.memref_slice %arg8[%dma_wait3A_225, %dma_wait3A_226] : memref<1024x16xbf16, #tpu.memory_space<vmem>> -> memref<128x16xbf16, #tpu.memory_space<vmem>>
      %dma_wait3A_228 = arith.constant 0 : i32
      %dma_wait3A_229 = tpu.memref_slice %arg6[%dma_wait3A_224, %dma_wait3A_228] : memref<80x128xi32, #tpu.memory_space<vmem>> -> memref<1x128xi32, #tpu.memory_space<vmem>>
      %dma_wait3A_230 = tpu.memref_squeeze %dma_wait3A_229 : memref<1x128xi32, #tpu.memory_space<vmem>> -> memref<128xi32, #tpu.memory_space<vmem>>
      %dma_wait3A_231 = arith.constant 0 : i32
      %dma_wait3A_232 = arith.constant 0 : i32
      %dma_wait3A_233 = tpu.memref_slice %arg10[%dma_wait3A_231, %dma_wait3A_232] : memref<10240x16xbf16, #tpu.memory_space<vmem_shared>> -> memref<10240x16xbf16, #tpu.memory_space<vmem_shared>>
      tpu.wait_indirect_dma semaphore(%arg12 : memref<!tpu.dma_semaphore, #tpu.memory_space<semaphore_mem>>) src(%dma_wait3A_233 : memref<10240x16xbf16, #tpu.memory_space<vmem_shared>>) dst(%dma_wait3A_227 : memref<128x16xbf16, #tpu.memory_space<vmem>>)
      %dma_wait3A_234 = arith.constant 0 : i32
      %dma_wait3A_235 = arith.constant 640 : i32
      %dma_wait3A_236 = arith.constant 0 : i32
      %dma_wait3A_237 = tpu.memref_slice %arg8[%dma_wait3A_235, %dma_wait3A_236] : memref<1024x16xbf16, #tpu.memory_space<vmem>> -> memref<128x16xbf16, #tpu.memory_space<vmem>>
      %dma_wait3A_238 = arith.constant 0 : i32
      %dma_wait3A_239 = tpu.memref_slice %arg6[%dma_wait3A_234, %dma_wait3A_238] : memref<80x128xi32, #tpu.memory_space<vmem>> -> memref<1x128xi32, #tpu.memory_space<vmem>>
      %dma_wait3A_240 = tpu.memref_squeeze %dma_wait3A_239 : memref<1x128xi32, #tpu.memory_space<vmem>> -> memref<128xi32, #tpu.memory_space<vmem>>
      %dma_wait3A_241 = arith.constant 0 : i32
      %dma_wait3A_242 = arith.constant 0 : i32
      %dma_wait3A_243 = tpu.memref_slice %arg10[%dma_wait3A_241, %dma_wait3A_242] : memref<10240x16xbf16, #tpu.memory_space<vmem_shared>> -> memref<10240x16xbf16, #tpu.memory_space<vmem_shared>>
      tpu.wait_indirect_dma semaphore(%arg12 : memref<!tpu.dma_semaphore, #tpu.memory_space<semaphore_mem>>) src(%dma_wait3A_243 : memref<10240x16xbf16, #tpu.memory_space<vmem_shared>>) dst(%dma_wait3A_237 : memref<128x16xbf16, #tpu.memory_space<vmem>>)
      %dma_wait3A_244 = arith.constant 0 : i32
      %dma_wait3A_245 = arith.constant 768 : i32
      %dma_wait3A_246 = arith.constant 0 : i32
      %dma_wait3A_247 = tpu.memref_slice %arg8[%dma_wait3A_245, %dma_wait3A_246] : memref<1024x16xbf16, #tpu.memory_space<vmem>> -> memref<128x16xbf16, #tpu.memory_space<vmem>>
      %dma_wait3A_248 = arith.constant 0 : i32
      %dma_wait3A_249 = tpu.memref_slice %arg6[%dma_wait3A_244, %dma_wait3A_248] : memref<80x128xi32, #tpu.memory_space<vmem>> -> memref<1x128xi32, #tpu.memory_space<vmem>>
      %dma_wait3A_250 = tpu.memref_squeeze %dma_wait3A_249 : memref<1x128xi32, #tpu.memory_space<vmem>> -> memref<128xi32, #tpu.memory_space<vmem>>
      %dma_wait3A_251 = arith.constant 0 : i32
      %dma_wait3A_252 = arith.constant 0 : i32
      %dma_wait3A_253 = tpu.memref_slice %arg10[%dma_wait3A_251, %dma_wait3A_252] : memref<10240x16xbf16, #tpu.memory_space<vmem_shared>> -> memref<10240x16xbf16, #tpu.memory_space<vmem_shared>>
      tpu.wait_indirect_dma semaphore(%arg12 : memref<!tpu.dma_semaphore, #tpu.memory_space<semaphore_mem>>) src(%dma_wait3A_253 : memref<10240x16xbf16, #tpu.memory_space<vmem_shared>>) dst(%dma_wait3A_247 : memref<128x16xbf16, #tpu.memory_space<vmem>>)
      %dma_wait3A_254 = arith.constant 0 : i32
      %dma_wait3A_255 = arith.constant 896 : i32
      %dma_wait3A_256 = arith.constant 0 : i32
      %dma_wait3A_257 = tpu.memref_slice %arg8[%dma_wait3A_255, %dma_wait3A_256] : memref<1024x16xbf16, #tpu.memory_space<vmem>> -> memref<128x16xbf16, #tpu.memory_space<vmem>>
      %dma_wait3A_258 = arith.constant 0 : i32
      %dma_wait3A_259 = tpu.memref_slice %arg6[%dma_wait3A_254, %dma_wait3A_258] : memref<80x128xi32, #tpu.memory_space<vmem>> -> memref<1x128xi32, #tpu.memory_space<vmem>>
      %dma_wait3A_260 = tpu.memref_squeeze %dma_wait3A_259 : memref<1x128xi32, #tpu.memory_space<vmem>> -> memref<128xi32, #tpu.memory_space<vmem>>
      %dma_wait3A_261 = arith.constant 0 : i32
      %dma_wait3A_262 = arith.constant 0 : i32
      %dma_wait3A_263 = tpu.memref_slice %arg10[%dma_wait3A_261, %dma_wait3A_262] : memref<10240x16xbf16, #tpu.memory_space<vmem_shared>> -> memref<10240x16xbf16, #tpu.memory_space<vmem_shared>>
      tpu.wait_indirect_dma semaphore(%arg12 : memref<!tpu.dma_semaphore, #tpu.memory_space<semaphore_mem>>) src(%dma_wait3A_263 : memref<10240x16xbf16, #tpu.memory_space<vmem_shared>>) dst(%dma_wait3A_257 : memref<128x16xbf16, #tpu.memory_space<vmem>>)
      %mul3A_264 = arith.constant 8 : i32
      %mul3A_265 = arith.muli %mul3A_184, %mul3A_264 : i32
      %add3A_266 = arith.constant 0 : i32
      %add3A_267 = arith.addi %mul3A_265, %add3A_266 : i32
      %dma_start3A_268 = arith.constant 0 : i32
      %dma_start3A_269 = arith.constant 0 : i32
      %dma_start3A_270 = tpu.memref_slice %arg8[%dma_start3A_268, %dma_start3A_269] : memref<1024x16xbf16, #tpu.memory_space<vmem>> -> memref<128x16xbf16, #tpu.memory_space<vmem>>
      %dma_start3A_271 = arith.constant 0 : i32
      %dma_start3A_272 = tpu.memref_slice %arg7[%add3A_267, %dma_start3A_271] : memref<80x128xi32, #tpu.memory_space<vmem>> -> memref<1x128xi32, #tpu.memory_space<vmem>>
      %dma_start3A_273 = tpu.memref_squeeze %dma_start3A_272 : memref<1x128xi32, #tpu.memory_space<vmem>> -> memref<128xi32, #tpu.memory_space<vmem>>
      %dma_start3A_274 = arith.constant 0 : i32
      %dma_start3A_275 = arith.constant 0 : i32
      %dma_start3A_276 = tpu.memref_slice %arg11[%dma_start3A_274, %dma_start3A_275] : memref<10240x16xbf16, #tpu.memory_space<vmem_shared>> -> memref<10240x16xbf16, #tpu.memory_space<vmem_shared>>
      tpu.enqueue_indirect_dma source(%dma_start3A_270 : memref<128x16xbf16, #tpu.memory_space<vmem>>) target(%dma_start3A_276 : memref<10240x16xbf16, #tpu.memory_space<vmem_shared>>) offsets(%dma_start3A_273 : memref<128xi32, #tpu.memory_space<vmem>>) semaphore(%arg14 : memref<!tpu.dma_semaphore, #tpu.memory_space<semaphore_mem>>) {add = true}
      %mul3A_277 = arith.constant 8 : i32
      %mul3A_278 = arith.muli %mul3A_184, %mul3A_277 : i32
      %add3A_279 = arith.constant 1 : i32
      %add3A_280 = arith.addi %mul3A_278, %add3A_279 : i32
      %dma_start3A_281 = arith.constant 128 : i32
      %dma_start3A_282 = arith.constant 0 : i32
      %dma_start3A_283 = tpu.memref_slice %arg8[%dma_start3A_281, %dma_start3A_282] : memref<1024x16xbf16, #tpu.memory_space<vmem>> -> memref<128x16xbf16, #tpu.memory_space<vmem>>
      %dma_start3A_284 = arith.constant 0 : i32
      %dma_start3A_285 = tpu.memref_slice %arg7[%add3A_280, %dma_start3A_284] : memref<80x128xi32, #tpu.memory_space<vmem>> -> memref<1x128xi32, #tpu.memory_space<vmem>>
      %dma_start3A_286 = tpu.memref_squeeze %dma_start3A_285 : memref<1x128xi32, #tpu.memory_space<vmem>> -> memref<128xi32, #tpu.memory_space<vmem>>
      %dma_start3A_287 = arith.constant 0 : i32
      %dma_start3A_288 = arith.constant 0 : i32
      %dma_start3A_289 = tpu.memref_slice %arg11[%dma_start3A_287, %dma_start3A_288] : memref<10240x16xbf16, #tpu.memory_space<vmem_shared>> -> memref<10240x16xbf16, #tpu.memory_space<vmem_shared>>
      tpu.enqueue_indirect_dma source(%dma_start3A_283 : memref<128x16xbf16, #tpu.memory_space<vmem>>) target(%dma_start3A_289 : memref<10240x16xbf16, #tpu.memory_space<vmem_shared>>) offsets(%dma_start3A_286 : memref<128xi32, #tpu.memory_space<vmem>>) semaphore(%arg14 : memref<!tpu.dma_semaphore, #tpu.memory_space<semaphore_mem>>) {add = true}
      %mul3A_290 = arith.constant 8 : i32
      %mul3A_291 = arith.muli %mul3A_184, %mul3A_290 : i32
      %add3A_292 = arith.constant 2 : i32
      %add3A_293 = arith.addi %mul3A_291, %add3A_292 : i32
      %dma_start3A_294 = arith.constant 256 : i32
      %dma_start3A_295 = arith.constant 0 : i32
      %dma_start3A_296 = tpu.memref_slice %arg8[%dma_start3A_294, %dma_start3A_295] : memref<1024x16xbf16, #tpu.memory_space<vmem>> -> memref<128x16xbf16, #tpu.memory_space<vmem>>
      %dma_start3A_297 = arith.constant 0 : i32
      %dma_start3A_298 = tpu.memref_slice %arg7[%add3A_293, %dma_start3A_297] : memref<80x128xi32, #tpu.memory_space<vmem>> -> memref<1x128xi32, #tpu.memory_space<vmem>>
      %dma_start3A_299 = tpu.memref_squeeze %dma_start3A_298 : memref<1x128xi32, #tpu.memory_space<vmem>> -> memref<128xi32, #tpu.memory_space<vmem>>
      %dma_start3A_300 = arith.constant 0 : i32
      %dma_start3A_301 = arith.constant 0 : i32
      %dma_start3A_302 = tpu.memref_slice %arg11[%dma_start3A_300, %dma_start3A_301] : memref<10240x16xbf16, #tpu.memory_space<vmem_shared>> -> memref<10240x16xbf16, #tpu.memory_space<vmem_shared>>
      tpu.enqueue_indirect_dma source(%dma_start3A_296 : memref<128x16xbf16, #tpu.memory_space<vmem>>) target(%dma_start3A_302 : memref<10240x16xbf16, #tpu.memory_space<vmem_shared>>) offsets(%dma_start3A_299 : memref<128xi32, #tpu.memory_space<vmem>>) semaphore(%arg14 : memref<!tpu.dma_semaphore, #tpu.memory_space<semaphore_mem>>) {add = true}
      %mul3A_303 = arith.constant 8 : i32
      %mul3A_304 = arith.muli %mul3A_184, %mul3A_303 : i32
      %add3A_305 = arith.constant 3 : i32
      %add3A_306 = arith.addi %mul3A_304, %add3A_305 : i32
      %dma_start3A_307 = arith.constant 384 : i32
      %dma_start3A_308 = arith.constant 0 : i32
      %dma_start3A_309 = tpu.memref_slice %arg8[%dma_start3A_307, %dma_start3A_308] : memref<1024x16xbf16, #tpu.memory_space<vmem>> -> memref<128x16xbf16, #tpu.memory_space<vmem>>
      %dma_start3A_310 = arith.constant 0 : i32
      %dma_start3A_311 = tpu.memref_slice %arg7[%add3A_306, %dma_start3A_310] : memref<80x128xi32, #tpu.memory_space<vmem>> -> memref<1x128xi32, #tpu.memory_space<vmem>>
      %dma_start3A_312 = tpu.memref_squeeze %dma_start3A_311 : memref<1x128xi32, #tpu.memory_space<vmem>> -> memref<128xi32, #tpu.memory_space<vmem>>
      %dma_start3A_313 = arith.constant 0 : i32
      %dma_start3A_314 = arith.constant 0 : i32
      %dma_start3A_315 = tpu.memref_slice %arg11[%dma_start3A_313, %dma_start3A_314] : memref<10240x16xbf16, #tpu.memory_space<vmem_shared>> -> memref<10240x16xbf16, #tpu.memory_space<vmem_shared>>
      tpu.enqueue_indirect_dma source(%dma_start3A_309 : memref<128x16xbf16, #tpu.memory_space<vmem>>) target(%dma_start3A_315 : memref<10240x16xbf16, #tpu.memory_space<vmem_shared>>) offsets(%dma_start3A_312 : memref<128xi32, #tpu.memory_space<vmem>>) semaphore(%arg14 : memref<!tpu.dma_semaphore, #tpu.memory_space<semaphore_mem>>) {add = true}
      %mul3A_316 = arith.constant 8 : i32
      %mul3A_317 = arith.muli %mul3A_184, %mul3A_316 : i32
      %add3A_318 = arith.constant 4 : i32
      %add3A_319 = arith.addi %mul3A_317, %add3A_318 : i32
      %dma_start3A_320 = arith.constant 512 : i32
      %dma_start3A_321 = arith.constant 0 : i32
      %dma_start3A_322 = tpu.memref_slice %arg8[%dma_start3A_320, %dma_start3A_321] : memref<1024x16xbf16, #tpu.memory_space<vmem>> -> memref<128x16xbf16, #tpu.memory_space<vmem>>
      %dma_start3A_323 = arith.constant 0 : i32
      %dma_start3A_324 = tpu.memref_slice %arg7[%add3A_319, %dma_start3A_323] : memref<80x128xi32, #tpu.memory_space<vmem>> -> memref<1x128xi32, #tpu.memory_space<vmem>>
      %dma_start3A_325 = tpu.memref_squeeze %dma_start3A_324 : memref<1x128xi32, #tpu.memory_space<vmem>> -> memref<128xi32, #tpu.memory_space<vmem>>
      %dma_start3A_326 = arith.constant 0 : i32
      %dma_start3A_327 = arith.constant 0 : i32
      %dma_start3A_328 = tpu.memref_slice %arg11[%dma_start3A_326, %dma_start3A_327] : memref<10240x16xbf16, #tpu.memory_space<vmem_shared>> -> memref<10240x16xbf16, #tpu.memory_space<vmem_shared>>
      tpu.enqueue_indirect_dma source(%dma_start3A_322 : memref<128x16xbf16, #tpu.memory_space<vmem>>) target(%dma_start3A_328 : memref<10240x16xbf16, #tpu.memory_space<vmem_shared>>) offsets(%dma_start3A_325 : memref<128xi32, #tpu.memory_space<vmem>>) semaphore(%arg14 : memref<!tpu.dma_semaphore, #tpu.memory_space<semaphore_mem>>) {add = true}
      %mul3A_329 = arith.constant 8 : i32
      %mul3A_330 = arith.muli %mul3A_184, %mul3A_329 : i32
      %add3A_331 = arith.constant 5 : i32
      %add3A_332 = arith.addi %mul3A_330, %add3A_331 : i32
      %dma_start3A_333 = arith.constant 640 : i32
      %dma_start3A_334 = arith.constant 0 : i32
      %dma_start3A_335 = tpu.memref_slice %arg8[%dma_start3A_333, %dma_start3A_334] : memref<1024x16xbf16, #tpu.memory_space<vmem>> -> memref<128x16xbf16, #tpu.memory_space<vmem>>
      %dma_start3A_336 = arith.constant 0 : i32
      %dma_start3A_337 = tpu.memref_slice %arg7[%add3A_332, %dma_start3A_336] : memref<80x128xi32, #tpu.memory_space<vmem>> -> memref<1x128xi32, #tpu.memory_space<vmem>>
      %dma_start3A_338 = tpu.memref_squeeze %dma_start3A_337 : memref<1x128xi32, #tpu.memory_space<vmem>> -> memref<128xi32, #tpu.memory_space<vmem>>
      %dma_start3A_339 = arith.constant 0 : i32
      %dma_start3A_340 = arith.constant 0 : i32
      %dma_start3A_341 = tpu.memref_slice %arg11[%dma_start3A_339, %dma_start3A_340] : memref<10240x16xbf16, #tpu.memory_space<vmem_shared>> -> memref<10240x16xbf16, #tpu.memory_space<vmem_shared>>
      tpu.enqueue_indirect_dma source(%dma_start3A_335 : memref<128x16xbf16, #tpu.memory_space<vmem>>) target(%dma_start3A_341 : memref<10240x16xbf16, #tpu.memory_space<vmem_shared>>) offsets(%dma_start3A_338 : memref<128xi32, #tpu.memory_space<vmem>>) semaphore(%arg14 : memref<!tpu.dma_semaphore, #tpu.memory_space<semaphore_mem>>) {add = true}
      %mul3A_342 = arith.constant 8 : i32
      %mul3A_343 = arith.muli %mul3A_184, %mul3A_342 : i32
      %add3A_344 = arith.constant 6 : i32
      %add3A_345 = arith.addi %mul3A_343, %add3A_344 : i32
      %dma_start3A_346 = arith.constant 768 : i32
      %dma_start3A_347 = arith.constant 0 : i32
      %dma_start3A_348 = tpu.memref_slice %arg8[%dma_start3A_346, %dma_start3A_347] : memref<1024x16xbf16, #tpu.memory_space<vmem>> -> memref<128x16xbf16, #tpu.memory_space<vmem>>
      %dma_start3A_349 = arith.constant 0 : i32
      %dma_start3A_350 = tpu.memref_slice %arg7[%add3A_345, %dma_start3A_349] : memref<80x128xi32, #tpu.memory_space<vmem>> -> memref<1x128xi32, #tpu.memory_space<vmem>>
      %dma_start3A_351 = tpu.memref_squeeze %dma_start3A_350 : memref<1x128xi32, #tpu.memory_space<vmem>> -> memref<128xi32, #tpu.memory_space<vmem>>
      %dma_start3A_352 = arith.constant 0 : i32
      %dma_start3A_353 = arith.constant 0 : i32
      %dma_start3A_354 = tpu.memref_slice %arg11[%dma_start3A_352, %dma_start3A_353] : memref<10240x16xbf16, #tpu.memory_space<vmem_shared>> -> memref<10240x16xbf16, #tpu.memory_space<vmem_shared>>
      tpu.enqueue_indirect_dma source(%dma_start3A_348 : memref<128x16xbf16, #tpu.memory_space<vmem>>) target(%dma_start3A_354 : memref<10240x16xbf16, #tpu.memory_space<vmem_shared>>) offsets(%dma_start3A_351 : memref<128xi32, #tpu.memory_space<vmem>>) semaphore(%arg14 : memref<!tpu.dma_semaphore, #tpu.memory_space<semaphore_mem>>) {add = true}
      %mul3A_355 = arith.constant 8 : i32
      %mul3A_356 = arith.muli %mul3A_184, %mul3A_355 : i32
      %add3A_357 = arith.constant 7 : i32
      %add3A_358 = arith.addi %mul3A_356, %add3A_357 : i32
      %dma_start3A_359 = arith.constant 896 : i32
      %dma_start3A_360 = arith.constant 0 : i32
      %dma_start3A_361 = tpu.memref_slice %arg8[%dma_start3A_359, %dma_start3A_360] : memref<1024x16xbf16, #tpu.memory_space<vmem>> -> memref<128x16xbf16, #tpu.memory_space<vmem>>
      %dma_start3A_362 = arith.constant 0 : i32
      %dma_start3A_363 = tpu.memref_slice %arg7[%add3A_358, %dma_start3A_362] : memref<80x128xi32, #tpu.memory_space<vmem>> -> memref<1x128xi32, #tpu.memory_space<vmem>>
      %dma_start3A_364 = tpu.memref_squeeze %dma_start3A_363 : memref<1x128xi32, #tpu.memory_space<vmem>> -> memref<128xi32, #tpu.memory_space<vmem>>
      %dma_start3A_365 = arith.constant 0 : i32
      %dma_start3A_366 = arith.constant 0 : i32
      %dma_start3A_367 = tpu.memref_slice %arg11[%dma_start3A_365, %dma_start3A_366] : memref<10240x16xbf16, #tpu.memory_space<vmem_shared>> -> memref<10240x16xbf16, #tpu.memory_space<vmem_shared>>
      tpu.enqueue_indirect_dma source(%dma_start3A_361 : memref<128x16xbf16, #tpu.memory_space<vmem>>) target(%dma_start3A_367 : memref<10240x16xbf16, #tpu.memory_space<vmem_shared>>) offsets(%dma_start3A_364 : memref<128xi32, #tpu.memory_space<vmem>>) semaphore(%arg14 : memref<!tpu.dma_semaphore, #tpu.memory_space<semaphore_mem>>) {add = true}
      %dma_wait3A_368 = arith.constant 0 : i32
      %dma_wait3A_369 = arith.constant 0 : i32
      %dma_wait3A_370 = arith.constant 0 : i32
      %dma_wait3A_371 = tpu.memref_slice %arg9[%dma_wait3A_369, %dma_wait3A_370] : memref<1024x16xbf16, #tpu.memory_space<vmem>> -> memref<128x16xbf16, #tpu.memory_space<vmem>>
      %dma_wait3A_372 = arith.constant 0 : i32
      %dma_wait3A_373 = tpu.memref_slice %arg6[%dma_wait3A_368, %dma_wait3A_372] : memref<80x128xi32, #tpu.memory_space<vmem>> -> memref<1x128xi32, #tpu.memory_space<vmem>>
      %dma_wait3A_374 = tpu.memref_squeeze %dma_wait3A_373 : memref<1x128xi32, #tpu.memory_space<vmem>> -> memref<128xi32, #tpu.memory_space<vmem>>
      %dma_wait3A_375 = arith.constant 0 : i32
      %dma_wait3A_376 = arith.constant 0 : i32
      %dma_wait3A_377 = tpu.memref_slice %arg10[%dma_wait3A_375, %dma_wait3A_376] : memref<10240x16xbf16, #tpu.memory_space<vmem_shared>> -> memref<10240x16xbf16, #tpu.memory_space<vmem_shared>>
      tpu.wait_indirect_dma semaphore(%arg13 : memref<!tpu.dma_semaphore, #tpu.memory_space<semaphore_mem>>) src(%dma_wait3A_377 : memref<10240x16xbf16, #tpu.memory_space<vmem_shared>>) dst(%dma_wait3A_371 : memref<128x16xbf16, #tpu.memory_space<vmem>>)
      %dma_wait3A_378 = arith.constant 0 : i32
      %dma_wait3A_379 = arith.constant 128 : i32
      %dma_wait3A_380 = arith.constant 0 : i32
      %dma_wait3A_381 = tpu.memref_slice %arg9[%dma_wait3A_379, %dma_wait3A_380] : memref<1024x16xbf16, #tpu.memory_space<vmem>> -> memref<128x16xbf16, #tpu.memory_space<vmem>>
      %dma_wait3A_382 = arith.constant 0 : i32
      %dma_wait3A_383 = tpu.memref_slice %arg6[%dma_wait3A_378, %dma_wait3A_382] : memref<80x128xi32, #tpu.memory_space<vmem>> -> memref<1x128xi32, #tpu.memory_space<vmem>>
      %dma_wait3A_384 = tpu.memref_squeeze %dma_wait3A_383 : memref<1x128xi32, #tpu.memory_space<vmem>> -> memref<128xi32, #tpu.memory_space<vmem>>
      %dma_wait3A_385 = arith.constant 0 : i32
      %dma_wait3A_386 = arith.constant 0 : i32
      %dma_wait3A_387 = tpu.memref_slice %arg10[%dma_wait3A_385, %dma_wait3A_386] : memref<10240x16xbf16, #tpu.memory_space<vmem_shared>> -> memref<10240x16xbf16, #tpu.memory_space<vmem_shared>>
      tpu.wait_indirect_dma semaphore(%arg13 : memref<!tpu.dma_semaphore, #tpu.memory_space<semaphore_mem>>) src(%dma_wait3A_387 : memref<10240x16xbf16, #tpu.memory_space<vmem_shared>>) dst(%dma_wait3A_381 : memref<128x16xbf16, #tpu.memory_space<vmem>>)
      %dma_wait3A_388 = arith.constant 0 : i32
      %dma_wait3A_389 = arith.constant 256 : i32
      %dma_wait3A_390 = arith.constant 0 : i32
      %dma_wait3A_391 = tpu.memref_slice %arg9[%dma_wait3A_389, %dma_wait3A_390] : memref<1024x16xbf16, #tpu.memory_space<vmem>> -> memref<128x16xbf16, #tpu.memory_space<vmem>>
      %dma_wait3A_392 = arith.constant 0 : i32
      %dma_wait3A_393 = tpu.memref_slice %arg6[%dma_wait3A_388, %dma_wait3A_392] : memref<80x128xi32, #tpu.memory_space<vmem>> -> memref<1x128xi32, #tpu.memory_space<vmem>>
      %dma_wait3A_394 = tpu.memref_squeeze %dma_wait3A_393 : memref<1x128xi32, #tpu.memory_space<vmem>> -> memref<128xi32, #tpu.memory_space<vmem>>
      %dma_wait3A_395 = arith.constant 0 : i32
      %dma_wait3A_396 = arith.constant 0 : i32
      %dma_wait3A_397 = tpu.memref_slice %arg10[%dma_wait3A_395, %dma_wait3A_396] : memref<10240x16xbf16, #tpu.memory_space<vmem_shared>> -> memref<10240x16xbf16, #tpu.memory_space<vmem_shared>>
      tpu.wait_indirect_dma semaphore(%arg13 : memref<!tpu.dma_semaphore, #tpu.memory_space<semaphore_mem>>) src(%dma_wait3A_397 : memref<10240x16xbf16, #tpu.memory_space<vmem_shared>>) dst(%dma_wait3A_391 : memref<128x16xbf16, #tpu.memory_space<vmem>>)
      %dma_wait3A_398 = arith.constant 0 : i32
      %dma_wait3A_399 = arith.constant 384 : i32
      %dma_wait3A_400 = arith.constant 0 : i32
      %dma_wait3A_401 = tpu.memref_slice %arg9[%dma_wait3A_399, %dma_wait3A_400] : memref<1024x16xbf16, #tpu.memory_space<vmem>> -> memref<128x16xbf16, #tpu.memory_space<vmem>>
      %dma_wait3A_402 = arith.constant 0 : i32
      %dma_wait3A_403 = tpu.memref_slice %arg6[%dma_wait3A_398, %dma_wait3A_402] : memref<80x128xi32, #tpu.memory_space<vmem>> -> memref<1x128xi32, #tpu.memory_space<vmem>>
      %dma_wait3A_404 = tpu.memref_squeeze %dma_wait3A_403 : memref<1x128xi32, #tpu.memory_space<vmem>> -> memref<128xi32, #tpu.memory_space<vmem>>
      %dma_wait3A_405 = arith.constant 0 : i32
      %dma_wait3A_406 = arith.constant 0 : i32
      %dma_wait3A_407 = tpu.memref_slice %arg10[%dma_wait3A_405, %dma_wait3A_406] : memref<10240x16xbf16, #tpu.memory_space<vmem_shared>> -> memref<10240x16xbf16, #tpu.memory_space<vmem_shared>>
      tpu.wait_indirect_dma semaphore(%arg13 : memref<!tpu.dma_semaphore, #tpu.memory_space<semaphore_mem>>) src(%dma_wait3A_407 : memref<10240x16xbf16, #tpu.memory_space<vmem_shared>>) dst(%dma_wait3A_401 : memref<128x16xbf16, #tpu.memory_space<vmem>>)
      %dma_wait3A_408 = arith.constant 0 : i32
      %dma_wait3A_409 = arith.constant 512 : i32
      %dma_wait3A_410 = arith.constant 0 : i32
      %dma_wait3A_411 = tpu.memref_slice %arg9[%dma_wait3A_409, %dma_wait3A_410] : memref<1024x16xbf16, #tpu.memory_space<vmem>> -> memref<128x16xbf16, #tpu.memory_space<vmem>>
      %dma_wait3A_412 = arith.constant 0 : i32
      %dma_wait3A_413 = tpu.memref_slice %arg6[%dma_wait3A_408, %dma_wait3A_412] : memref<80x128xi32, #tpu.memory_space<vmem>> -> memref<1x128xi32, #tpu.memory_space<vmem>>
      %dma_wait3A_414 = tpu.memref_squeeze %dma_wait3A_413 : memref<1x128xi32, #tpu.memory_space<vmem>> -> memref<128xi32, #tpu.memory_space<vmem>>
      %dma_wait3A_415 = arith.constant 0 : i32
      %dma_wait3A_416 = arith.constant 0 : i32
      %dma_wait3A_417 = tpu.memref_slice %arg10[%dma_wait3A_415, %dma_wait3A_416] : memref<10240x16xbf16, #tpu.memory_space<vmem_shared>> -> memref<10240x16xbf16, #tpu.memory_space<vmem_shared>>
      tpu.wait_indirect_dma semaphore(%arg13 : memref<!tpu.dma_semaphore, #tpu.memory_space<semaphore_mem>>) src(%dma_wait3A_417 : memref<10240x16xbf16, #tpu.memory_space<vmem_shared>>) dst(%dma_wait3A_411 : memref<128x16xbf16, #tpu.memory_space<vmem>>)
      %dma_wait3A_418 = arith.constant 0 : i32
      %dma_wait3A_419 = arith.constant 640 : i32
      %dma_wait3A_420 = arith.constant 0 : i32
      %dma_wait3A_421 = tpu.memref_slice %arg9[%dma_wait3A_419, %dma_wait3A_420] : memref<1024x16xbf16, #tpu.memory_space<vmem>> -> memref<128x16xbf16, #tpu.memory_space<vmem>>
      %dma_wait3A_422 = arith.constant 0 : i32
      %dma_wait3A_423 = tpu.memref_slice %arg6[%dma_wait3A_418, %dma_wait3A_422] : memref<80x128xi32, #tpu.memory_space<vmem>> -> memref<1x128xi32, #tpu.memory_space<vmem>>
      %dma_wait3A_424 = tpu.memref_squeeze %dma_wait3A_423 : memref<1x128xi32, #tpu.memory_space<vmem>> -> memref<128xi32, #tpu.memory_space<vmem>>
      %dma_wait3A_425 = arith.constant 0 : i32
      %dma_wait3A_426 = arith.constant 0 : i32
      %dma_wait3A_427 = tpu.memref_slice %arg10[%dma_wait3A_425, %dma_wait3A_426] : memref<10240x16xbf16, #tpu.memory_space<vmem_shared>> -> memref<10240x16xbf16, #tpu.memory_space<vmem_shared>>
      tpu.wait_indirect_dma semaphore(%arg13 : memref<!tpu.dma_semaphore, #tpu.memory_space<semaphore_mem>>) src(%dma_wait3A_427 : memref<10240x16xbf16, #tpu.memory_space<vmem_shared>>) dst(%dma_wait3A_421 : memref<128x16xbf16, #tpu.memory_space<vmem>>)
      %dma_wait3A_428 = arith.constant 0 : i32
      %dma_wait3A_429 = arith.constant 768 : i32
      %dma_wait3A_430 = arith.constant 0 : i32
      %dma_wait3A_431 = tpu.memref_slice %arg9[%dma_wait3A_429, %dma_wait3A_430] : memref<1024x16xbf16, #tpu.memory_space<vmem>> -> memref<128x16xbf16, #tpu.memory_space<vmem>>
      %dma_wait3A_432 = arith.constant 0 : i32
      %dma_wait3A_433 = tpu.memref_slice %arg6[%dma_wait3A_428, %dma_wait3A_432] : memref<80x128xi32, #tpu.memory_space<vmem>> -> memref<1x128xi32, #tpu.memory_space<vmem>>
      %dma_wait3A_434 = tpu.memref_squeeze %dma_wait3A_433 : memref<1x128xi32, #tpu.memory_space<vmem>> -> memref<128xi32, #tpu.memory_space<vmem>>
      %dma_wait3A_435 = arith.constant 0 : i32
      %dma_wait3A_436 = arith.constant 0 : i32
      %dma_wait3A_437 = tpu.memref_slice %arg10[%dma_wait3A_435, %dma_wait3A_436] : memref<10240x16xbf16, #tpu.memory_space<vmem_shared>> -> memref<10240x16xbf16, #tpu.memory_space<vmem_shared>>
      tpu.wait_indirect_dma semaphore(%arg13 : memref<!tpu.dma_semaphore, #tpu.memory_space<semaphore_mem>>) src(%dma_wait3A_437 : memref<10240x16xbf16, #tpu.memory_space<vmem_shared>>) dst(%dma_wait3A_431 : memref<128x16xbf16, #tpu.memory_space<vmem>>)
      %dma_wait3A_438 = arith.constant 0 : i32
      %dma_wait3A_439 = arith.constant 896 : i32
      %dma_wait3A_440 = arith.constant 0 : i32
      %dma_wait3A_441 = tpu.memref_slice %arg9[%dma_wait3A_439, %dma_wait3A_440] : memref<1024x16xbf16, #tpu.memory_space<vmem>> -> memref<128x16xbf16, #tpu.memory_space<vmem>>
      %dma_wait3A_442 = arith.constant 0 : i32
      %dma_wait3A_443 = tpu.memref_slice %arg6[%dma_wait3A_438, %dma_wait3A_442] : memref<80x128xi32, #tpu.memory_space<vmem>> -> memref<1x128xi32, #tpu.memory_space<vmem>>
      %dma_wait3A_444 = tpu.memref_squeeze %dma_wait3A_443 : memref<1x128xi32, #tpu.memory_space<vmem>> -> memref<128xi32, #tpu.memory_space<vmem>>
      %dma_wait3A_445 = arith.constant 0 : i32
      %dma_wait3A_446 = arith.constant 0 : i32
      %dma_wait3A_447 = tpu.memref_slice %arg10[%dma_wait3A_445, %dma_wait3A_446] : memref<10240x16xbf16, #tpu.memory_space<vmem_shared>> -> memref<10240x16xbf16, #tpu.memory_space<vmem_shared>>
      tpu.wait_indirect_dma semaphore(%arg13 : memref<!tpu.dma_semaphore, #tpu.memory_space<semaphore_mem>>) src(%dma_wait3A_447 : memref<10240x16xbf16, #tpu.memory_space<vmem_shared>>) dst(%dma_wait3A_441 : memref<128x16xbf16, #tpu.memory_space<vmem>>)
      %dma_wait3A_448 = arith.constant 0 : i32
      %dma_wait3A_449 = arith.constant 0 : i32
      %dma_wait3A_450 = arith.constant 0 : i32
      %dma_wait3A_451 = tpu.memref_slice %arg8[%dma_wait3A_449, %dma_wait3A_450] : memref<1024x16xbf16, #tpu.memory_space<vmem>> -> memref<128x16xbf16, #tpu.memory_space<vmem>>
      %dma_wait3A_452 = arith.constant 0 : i32
      %dma_wait3A_453 = tpu.memref_slice %arg7[%dma_wait3A_448, %dma_wait3A_452] : memref<80x128xi32, #tpu.memory_space<vmem>> -> memref<1x128xi32, #tpu.memory_space<vmem>>
      %dma_wait3A_454 = tpu.memref_squeeze %dma_wait3A_453 : memref<1x128xi32, #tpu.memory_space<vmem>> -> memref<128xi32, #tpu.memory_space<vmem>>
      %dma_wait3A_455 = arith.constant 0 : i32
      %dma_wait3A_456 = arith.constant 0 : i32
      %dma_wait3A_457 = tpu.memref_slice %arg11[%dma_wait3A_455, %dma_wait3A_456] : memref<10240x16xbf16, #tpu.memory_space<vmem_shared>> -> memref<10240x16xbf16, #tpu.memory_space<vmem_shared>>
      tpu.wait_indirect_dma semaphore(%arg14 : memref<!tpu.dma_semaphore, #tpu.memory_space<semaphore_mem>>) src(%dma_wait3A_451 : memref<128x16xbf16, #tpu.memory_space<vmem>>) dst(%dma_wait3A_457 : memref<10240x16xbf16, #tpu.memory_space<vmem_shared>>)
      %dma_wait3A_458 = arith.constant 0 : i32
      %dma_wait3A_459 = arith.constant 128 : i32
      %dma_wait3A_460 = arith.constant 0 : i32
      %dma_wait3A_461 = tpu.memref_slice %arg8[%dma_wait3A_459, %dma_wait3A_460] : memref<1024x16xbf16, #tpu.memory_space<vmem>> -> memref<128x16xbf16, #tpu.memory_space<vmem>>
      %dma_wait3A_462 = arith.constant 0 : i32
      %dma_wait3A_463 = tpu.memref_slice %arg7[%dma_wait3A_458, %dma_wait3A_462] : memref<80x128xi32, #tpu.memory_space<vmem>> -> memref<1x128xi32, #tpu.memory_space<vmem>>
      %dma_wait3A_464 = tpu.memref_squeeze %dma_wait3A_463 : memref<1x128xi32, #tpu.memory_space<vmem>> -> memref<128xi32, #tpu.memory_space<vmem>>
      %dma_wait3A_465 = arith.constant 0 : i32
      %dma_wait3A_466 = arith.constant 0 : i32
      %dma_wait3A_467 = tpu.memref_slice %arg11[%dma_wait3A_465, %dma_wait3A_466] : memref<10240x16xbf16, #tpu.memory_space<vmem_shared>> -> memref<10240x16xbf16, #tpu.memory_space<vmem_shared>>
      tpu.wait_indirect_dma semaphore(%arg14 : memref<!tpu.dma_semaphore, #tpu.memory_space<semaphore_mem>>) src(%dma_wait3A_461 : memref<128x16xbf16, #tpu.memory_space<vmem>>) dst(%dma_wait3A_467 : memref<10240x16xbf16, #tpu.memory_space<vmem_shared>>)
      %dma_wait3A_468 = arith.constant 0 : i32
      %dma_wait3A_469 = arith.constant 256 : i32
      %dma_wait3A_470 = arith.constant 0 : i32
      %dma_wait3A_471 = tpu.memref_slice %arg8[%dma_wait3A_469, %dma_wait3A_470] : memref<1024x16xbf16, #tpu.memory_space<vmem>> -> memref<128x16xbf16, #tpu.memory_space<vmem>>
      %dma_wait3A_472 = arith.constant 0 : i32
      %dma_wait3A_473 = tpu.memref_slice %arg7[%dma_wait3A_468, %dma_wait3A_472] : memref<80x128xi32, #tpu.memory_space<vmem>> -> memref<1x128xi32, #tpu.memory_space<vmem>>
      %dma_wait3A_474 = tpu.memref_squeeze %dma_wait3A_473 : memref<1x128xi32, #tpu.memory_space<vmem>> -> memref<128xi32, #tpu.memory_space<vmem>>
      %dma_wait3A_475 = arith.constant 0 : i32
      %dma_wait3A_476 = arith.constant 0 : i32
      %dma_wait3A_477 = tpu.memref_slice %arg11[%dma_wait3A_475, %dma_wait3A_476] : memref<10240x16xbf16, #tpu.memory_space<vmem_shared>> -> memref<10240x16xbf16, #tpu.memory_space<vmem_shared>>
      tpu.wait_indirect_dma semaphore(%arg14 : memref<!tpu.dma_semaphore, #tpu.memory_space<semaphore_mem>>) src(%dma_wait3A_471 : memref<128x16xbf16, #tpu.memory_space<vmem>>) dst(%dma_wait3A_477 : memref<10240x16xbf16, #tpu.memory_space<vmem_shared>>)
      %dma_wait3A_478 = arith.constant 0 : i32
      %dma_wait3A_479 = arith.constant 384 : i32
      %dma_wait3A_480 = arith.constant 0 : i32
      %dma_wait3A_481 = tpu.memref_slice %arg8[%dma_wait3A_479, %dma_wait3A_480] : memref<1024x16xbf16, #tpu.memory_space<vmem>> -> memref<128x16xbf16, #tpu.memory_space<vmem>>
      %dma_wait3A_482 = arith.constant 0 : i32
      %dma_wait3A_483 = tpu.memref_slice %arg7[%dma_wait3A_478, %dma_wait3A_482] : memref<80x128xi32, #tpu.memory_space<vmem>> -> memref<1x128xi32, #tpu.memory_space<vmem>>
      %dma_wait3A_484 = tpu.memref_squeeze %dma_wait3A_483 : memref<1x128xi32, #tpu.memory_space<vmem>> -> memref<128xi32, #tpu.memory_space<vmem>>
      %dma_wait3A_485 = arith.constant 0 : i32
      %dma_wait3A_486 = arith.constant 0 : i32
      %dma_wait3A_487 = tpu.memref_slice %arg11[%dma_wait3A_485, %dma_wait3A_486] : memref<10240x16xbf16, #tpu.memory_space<vmem_shared>> -> memref<10240x16xbf16, #tpu.memory_space<vmem_shared>>
      tpu.wait_indirect_dma semaphore(%arg14 : memref<!tpu.dma_semaphore, #tpu.memory_space<semaphore_mem>>) src(%dma_wait3A_481 : memref<128x16xbf16, #tpu.memory_space<vmem>>) dst(%dma_wait3A_487 : memref<10240x16xbf16, #tpu.memory_space<vmem_shared>>)
      %dma_wait3A_488 = arith.constant 0 : i32
      %dma_wait3A_489 = arith.constant 512 : i32
      %dma_wait3A_490 = arith.constant 0 : i32
      %dma_wait3A_491 = tpu.memref_slice %arg8[%dma_wait3A_489, %dma_wait3A_490] : memref<1024x16xbf16, #tpu.memory_space<vmem>> -> memref<128x16xbf16, #tpu.memory_space<vmem>>
      %dma_wait3A_492 = arith.constant 0 : i32
      %dma_wait3A_493 = tpu.memref_slice %arg7[%dma_wait3A_488, %dma_wait3A_492] : memref<80x128xi32, #tpu.memory_space<vmem>> -> memref<1x128xi32, #tpu.memory_space<vmem>>
      %dma_wait3A_494 = tpu.memref_squeeze %dma_wait3A_493 : memref<1x128xi32, #tpu.memory_space<vmem>> -> memref<128xi32, #tpu.memory_space<vmem>>
      %dma_wait3A_495 = arith.constant 0 : i32
      %dma_wait3A_496 = arith.constant 0 : i32
      %dma_wait3A_497 = tpu.memref_slice %arg11[%dma_wait3A_495, %dma_wait3A_496] : memref<10240x16xbf16, #tpu.memory_space<vmem_shared>> -> memref<10240x16xbf16, #tpu.memory_space<vmem_shared>>
      tpu.wait_indirect_dma semaphore(%arg14 : memref<!tpu.dma_semaphore, #tpu.memory_space<semaphore_mem>>) src(%dma_wait3A_491 : memref<128x16xbf16, #tpu.memory_space<vmem>>) dst(%dma_wait3A_497 : memref<10240x16xbf16, #tpu.memory_space<vmem_shared>>)
      %dma_wait3A_498 = arith.constant 0 : i32
      %dma_wait3A_499 = arith.constant 640 : i32
      %dma_wait3A_500 = arith.constant 0 : i32
      %dma_wait3A_501 = tpu.memref_slice %arg8[%dma_wait3A_499, %dma_wait3A_500] : memref<1024x16xbf16, #tpu.memory_space<vmem>> -> memref<128x16xbf16, #tpu.memory_space<vmem>>
      %dma_wait3A_502 = arith.constant 0 : i32
      %dma_wait3A_503 = tpu.memref_slice %arg7[%dma_wait3A_498, %dma_wait3A_502] : memref<80x128xi32, #tpu.memory_space<vmem>> -> memref<1x128xi32, #tpu.memory_space<vmem>>
      %dma_wait3A_504 = tpu.memref_squeeze %dma_wait3A_503 : memref<1x128xi32, #tpu.memory_space<vmem>> -> memref<128xi32, #tpu.memory_space<vmem>>
      %dma_wait3A_505 = arith.constant 0 : i32
      %dma_wait3A_506 = arith.constant 0 : i32
      %dma_wait3A_507 = tpu.memref_slice %arg11[%dma_wait3A_505, %dma_wait3A_506] : memref<10240x16xbf16, #tpu.memory_space<vmem_shared>> -> memref<10240x16xbf16, #tpu.memory_space<vmem_shared>>
      tpu.wait_indirect_dma semaphore(%arg14 : memref<!tpu.dma_semaphore, #tpu.memory_space<semaphore_mem>>) src(%dma_wait3A_501 : memref<128x16xbf16, #tpu.memory_space<vmem>>) dst(%dma_wait3A_507 : memref<10240x16xbf16, #tpu.memory_space<vmem_shared>>)
      %dma_wait3A_508 = arith.constant 0 : i32
      %dma_wait3A_509 = arith.constant 768 : i32
      %dma_wait3A_510 = arith.constant 0 : i32
      %dma_wait3A_511 = tpu.memref_slice %arg8[%dma_wait3A_509, %dma_wait3A_510] : memref<1024x16xbf16, #tpu.memory_space<vmem>> -> memref<128x16xbf16, #tpu.memory_space<vmem>>
      %dma_wait3A_512 = arith.constant 0 : i32
      %dma_wait3A_513 = tpu.memref_slice %arg7[%dma_wait3A_508, %dma_wait3A_512] : memref<80x128xi32, #tpu.memory_space<vmem>> -> memref<1x128xi32, #tpu.memory_space<vmem>>
      %dma_wait3A_514 = tpu.memref_squeeze %dma_wait3A_513 : memref<1x128xi32, #tpu.memory_space<vmem>> -> memref<128xi32, #tpu.memory_space<vmem>>
      %dma_wait3A_515 = arith.constant 0 : i32
      %dma_wait3A_516 = arith.constant 0 : i32
      %dma_wait3A_517 = tpu.memref_slice %arg11[%dma_wait3A_515, %dma_wait3A_516] : memref<10240x16xbf16, #tpu.memory_space<vmem_shared>> -> memref<10240x16xbf16, #tpu.memory_space<vmem_shared>>
      tpu.wait_indirect_dma semaphore(%arg14 : memref<!tpu.dma_semaphore, #tpu.memory_space<semaphore_mem>>) src(%dma_wait3A_511 : memref<128x16xbf16, #tpu.memory_space<vmem>>) dst(%dma_wait3A_517 : memref<10240x16xbf16, #tpu.memory_space<vmem_shared>>)
      %dma_wait3A_518 = arith.constant 0 : i32
      %dma_wait3A_519 = arith.constant 896 : i32
      %dma_wait3A_520 = arith.constant 0 : i32
      %dma_wait3A_521 = tpu.memref_slice %arg8[%dma_wait3A_519, %dma_wait3A_520] : memref<1024x16xbf16, #tpu.memory_space<vmem>> -> memref<128x16xbf16, #tpu.memory_space<vmem>>
      %dma_wait3A_522 = arith.constant 0 : i32
      %dma_wait3A_523 = tpu.memref_slice %arg7[%dma_wait3A_518, %dma_wait3A_522] : memref<80x128xi32, #tpu.memory_space<vmem>> -> memref<1x128xi32, #tpu.memory_space<vmem>>
      %dma_wait3A_524 = tpu.memref_squeeze %dma_wait3A_523 : memref<1x128xi32, #tpu.memory_space<vmem>> -> memref<128xi32, #tpu.memory_space<vmem>>
      %dma_wait3A_525 = arith.constant 0 : i32
      %dma_wait3A_526 = arith.constant 0 : i32
      %dma_wait3A_527 = tpu.memref_slice %arg11[%dma_wait3A_525, %dma_wait3A_526] : memref<10240x16xbf16, #tpu.memory_space<vmem_shared>> -> memref<10240x16xbf16, #tpu.memory_space<vmem_shared>>
      tpu.wait_indirect_dma semaphore(%arg14 : memref<!tpu.dma_semaphore, #tpu.memory_space<semaphore_mem>>) src(%dma_wait3A_521 : memref<128x16xbf16, #tpu.memory_space<vmem>>) dst(%dma_wait3A_527 : memref<10240x16xbf16, #tpu.memory_space<vmem_shared>>)
      %add3A_528 = arith.constant 2 : i32
      %add3A_529 = arith.addi %mul3A_184, %add3A_528 : i32
      %lt3A_530 = arith.constant 10 : i32
      %lt3A_531 = arith.cmpi slt, %add3A_529, %lt3A_530 : i32
      %convert_element_type3A_532 = arith.extui %lt3A_531 : i1 to i32
      %cond3A_533 = arith.constant 0 : i32
      %cond3A_534 = arith.cmpi ne, %convert_element_type3A_532, %cond3A_533 : i32
      scf.if %cond3A_534 {
        %add3A_728 = arith.constant 2 : i32
        %add3A_729 = arith.addi %mul3A_184, %add3A_728 : i32
        %mul3A_730 = arith.constant 8 : i32
        %mul3A_731 = arith.muli %add3A_729, %mul3A_730 : i32
        %add3A_732 = arith.constant 0 : i32
        %add3A_733 = arith.addi %mul3A_731, %add3A_732 : i32
        %dma_start3A_734 = arith.constant 0 : i32
        %dma_start3A_735 = arith.constant 0 : i32
        %dma_start3A_736 = tpu.memref_slice %arg8[%dma_start3A_734, %dma_start3A_735] : memref<1024x16xbf16, #tpu.memory_space<vmem>> -> memref<128x16xbf16, #tpu.memory_space<vmem>>
        %dma_start3A_737 = arith.constant 0 : i32
        %dma_start3A_738 = tpu.memref_slice %arg6[%add3A_733, %dma_start3A_737] : memref<80x128xi32, #tpu.memory_space<vmem>> -> memref<1x128xi32, #tpu.memory_space<vmem>>
        %dma_start3A_739 = tpu.memref_squeeze %dma_start3A_738 : memref<1x128xi32, #tpu.memory_space<vmem>> -> memref<128xi32, #tpu.memory_space<vmem>>
        %dma_start3A_740 = arith.constant 0 : i32
        %dma_start3A_741 = arith.constant 0 : i32
        %dma_start3A_742 = tpu.memref_slice %arg10[%dma_start3A_740, %dma_start3A_741] : memref<10240x16xbf16, #tpu.memory_space<vmem_shared>> -> memref<10240x16xbf16, #tpu.memory_space<vmem_shared>>
        tpu.enqueue_indirect_dma source(%dma_start3A_742 : memref<10240x16xbf16, #tpu.memory_space<vmem_shared>>) target(%dma_start3A_736 : memref<128x16xbf16, #tpu.memory_space<vmem>>) offsets(%dma_start3A_739 : memref<128xi32, #tpu.memory_space<vmem>>) semaphore(%arg12 : memref<!tpu.dma_semaphore, #tpu.memory_space<semaphore_mem>>)
        %mul3A_743 = arith.constant 8 : i32
        %mul3A_744 = arith.muli %add3A_729, %mul3A_743 : i32
        %add3A_745 = arith.constant 1 : i32
        %add3A_746 = arith.addi %mul3A_744, %add3A_745 : i32
        %dma_start3A_747 = arith.constant 128 : i32
        %dma_start3A_748 = arith.constant 0 : i32
        %dma_start3A_749 = tpu.memref_slice %arg8[%dma_start3A_747, %dma_start3A_748] : memref<1024x16xbf16, #tpu.memory_space<vmem>> -> memref<128x16xbf16, #tpu.memory_space<vmem>>
        %dma_start3A_750 = arith.constant 0 : i32
        %dma_start3A_751 = tpu.memref_slice %arg6[%add3A_746, %dma_start3A_750] : memref<80x128xi32, #tpu.memory_space<vmem>> -> memref<1x128xi32, #tpu.memory_space<vmem>>
        %dma_start3A_752 = tpu.memref_squeeze %dma_start3A_751 : memref<1x128xi32, #tpu.memory_space<vmem>> -> memref<128xi32, #tpu.memory_space<vmem>>
        %dma_start3A_753 = arith.constant 0 : i32
        %dma_start3A_754 = arith.constant 0 : i32
        %dma_start3A_755 = tpu.memref_slice %arg10[%dma_start3A_753, %dma_start3A_754] : memref<10240x16xbf16, #tpu.memory_space<vmem_shared>> -> memref<10240x16xbf16, #tpu.memory_space<vmem_shared>>
        tpu.enqueue_indirect_dma source(%dma_start3A_755 : memref<10240x16xbf16, #tpu.memory_space<vmem_shared>>) target(%dma_start3A_749 : memref<128x16xbf16, #tpu.memory_space<vmem>>) offsets(%dma_start3A_752 : memref<128xi32, #tpu.memory_space<vmem>>) semaphore(%arg12 : memref<!tpu.dma_semaphore, #tpu.memory_space<semaphore_mem>>)
        %mul3A_756 = arith.constant 8 : i32
        %mul3A_757 = arith.muli %add3A_729, %mul3A_756 : i32
        %add3A_758 = arith.constant 2 : i32
        %add3A_759 = arith.addi %mul3A_757, %add3A_758 : i32
        %dma_start3A_760 = arith.constant 256 : i32
        %dma_start3A_761 = arith.constant 0 : i32
        %dma_start3A_762 = tpu.memref_slice %arg8[%dma_start3A_760, %dma_start3A_761] : memref<1024x16xbf16, #tpu.memory_space<vmem>> -> memref<128x16xbf16, #tpu.memory_space<vmem>>
        %dma_start3A_763 = arith.constant 0 : i32
        %dma_start3A_764 = tpu.memref_slice %arg6[%add3A_759, %dma_start3A_763] : memref<80x128xi32, #tpu.memory_space<vmem>> -> memref<1x128xi32, #tpu.memory_space<vmem>>
        %dma_start3A_765 = tpu.memref_squeeze %dma_start3A_764 : memref<1x128xi32, #tpu.memory_space<vmem>> -> memref<128xi32, #tpu.memory_space<vmem>>
        %dma_start3A_766 = arith.constant 0 : i32
        %dma_start3A_767 = arith.constant 0 : i32
        %dma_start3A_768 = tpu.memref_slice %arg10[%dma_start3A_766, %dma_start3A_767] : memref<10240x16xbf16, #tpu.memory_space<vmem_shared>> -> memref<10240x16xbf16, #tpu.memory_space<vmem_shared>>
        tpu.enqueue_indirect_dma source(%dma_start3A_768 : memref<10240x16xbf16, #tpu.memory_space<vmem_shared>>) target(%dma_start3A_762 : memref<128x16xbf16, #tpu.memory_space<vmem>>) offsets(%dma_start3A_765 : memref<128xi32, #tpu.memory_space<vmem>>) semaphore(%arg12 : memref<!tpu.dma_semaphore, #tpu.memory_space<semaphore_mem>>)
        %mul3A_769 = arith.constant 8 : i32
        %mul3A_770 = arith.muli %add3A_729, %mul3A_769 : i32
        %add3A_771 = arith.constant 3 : i32
        %add3A_772 = arith.addi %mul3A_770, %add3A_771 : i32
        %dma_start3A_773 = arith.constant 384 : i32
        %dma_start3A_774 = arith.constant 0 : i32
        %dma_start3A_775 = tpu.memref_slice %arg8[%dma_start3A_773, %dma_start3A_774] : memref<1024x16xbf16, #tpu.memory_space<vmem>> -> memref<128x16xbf16, #tpu.memory_space<vmem>>
        %dma_start3A_776 = arith.constant 0 : i32
        %dma_start3A_777 = tpu.memref_slice %arg6[%add3A_772, %dma_start3A_776] : memref<80x128xi32, #tpu.memory_space<vmem>> -> memref<1x128xi32, #tpu.memory_space<vmem>>
        %dma_start3A_778 = tpu.memref_squeeze %dma_start3A_777 : memref<1x128xi32, #tpu.memory_space<vmem>> -> memref<128xi32, #tpu.memory_space<vmem>>
        %dma_start3A_779 = arith.constant 0 : i32
        %dma_start3A_780 = arith.constant 0 : i32
        %dma_start3A_781 = tpu.memref_slice %arg10[%dma_start3A_779, %dma_start3A_780] : memref<10240x16xbf16, #tpu.memory_space<vmem_shared>> -> memref<10240x16xbf16, #tpu.memory_space<vmem_shared>>
        tpu.enqueue_indirect_dma source(%dma_start3A_781 : memref<10240x16xbf16, #tpu.memory_space<vmem_shared>>) target(%dma_start3A_775 : memref<128x16xbf16, #tpu.memory_space<vmem>>) offsets(%dma_start3A_778 : memref<128xi32, #tpu.memory_space<vmem>>) semaphore(%arg12 : memref<!tpu.dma_semaphore, #tpu.memory_space<semaphore_mem>>)
        %mul3A_782 = arith.constant 8 : i32
        %mul3A_783 = arith.muli %add3A_729, %mul3A_782 : i32
        %add3A_784 = arith.constant 4 : i32
        %add3A_785 = arith.addi %mul3A_783, %add3A_784 : i32
        %dma_start3A_786 = arith.constant 512 : i32
        %dma_start3A_787 = arith.constant 0 : i32
        %dma_start3A_788 = tpu.memref_slice %arg8[%dma_start3A_786, %dma_start3A_787] : memref<1024x16xbf16, #tpu.memory_space<vmem>> -> memref<128x16xbf16, #tpu.memory_space<vmem>>
        %dma_start3A_789 = arith.constant 0 : i32
        %dma_start3A_790 = tpu.memref_slice %arg6[%add3A_785, %dma_start3A_789] : memref<80x128xi32, #tpu.memory_space<vmem>> -> memref<1x128xi32, #tpu.memory_space<vmem>>
        %dma_start3A_791 = tpu.memref_squeeze %dma_start3A_790 : memref<1x128xi32, #tpu.memory_space<vmem>> -> memref<128xi32, #tpu.memory_space<vmem>>
        %dma_start3A_792 = arith.constant 0 : i32
        %dma_start3A_793 = arith.constant 0 : i32
        %dma_start3A_794 = tpu.memref_slice %arg10[%dma_start3A_792, %dma_start3A_793] : memref<10240x16xbf16, #tpu.memory_space<vmem_shared>> -> memref<10240x16xbf16, #tpu.memory_space<vmem_shared>>
        tpu.enqueue_indirect_dma source(%dma_start3A_794 : memref<10240x16xbf16, #tpu.memory_space<vmem_shared>>) target(%dma_start3A_788 : memref<128x16xbf16, #tpu.memory_space<vmem>>) offsets(%dma_start3A_791 : memref<128xi32, #tpu.memory_space<vmem>>) semaphore(%arg12 : memref<!tpu.dma_semaphore, #tpu.memory_space<semaphore_mem>>)
        %mul3A_795 = arith.constant 8 : i32
        %mul3A_796 = arith.muli %add3A_729, %mul3A_795 : i32
        %add3A_797 = arith.constant 5 : i32
        %add3A_798 = arith.addi %mul3A_796, %add3A_797 : i32
        %dma_start3A_799 = arith.constant 640 : i32
        %dma_start3A_800 = arith.constant 0 : i32
        %dma_start3A_801 = tpu.memref_slice %arg8[%dma_start3A_799, %dma_start3A_800] : memref<1024x16xbf16, #tpu.memory_space<vmem>> -> memref<128x16xbf16, #tpu.memory_space<vmem>>
        %dma_start3A_802 = arith.constant 0 : i32
        %dma_start3A_803 = tpu.memref_slice %arg6[%add3A_798, %dma_start3A_802] : memref<80x128xi32, #tpu.memory_space<vmem>> -> memref<1x128xi32, #tpu.memory_space<vmem>>
        %dma_start3A_804 = tpu.memref_squeeze %dma_start3A_803 : memref<1x128xi32, #tpu.memory_space<vmem>> -> memref<128xi32, #tpu.memory_space<vmem>>
        %dma_start3A_805 = arith.constant 0 : i32
        %dma_start3A_806 = arith.constant 0 : i32
        %dma_start3A_807 = tpu.memref_slice %arg10[%dma_start3A_805, %dma_start3A_806] : memref<10240x16xbf16, #tpu.memory_space<vmem_shared>> -> memref<10240x16xbf16, #tpu.memory_space<vmem_shared>>
        tpu.enqueue_indirect_dma source(%dma_start3A_807 : memref<10240x16xbf16, #tpu.memory_space<vmem_shared>>) target(%dma_start3A_801 : memref<128x16xbf16, #tpu.memory_space<vmem>>) offsets(%dma_start3A_804 : memref<128xi32, #tpu.memory_space<vmem>>) semaphore(%arg12 : memref<!tpu.dma_semaphore, #tpu.memory_space<semaphore_mem>>)
        %mul3A_808 = arith.constant 8 : i32
        %mul3A_809 = arith.muli %add3A_729, %mul3A_808 : i32
        %add3A_810 = arith.constant 6 : i32
        %add3A_811 = arith.addi %mul3A_809, %add3A_810 : i32
        %dma_start3A_812 = arith.constant 768 : i32
        %dma_start3A_813 = arith.constant 0 : i32
        %dma_start3A_814 = tpu.memref_slice %arg8[%dma_start3A_812, %dma_start3A_813] : memref<1024x16xbf16, #tpu.memory_space<vmem>> -> memref<128x16xbf16, #tpu.memory_space<vmem>>
        %dma_start3A_815 = arith.constant 0 : i32
        %dma_start3A_816 = tpu.memref_slice %arg6[%add3A_811, %dma_start3A_815] : memref<80x128xi32, #tpu.memory_space<vmem>> -> memref<1x128xi32, #tpu.memory_space<vmem>>
        %dma_start3A_817 = tpu.memref_squeeze %dma_start3A_816 : memref<1x128xi32, #tpu.memory_space<vmem>> -> memref<128xi32, #tpu.memory_space<vmem>>
        %dma_start3A_818 = arith.constant 0 : i32
        %dma_start3A_819 = arith.constant 0 : i32
        %dma_start3A_820 = tpu.memref_slice %arg10[%dma_start3A_818, %dma_start3A_819] : memref<10240x16xbf16, #tpu.memory_space<vmem_shared>> -> memref<10240x16xbf16, #tpu.memory_space<vmem_shared>>
        tpu.enqueue_indirect_dma source(%dma_start3A_820 : memref<10240x16xbf16, #tpu.memory_space<vmem_shared>>) target(%dma_start3A_814 : memref<128x16xbf16, #tpu.memory_space<vmem>>) offsets(%dma_start3A_817 : memref<128xi32, #tpu.memory_space<vmem>>) semaphore(%arg12 : memref<!tpu.dma_semaphore, #tpu.memory_space<semaphore_mem>>)
        %mul3A_821 = arith.constant 8 : i32
        %mul3A_822 = arith.muli %add3A_729, %mul3A_821 : i32
        %add3A_823 = arith.constant 7 : i32
        %add3A_824 = arith.addi %mul3A_822, %add3A_823 : i32
        %dma_start3A_825 = arith.constant 896 : i32
        %dma_start3A_826 = arith.constant 0 : i32
        %dma_start3A_827 = tpu.memref_slice %arg8[%dma_start3A_825, %dma_start3A_826] : memref<1024x16xbf16, #tpu.memory_space<vmem>> -> memref<128x16xbf16, #tpu.memory_space<vmem>>
        %dma_start3A_828 = arith.constant 0 : i32
        %dma_start3A_829 = tpu.memref_slice %arg6[%add3A_824, %dma_start3A_828] : memref<80x128xi32, #tpu.memory_space<vmem>> -> memref<1x128xi32, #tpu.memory_space<vmem>>
        %dma_start3A_830 = tpu.memref_squeeze %dma_start3A_829 : memref<1x128xi32, #tpu.memory_space<vmem>> -> memref<128xi32, #tpu.memory_space<vmem>>
        %dma_start3A_831 = arith.constant 0 : i32
        %dma_start3A_832 = arith.constant 0 : i32
        %dma_start3A_833 = tpu.memref_slice %arg10[%dma_start3A_831, %dma_start3A_832] : memref<10240x16xbf16, #tpu.memory_space<vmem_shared>> -> memref<10240x16xbf16, #tpu.memory_space<vmem_shared>>
        tpu.enqueue_indirect_dma source(%dma_start3A_833 : memref<10240x16xbf16, #tpu.memory_space<vmem_shared>>) target(%dma_start3A_827 : memref<128x16xbf16, #tpu.memory_space<vmem>>) offsets(%dma_start3A_830 : memref<128xi32, #tpu.memory_space<vmem>>) semaphore(%arg12 : memref<!tpu.dma_semaphore, #tpu.memory_space<semaphore_mem>>)
      } else {
      }
      %add3A_535 = arith.constant 1 : i32
      %add3A_536 = arith.addi %mul3A_184, %add3A_535 : i32
      %mul3A_537 = arith.constant 8 : i32
      %mul3A_538 = arith.muli %add3A_536, %mul3A_537 : i32
      %add3A_539 = arith.constant 0 : i32
      %add3A_540 = arith.addi %mul3A_538, %add3A_539 : i32
      %dma_start3A_541 = arith.constant 0 : i32
      %dma_start3A_542 = arith.constant 0 : i32
      %dma_start3A_543 = tpu.memref_slice %arg9[%dma_start3A_541, %dma_start3A_542] : memref<1024x16xbf16, #tpu.memory_space<vmem>> -> memref<128x16xbf16, #tpu.memory_space<vmem>>
      %dma_start3A_544 = arith.constant 0 : i32
      %dma_start3A_545 = tpu.memref_slice %arg7[%add3A_540, %dma_start3A_544] : memref<80x128xi32, #tpu.memory_space<vmem>> -> memref<1x128xi32, #tpu.memory_space<vmem>>
      %dma_start3A_546 = tpu.memref_squeeze %dma_start3A_545 : memref<1x128xi32, #tpu.memory_space<vmem>> -> memref<128xi32, #tpu.memory_space<vmem>>
      %dma_start3A_547 = arith.constant 0 : i32
      %dma_start3A_548 = arith.constant 0 : i32
      %dma_start3A_549 = tpu.memref_slice %arg11[%dma_start3A_547, %dma_start3A_548] : memref<10240x16xbf16, #tpu.memory_space<vmem_shared>> -> memref<10240x16xbf16, #tpu.memory_space<vmem_shared>>
      tpu.enqueue_indirect_dma source(%dma_start3A_543 : memref<128x16xbf16, #tpu.memory_space<vmem>>) target(%dma_start3A_549 : memref<10240x16xbf16, #tpu.memory_space<vmem_shared>>) offsets(%dma_start3A_546 : memref<128xi32, #tpu.memory_space<vmem>>) semaphore(%arg15 : memref<!tpu.dma_semaphore, #tpu.memory_space<semaphore_mem>>) {add = true}
      %mul3A_550 = arith.constant 8 : i32
      %mul3A_551 = arith.muli %add3A_536, %mul3A_550 : i32
      %add3A_552 = arith.constant 1 : i32
      %add3A_553 = arith.addi %mul3A_551, %add3A_552 : i32
      %dma_start3A_554 = arith.constant 128 : i32
      %dma_start3A_555 = arith.constant 0 : i32
      %dma_start3A_556 = tpu.memref_slice %arg9[%dma_start3A_554, %dma_start3A_555] : memref<1024x16xbf16, #tpu.memory_space<vmem>> -> memref<128x16xbf16, #tpu.memory_space<vmem>>
      %dma_start3A_557 = arith.constant 0 : i32
      %dma_start3A_558 = tpu.memref_slice %arg7[%add3A_553, %dma_start3A_557] : memref<80x128xi32, #tpu.memory_space<vmem>> -> memref<1x128xi32, #tpu.memory_space<vmem>>
      %dma_start3A_559 = tpu.memref_squeeze %dma_start3A_558 : memref<1x128xi32, #tpu.memory_space<vmem>> -> memref<128xi32, #tpu.memory_space<vmem>>
      %dma_start3A_560 = arith.constant 0 : i32
      %dma_start3A_561 = arith.constant 0 : i32
      %dma_start3A_562 = tpu.memref_slice %arg11[%dma_start3A_560, %dma_start3A_561] : memref<10240x16xbf16, #tpu.memory_space<vmem_shared>> -> memref<10240x16xbf16, #tpu.memory_space<vmem_shared>>
      tpu.enqueue_indirect_dma source(%dma_start3A_556 : memref<128x16xbf16, #tpu.memory_space<vmem>>) target(%dma_start3A_562 : memref<10240x16xbf16, #tpu.memory_space<vmem_shared>>) offsets(%dma_start3A_559 : memref<128xi32, #tpu.memory_space<vmem>>) semaphore(%arg15 : memref<!tpu.dma_semaphore, #tpu.memory_space<semaphore_mem>>) {add = true}
      %mul3A_563 = arith.constant 8 : i32
      %mul3A_564 = arith.muli %add3A_536, %mul3A_563 : i32
      %add3A_565 = arith.constant 2 : i32
      %add3A_566 = arith.addi %mul3A_564, %add3A_565 : i32
      %dma_start3A_567 = arith.constant 256 : i32
      %dma_start3A_568 = arith.constant 0 : i32
      %dma_start3A_569 = tpu.memref_slice %arg9[%dma_start3A_567, %dma_start3A_568] : memref<1024x16xbf16, #tpu.memory_space<vmem>> -> memref<128x16xbf16, #tpu.memory_space<vmem>>
      %dma_start3A_570 = arith.constant 0 : i32
      %dma_start3A_571 = tpu.memref_slice %arg7[%add3A_566, %dma_start3A_570] : memref<80x128xi32, #tpu.memory_space<vmem>> -> memref<1x128xi32, #tpu.memory_space<vmem>>
      %dma_start3A_572 = tpu.memref_squeeze %dma_start3A_571 : memref<1x128xi32, #tpu.memory_space<vmem>> -> memref<128xi32, #tpu.memory_space<vmem>>
      %dma_start3A_573 = arith.constant 0 : i32
      %dma_start3A_574 = arith.constant 0 : i32
      %dma_start3A_575 = tpu.memref_slice %arg11[%dma_start3A_573, %dma_start3A_574] : memref<10240x16xbf16, #tpu.memory_space<vmem_shared>> -> memref<10240x16xbf16, #tpu.memory_space<vmem_shared>>
      tpu.enqueue_indirect_dma source(%dma_start3A_569 : memref<128x16xbf16, #tpu.memory_space<vmem>>) target(%dma_start3A_575 : memref<10240x16xbf16, #tpu.memory_space<vmem_shared>>) offsets(%dma_start3A_572 : memref<128xi32, #tpu.memory_space<vmem>>) semaphore(%arg15 : memref<!tpu.dma_semaphore, #tpu.memory_space<semaphore_mem>>) {add = true}
      %mul3A_576 = arith.constant 8 : i32
      %mul3A_577 = arith.muli %add3A_536, %mul3A_576 : i32
      %add3A_578 = arith.constant 3 : i32
      %add3A_579 = arith.addi %mul3A_577, %add3A_578 : i32
      %dma_start3A_580 = arith.constant 384 : i32
      %dma_start3A_581 = arith.constant 0 : i32
      %dma_start3A_582 = tpu.memref_slice %arg9[%dma_start3A_580, %dma_start3A_581] : memref<1024x16xbf16, #tpu.memory_space<vmem>> -> memref<128x16xbf16, #tpu.memory_space<vmem>>
      %dma_start3A_583 = arith.constant 0 : i32
      %dma_start3A_584 = tpu.memref_slice %arg7[%add3A_579, %dma_start3A_583] : memref<80x128xi32, #tpu.memory_space<vmem>> -> memref<1x128xi32, #tpu.memory_space<vmem>>
      %dma_start3A_585 = tpu.memref_squeeze %dma_start3A_584 : memref<1x128xi32, #tpu.memory_space<vmem>> -> memref<128xi32, #tpu.memory_space<vmem>>
      %dma_start3A_586 = arith.constant 0 : i32
      %dma_start3A_587 = arith.constant 0 : i32
      %dma_start3A_588 = tpu.memref_slice %arg11[%dma_start3A_586, %dma_start3A_587] : memref<10240x16xbf16, #tpu.memory_space<vmem_shared>> -> memref<10240x16xbf16, #tpu.memory_space<vmem_shared>>
      tpu.enqueue_indirect_dma source(%dma_start3A_582 : memref<128x16xbf16, #tpu.memory_space<vmem>>) target(%dma_start3A_588 : memref<10240x16xbf16, #tpu.memory_space<vmem_shared>>) offsets(%dma_start3A_585 : memref<128xi32, #tpu.memory_space<vmem>>) semaphore(%arg15 : memref<!tpu.dma_semaphore, #tpu.memory_space<semaphore_mem>>) {add = true}
      %mul3A_589 = arith.constant 8 : i32
      %mul3A_590 = arith.muli %add3A_536, %mul3A_589 : i32
      %add3A_591 = arith.constant 4 : i32
      %add3A_592 = arith.addi %mul3A_590, %add3A_591 : i32
      %dma_start3A_593 = arith.constant 512 : i32
      %dma_start3A_594 = arith.constant 0 : i32
      %dma_start3A_595 = tpu.memref_slice %arg9[%dma_start3A_593, %dma_start3A_594] : memref<1024x16xbf16, #tpu.memory_space<vmem>> -> memref<128x16xbf16, #tpu.memory_space<vmem>>
      %dma_start3A_596 = arith.constant 0 : i32
      %dma_start3A_597 = tpu.memref_slice %arg7[%add3A_592, %dma_start3A_596] : memref<80x128xi32, #tpu.memory_space<vmem>> -> memref<1x128xi32, #tpu.memory_space<vmem>>
      %dma_start3A_598 = tpu.memref_squeeze %dma_start3A_597 : memref<1x128xi32, #tpu.memory_space<vmem>> -> memref<128xi32, #tpu.memory_space<vmem>>
      %dma_start3A_599 = arith.constant 0 : i32
      %dma_start3A_600 = arith.constant 0 : i32
      %dma_start3A_601 = tpu.memref_slice %arg11[%dma_start3A_599, %dma_start3A_600] : memref<10240x16xbf16, #tpu.memory_space<vmem_shared>> -> memref<10240x16xbf16, #tpu.memory_space<vmem_shared>>
      tpu.enqueue_indirect_dma source(%dma_start3A_595 : memref<128x16xbf16, #tpu.memory_space<vmem>>) target(%dma_start3A_601 : memref<10240x16xbf16, #tpu.memory_space<vmem_shared>>) offsets(%dma_start3A_598 : memref<128xi32, #tpu.memory_space<vmem>>) semaphore(%arg15 : memref<!tpu.dma_semaphore, #tpu.memory_space<semaphore_mem>>) {add = true}
      %mul3A_602 = arith.constant 8 : i32
      %mul3A_603 = arith.muli %add3A_536, %mul3A_602 : i32
      %add3A_604 = arith.constant 5 : i32
      %add3A_605 = arith.addi %mul3A_603, %add3A_604 : i32
      %dma_start3A_606 = arith.constant 640 : i32
      %dma_start3A_607 = arith.constant 0 : i32
      %dma_start3A_608 = tpu.memref_slice %arg9[%dma_start3A_606, %dma_start3A_607] : memref<1024x16xbf16, #tpu.memory_space<vmem>> -> memref<128x16xbf16, #tpu.memory_space<vmem>>
      %dma_start3A_609 = arith.constant 0 : i32
      %dma_start3A_610 = tpu.memref_slice %arg7[%add3A_605, %dma_start3A_609] : memref<80x128xi32, #tpu.memory_space<vmem>> -> memref<1x128xi32, #tpu.memory_space<vmem>>
      %dma_start3A_611 = tpu.memref_squeeze %dma_start3A_610 : memref<1x128xi32, #tpu.memory_space<vmem>> -> memref<128xi32, #tpu.memory_space<vmem>>
      %dma_start3A_612 = arith.constant 0 : i32
      %dma_start3A_613 = arith.constant 0 : i32
      %dma_start3A_614 = tpu.memref_slice %arg11[%dma_start3A_612, %dma_start3A_613] : memref<10240x16xbf16, #tpu.memory_space<vmem_shared>> -> memref<10240x16xbf16, #tpu.memory_space<vmem_shared>>
      tpu.enqueue_indirect_dma source(%dma_start3A_608 : memref<128x16xbf16, #tpu.memory_space<vmem>>) target(%dma_start3A_614 : memref<10240x16xbf16, #tpu.memory_space<vmem_shared>>) offsets(%dma_start3A_611 : memref<128xi32, #tpu.memory_space<vmem>>) semaphore(%arg15 : memref<!tpu.dma_semaphore, #tpu.memory_space<semaphore_mem>>) {add = true}
      %mul3A_615 = arith.constant 8 : i32
      %mul3A_616 = arith.muli %add3A_536, %mul3A_615 : i32
      %add3A_617 = arith.constant 6 : i32
      %add3A_618 = arith.addi %mul3A_616, %add3A_617 : i32
      %dma_start3A_619 = arith.constant 768 : i32
      %dma_start3A_620 = arith.constant 0 : i32
      %dma_start3A_621 = tpu.memref_slice %arg9[%dma_start3A_619, %dma_start3A_620] : memref<1024x16xbf16, #tpu.memory_space<vmem>> -> memref<128x16xbf16, #tpu.memory_space<vmem>>
      %dma_start3A_622 = arith.constant 0 : i32
      %dma_start3A_623 = tpu.memref_slice %arg7[%add3A_618, %dma_start3A_622] : memref<80x128xi32, #tpu.memory_space<vmem>> -> memref<1x128xi32, #tpu.memory_space<vmem>>
      %dma_start3A_624 = tpu.memref_squeeze %dma_start3A_623 : memref<1x128xi32, #tpu.memory_space<vmem>> -> memref<128xi32, #tpu.memory_space<vmem>>
      %dma_start3A_625 = arith.constant 0 : i32
      %dma_start3A_626 = arith.constant 0 : i32
      %dma_start3A_627 = tpu.memref_slice %arg11[%dma_start3A_625, %dma_start3A_626] : memref<10240x16xbf16, #tpu.memory_space<vmem_shared>> -> memref<10240x16xbf16, #tpu.memory_space<vmem_shared>>
      tpu.enqueue_indirect_dma source(%dma_start3A_621 : memref<128x16xbf16, #tpu.memory_space<vmem>>) target(%dma_start3A_627 : memref<10240x16xbf16, #tpu.memory_space<vmem_shared>>) offsets(%dma_start3A_624 : memref<128xi32, #tpu.memory_space<vmem>>) semaphore(%arg15 : memref<!tpu.dma_semaphore, #tpu.memory_space<semaphore_mem>>) {add = true}
      %mul3A_628 = arith.constant 8 : i32
      %mul3A_629 = arith.muli %add3A_536, %mul3A_628 : i32
      %add3A_630 = arith.constant 7 : i32
      %add3A_631 = arith.addi %mul3A_629, %add3A_630 : i32
      %dma_start3A_632 = arith.constant 896 : i32
      %dma_start3A_633 = arith.constant 0 : i32
      %dma_start3A_634 = tpu.memref_slice %arg9[%dma_start3A_632, %dma_start3A_633] : memref<1024x16xbf16, #tpu.memory_space<vmem>> -> memref<128x16xbf16, #tpu.memory_space<vmem>>
      %dma_start3A_635 = arith.constant 0 : i32
      %dma_start3A_636 = tpu.memref_slice %arg7[%add3A_631, %dma_start3A_635] : memref<80x128xi32, #tpu.memory_space<vmem>> -> memref<1x128xi32, #tpu.memory_space<vmem>>
      %dma_start3A_637 = tpu.memref_squeeze %dma_start3A_636 : memref<1x128xi32, #tpu.memory_space<vmem>> -> memref<128xi32, #tpu.memory_space<vmem>>
      %dma_start3A_638 = arith.constant 0 : i32
      %dma_start3A_639 = arith.constant 0 : i32
      %dma_start3A_640 = tpu.memref_slice %arg11[%dma_start3A_638, %dma_start3A_639] : memref<10240x16xbf16, #tpu.memory_space<vmem_shared>> -> memref<10240x16xbf16, #tpu.memory_space<vmem_shared>>
      tpu.enqueue_indirect_dma source(%dma_start3A_634 : memref<128x16xbf16, #tpu.memory_space<vmem>>) target(%dma_start3A_640 : memref<10240x16xbf16, #tpu.memory_space<vmem_shared>>) offsets(%dma_start3A_637 : memref<128xi32, #tpu.memory_space<vmem>>) semaphore(%arg15 : memref<!tpu.dma_semaphore, #tpu.memory_space<semaphore_mem>>) {add = true}
      %dma_wait3A_641 = arith.constant 0 : i32
      %dma_wait3A_642 = arith.constant 0 : i32
      %dma_wait3A_643 = arith.constant 0 : i32
      %dma_wait3A_644 = tpu.memref_slice %arg9[%dma_wait3A_642, %dma_wait3A_643] : memref<1024x16xbf16, #tpu.memory_space<vmem>> -> memref<128x16xbf16, #tpu.memory_space<vmem>>
      %dma_wait3A_645 = arith.constant 0 : i32
      %dma_wait3A_646 = tpu.memref_slice %arg7[%dma_wait3A_641, %dma_wait3A_645] : memref<80x128xi32, #tpu.memory_space<vmem>> -> memref<1x128xi32, #tpu.memory_space<vmem>>
      %dma_wait3A_647 = tpu.memref_squeeze %dma_wait3A_646 : memref<1x128xi32, #tpu.memory_space<vmem>> -> memref<128xi32, #tpu.memory_space<vmem>>
      %dma_wait3A_648 = arith.constant 0 : i32
      %dma_wait3A_649 = arith.constant 0 : i32
      %dma_wait3A_650 = tpu.memref_slice %arg11[%dma_wait3A_648, %dma_wait3A_649] : memref<10240x16xbf16, #tpu.memory_space<vmem_shared>> -> memref<10240x16xbf16, #tpu.memory_space<vmem_shared>>
      tpu.wait_indirect_dma semaphore(%arg15 : memref<!tpu.dma_semaphore, #tpu.memory_space<semaphore_mem>>) src(%dma_wait3A_644 : memref<128x16xbf16, #tpu.memory_space<vmem>>) dst(%dma_wait3A_650 : memref<10240x16xbf16, #tpu.memory_space<vmem_shared>>)
      %dma_wait3A_651 = arith.constant 0 : i32
      %dma_wait3A_652 = arith.constant 128 : i32
      %dma_wait3A_653 = arith.constant 0 : i32
      %dma_wait3A_654 = tpu.memref_slice %arg9[%dma_wait3A_652, %dma_wait3A_653] : memref<1024x16xbf16, #tpu.memory_space<vmem>> -> memref<128x16xbf16, #tpu.memory_space<vmem>>
      %dma_wait3A_655 = arith.constant 0 : i32
      %dma_wait3A_656 = tpu.memref_slice %arg7[%dma_wait3A_651, %dma_wait3A_655] : memref<80x128xi32, #tpu.memory_space<vmem>> -> memref<1x128xi32, #tpu.memory_space<vmem>>
      %dma_wait3A_657 = tpu.memref_squeeze %dma_wait3A_656 : memref<1x128xi32, #tpu.memory_space<vmem>> -> memref<128xi32, #tpu.memory_space<vmem>>
      %dma_wait3A_658 = arith.constant 0 : i32
      %dma_wait3A_659 = arith.constant 0 : i32
      %dma_wait3A_660 = tpu.memref_slice %arg11[%dma_wait3A_658, %dma_wait3A_659] : memref<10240x16xbf16, #tpu.memory_space<vmem_shared>> -> memref<10240x16xbf16, #tpu.memory_space<vmem_shared>>
      tpu.wait_indirect_dma semaphore(%arg15 : memref<!tpu.dma_semaphore, #tpu.memory_space<semaphore_mem>>) src(%dma_wait3A_654 : memref<128x16xbf16, #tpu.memory_space<vmem>>) dst(%dma_wait3A_660 : memref<10240x16xbf16, #tpu.memory_space<vmem_shared>>)
      %dma_wait3A_661 = arith.constant 0 : i32
      %dma_wait3A_662 = arith.constant 256 : i32
      %dma_wait3A_663 = arith.constant 0 : i32
      %dma_wait3A_664 = tpu.memref_slice %arg9[%dma_wait3A_662, %dma_wait3A_663] : memref<1024x16xbf16, #tpu.memory_space<vmem>> -> memref<128x16xbf16, #tpu.memory_space<vmem>>
      %dma_wait3A_665 = arith.constant 0 : i32
      %dma_wait3A_666 = tpu.memref_slice %arg7[%dma_wait3A_661, %dma_wait3A_665] : memref<80x128xi32, #tpu.memory_space<vmem>> -> memref<1x128xi32, #tpu.memory_space<vmem>>
      %dma_wait3A_667 = tpu.memref_squeeze %dma_wait3A_666 : memref<1x128xi32, #tpu.memory_space<vmem>> -> memref<128xi32, #tpu.memory_space<vmem>>
      %dma_wait3A_668 = arith.constant 0 : i32
      %dma_wait3A_669 = arith.constant 0 : i32
      %dma_wait3A_670 = tpu.memref_slice %arg11[%dma_wait3A_668, %dma_wait3A_669] : memref<10240x16xbf16, #tpu.memory_space<vmem_shared>> -> memref<10240x16xbf16, #tpu.memory_space<vmem_shared>>
      tpu.wait_indirect_dma semaphore(%arg15 : memref<!tpu.dma_semaphore, #tpu.memory_space<semaphore_mem>>) src(%dma_wait3A_664 : memref<128x16xbf16, #tpu.memory_space<vmem>>) dst(%dma_wait3A_670 : memref<10240x16xbf16, #tpu.memory_space<vmem_shared>>)
      %dma_wait3A_671 = arith.constant 0 : i32
      %dma_wait3A_672 = arith.constant 384 : i32
      %dma_wait3A_673 = arith.constant 0 : i32
      %dma_wait3A_674 = tpu.memref_slice %arg9[%dma_wait3A_672, %dma_wait3A_673] : memref<1024x16xbf16, #tpu.memory_space<vmem>> -> memref<128x16xbf16, #tpu.memory_space<vmem>>
      %dma_wait3A_675 = arith.constant 0 : i32
      %dma_wait3A_676 = tpu.memref_slice %arg7[%dma_wait3A_671, %dma_wait3A_675] : memref<80x128xi32, #tpu.memory_space<vmem>> -> memref<1x128xi32, #tpu.memory_space<vmem>>
      %dma_wait3A_677 = tpu.memref_squeeze %dma_wait3A_676 : memref<1x128xi32, #tpu.memory_space<vmem>> -> memref<128xi32, #tpu.memory_space<vmem>>
      %dma_wait3A_678 = arith.constant 0 : i32
      %dma_wait3A_679 = arith.constant 0 : i32
      %dma_wait3A_680 = tpu.memref_slice %arg11[%dma_wait3A_678, %dma_wait3A_679] : memref<10240x16xbf16, #tpu.memory_space<vmem_shared>> -> memref<10240x16xbf16, #tpu.memory_space<vmem_shared>>
      tpu.wait_indirect_dma semaphore(%arg15 : memref<!tpu.dma_semaphore, #tpu.memory_space<semaphore_mem>>) src(%dma_wait3A_674 : memref<128x16xbf16, #tpu.memory_space<vmem>>) dst(%dma_wait3A_680 : memref<10240x16xbf16, #tpu.memory_space<vmem_shared>>)
      %dma_wait3A_681 = arith.constant 0 : i32
      %dma_wait3A_682 = arith.constant 512 : i32
      %dma_wait3A_683 = arith.constant 0 : i32
      %dma_wait3A_684 = tpu.memref_slice %arg9[%dma_wait3A_682, %dma_wait3A_683] : memref<1024x16xbf16, #tpu.memory_space<vmem>> -> memref<128x16xbf16, #tpu.memory_space<vmem>>
      %dma_wait3A_685 = arith.constant 0 : i32
      %dma_wait3A_686 = tpu.memref_slice %arg7[%dma_wait3A_681, %dma_wait3A_685] : memref<80x128xi32, #tpu.memory_space<vmem>> -> memref<1x128xi32, #tpu.memory_space<vmem>>
      %dma_wait3A_687 = tpu.memref_squeeze %dma_wait3A_686 : memref<1x128xi32, #tpu.memory_space<vmem>> -> memref<128xi32, #tpu.memory_space<vmem>>
      %dma_wait3A_688 = arith.constant 0 : i32
      %dma_wait3A_689 = arith.constant 0 : i32
      %dma_wait3A_690 = tpu.memref_slice %arg11[%dma_wait3A_688, %dma_wait3A_689] : memref<10240x16xbf16, #tpu.memory_space<vmem_shared>> -> memref<10240x16xbf16, #tpu.memory_space<vmem_shared>>
      tpu.wait_indirect_dma semaphore(%arg15 : memref<!tpu.dma_semaphore, #tpu.memory_space<semaphore_mem>>) src(%dma_wait3A_684 : memref<128x16xbf16, #tpu.memory_space<vmem>>) dst(%dma_wait3A_690 : memref<10240x16xbf16, #tpu.memory_space<vmem_shared>>)
      %dma_wait3A_691 = arith.constant 0 : i32
      %dma_wait3A_692 = arith.constant 640 : i32
      %dma_wait3A_693 = arith.constant 0 : i32
      %dma_wait3A_694 = tpu.memref_slice %arg9[%dma_wait3A_692, %dma_wait3A_693] : memref<1024x16xbf16, #tpu.memory_space<vmem>> -> memref<128x16xbf16, #tpu.memory_space<vmem>>
      %dma_wait3A_695 = arith.constant 0 : i32
      %dma_wait3A_696 = tpu.memref_slice %arg7[%dma_wait3A_691, %dma_wait3A_695] : memref<80x128xi32, #tpu.memory_space<vmem>> -> memref<1x128xi32, #tpu.memory_space<vmem>>
      %dma_wait3A_697 = tpu.memref_squeeze %dma_wait3A_696 : memref<1x128xi32, #tpu.memory_space<vmem>> -> memref<128xi32, #tpu.memory_space<vmem>>
      %dma_wait3A_698 = arith.constant 0 : i32
      %dma_wait3A_699 = arith.constant 0 : i32
      %dma_wait3A_700 = tpu.memref_slice %arg11[%dma_wait3A_698, %dma_wait3A_699] : memref<10240x16xbf16, #tpu.memory_space<vmem_shared>> -> memref<10240x16xbf16, #tpu.memory_space<vmem_shared>>
      tpu.wait_indirect_dma semaphore(%arg15 : memref<!tpu.dma_semaphore, #tpu.memory_space<semaphore_mem>>) src(%dma_wait3A_694 : memref<128x16xbf16, #tpu.memory_space<vmem>>) dst(%dma_wait3A_700 : memref<10240x16xbf16, #tpu.memory_space<vmem_shared>>)
      %dma_wait3A_701 = arith.constant 0 : i32
      %dma_wait3A_702 = arith.constant 768 : i32
      %dma_wait3A_703 = arith.constant 0 : i32
      %dma_wait3A_704 = tpu.memref_slice %arg9[%dma_wait3A_702, %dma_wait3A_703] : memref<1024x16xbf16, #tpu.memory_space<vmem>> -> memref<128x16xbf16, #tpu.memory_space<vmem>>
      %dma_wait3A_705 = arith.constant 0 : i32
      %dma_wait3A_706 = tpu.memref_slice %arg7[%dma_wait3A_701, %dma_wait3A_705] : memref<80x128xi32, #tpu.memory_space<vmem>> -> memref<1x128xi32, #tpu.memory_space<vmem>>
      %dma_wait3A_707 = tpu.memref_squeeze %dma_wait3A_706 : memref<1x128xi32, #tpu.memory_space<vmem>> -> memref<128xi32, #tpu.memory_space<vmem>>
      %dma_wait3A_708 = arith.constant 0 : i32
      %dma_wait3A_709 = arith.constant 0 : i32
      %dma_wait3A_710 = tpu.memref_slice %arg11[%dma_wait3A_708, %dma_wait3A_709] : memref<10240x16xbf16, #tpu.memory_space<vmem_shared>> -> memref<10240x16xbf16, #tpu.memory_space<vmem_shared>>
      tpu.wait_indirect_dma semaphore(%arg15 : memref<!tpu.dma_semaphore, #tpu.memory_space<semaphore_mem>>) src(%dma_wait3A_704 : memref<128x16xbf16, #tpu.memory_space<vmem>>) dst(%dma_wait3A_710 : memref<10240x16xbf16, #tpu.memory_space<vmem_shared>>)
      %dma_wait3A_711 = arith.constant 0 : i32
      %dma_wait3A_712 = arith.constant 896 : i32
      %dma_wait3A_713 = arith.constant 0 : i32
      %dma_wait3A_714 = tpu.memref_slice %arg9[%dma_wait3A_712, %dma_wait3A_713] : memref<1024x16xbf16, #tpu.memory_space<vmem>> -> memref<128x16xbf16, #tpu.memory_space<vmem>>
      %dma_wait3A_715 = arith.constant 0 : i32
      %dma_wait3A_716 = tpu.memref_slice %arg7[%dma_wait3A_711, %dma_wait3A_715] : memref<80x128xi32, #tpu.memory_space<vmem>> -> memref<1x128xi32, #tpu.memory_space<vmem>>
      %dma_wait3A_717 = tpu.memref_squeeze %dma_wait3A_716 : memref<1x128xi32, #tpu.memory_space<vmem>> -> memref<128xi32, #tpu.memory_space<vmem>>
      %dma_wait3A_718 = arith.constant 0 : i32
      %dma_wait3A_719 = arith.constant 0 : i32
      %dma_wait3A_720 = tpu.memref_slice %arg11[%dma_wait3A_718, %dma_wait3A_719] : memref<10240x16xbf16, #tpu.memory_space<vmem_shared>> -> memref<10240x16xbf16, #tpu.memory_space<vmem_shared>>
      tpu.wait_indirect_dma semaphore(%arg15 : memref<!tpu.dma_semaphore, #tpu.memory_space<semaphore_mem>>) src(%dma_wait3A_714 : memref<128x16xbf16, #tpu.memory_space<vmem>>) dst(%dma_wait3A_720 : memref<10240x16xbf16, #tpu.memory_space<vmem_shared>>)
      %add3A_721 = arith.constant 3 : i32
      %add3A_722 = arith.addi %mul3A_184, %add3A_721 : i32
      %lt3A_723 = arith.constant 10 : i32
      %lt3A_724 = arith.cmpi slt, %add3A_722, %lt3A_723 : i32
      %convert_element_type3A_725 = arith.extui %lt3A_724 : i1 to i32
      %cond3A_726 = arith.constant 0 : i32
      %cond3A_727 = arith.cmpi ne, %convert_element_type3A_725, %cond3A_726 : i32
      scf.if %cond3A_727 {
        %add3A_728 = arith.constant 3 : i32
        %add3A_729 = arith.addi %mul3A_184, %add3A_728 : i32
        %mul3A_730 = arith.constant 8 : i32
        %mul3A_731 = arith.muli %add3A_729, %mul3A_730 : i32
        %add3A_732 = arith.constant 0 : i32
        %add3A_733 = arith.addi %mul3A_731, %add3A_732 : i32
        %dma_start3A_734 = arith.constant 0 : i32
        %dma_start3A_735 = arith.constant 0 : i32
        %dma_start3A_736 = tpu.memref_slice %arg9[%dma_start3A_734, %dma_start3A_735] : memref<1024x16xbf16, #tpu.memory_space<vmem>> -> memref<128x16xbf16, #tpu.memory_space<vmem>>
        %dma_start3A_737 = arith.constant 0 : i32
        %dma_start3A_738 = tpu.memref_slice %arg6[%add3A_733, %dma_start3A_737] : memref<80x128xi32, #tpu.memory_space<vmem>> -> memref<1x128xi32, #tpu.memory_space<vmem>>
        %dma_start3A_739 = tpu.memref_squeeze %dma_start3A_738 : memref<1x128xi32, #tpu.memory_space<vmem>> -> memref<128xi32, #tpu.memory_space<vmem>>
        %dma_start3A_740 = arith.constant 0 : i32
        %dma_start3A_741 = arith.constant 0 : i32
        %dma_start3A_742 = tpu.memref_slice %arg10[%dma_start3A_740, %dma_start3A_741] : memref<10240x16xbf16, #tpu.memory_space<vmem_shared>> -> memref<10240x16xbf16, #tpu.memory_space<vmem_shared>>
        tpu.enqueue_indirect_dma source(%dma_start3A_742 : memref<10240x16xbf16, #tpu.memory_space<vmem_shared>>) target(%dma_start3A_736 : memref<128x16xbf16, #tpu.memory_space<vmem>>) offsets(%dma_start3A_739 : memref<128xi32, #tpu.memory_space<vmem>>) semaphore(%arg13 : memref<!tpu.dma_semaphore, #tpu.memory_space<semaphore_mem>>)
        %mul3A_743 = arith.constant 8 : i32
        %mul3A_744 = arith.muli %add3A_729, %mul3A_743 : i32
        %add3A_745 = arith.constant 1 : i32
        %add3A_746 = arith.addi %mul3A_744, %add3A_745 : i32
        %dma_start3A_747 = arith.constant 128 : i32
        %dma_start3A_748 = arith.constant 0 : i32
        %dma_start3A_749 = tpu.memref_slice %arg9[%dma_start3A_747, %dma_start3A_748] : memref<1024x16xbf16, #tpu.memory_space<vmem>> -> memref<128x16xbf16, #tpu.memory_space<vmem>>
        %dma_start3A_750 = arith.constant 0 : i32
        %dma_start3A_751 = tpu.memref_slice %arg6[%add3A_746, %dma_start3A_750] : memref<80x128xi32, #tpu.memory_space<vmem>> -> memref<1x128xi32, #tpu.memory_space<vmem>>
        %dma_start3A_752 = tpu.memref_squeeze %dma_start3A_751 : memref<1x128xi32, #tpu.memory_space<vmem>> -> memref<128xi32, #tpu.memory_space<vmem>>
        %dma_start3A_753 = arith.constant 0 : i32
        %dma_start3A_754 = arith.constant 0 : i32
        %dma_start3A_755 = tpu.memref_slice %arg10[%dma_start3A_753, %dma_start3A_754] : memref<10240x16xbf16, #tpu.memory_space<vmem_shared>> -> memref<10240x16xbf16, #tpu.memory_space<vmem_shared>>
        tpu.enqueue_indirect_dma source(%dma_start3A_755 : memref<10240x16xbf16, #tpu.memory_space<vmem_shared>>) target(%dma_start3A_749 : memref<128x16xbf16, #tpu.memory_space<vmem>>) offsets(%dma_start3A_752 : memref<128xi32, #tpu.memory_space<vmem>>) semaphore(%arg13 : memref<!tpu.dma_semaphore, #tpu.memory_space<semaphore_mem>>)
        %mul3A_756 = arith.constant 8 : i32
        %mul3A_757 = arith.muli %add3A_729, %mul3A_756 : i32
        %add3A_758 = arith.constant 2 : i32
        %add3A_759 = arith.addi %mul3A_757, %add3A_758 : i32
        %dma_start3A_760 = arith.constant 256 : i32
        %dma_start3A_761 = arith.constant 0 : i32
        %dma_start3A_762 = tpu.memref_slice %arg9[%dma_start3A_760, %dma_start3A_761] : memref<1024x16xbf16, #tpu.memory_space<vmem>> -> memref<128x16xbf16, #tpu.memory_space<vmem>>
        %dma_start3A_763 = arith.constant 0 : i32
        %dma_start3A_764 = tpu.memref_slice %arg6[%add3A_759, %dma_start3A_763] : memref<80x128xi32, #tpu.memory_space<vmem>> -> memref<1x128xi32, #tpu.memory_space<vmem>>
        %dma_start3A_765 = tpu.memref_squeeze %dma_start3A_764 : memref<1x128xi32, #tpu.memory_space<vmem>> -> memref<128xi32, #tpu.memory_space<vmem>>
        %dma_start3A_766 = arith.constant 0 : i32
        %dma_start3A_767 = arith.constant 0 : i32
        %dma_start3A_768 = tpu.memref_slice %arg10[%dma_start3A_766, %dma_start3A_767] : memref<10240x16xbf16, #tpu.memory_space<vmem_shared>> -> memref<10240x16xbf16, #tpu.memory_space<vmem_shared>>
        tpu.enqueue_indirect_dma source(%dma_start3A_768 : memref<10240x16xbf16, #tpu.memory_space<vmem_shared>>) target(%dma_start3A_762 : memref<128x16xbf16, #tpu.memory_space<vmem>>) offsets(%dma_start3A_765 : memref<128xi32, #tpu.memory_space<vmem>>) semaphore(%arg13 : memref<!tpu.dma_semaphore, #tpu.memory_space<semaphore_mem>>)
        %mul3A_769 = arith.constant 8 : i32
        %mul3A_770 = arith.muli %add3A_729, %mul3A_769 : i32
        %add3A_771 = arith.constant 3 : i32
        %add3A_772 = arith.addi %mul3A_770, %add3A_771 : i32
        %dma_start3A_773 = arith.constant 384 : i32
        %dma_start3A_774 = arith.constant 0 : i32
        %dma_start3A_775 = tpu.memref_slice %arg9[%dma_start3A_773, %dma_start3A_774] : memref<1024x16xbf16, #tpu.memory_space<vmem>> -> memref<128x16xbf16, #tpu.memory_space<vmem>>
        %dma_start3A_776 = arith.constant 0 : i32
        %dma_start3A_777 = tpu.memref_slice %arg6[%add3A_772, %dma_start3A_776] : memref<80x128xi32, #tpu.memory_space<vmem>> -> memref<1x128xi32, #tpu.memory_space<vmem>>
        %dma_start3A_778 = tpu.memref_squeeze %dma_start3A_777 : memref<1x128xi32, #tpu.memory_space<vmem>> -> memref<128xi32, #tpu.memory_space<vmem>>
        %dma_start3A_779 = arith.constant 0 : i32
        %dma_start3A_780 = arith.constant 0 : i32
        %dma_start3A_781 = tpu.memref_slice %arg10[%dma_start3A_779, %dma_start3A_780] : memref<10240x16xbf16, #tpu.memory_space<vmem_shared>> -> memref<10240x16xbf16, #tpu.memory_space<vmem_shared>>
        tpu.enqueue_indirect_dma source(%dma_start3A_781 : memref<10240x16xbf16, #tpu.memory_space<vmem_shared>>) target(%dma_start3A_775 : memref<128x16xbf16, #tpu.memory_space<vmem>>) offsets(%dma_start3A_778 : memref<128xi32, #tpu.memory_space<vmem>>) semaphore(%arg13 : memref<!tpu.dma_semaphore, #tpu.memory_space<semaphore_mem>>)
        %mul3A_782 = arith.constant 8 : i32
        %mul3A_783 = arith.muli %add3A_729, %mul3A_782 : i32
        %add3A_784 = arith.constant 4 : i32
        %add3A_785 = arith.addi %mul3A_783, %add3A_784 : i32
        %dma_start3A_786 = arith.constant 512 : i32
        %dma_start3A_787 = arith.constant 0 : i32
        %dma_start3A_788 = tpu.memref_slice %arg9[%dma_start3A_786, %dma_start3A_787] : memref<1024x16xbf16, #tpu.memory_space<vmem>> -> memref<128x16xbf16, #tpu.memory_space<vmem>>
        %dma_start3A_789 = arith.constant 0 : i32
        %dma_start3A_790 = tpu.memref_slice %arg6[%add3A_785, %dma_start3A_789] : memref<80x128xi32, #tpu.memory_space<vmem>> -> memref<1x128xi32, #tpu.memory_space<vmem>>
        %dma_start3A_791 = tpu.memref_squeeze %dma_start3A_790 : memref<1x128xi32, #tpu.memory_space<vmem>> -> memref<128xi32, #tpu.memory_space<vmem>>
        %dma_start3A_792 = arith.constant 0 : i32
        %dma_start3A_793 = arith.constant 0 : i32
        %dma_start3A_794 = tpu.memref_slice %arg10[%dma_start3A_792, %dma_start3A_793] : memref<10240x16xbf16, #tpu.memory_space<vmem_shared>> -> memref<10240x16xbf16, #tpu.memory_space<vmem_shared>>
        tpu.enqueue_indirect_dma source(%dma_start3A_794 : memref<10240x16xbf16, #tpu.memory_space<vmem_shared>>) target(%dma_start3A_788 : memref<128x16xbf16, #tpu.memory_space<vmem>>) offsets(%dma_start3A_791 : memref<128xi32, #tpu.memory_space<vmem>>) semaphore(%arg13 : memref<!tpu.dma_semaphore, #tpu.memory_space<semaphore_mem>>)
        %mul3A_795 = arith.constant 8 : i32
        %mul3A_796 = arith.muli %add3A_729, %mul3A_795 : i32
        %add3A_797 = arith.constant 5 : i32
        %add3A_798 = arith.addi %mul3A_796, %add3A_797 : i32
        %dma_start3A_799 = arith.constant 640 : i32
        %dma_start3A_800 = arith.constant 0 : i32
        %dma_start3A_801 = tpu.memref_slice %arg9[%dma_start3A_799, %dma_start3A_800] : memref<1024x16xbf16, #tpu.memory_space<vmem>> -> memref<128x16xbf16, #tpu.memory_space<vmem>>
        %dma_start3A_802 = arith.constant 0 : i32
        %dma_start3A_803 = tpu.memref_slice %arg6[%add3A_798, %dma_start3A_802] : memref<80x128xi32, #tpu.memory_space<vmem>> -> memref<1x128xi32, #tpu.memory_space<vmem>>
        %dma_start3A_804 = tpu.memref_squeeze %dma_start3A_803 : memref<1x128xi32, #tpu.memory_space<vmem>> -> memref<128xi32, #tpu.memory_space<vmem>>
        %dma_start3A_805 = arith.constant 0 : i32
        %dma_start3A_806 = arith.constant 0 : i32
        %dma_start3A_807 = tpu.memref_slice %arg10[%dma_start3A_805, %dma_start3A_806] : memref<10240x16xbf16, #tpu.memory_space<vmem_shared>> -> memref<10240x16xbf16, #tpu.memory_space<vmem_shared>>
        tpu.enqueue_indirect_dma source(%dma_start3A_807 : memref<10240x16xbf16, #tpu.memory_space<vmem_shared>>) target(%dma_start3A_801 : memref<128x16xbf16, #tpu.memory_space<vmem>>) offsets(%dma_start3A_804 : memref<128xi32, #tpu.memory_space<vmem>>) semaphore(%arg13 : memref<!tpu.dma_semaphore, #tpu.memory_space<semaphore_mem>>)
        %mul3A_808 = arith.constant 8 : i32
        %mul3A_809 = arith.muli %add3A_729, %mul3A_808 : i32
        %add3A_810 = arith.constant 6 : i32
        %add3A_811 = arith.addi %mul3A_809, %add3A_810 : i32
        %dma_start3A_812 = arith.constant 768 : i32
        %dma_start3A_813 = arith.constant 0 : i32
        %dma_start3A_814 = tpu.memref_slice %arg9[%dma_start3A_812, %dma_start3A_813] : memref<1024x16xbf16, #tpu.memory_space<vmem>> -> memref<128x16xbf16, #tpu.memory_space<vmem>>
        %dma_start3A_815 = arith.constant 0 : i32
        %dma_start3A_816 = tpu.memref_slice %arg6[%add3A_811, %dma_start3A_815] : memref<80x128xi32, #tpu.memory_space<vmem>> -> memref<1x128xi32, #tpu.memory_space<vmem>>
        %dma_start3A_817 = tpu.memref_squeeze %dma_start3A_816 : memref<1x128xi32, #tpu.memory_space<vmem>> -> memref<128xi32, #tpu.memory_space<vmem>>
        %dma_start3A_818 = arith.constant 0 : i32
        %dma_start3A_819 = arith.constant 0 : i32
        %dma_start3A_820 = tpu.memref_slice %arg10[%dma_start3A_818, %dma_start3A_819] : memref<10240x16xbf16, #tpu.memory_space<vmem_shared>> -> memref<10240x16xbf16, #tpu.memory_space<vmem_shared>>
        tpu.enqueue_indirect_dma source(%dma_start3A_820 : memref<10240x16xbf16, #tpu.memory_space<vmem_shared>>) target(%dma_start3A_814 : memref<128x16xbf16, #tpu.memory_space<vmem>>) offsets(%dma_start3A_817 : memref<128xi32, #tpu.memory_space<vmem>>) semaphore(%arg13 : memref<!tpu.dma_semaphore, #tpu.memory_space<semaphore_mem>>)
        %mul3A_821 = arith.constant 8 : i32
        %mul3A_822 = arith.muli %add3A_729, %mul3A_821 : i32
        %add3A_823 = arith.constant 7 : i32
        %add3A_824 = arith.addi %mul3A_822, %add3A_823 : i32
        %dma_start3A_825 = arith.constant 896 : i32
        %dma_start3A_826 = arith.constant 0 : i32
        %dma_start3A_827 = tpu.memref_slice %arg9[%dma_start3A_825, %dma_start3A_826] : memref<1024x16xbf16, #tpu.memory_space<vmem>> -> memref<128x16xbf16, #tpu.memory_space<vmem>>
        %dma_start3A_828 = arith.constant 0 : i32
        %dma_start3A_829 = tpu.memref_slice %arg6[%add3A_824, %dma_start3A_828] : memref<80x128xi32, #tpu.memory_space<vmem>> -> memref<1x128xi32, #tpu.memory_space<vmem>>
        %dma_start3A_830 = tpu.memref_squeeze %dma_start3A_829 : memref<1x128xi32, #tpu.memory_space<vmem>> -> memref<128xi32, #tpu.memory_space<vmem>>
        %dma_start3A_831 = arith.constant 0 : i32
        %dma_start3A_832 = arith.constant 0 : i32
        %dma_start3A_833 = tpu.memref_slice %arg10[%dma_start3A_831, %dma_start3A_832] : memref<10240x16xbf16, #tpu.memory_space<vmem_shared>> -> memref<10240x16xbf16, #tpu.memory_space<vmem_shared>>
        tpu.enqueue_indirect_dma source(%dma_start3A_833 : memref<10240x16xbf16, #tpu.memory_space<vmem_shared>>) target(%dma_start3A_827 : memref<128x16xbf16, #tpu.memory_space<vmem>>) offsets(%dma_start3A_830 : memref<128xi32, #tpu.memory_space<vmem>>) semaphore(%arg13 : memref<!tpu.dma_semaphore, #tpu.memory_space<semaphore_mem>>)
      } else {
      }
    }
    %scan3A_178 = arith.constant 5 : i32
    %barrier3A_179 = arith.constant 0 : index
    tpu.barrier barrier_id(%barrier3A_179)
    %lt3A = arith.constant 10 : i32
    %lt3A_180 = arith.cmpi slt, %arg1, %lt3A : i32
    %convert_element_type3A = arith.extui %lt3A_180 : i1 to i32
    %cond3A = arith.constant 0 : i32
    %cond3A_181 = arith.cmpi ne, %convert_element_type3A, %cond3A : i32
    scf.if %cond3A_181 {
      %mul3A_182 = arith.constant 640 : i32
      %mul3A_183 = arith.muli %arg1, %mul3A_182 : i32
      %mul3A_184 = arith.constant 640 : i32
      %mul3A_185 = arith.muli %arg1, %mul3A_184 : i32
      "tpu.region"() ({
        %run_scoped3A = tpu.sem_alloc : memref<!tpu.dma_semaphore, #tpu.memory_space<semaphore_mem>>
        %dma_start3A_186 = arith.constant 0 : i32
        %dma_start3A_187 = tpu.memref_slice %arg5[%arg0, %mul3A_185, %dma_start3A_186] : memref<2x6400x16xbf16, #tpu.memory_space<hbm>> -> memref<1x640x16xbf16, #tpu.memory_space<hbm>>
        %dma_start3A_188 = tpu.memref_squeeze %dma_start3A_187 : memref<1x640x16xbf16, #tpu.memory_space<hbm>> -> memref<640x16xbf16, #tpu.memory_space<hbm>>
        %dma_start3A_189 = arith.constant 0 : i32
        %dma_start3A_190 = tpu.memref_slice %arg11[%mul3A_183, %dma_start3A_189] : memref<10240x16xbf16, #tpu.memory_space<vmem_shared>> -> memref<640x16xbf16, #tpu.memory_space<vmem_shared>>
        tpu.enqueue_dma source(%dma_start3A_190 : memref<640x16xbf16, #tpu.memory_space<vmem_shared>>) target(%dma_start3A_188 : memref<640x16xbf16, #tpu.memory_space<hbm>>) target_semaphore(%run_scoped3A : memref<!tpu.dma_semaphore, #tpu.memory_space<semaphore_mem>>)
        %dma_wait3A = arith.constant 0 : i32
        %dma_wait3A_191 = tpu.memref_slice %arg5[%arg0, %mul3A_185, %dma_wait3A] : memref<2x6400x16xbf16, #tpu.memory_space<hbm>> -> memref<1x640x16xbf16, #tpu.memory_space<hbm>>
        %dma_wait3A_192 = tpu.memref_squeeze %dma_wait3A_191 : memref<1x640x16xbf16, #tpu.memory_space<hbm>> -> memref<640x16xbf16, #tpu.memory_space<hbm>>
        %dma_wait3A_193 = arith.constant 0 : i32
        %dma_wait3A_194 = tpu.memref_slice %arg11[%mul3A_183, %dma_wait3A_193] : memref<10240x16xbf16, #tpu.memory_space<vmem_shared>> -> memref<640x16xbf16, #tpu.memory_space<vmem_shared>>
        tpu.wait_dma2 semaphore(%run_scoped3A : memref<!tpu.dma_semaphore, #tpu.memory_space<semaphore_mem>>) src(%dma_wait3A_194 : memref<640x16xbf16, #tpu.memory_space<vmem_shared>>) dst(%dma_wait3A_192 : memref<640x16xbf16, #tpu.memory_space<hbm>>)
        tpu.yield
      }) : () -> ()
    } else {
    }
    return
  }
}

#map = affine_map<(d0, d1) -> (0, 0, 0)>
#map1 = affine_map<(d0, d1) -> (0, 0)>
module attributes {stable_mosaic.version = 14 : i64} {
  func.func @body(%arg0: i32, %arg1: i32, %arg2: memref<32x80x128xi32, #tpu.memory_space<hbm>>, %arg3: memref<32x80x128xi32, #tpu.memory_space<hbm>>, %arg4: memref<32x80x128xi32, #tpu.memory_space<hbm>>, %arg5: memref<10240x64xbf16, #tpu.memory_space<hbm>>, %arg6: memref<2x10240x64xbf16, #tpu.memory_space<hbm>>, %arg7: memref<2x81920xf32, #tpu.memory_space<hbm>>, %arg8: memref<80x128xi32, #tpu.memory_space<vmem>>, %arg9: memref<80x128xi32, #tpu.memory_space<vmem>>, %arg10: memref<80x128xi32, #tpu.memory_space<vmem>>, %arg11: memref<512x64xbf16, #tpu.memory_space<vmem>>, %arg12: memref<512x64xbf16, #tpu.memory_space<vmem>>, %arg13: memref<128xf32, #tpu.memory_space<vmem>>, %arg14: memref<5120xf32, #tpu.memory_space<vmem>>, %arg15: memref<10240x64xbf16, #tpu.memory_space<vmem_shared>>, %arg16: memref<10240x64xbf16, #tpu.memory_space<vmem_shared>>, %arg17: memref<81920xf32, #tpu.memory_space<vmem_shared>>, %arg18: memref<!tpu.dma_semaphore, #tpu.memory_space<semaphore_mem>>, %arg19: memref<!tpu.dma_semaphore, #tpu.memory_space<semaphore_mem>>, %arg20: memref<!tpu.dma_semaphore, #tpu.memory_space<semaphore_mem>>, %arg21: memref<!tpu.dma_semaphore, #tpu.memory_space<semaphore_mem>>) attributes {dimension_semantics = [#tpu.dimension_semantics<core_parallel>, #tpu.dimension_semantics<subcore_parallel>], iteration_bounds = array<i64: 2, 16>, scalar_prefetch = 0 : i64, scratch_operands = 14 : i64, tpu.core_type = #tpu.core_type<sc_vector_subcore>, window_params = [{transform_indices = #map}, {transform_indices = #map}, {transform_indices = #map}, {transform_indices = #map1}, {transform_indices = #map}, {transform_indices = #map1}]} {
    %mul3A = arith.constant 16 : i32
    %mul3A_0 = arith.muli %arg0, %mul3A : i32
    %add3A = arith.addi %mul3A_0, %arg1 : i32
    %mul3A_1 = arith.constant 640 : i32
    %mul3A_2 = arith.muli %arg1, %mul3A_1 : i32
    %mul3A_3 = arith.constant 640 : i32
    %mul3A_4 = arith.muli %arg1, %mul3A_3 : i32
    "tpu.region"() ({
      %run_scoped3A = tpu.sem_alloc : memref<!tpu.dma_semaphore, #tpu.memory_space<semaphore_mem>>
      %dma_start3A_164 = arith.constant 0 : i32
      %dma_start3A_165 = tpu.memref_slice %arg15[%mul3A_4, %dma_start3A_164] : memref<10240x64xbf16, #tpu.memory_space<vmem_shared>> -> memref<640x64xbf16, #tpu.memory_space<vmem_shared>>
      %dma_start3A_166 = arith.constant 0 : i32
      %dma_start3A_167 = tpu.memref_slice %arg5[%mul3A_2, %dma_start3A_166] : memref<10240x64xbf16, #tpu.memory_space<hbm>> -> memref<640x64xbf16, #tpu.memory_space<hbm>>
      tpu.enqueue_dma source(%dma_start3A_167 : memref<640x64xbf16, #tpu.memory_space<hbm>>) target(%dma_start3A_165 : memref<640x64xbf16, #tpu.memory_space<vmem_shared>>) target_semaphore(%run_scoped3A : memref<!tpu.dma_semaphore, #tpu.memory_space<semaphore_mem>>)
      %dma_wait3A = arith.constant 0 : i32
      %dma_wait3A_168 = tpu.memref_slice %arg15[%mul3A_4, %dma_wait3A] : memref<10240x64xbf16, #tpu.memory_space<vmem_shared>> -> memref<640x64xbf16, #tpu.memory_space<vmem_shared>>
      %dma_wait3A_169 = arith.constant 0 : i32
      %dma_wait3A_170 = tpu.memref_slice %arg5[%mul3A_2, %dma_wait3A_169] : memref<10240x64xbf16, #tpu.memory_space<hbm>> -> memref<640x64xbf16, #tpu.memory_space<hbm>>
      tpu.wait_dma2 semaphore(%run_scoped3A : memref<!tpu.dma_semaphore, #tpu.memory_space<semaphore_mem>>) src(%dma_wait3A_170 : memref<640x64xbf16, #tpu.memory_space<hbm>>) dst(%dma_wait3A_168 : memref<640x64xbf16, #tpu.memory_space<vmem_shared>>)
      tpu.yield
    }) : () -> ()
    %scan3A = arith.constant 0 : i32
    %scan3A_5 = arith.constant 0 : i32
    %scan3A_6 = arith.constant 512 : i32
    %scan3A_7 = arith.addi %scan3A_5, %scan3A_6 : i32
    %scan3A_8 = arith.constant 1 : i32
    scf.for %scan3A_164 = %scan3A_5 to %scan3A_7 step %scan3A_8  : i32 {
      %broadcast_in_dim3A_165 = arith.constant 0.000000e+00 : bf16
      %broadcast_in_dim3A_166 = vector.broadcast %broadcast_in_dim3A_165 : bf16 to vector<32xbf16>
      %swap3A_167 = arith.index_cast %scan3A_164 : i32 to index
      %swap3A_168 = arith.constant 0 : index
      %swap3A_169 = tpu.vector_load %arg11[%swap3A_167, %swap3A_168] {strides = array<i32>} : memref<512x64xbf16, #tpu.memory_space<vmem>>, vector<1x32xbf16>,
      %swap3A_170 = vector.shape_cast %swap3A_169 : vector<1x32xbf16> to vector<32xbf16>
      %swap3A_171 = vector.shape_cast %broadcast_in_dim3A_166 : vector<32xbf16> to vector<1x32xbf16>
      tpu.vector_store %arg11[%swap3A_167, %swap3A_168], %swap3A_171 {strides = array<i32>} : memref<512x64xbf16, #tpu.memory_space<vmem>>, vector<1x32xbf16>,
      %broadcast_in_dim3A_172 = arith.constant 0.000000e+00 : bf16
      %broadcast_in_dim3A_173 = vector.broadcast %broadcast_in_dim3A_172 : bf16 to vector<32xbf16>
      %swap3A_174 = arith.index_cast %scan3A_164 : i32 to index
      %swap3A_175 = arith.constant 32 : index
      %swap3A_176 = tpu.vector_load %arg11[%swap3A_174, %swap3A_175] {strides = array<i32>} : memref<512x64xbf16, #tpu.memory_space<vmem>>, vector<1x32xbf16>,
      %swap3A_177 = vector.shape_cast %swap3A_176 : vector<1x32xbf16> to vector<32xbf16>
      %swap3A_178 = vector.shape_cast %broadcast_in_dim3A_173 : vector<32xbf16> to vector<1x32xbf16>
      tpu.vector_store %arg11[%swap3A_174, %swap3A_175], %swap3A_178 {strides = array<i32>} : memref<512x64xbf16, #tpu.memory_space<vmem>>, vector<1x32xbf16>,
    }
    %scan3A_9 = arith.constant 512 : i32
    %mul3A_10 = arith.constant 640 : i32
    %mul3A_11 = arith.muli %arg1, %mul3A_10 : i32
    %add3A_12 = arith.constant 0 : i32
    %add3A_13 = arith.addi %mul3A_11, %add3A_12 : i32
    "tpu.region"() ({
      %run_scoped3A = tpu.sem_alloc : memref<!tpu.dma_semaphore, #tpu.memory_space<semaphore_mem>>
      %dma_start3A_164 = arith.constant 0 : i32
      %dma_start3A_165 = arith.constant 0 : i32
      %dma_start3A_166 = tpu.memref_slice %arg11[%dma_start3A_164, %dma_start3A_165] : memref<512x64xbf16, #tpu.memory_space<vmem>> -> memref<512x64xbf16, #tpu.memory_space<vmem>>
      %dma_start3A_167 = arith.constant 0 : i32
      %dma_start3A_168 = tpu.memref_slice %arg16[%add3A_13, %dma_start3A_167] : memref<10240x64xbf16, #tpu.memory_space<vmem_shared>> -> memref<512x64xbf16, #tpu.memory_space<vmem_shared>>
      %dma_start3A_169 = arith.constant 0 : i32
      %dma_start3A_170 = tpu.memref_slice %arg16[%add3A_13, %dma_start3A_169] : memref<10240x64xbf16, #tpu.memory_space<vmem_shared>> -> memref<512x64xbf16, #tpu.memory_space<vmem_shared>>
      %dma_start3A_171 = arith.constant 0 : i32
      %dma_start3A_172 = arith.constant 0 : i32
      %dma_start3A_173 = tpu.memref_slice %arg11[%dma_start3A_171, %dma_start3A_172] : memref<512x64xbf16, #tpu.memory_space<vmem>> -> memref<512x64xbf16, #tpu.memory_space<vmem>>
      tpu.enqueue_dma source(%dma_start3A_173 : memref<512x64xbf16, #tpu.memory_space<vmem>>) target(%dma_start3A_170 : memref<512x64xbf16, #tpu.memory_space<vmem_shared>>) target_semaphore(%run_scoped3A : memref<!tpu.dma_semaphore, #tpu.memory_space<semaphore_mem>>)
      %dma_wait3A = arith.constant 0 : i32
      %dma_wait3A_174 = arith.constant 0 : i32
      %dma_wait3A_175 = tpu.memref_slice %arg11[%dma_wait3A, %dma_wait3A_174] : memref<512x64xbf16, #tpu.memory_space<vmem>> -> memref<512x64xbf16, #tpu.memory_space<vmem>>
      %dma_wait3A_176 = arith.constant 0 : i32
      %dma_wait3A_177 = tpu.memref_slice %arg16[%add3A_13, %dma_wait3A_176] : memref<10240x64xbf16, #tpu.memory_space<vmem_shared>> -> memref<512x64xbf16, #tpu.memory_space<vmem_shared>>
      %dma_wait3A_178 = arith.constant 0 : i32
      %dma_wait3A_179 = tpu.memref_slice %arg16[%add3A_13, %dma_wait3A_178] : memref<10240x64xbf16, #tpu.memory_space<vmem_shared>> -> memref<512x64xbf16, #tpu.memory_space<vmem_shared>>
      %dma_wait3A_180 = arith.constant 0 : i32
      %dma_wait3A_181 = arith.constant 0 : i32
      %dma_wait3A_182 = tpu.memref_slice %arg11[%dma_wait3A_180, %dma_wait3A_181] : memref<512x64xbf16, #tpu.memory_space<vmem>> -> memref<512x64xbf16, #tpu.memory_space<vmem>>
      tpu.wait_dma2 semaphore(%run_scoped3A : memref<!tpu.dma_semaphore, #tpu.memory_space<semaphore_mem>>) src(%dma_wait3A_182 : memref<512x64xbf16, #tpu.memory_space<vmem>>) dst(%dma_wait3A_179 : memref<512x64xbf16, #tpu.memory_space<vmem_shared>>)
      tpu.yield
    }) : () -> ()
    %mul3A_14 = arith.constant 640 : i32
    %mul3A_15 = arith.muli %arg1, %mul3A_14 : i32
    %add3A_16 = arith.constant 512 : i32
    %add3A_17 = arith.addi %mul3A_15, %add3A_16 : i32
    "tpu.region"() ({
      %run_scoped3A = tpu.sem_alloc : memref<!tpu.dma_semaphore, #tpu.memory_space<semaphore_mem>>
      %dma_start3A_164 = arith.constant 0 : i32
      %dma_start3A_165 = arith.constant 0 : i32
      %dma_start3A_166 = tpu.memref_slice %arg11[%dma_start3A_164, %dma_start3A_165] : memref<512x64xbf16, #tpu.memory_space<vmem>> -> memref<128x64xbf16, #tpu.memory_space<vmem>>
      %dma_start3A_167 = arith.constant 0 : i32
      %dma_start3A_168 = tpu.memref_slice %arg16[%add3A_17, %dma_start3A_167] : memref<10240x64xbf16, #tpu.memory_space<vmem_shared>> -> memref<128x64xbf16, #tpu.memory_space<vmem_shared>>
      %dma_start3A_169 = arith.constant 0 : i32
      %dma_start3A_170 = tpu.memref_slice %arg16[%add3A_17, %dma_start3A_169] : memref<10240x64xbf16, #tpu.memory_space<vmem_shared>> -> memref<128x64xbf16, #tpu.memory_space<vmem_shared>>
      %dma_start3A_171 = arith.constant 0 : i32
      %dma_start3A_172 = arith.constant 0 : i32
      %dma_start3A_173 = tpu.memref_slice %arg11[%dma_start3A_171, %dma_start3A_172] : memref<512x64xbf16, #tpu.memory_space<vmem>> -> memref<128x64xbf16, #tpu.memory_space<vmem>>
      tpu.enqueue_dma source(%dma_start3A_173 : memref<128x64xbf16, #tpu.memory_space<vmem>>) target(%dma_start3A_170 : memref<128x64xbf16, #tpu.memory_space<vmem_shared>>) target_semaphore(%run_scoped3A : memref<!tpu.dma_semaphore, #tpu.memory_space<semaphore_mem>>)
      %dma_wait3A = arith.constant 0 : i32
      %dma_wait3A_174 = arith.constant 0 : i32
      %dma_wait3A_175 = tpu.memref_slice %arg11[%dma_wait3A, %dma_wait3A_174] : memref<512x64xbf16, #tpu.memory_space<vmem>> -> memref<128x64xbf16, #tpu.memory_space<vmem>>
      %dma_wait3A_176 = arith.constant 0 : i32
      %dma_wait3A_177 = tpu.memref_slice %arg16[%add3A_17, %dma_wait3A_176] : memref<10240x64xbf16, #tpu.memory_space<vmem_shared>> -> memref<128x64xbf16, #tpu.memory_space<vmem_shared>>
      %dma_wait3A_178 = arith.constant 0 : i32
      %dma_wait3A_179 = tpu.memref_slice %arg16[%add3A_17, %dma_wait3A_178] : memref<10240x64xbf16, #tpu.memory_space<vmem_shared>> -> memref<128x64xbf16, #tpu.memory_space<vmem_shared>>
      %dma_wait3A_180 = arith.constant 0 : i32
      %dma_wait3A_181 = arith.constant 0 : i32
      %dma_wait3A_182 = tpu.memref_slice %arg11[%dma_wait3A_180, %dma_wait3A_181] : memref<512x64xbf16, #tpu.memory_space<vmem>> -> memref<128x64xbf16, #tpu.memory_space<vmem>>
      tpu.wait_dma2 semaphore(%run_scoped3A : memref<!tpu.dma_semaphore, #tpu.memory_space<semaphore_mem>>) src(%dma_wait3A_182 : memref<128x64xbf16, #tpu.memory_space<vmem>>) dst(%dma_wait3A_179 : memref<128x64xbf16, #tpu.memory_space<vmem_shared>>)
      tpu.yield
    }) : () -> ()
    %scan3A_18 = arith.constant 0 : i32
    %scan3A_19 = arith.constant 0 : i32
    %scan3A_20 = arith.constant 320 : i32
    %scan3A_21 = arith.addi %scan3A_19, %scan3A_20 : i32
    %scan3A_22 = arith.constant 1 : i32
    scf.for %scan3A_164 = %scan3A_19 to %scan3A_21 step %scan3A_22  : i32 {
      %broadcast_in_dim3A_165 = arith.constant 0.000000e+00 : f32
      %broadcast_in_dim3A_166 = vector.broadcast %broadcast_in_dim3A_165 : f32 to vector<16xf32>
      %mul3A_167 = arith.constant 16 : i32
      %mul3A_168 = arith.muli %scan3A_164, %mul3A_167 : i32
      %swap3A_169 = arith.index_cast %mul3A_168 : i32 to index
      %swap3A_170 = tpu.vector_load %arg14[%swap3A_169] {strides = array<i32>} : memref<5120xf32, #tpu.memory_space<vmem>>, vector<16xf32>,
      %swap3A_171 = vector.shape_cast %swap3A_170 : vector<16xf32> to vector<16xf32>
      %swap3A_172 = vector.shape_cast %broadcast_in_dim3A_166 : vector<16xf32> to vector<16xf32>
      tpu.vector_store %arg14[%swap3A_169], %swap3A_172 {strides = array<i32>} : memref<5120xf32, #tpu.memory_space<vmem>>, vector<16xf32>,
    }
    %scan3A_23 = arith.constant 320 : i32
    %mul3A_24 = arith.constant 5120 : i32
    %mul3A_25 = arith.muli %arg1, %mul3A_24 : i32
    "tpu.region"() ({
      %run_scoped3A = tpu.sem_alloc : memref<!tpu.dma_semaphore, #tpu.memory_space<semaphore_mem>>
      %dma_start3A_164 = tpu.memref_slice %arg17[%mul3A_25] : memref<81920xf32, #tpu.memory_space<vmem_shared>> -> memref<5120xf32, #tpu.memory_space<vmem_shared>>
      %dma_start3A_165 = tpu.memref_slice %arg17[%mul3A_25] : memref<81920xf32, #tpu.memory_space<vmem_shared>> -> memref<5120xf32, #tpu.memory_space<vmem_shared>>
      tpu.enqueue_dma source(%arg14 : memref<5120xf32, #tpu.memory_space<vmem>>) target(%dma_start3A_165 : memref<5120xf32, #tpu.memory_space<vmem_shared>>) target_semaphore(%run_scoped3A : memref<!tpu.dma_semaphore, #tpu.memory_space<semaphore_mem>>)
      %dma_wait3A = tpu.memref_slice %arg17[%mul3A_25] : memref<81920xf32, #tpu.memory_space<vmem_shared>> -> memref<5120xf32, #tpu.memory_space<vmem_shared>>
      %dma_wait3A_166 = tpu.memref_slice %arg17[%mul3A_25] : memref<81920xf32, #tpu.memory_space<vmem_shared>> -> memref<5120xf32, #tpu.memory_space<vmem_shared>>
      tpu.wait_dma2 semaphore(%run_scoped3A : memref<!tpu.dma_semaphore, #tpu.memory_space<semaphore_mem>>) src(%arg14 : memref<5120xf32, #tpu.memory_space<vmem>>) dst(%dma_wait3A_166 : memref<5120xf32, #tpu.memory_space<vmem_shared>>)
      tpu.yield
    }) : () -> ()
    %broadcast_in_dim3A = arith.constant 1.000000e+00 : f32
    %broadcast_in_dim3A_26 = vector.broadcast %broadcast_in_dim3A : f32 to vector<16xf32>
    %swap3A = arith.constant 0 : index
    %swap3A_27 = tpu.vector_load %arg13[%swap3A] {strides = array<i32>} : memref<128xf32, #tpu.memory_space<vmem>>, vector<16xf32>,
    %swap3A_28 = vector.shape_cast %swap3A_27 : vector<16xf32> to vector<16xf32>
    %swap3A_29 = vector.shape_cast %broadcast_in_dim3A_26 : vector<16xf32> to vector<16xf32>
    tpu.vector_store %arg13[%swap3A], %swap3A_29 {strides = array<i32>} : memref<128xf32, #tpu.memory_space<vmem>>, vector<16xf32>,
    %broadcast_in_dim3A_30 = arith.constant 1.000000e+00 : f32
    %broadcast_in_dim3A_31 = vector.broadcast %broadcast_in_dim3A_30 : f32 to vector<16xf32>
    %swap3A_32 = arith.constant 16 : index
    %swap3A_33 = tpu.vector_load %arg13[%swap3A_32] {strides = array<i32>} : memref<128xf32, #tpu.memory_space<vmem>>, vector<16xf32>,
    %swap3A_34 = vector.shape_cast %swap3A_33 : vector<16xf32> to vector<16xf32>
    %swap3A_35 = vector.shape_cast %broadcast_in_dim3A_31 : vector<16xf32> to vector<16xf32>
    tpu.vector_store %arg13[%swap3A_32], %swap3A_35 {strides = array<i32>} : memref<128xf32, #tpu.memory_space<vmem>>, vector<16xf32>,
    %broadcast_in_dim3A_36 = arith.constant 1.000000e+00 : f32
    %broadcast_in_dim3A_37 = vector.broadcast %broadcast_in_dim3A_36 : f32 to vector<16xf32>
    %swap3A_38 = arith.constant 32 : index
    %swap3A_39 = tpu.vector_load %arg13[%swap3A_38] {strides = array<i32>} : memref<128xf32, #tpu.memory_space<vmem>>, vector<16xf32>,
    %swap3A_40 = vector.shape_cast %swap3A_39 : vector<16xf32> to vector<16xf32>
    %swap3A_41 = vector.shape_cast %broadcast_in_dim3A_37 : vector<16xf32> to vector<16xf32>
    tpu.vector_store %arg13[%swap3A_38], %swap3A_41 {strides = array<i32>} : memref<128xf32, #tpu.memory_space<vmem>>, vector<16xf32>,
    %broadcast_in_dim3A_42 = arith.constant 1.000000e+00 : f32
    %broadcast_in_dim3A_43 = vector.broadcast %broadcast_in_dim3A_42 : f32 to vector<16xf32>
    %swap3A_44 = arith.constant 48 : index
    %swap3A_45 = tpu.vector_load %arg13[%swap3A_44] {strides = array<i32>} : memref<128xf32, #tpu.memory_space<vmem>>, vector<16xf32>,
    %swap3A_46 = vector.shape_cast %swap3A_45 : vector<16xf32> to vector<16xf32>
    %swap3A_47 = vector.shape_cast %broadcast_in_dim3A_43 : vector<16xf32> to vector<16xf32>
    tpu.vector_store %arg13[%swap3A_44], %swap3A_47 {strides = array<i32>} : memref<128xf32, #tpu.memory_space<vmem>>, vector<16xf32>,
    %broadcast_in_dim3A_48 = arith.constant 1.000000e+00 : f32
    %broadcast_in_dim3A_49 = vector.broadcast %broadcast_in_dim3A_48 : f32 to vector<16xf32>
    %swap3A_50 = arith.constant 64 : index
    %swap3A_51 = tpu.vector_load %arg13[%swap3A_50] {strides = array<i32>} : memref<128xf32, #tpu.memory_space<vmem>>, vector<16xf32>,
    %swap3A_52 = vector.shape_cast %swap3A_51 : vector<16xf32> to vector<16xf32>
    %swap3A_53 = vector.shape_cast %broadcast_in_dim3A_49 : vector<16xf32> to vector<16xf32>
    tpu.vector_store %arg13[%swap3A_50], %swap3A_53 {strides = array<i32>} : memref<128xf32, #tpu.memory_space<vmem>>, vector<16xf32>,
    %broadcast_in_dim3A_54 = arith.constant 1.000000e+00 : f32
    %broadcast_in_dim3A_55 = vector.broadcast %broadcast_in_dim3A_54 : f32 to vector<16xf32>
    %swap3A_56 = arith.constant 80 : index
    %swap3A_57 = tpu.vector_load %arg13[%swap3A_56] {strides = array<i32>} : memref<128xf32, #tpu.memory_space<vmem>>, vector<16xf32>,
    %swap3A_58 = vector.shape_cast %swap3A_57 : vector<16xf32> to vector<16xf32>
    %swap3A_59 = vector.shape_cast %broadcast_in_dim3A_55 : vector<16xf32> to vector<16xf32>
    tpu.vector_store %arg13[%swap3A_56], %swap3A_59 {strides = array<i32>} : memref<128xf32, #tpu.memory_space<vmem>>, vector<16xf32>,
    %broadcast_in_dim3A_60 = arith.constant 1.000000e+00 : f32
    %broadcast_in_dim3A_61 = vector.broadcast %broadcast_in_dim3A_60 : f32 to vector<16xf32>
    %swap3A_62 = arith.constant 96 : index
    %swap3A_63 = tpu.vector_load %arg13[%swap3A_62] {strides = array<i32>} : memref<128xf32, #tpu.memory_space<vmem>>, vector<16xf32>,
    %swap3A_64 = vector.shape_cast %swap3A_63 : vector<16xf32> to vector<16xf32>
    %swap3A_65 = vector.shape_cast %broadcast_in_dim3A_61 : vector<16xf32> to vector<16xf32>
    tpu.vector_store %arg13[%swap3A_62], %swap3A_65 {strides = array<i32>} : memref<128xf32, #tpu.memory_space<vmem>>, vector<16xf32>,
    %broadcast_in_dim3A_66 = arith.constant 1.000000e+00 : f32
    %broadcast_in_dim3A_67 = vector.broadcast %broadcast_in_dim3A_66 : f32 to vector<16xf32>
    %swap3A_68 = arith.constant 112 : index
    %swap3A_69 = tpu.vector_load %arg13[%swap3A_68] {strides = array<i32>} : memref<128xf32, #tpu.memory_space<vmem>>, vector<16xf32>,
    %swap3A_70 = vector.shape_cast %swap3A_69 : vector<16xf32> to vector<16xf32>
    %swap3A_71 = vector.shape_cast %broadcast_in_dim3A_67 : vector<16xf32> to vector<16xf32>
    tpu.vector_store %arg13[%swap3A_68], %swap3A_71 {strides = array<i32>} : memref<128xf32, #tpu.memory_space<vmem>>, vector<16xf32>,
    %barrier3A = arith.constant 0 : index
    tpu.barrier barrier_id(%barrier3A)
    "tpu.region"() ({
      %run_scoped3A = tpu.sem_alloc : memref<!tpu.dma_semaphore, #tpu.memory_space<semaphore_mem>>
      %dma_start3A_164 = arith.constant 0 : i32
      %dma_start3A_165 = arith.constant 0 : i32
      %dma_start3A_166 = tpu.memref_slice %arg2[%add3A, %dma_start3A_164, %dma_start3A_165] : memref<32x80x128xi32, #tpu.memory_space<hbm>> -> memref<1x80x128xi32, #tpu.memory_space<hbm>>
      %dma_start3A_167 = tpu.memref_squeeze %dma_start3A_166 : memref<1x80x128xi32, #tpu.memory_space<hbm>> -> memref<80x128xi32, #tpu.memory_space<hbm>>
      %dma_start3A_168 = arith.constant 0 : i32
      %dma_start3A_169 = arith.constant 0 : i32
      %dma_start3A_170 = tpu.memref_slice %arg2[%add3A, %dma_start3A_168, %dma_start3A_169] : memref<32x80x128xi32, #tpu.memory_space<hbm>> -> memref<1x80x128xi32, #tpu.memory_space<hbm>>
      %dma_start3A_171 = tpu.memref_squeeze %dma_start3A_170 : memref<1x80x128xi32, #tpu.memory_space<hbm>> -> memref<80x128xi32, #tpu.memory_space<hbm>>
      tpu.enqueue_dma source(%dma_start3A_171 : memref<80x128xi32, #tpu.memory_space<hbm>>) target(%arg8 : memref<80x128xi32, #tpu.memory_space<vmem>>) target_semaphore(%run_scoped3A : memref<!tpu.dma_semaphore, #tpu.memory_space<semaphore_mem>>)
      %dma_wait3A = arith.constant 0 : i32
      %dma_wait3A_172 = arith.constant 0 : i32
      %dma_wait3A_173 = tpu.memref_slice %arg2[%add3A, %dma_wait3A, %dma_wait3A_172] : memref<32x80x128xi32, #tpu.memory_space<hbm>> -> memref<1x80x128xi32, #tpu.memory_space<hbm>>
      %dma_wait3A_174 = tpu.memref_squeeze %dma_wait3A_173 : memref<1x80x128xi32, #tpu.memory_space<hbm>> -> memref<80x128xi32, #tpu.memory_space<hbm>>
      %dma_wait3A_175 = arith.constant 0 : i32
      %dma_wait3A_176 = arith.constant 0 : i32
      %dma_wait3A_177 = tpu.memref_slice %arg2[%add3A, %dma_wait3A_175, %dma_wait3A_176] : memref<32x80x128xi32, #tpu.memory_space<hbm>> -> memref<1x80x128xi32, #tpu.memory_space<hbm>>
      %dma_wait3A_178 = tpu.memref_squeeze %dma_wait3A_177 : memref<1x80x128xi32, #tpu.memory_space<hbm>> -> memref<80x128xi32, #tpu.memory_space<hbm>>
      tpu.wait_dma2 semaphore(%run_scoped3A : memref<!tpu.dma_semaphore, #tpu.memory_space<semaphore_mem>>) src(%dma_wait3A_178 : memref<80x128xi32, #tpu.memory_space<hbm>>) dst(%arg8 : memref<80x128xi32, #tpu.memory_space<vmem>>)
      tpu.yield
    }) : () -> ()
    "tpu.region"() ({
      %run_scoped3A = tpu.sem_alloc : memref<!tpu.dma_semaphore, #tpu.memory_space<semaphore_mem>>
      %dma_start3A_164 = arith.constant 0 : i32
      %dma_start3A_165 = arith.constant 0 : i32
      %dma_start3A_166 = tpu.memref_slice %arg3[%add3A, %dma_start3A_164, %dma_start3A_165] : memref<32x80x128xi32, #tpu.memory_space<hbm>> -> memref<1x80x128xi32, #tpu.memory_space<hbm>>
      %dma_start3A_167 = tpu.memref_squeeze %dma_start3A_166 : memref<1x80x128xi32, #tpu.memory_space<hbm>> -> memref<80x128xi32, #tpu.memory_space<hbm>>
      %dma_start3A_168 = arith.constant 0 : i32
      %dma_start3A_169 = arith.constant 0 : i32
      %dma_start3A_170 = tpu.memref_slice %arg3[%add3A, %dma_start3A_168, %dma_start3A_169] : memref<32x80x128xi32, #tpu.memory_space<hbm>> -> memref<1x80x128xi32, #tpu.memory_space<hbm>>
      %dma_start3A_171 = tpu.memref_squeeze %dma_start3A_170 : memref<1x80x128xi32, #tpu.memory_space<hbm>> -> memref<80x128xi32, #tpu.memory_space<hbm>>
      tpu.enqueue_dma source(%dma_start3A_171 : memref<80x128xi32, #tpu.memory_space<hbm>>) target(%arg9 : memref<80x128xi32, #tpu.memory_space<vmem>>) target_semaphore(%run_scoped3A : memref<!tpu.dma_semaphore, #tpu.memory_space<semaphore_mem>>)
      %dma_wait3A = arith.constant 0 : i32
      %dma_wait3A_172 = arith.constant 0 : i32
      %dma_wait3A_173 = tpu.memref_slice %arg3[%add3A, %dma_wait3A, %dma_wait3A_172] : memref<32x80x128xi32, #tpu.memory_space<hbm>> -> memref<1x80x128xi32, #tpu.memory_space<hbm>>
      %dma_wait3A_174 = tpu.memref_squeeze %dma_wait3A_173 : memref<1x80x128xi32, #tpu.memory_space<hbm>> -> memref<80x128xi32, #tpu.memory_space<hbm>>
      %dma_wait3A_175 = arith.constant 0 : i32
      %dma_wait3A_176 = arith.constant 0 : i32
      %dma_wait3A_177 = tpu.memref_slice %arg3[%add3A, %dma_wait3A_175, %dma_wait3A_176] : memref<32x80x128xi32, #tpu.memory_space<hbm>> -> memref<1x80x128xi32, #tpu.memory_space<hbm>>
      %dma_wait3A_178 = tpu.memref_squeeze %dma_wait3A_177 : memref<1x80x128xi32, #tpu.memory_space<hbm>> -> memref<80x128xi32, #tpu.memory_space<hbm>>
      tpu.wait_dma2 semaphore(%run_scoped3A : memref<!tpu.dma_semaphore, #tpu.memory_space<semaphore_mem>>) src(%dma_wait3A_178 : memref<80x128xi32, #tpu.memory_space<hbm>>) dst(%arg9 : memref<80x128xi32, #tpu.memory_space<vmem>>)
      tpu.yield
    }) : () -> ()
    "tpu.region"() ({
      %run_scoped3A = tpu.sem_alloc : memref<!tpu.dma_semaphore, #tpu.memory_space<semaphore_mem>>
      %dma_start3A_164 = arith.constant 0 : i32
      %dma_start3A_165 = arith.constant 0 : i32
      %dma_start3A_166 = tpu.memref_slice %arg4[%add3A, %dma_start3A_164, %dma_start3A_165] : memref<32x80x128xi32, #tpu.memory_space<hbm>> -> memref<1x80x128xi32, #tpu.memory_space<hbm>>
      %dma_start3A_167 = tpu.memref_squeeze %dma_start3A_166 : memref<1x80x128xi32, #tpu.memory_space<hbm>> -> memref<80x128xi32, #tpu.memory_space<hbm>>
      %dma_start3A_168 = arith.constant 0 : i32
      %dma_start3A_169 = arith.constant 0 : i32
      %dma_start3A_170 = tpu.memref_slice %arg4[%add3A, %dma_start3A_168, %dma_start3A_169] : memref<32x80x128xi32, #tpu.memory_space<hbm>> -> memref<1x80x128xi32, #tpu.memory_space<hbm>>
      %dma_start3A_171 = tpu.memref_squeeze %dma_start3A_170 : memref<1x80x128xi32, #tpu.memory_space<hbm>> -> memref<80x128xi32, #tpu.memory_space<hbm>>
      tpu.enqueue_dma source(%dma_start3A_171 : memref<80x128xi32, #tpu.memory_space<hbm>>) target(%arg10 : memref<80x128xi32, #tpu.memory_space<vmem>>) target_semaphore(%run_scoped3A : memref<!tpu.dma_semaphore, #tpu.memory_space<semaphore_mem>>)
      %dma_wait3A = arith.constant 0 : i32
      %dma_wait3A_172 = arith.constant 0 : i32
      %dma_wait3A_173 = tpu.memref_slice %arg4[%add3A, %dma_wait3A, %dma_wait3A_172] : memref<32x80x128xi32, #tpu.memory_space<hbm>> -> memref<1x80x128xi32, #tpu.memory_space<hbm>>
      %dma_wait3A_174 = tpu.memref_squeeze %dma_wait3A_173 : memref<1x80x128xi32, #tpu.memory_space<hbm>> -> memref<80x128xi32, #tpu.memory_space<hbm>>
      %dma_wait3A_175 = arith.constant 0 : i32
      %dma_wait3A_176 = arith.constant 0 : i32
      %dma_wait3A_177 = tpu.memref_slice %arg4[%add3A, %dma_wait3A_175, %dma_wait3A_176] : memref<32x80x128xi32, #tpu.memory_space<hbm>> -> memref<1x80x128xi32, #tpu.memory_space<hbm>>
      %dma_wait3A_178 = tpu.memref_squeeze %dma_wait3A_177 : memref<1x80x128xi32, #tpu.memory_space<hbm>> -> memref<80x128xi32, #tpu.memory_space<hbm>>
      tpu.wait_dma2 semaphore(%run_scoped3A : memref<!tpu.dma_semaphore, #tpu.memory_space<semaphore_mem>>) src(%dma_wait3A_178 : memref<80x128xi32, #tpu.memory_space<hbm>>) dst(%arg10 : memref<80x128xi32, #tpu.memory_space<vmem>>)
      tpu.yield
    }) : () -> ()
    %dma_start3A = arith.constant 0 : i32
    %dma_start3A_72 = arith.constant 0 : i32
    %dma_start3A_73 = arith.constant 0 : i32
    %dma_start3A_74 = tpu.memref_slice %arg11[%dma_start3A_72, %dma_start3A_73] : memref<512x64xbf16, #tpu.memory_space<vmem>> -> memref<128x64xbf16, #tpu.memory_space<vmem>>
    %dma_start3A_75 = arith.constant 0 : i32
    %dma_start3A_76 = tpu.memref_slice %arg8[%dma_start3A, %dma_start3A_75] : memref<80x128xi32, #tpu.memory_space<vmem>> -> memref<1x128xi32, #tpu.memory_space<vmem>>
    %dma_start3A_77 = tpu.memref_squeeze %dma_start3A_76 : memref<1x128xi32, #tpu.memory_space<vmem>> -> memref<128xi32, #tpu.memory_space<vmem>>
    %dma_start3A_78 = arith.constant 0 : i32
    %dma_start3A_79 = arith.constant 0 : i32
    %dma_start3A_80 = tpu.memref_slice %arg15[%dma_start3A_78, %dma_start3A_79] : memref<10240x64xbf16, #tpu.memory_space<vmem_shared>> -> memref<10240x64xbf16, #tpu.memory_space<vmem_shared>>
    tpu.enqueue_indirect_dma source(%dma_start3A_80 : memref<10240x64xbf16, #tpu.memory_space<vmem_shared>>) target(%dma_start3A_74 : memref<128x64xbf16, #tpu.memory_space<vmem>>) offsets(%dma_start3A_77 : memref<128xi32, #tpu.memory_space<vmem>>) semaphore(%arg18 : memref<!tpu.dma_semaphore, #tpu.memory_space<semaphore_mem>>)
    %dma_start3A_81 = arith.constant 1 : i32
    %dma_start3A_82 = arith.constant 128 : i32
    %dma_start3A_83 = arith.constant 0 : i32
    %dma_start3A_84 = tpu.memref_slice %arg11[%dma_start3A_82, %dma_start3A_83] : memref<512x64xbf16, #tpu.memory_space<vmem>> -> memref<128x64xbf16, #tpu.memory_space<vmem>>
    %dma_start3A_85 = arith.constant 0 : i32
    %dma_start3A_86 = tpu.memref_slice %arg8[%dma_start3A_81, %dma_start3A_85] : memref<80x128xi32, #tpu.memory_space<vmem>> -> memref<1x128xi32, #tpu.memory_space<vmem>>
    %dma_start3A_87 = tpu.memref_squeeze %dma_start3A_86 : memref<1x128xi32, #tpu.memory_space<vmem>> -> memref<128xi32, #tpu.memory_space<vmem>>
    %dma_start3A_88 = arith.constant 0 : i32
    %dma_start3A_89 = arith.constant 0 : i32
    %dma_start3A_90 = tpu.memref_slice %arg15[%dma_start3A_88, %dma_start3A_89] : memref<10240x64xbf16, #tpu.memory_space<vmem_shared>> -> memref<10240x64xbf16, #tpu.memory_space<vmem_shared>>
    tpu.enqueue_indirect_dma source(%dma_start3A_90 : memref<10240x64xbf16, #tpu.memory_space<vmem_shared>>) target(%dma_start3A_84 : memref<128x64xbf16, #tpu.memory_space<vmem>>) offsets(%dma_start3A_87 : memref<128xi32, #tpu.memory_space<vmem>>) semaphore(%arg18 : memref<!tpu.dma_semaphore, #tpu.memory_space<semaphore_mem>>)
    %dma_start3A_91 = arith.constant 2 : i32
    %dma_start3A_92 = arith.constant 256 : i32
    %dma_start3A_93 = arith.constant 0 : i32
    %dma_start3A_94 = tpu.memref_slice %arg11[%dma_start3A_92, %dma_start3A_93] : memref<512x64xbf16, #tpu.memory_space<vmem>> -> memref<128x64xbf16, #tpu.memory_space<vmem>>
    %dma_start3A_95 = arith.constant 0 : i32
    %dma_start3A_96 = tpu.memref_slice %arg8[%dma_start3A_91, %dma_start3A_95] : memref<80x128xi32, #tpu.memory_space<vmem>> -> memref<1x128xi32, #tpu.memory_space<vmem>>
    %dma_start3A_97 = tpu.memref_squeeze %dma_start3A_96 : memref<1x128xi32, #tpu.memory_space<vmem>> -> memref<128xi32, #tpu.memory_space<vmem>>
    %dma_start3A_98 = arith.constant 0 : i32
    %dma_start3A_99 = arith.constant 0 : i32
    %dma_start3A_100 = tpu.memref_slice %arg15[%dma_start3A_98, %dma_start3A_99] : memref<10240x64xbf16, #tpu.memory_space<vmem_shared>> -> memref<10240x64xbf16, #tpu.memory_space<vmem_shared>>
    tpu.enqueue_indirect_dma source(%dma_start3A_100 : memref<10240x64xbf16, #tpu.memory_space<vmem_shared>>) target(%dma_start3A_94 : memref<128x64xbf16, #tpu.memory_space<vmem>>) offsets(%dma_start3A_97 : memref<128xi32, #tpu.memory_space<vmem>>) semaphore(%arg18 : memref<!tpu.dma_semaphore, #tpu.memory_space<semaphore_mem>>)
    %dma_start3A_101 = arith.constant 3 : i32
    %dma_start3A_102 = arith.constant 384 : i32
    %dma_start3A_103 = arith.constant 0 : i32
    %dma_start3A_104 = tpu.memref_slice %arg11[%dma_start3A_102, %dma_start3A_103] : memref<512x64xbf16, #tpu.memory_space<vmem>> -> memref<128x64xbf16, #tpu.memory_space<vmem>>
    %dma_start3A_105 = arith.constant 0 : i32
    %dma_start3A_106 = tpu.memref_slice %arg8[%dma_start3A_101, %dma_start3A_105] : memref<80x128xi32, #tpu.memory_space<vmem>> -> memref<1x128xi32, #tpu.memory_space<vmem>>
    %dma_start3A_107 = tpu.memref_squeeze %dma_start3A_106 : memref<1x128xi32, #tpu.memory_space<vmem>> -> memref<128xi32, #tpu.memory_space<vmem>>
    %dma_start3A_108 = arith.constant 0 : i32
    %dma_start3A_109 = arith.constant 0 : i32
    %dma_start3A_110 = tpu.memref_slice %arg15[%dma_start3A_108, %dma_start3A_109] : memref<10240x64xbf16, #tpu.memory_space<vmem_shared>> -> memref<10240x64xbf16, #tpu.memory_space<vmem_shared>>
    tpu.enqueue_indirect_dma source(%dma_start3A_110 : memref<10240x64xbf16, #tpu.memory_space<vmem_shared>>) target(%dma_start3A_104 : memref<128x64xbf16, #tpu.memory_space<vmem>>) offsets(%dma_start3A_107 : memref<128xi32, #tpu.memory_space<vmem>>) semaphore(%arg18 : memref<!tpu.dma_semaphore, #tpu.memory_space<semaphore_mem>>)
    %dma_start3A_111 = arith.constant 4 : i32
    %dma_start3A_112 = arith.constant 0 : i32
    %dma_start3A_113 = arith.constant 0 : i32
    %dma_start3A_114 = tpu.memref_slice %arg12[%dma_start3A_112, %dma_start3A_113] : memref<512x64xbf16, #tpu.memory_space<vmem>> -> memref<128x64xbf16, #tpu.memory_space<vmem>>
    %dma_start3A_115 = arith.constant 0 : i32
    %dma_start3A_116 = tpu.memref_slice %arg8[%dma_start3A_111, %dma_start3A_115] : memref<80x128xi32, #tpu.memory_space<vmem>> -> memref<1x128xi32, #tpu.memory_space<vmem>>
    %dma_start3A_117 = tpu.memref_squeeze %dma_start3A_116 : memref<1x128xi32, #tpu.memory_space<vmem>> -> memref<128xi32, #tpu.memory_space<vmem>>
    %dma_start3A_118 = arith.constant 0 : i32
    %dma_start3A_119 = arith.constant 0 : i32
    %dma_start3A_120 = tpu.memref_slice %arg15[%dma_start3A_118, %dma_start3A_119] : memref<10240x64xbf16, #tpu.memory_space<vmem_shared>> -> memref<10240x64xbf16, #tpu.memory_space<vmem_shared>>
    tpu.enqueue_indirect_dma source(%dma_start3A_120 : memref<10240x64xbf16, #tpu.memory_space<vmem_shared>>) target(%dma_start3A_114 : memref<128x64xbf16, #tpu.memory_space<vmem>>) offsets(%dma_start3A_117 : memref<128xi32, #tpu.memory_space<vmem>>) semaphore(%arg19 : memref<!tpu.dma_semaphore, #tpu.memory_space<semaphore_mem>>)
    %dma_start3A_121 = arith.constant 5 : i32
    %dma_start3A_122 = arith.constant 128 : i32
    %dma_start3A_123 = arith.constant 0 : i32
    %dma_start3A_124 = tpu.memref_slice %arg12[%dma_start3A_122, %dma_start3A_123] : memref<512x64xbf16, #tpu.memory_space<vmem>> -> memref<128x64xbf16, #tpu.memory_space<vmem>>
    %dma_start3A_125 = arith.constant 0 : i32
    %dma_start3A_126 = tpu.memref_slice %arg8[%dma_start3A_121, %dma_start3A_125] : memref<80x128xi32, #tpu.memory_space<vmem>> -> memref<1x128xi32, #tpu.memory_space<vmem>>
    %dma_start3A_127 = tpu.memref_squeeze %dma_start3A_126 : memref<1x128xi32, #tpu.memory_space<vmem>> -> memref<128xi32, #tpu.memory_space<vmem>>
    %dma_start3A_128 = arith.constant 0 : i32
    %dma_start3A_129 = arith.constant 0 : i32
    %dma_start3A_130 = tpu.memref_slice %arg15[%dma_start3A_128, %dma_start3A_129] : memref<10240x64xbf16, #tpu.memory_space<vmem_shared>> -> memref<10240x64xbf16, #tpu.memory_space<vmem_shared>>
    tpu.enqueue_indirect_dma source(%dma_start3A_130 : memref<10240x64xbf16, #tpu.memory_space<vmem_shared>>) target(%dma_start3A_124 : memref<128x64xbf16, #tpu.memory_space<vmem>>) offsets(%dma_start3A_127 : memref<128xi32, #tpu.memory_space<vmem>>) semaphore(%arg19 : memref<!tpu.dma_semaphore, #tpu.memory_space<semaphore_mem>>)
    %dma_start3A_131 = arith.constant 6 : i32
    %dma_start3A_132 = arith.constant 256 : i32
    %dma_start3A_133 = arith.constant 0 : i32
    %dma_start3A_134 = tpu.memref_slice %arg12[%dma_start3A_132, %dma_start3A_133] : memref<512x64xbf16, #tpu.memory_space<vmem>> -> memref<128x64xbf16, #tpu.memory_space<vmem>>
    %dma_start3A_135 = arith.constant 0 : i32
    %dma_start3A_136 = tpu.memref_slice %arg8[%dma_start3A_131, %dma_start3A_135] : memref<80x128xi32, #tpu.memory_space<vmem>> -> memref<1x128xi32, #tpu.memory_space<vmem>>
    %dma_start3A_137 = tpu.memref_squeeze %dma_start3A_136 : memref<1x128xi32, #tpu.memory_space<vmem>> -> memref<128xi32, #tpu.memory_space<vmem>>
    %dma_start3A_138 = arith.constant 0 : i32
    %dma_start3A_139 = arith.constant 0 : i32
    %dma_start3A_140 = tpu.memref_slice %arg15[%dma_start3A_138, %dma_start3A_139] : memref<10240x64xbf16, #tpu.memory_space<vmem_shared>> -> memref<10240x64xbf16, #tpu.memory_space<vmem_shared>>
    tpu.enqueue_indirect_dma source(%dma_start3A_140 : memref<10240x64xbf16, #tpu.memory_space<vmem_shared>>) target(%dma_start3A_134 : memref<128x64xbf16, #tpu.memory_space<vmem>>) offsets(%dma_start3A_137 : memref<128xi32, #tpu.memory_space<vmem>>) semaphore(%arg19 : memref<!tpu.dma_semaphore, #tpu.memory_space<semaphore_mem>>)
    %dma_start3A_141 = arith.constant 7 : i32
    %dma_start3A_142 = arith.constant 384 : i32
    %dma_start3A_143 = arith.constant 0 : i32
    %dma_start3A_144 = tpu.memref_slice %arg12[%dma_start3A_142, %dma_start3A_143] : memref<512x64xbf16, #tpu.memory_space<vmem>> -> memref<128x64xbf16, #tpu.memory_space<vmem>>
    %dma_start3A_145 = arith.constant 0 : i32
    %dma_start3A_146 = tpu.memref_slice %arg8[%dma_start3A_141, %dma_start3A_145] : memref<80x128xi32, #tpu.memory_space<vmem>> -> memref<1x128xi32, #tpu.memory_space<vmem>>
    %dma_start3A_147 = tpu.memref_squeeze %dma_start3A_146 : memref<1x128xi32, #tpu.memory_space<vmem>> -> memref<128xi32, #tpu.memory_space<vmem>>
    %dma_start3A_148 = arith.constant 0 : i32
    %dma_start3A_149 = arith.constant 0 : i32
    %dma_start3A_150 = tpu.memref_slice %arg15[%dma_start3A_148, %dma_start3A_149] : memref<10240x64xbf16, #tpu.memory_space<vmem_shared>> -> memref<10240x64xbf16, #tpu.memory_space<vmem_shared>>
    tpu.enqueue_indirect_dma source(%dma_start3A_150 : memref<10240x64xbf16, #tpu.memory_space<vmem_shared>>) target(%dma_start3A_144 : memref<128x64xbf16, #tpu.memory_space<vmem>>) offsets(%dma_start3A_147 : memref<128xi32, #tpu.memory_space<vmem>>) semaphore(%arg19 : memref<!tpu.dma_semaphore, #tpu.memory_space<semaphore_mem>>)
    %scan3A_151 = arith.constant 0 : i32
    %scan3A_152 = arith.constant 0 : i32
    %scan3A_153 = arith.constant 10 : i32
    %scan3A_154 = arith.addi %scan3A_152, %scan3A_153 : i32
    %scan3A_155 = arith.constant 1 : i32
    scf.for %scan3A_164 = %scan3A_152 to %scan3A_154 step %scan3A_155  : i32 {
      %mul3A_165 = arith.constant 2 : i32
      %mul3A_166 = arith.muli %scan3A_164, %mul3A_165 : i32
      %dma_wait3A = arith.constant 0 : i32
      %dma_wait3A_167 = arith.constant 0 : i32
      %dma_wait3A_168 = arith.constant 0 : i32
      %dma_wait3A_169 = tpu.memref_slice %arg11[%dma_wait3A_167, %dma_wait3A_168] : memref<512x64xbf16, #tpu.memory_space<vmem>> -> memref<128x64xbf16, #tpu.memory_space<vmem>>
      %dma_wait3A_170 = arith.constant 0 : i32
      %dma_wait3A_171 = tpu.memref_slice %arg8[%dma_wait3A, %dma_wait3A_170] : memref<80x128xi32, #tpu.memory_space<vmem>> -> memref<1x128xi32, #tpu.memory_space<vmem>>
      %dma_wait3A_172 = tpu.memref_squeeze %dma_wait3A_171 : memref<1x128xi32, #tpu.memory_space<vmem>> -> memref<128xi32, #tpu.memory_space<vmem>>
      %dma_wait3A_173 = arith.constant 0 : i32
      %dma_wait3A_174 = arith.constant 0 : i32
      %dma_wait3A_175 = tpu.memref_slice %arg15[%dma_wait3A_173, %dma_wait3A_174] : memref<10240x64xbf16, #tpu.memory_space<vmem_shared>> -> memref<10240x64xbf16, #tpu.memory_space<vmem_shared>>
      tpu.wait_indirect_dma semaphore(%arg18 : memref<!tpu.dma_semaphore, #tpu.memory_space<semaphore_mem>>) src(%dma_wait3A_175 : memref<10240x64xbf16, #tpu.memory_space<vmem_shared>>) dst(%dma_wait3A_169 : memref<128x64xbf16, #tpu.memory_space<vmem>>)
      %dma_wait3A_176 = arith.constant 0 : i32
      %dma_wait3A_177 = arith.constant 128 : i32
      %dma_wait3A_178 = arith.constant 0 : i32
      %dma_wait3A_179 = tpu.memref_slice %arg11[%dma_wait3A_177, %dma_wait3A_178] : memref<512x64xbf16, #tpu.memory_space<vmem>> -> memref<128x64xbf16, #tpu.memory_space<vmem>>
      %dma_wait3A_180 = arith.constant 0 : i32
      %dma_wait3A_181 = tpu.memref_slice %arg8[%dma_wait3A_176, %dma_wait3A_180] : memref<80x128xi32, #tpu.memory_space<vmem>> -> memref<1x128xi32, #tpu.memory_space<vmem>>
      %dma_wait3A_182 = tpu.memref_squeeze %dma_wait3A_181 : memref<1x128xi32, #tpu.memory_space<vmem>> -> memref<128xi32, #tpu.memory_space<vmem>>
      %dma_wait3A_183 = arith.constant 0 : i32
      %dma_wait3A_184 = arith.constant 0 : i32
      %dma_wait3A_185 = tpu.memref_slice %arg15[%dma_wait3A_183, %dma_wait3A_184] : memref<10240x64xbf16, #tpu.memory_space<vmem_shared>> -> memref<10240x64xbf16, #tpu.memory_space<vmem_shared>>
      tpu.wait_indirect_dma semaphore(%arg18 : memref<!tpu.dma_semaphore, #tpu.memory_space<semaphore_mem>>) src(%dma_wait3A_185 : memref<10240x64xbf16, #tpu.memory_space<vmem_shared>>) dst(%dma_wait3A_179 : memref<128x64xbf16, #tpu.memory_space<vmem>>)
      %dma_wait3A_186 = arith.constant 0 : i32
      %dma_wait3A_187 = arith.constant 256 : i32
      %dma_wait3A_188 = arith.constant 0 : i32
      %dma_wait3A_189 = tpu.memref_slice %arg11[%dma_wait3A_187, %dma_wait3A_188] : memref<512x64xbf16, #tpu.memory_space<vmem>> -> memref<128x64xbf16, #tpu.memory_space<vmem>>
      %dma_wait3A_190 = arith.constant 0 : i32
      %dma_wait3A_191 = tpu.memref_slice %arg8[%dma_wait3A_186, %dma_wait3A_190] : memref<80x128xi32, #tpu.memory_space<vmem>> -> memref<1x128xi32, #tpu.memory_space<vmem>>
      %dma_wait3A_192 = tpu.memref_squeeze %dma_wait3A_191 : memref<1x128xi32, #tpu.memory_space<vmem>> -> memref<128xi32, #tpu.memory_space<vmem>>
      %dma_wait3A_193 = arith.constant 0 : i32
      %dma_wait3A_194 = arith.constant 0 : i32
      %dma_wait3A_195 = tpu.memref_slice %arg15[%dma_wait3A_193, %dma_wait3A_194] : memref<10240x64xbf16, #tpu.memory_space<vmem_shared>> -> memref<10240x64xbf16, #tpu.memory_space<vmem_shared>>
      tpu.wait_indirect_dma semaphore(%arg18 : memref<!tpu.dma_semaphore, #tpu.memory_space<semaphore_mem>>) src(%dma_wait3A_195 : memref<10240x64xbf16, #tpu.memory_space<vmem_shared>>) dst(%dma_wait3A_189 : memref<128x64xbf16, #tpu.memory_space<vmem>>)
      %dma_wait3A_196 = arith.constant 0 : i32
      %dma_wait3A_197 = arith.constant 384 : i32
      %dma_wait3A_198 = arith.constant 0 : i32
      %dma_wait3A_199 = tpu.memref_slice %arg11[%dma_wait3A_197, %dma_wait3A_198] : memref<512x64xbf16, #tpu.memory_space<vmem>> -> memref<128x64xbf16, #tpu.memory_space<vmem>>
      %dma_wait3A_200 = arith.constant 0 : i32
      %dma_wait3A_201 = tpu.memref_slice %arg8[%dma_wait3A_196, %dma_wait3A_200] : memref<80x128xi32, #tpu.memory_space<vmem>> -> memref<1x128xi32, #tpu.memory_space<vmem>>
      %dma_wait3A_202 = tpu.memref_squeeze %dma_wait3A_201 : memref<1x128xi32, #tpu.memory_space<vmem>> -> memref<128xi32, #tpu.memory_space<vmem>>
      %dma_wait3A_203 = arith.constant 0 : i32
      %dma_wait3A_204 = arith.constant 0 : i32
      %dma_wait3A_205 = tpu.memref_slice %arg15[%dma_wait3A_203, %dma_wait3A_204] : memref<10240x64xbf16, #tpu.memory_space<vmem_shared>> -> memref<10240x64xbf16, #tpu.memory_space<vmem_shared>>
      tpu.wait_indirect_dma semaphore(%arg18 : memref<!tpu.dma_semaphore, #tpu.memory_space<semaphore_mem>>) src(%dma_wait3A_205 : memref<10240x64xbf16, #tpu.memory_space<vmem_shared>>) dst(%dma_wait3A_199 : memref<128x64xbf16, #tpu.memory_space<vmem>>)
      %mul3A_206 = arith.constant 4 : i32
      %mul3A_207 = arith.muli %mul3A_166, %mul3A_206 : i32
      %add3A_208 = arith.constant 0 : i32
      %add3A_209 = arith.addi %mul3A_207, %add3A_208 : i32
      %dma_start3A_210 = arith.constant 0 : i32
      %dma_start3A_211 = arith.constant 0 : i32
      %dma_start3A_212 = tpu.memref_slice %arg11[%dma_start3A_210, %dma_start3A_211] : memref<512x64xbf16, #tpu.memory_space<vmem>> -> memref<128x64xbf16, #tpu.memory_space<vmem>>
      %dma_start3A_213 = arith.constant 0 : i32
      %dma_start3A_214 = tpu.memref_slice %arg9[%add3A_209, %dma_start3A_213] : memref<80x128xi32, #tpu.memory_space<vmem>> -> memref<1x128xi32, #tpu.memory_space<vmem>>
      %dma_start3A_215 = tpu.memref_squeeze %dma_start3A_214 : memref<1x128xi32, #tpu.memory_space<vmem>> -> memref<128xi32, #tpu.memory_space<vmem>>
      %dma_start3A_216 = arith.constant 0 : i32
      %dma_start3A_217 = arith.constant 0 : i32
      %dma_start3A_218 = tpu.memref_slice %arg16[%dma_start3A_216, %dma_start3A_217] : memref<10240x64xbf16, #tpu.memory_space<vmem_shared>> -> memref<10240x64xbf16, #tpu.memory_space<vmem_shared>>
      tpu.enqueue_indirect_dma source(%dma_start3A_212 : memref<128x64xbf16, #tpu.memory_space<vmem>>) target(%dma_start3A_218 : memref<10240x64xbf16, #tpu.memory_space<vmem_shared>>) offsets(%dma_start3A_215 : memref<128xi32, #tpu.memory_space<vmem>>) semaphore(%arg20 : memref<!tpu.dma_semaphore, #tpu.memory_space<semaphore_mem>>) {add = true}
      %dma_start3A_219 = arith.constant 0 : i32
      %dma_start3A_220 = tpu.memref_slice %arg10[%add3A_209, %dma_start3A_219] : memref<80x128xi32, #tpu.memory_space<vmem>> -> memref<1x128xi32, #tpu.memory_space<vmem>>
      %dma_start3A_221 = tpu.memref_squeeze %dma_start3A_220 : memref<1x128xi32, #tpu.memory_space<vmem>> -> memref<128xi32, #tpu.memory_space<vmem>>
      %dma_start3A_222 = arith.constant 0 : i32
      %dma_start3A_223 = tpu.memref_slice %arg17[%dma_start3A_222] : memref<81920xf32, #tpu.memory_space<vmem_shared>> -> memref<81920xf32, #tpu.memory_space<vmem_shared>>
      tpu.enqueue_indirect_dma source(%arg13 : memref<128xf32, #tpu.memory_space<vmem>>) target(%dma_start3A_223 : memref<81920xf32, #tpu.memory_space<vmem_shared>>) offsets(%dma_start3A_221 : memref<128xi32, #tpu.memory_space<vmem>>) semaphore(%arg20 : memref<!tpu.dma_semaphore, #tpu.memory_space<semaphore_mem>>) {add = true}
      %mul3A_224 = arith.constant 4 : i32
      %mul3A_225 = arith.muli %mul3A_166, %mul3A_224 : i32
      %add3A_226 = arith.constant 1 : i32
      %add3A_227 = arith.addi %mul3A_225, %add3A_226 : i32
      %dma_start3A_228 = arith.constant 128 : i32
      %dma_start3A_229 = arith.constant 0 : i32
      %dma_start3A_230 = tpu.memref_slice %arg11[%dma_start3A_228, %dma_start3A_229] : memref<512x64xbf16, #tpu.memory_space<vmem>> -> memref<128x64xbf16, #tpu.memory_space<vmem>>
      %dma_start3A_231 = arith.constant 0 : i32
      %dma_start3A_232 = tpu.memref_slice %arg9[%add3A_227, %dma_start3A_231] : memref<80x128xi32, #tpu.memory_space<vmem>> -> memref<1x128xi32, #tpu.memory_space<vmem>>
      %dma_start3A_233 = tpu.memref_squeeze %dma_start3A_232 : memref<1x128xi32, #tpu.memory_space<vmem>> -> memref<128xi32, #tpu.memory_space<vmem>>
      %dma_start3A_234 = arith.constant 0 : i32
      %dma_start3A_235 = arith.constant 0 : i32
      %dma_start3A_236 = tpu.memref_slice %arg16[%dma_start3A_234, %dma_start3A_235] : memref<10240x64xbf16, #tpu.memory_space<vmem_shared>> -> memref<10240x64xbf16, #tpu.memory_space<vmem_shared>>
      tpu.enqueue_indirect_dma source(%dma_start3A_230 : memref<128x64xbf16, #tpu.memory_space<vmem>>) target(%dma_start3A_236 : memref<10240x64xbf16, #tpu.memory_space<vmem_shared>>) offsets(%dma_start3A_233 : memref<128xi32, #tpu.memory_space<vmem>>) semaphore(%arg20 : memref<!tpu.dma_semaphore, #tpu.memory_space<semaphore_mem>>) {add = true}
      %dma_start3A_237 = arith.constant 0 : i32
      %dma_start3A_238 = tpu.memref_slice %arg10[%add3A_227, %dma_start3A_237] : memref<80x128xi32, #tpu.memory_space<vmem>> -> memref<1x128xi32, #tpu.memory_space<vmem>>
      %dma_start3A_239 = tpu.memref_squeeze %dma_start3A_238 : memref<1x128xi32, #tpu.memory_space<vmem>> -> memref<128xi32, #tpu.memory_space<vmem>>
      %dma_start3A_240 = arith.constant 0 : i32
      %dma_start3A_241 = tpu.memref_slice %arg17[%dma_start3A_240] : memref<81920xf32, #tpu.memory_space<vmem_shared>> -> memref<81920xf32, #tpu.memory_space<vmem_shared>>
      tpu.enqueue_indirect_dma source(%arg13 : memref<128xf32, #tpu.memory_space<vmem>>) target(%dma_start3A_241 : memref<81920xf32, #tpu.memory_space<vmem_shared>>) offsets(%dma_start3A_239 : memref<128xi32, #tpu.memory_space<vmem>>) semaphore(%arg20 : memref<!tpu.dma_semaphore, #tpu.memory_space<semaphore_mem>>) {add = true}
      %mul3A_242 = arith.constant 4 : i32
      %mul3A_243 = arith.muli %mul3A_166, %mul3A_242 : i32
      %add3A_244 = arith.constant 2 : i32
      %add3A_245 = arith.addi %mul3A_243, %add3A_244 : i32
      %dma_start3A_246 = arith.constant 256 : i32
      %dma_start3A_247 = arith.constant 0 : i32
      %dma_start3A_248 = tpu.memref_slice %arg11[%dma_start3A_246, %dma_start3A_247] : memref<512x64xbf16, #tpu.memory_space<vmem>> -> memref<128x64xbf16, #tpu.memory_space<vmem>>
      %dma_start3A_249 = arith.constant 0 : i32
      %dma_start3A_250 = tpu.memref_slice %arg9[%add3A_245, %dma_start3A_249] : memref<80x128xi32, #tpu.memory_space<vmem>> -> memref<1x128xi32, #tpu.memory_space<vmem>>
      %dma_start3A_251 = tpu.memref_squeeze %dma_start3A_250 : memref<1x128xi32, #tpu.memory_space<vmem>> -> memref<128xi32, #tpu.memory_space<vmem>>
      %dma_start3A_252 = arith.constant 0 : i32
      %dma_start3A_253 = arith.constant 0 : i32
      %dma_start3A_254 = tpu.memref_slice %arg16[%dma_start3A_252, %dma_start3A_253] : memref<10240x64xbf16, #tpu.memory_space<vmem_shared>> -> memref<10240x64xbf16, #tpu.memory_space<vmem_shared>>
      tpu.enqueue_indirect_dma source(%dma_start3A_248 : memref<128x64xbf16, #tpu.memory_space<vmem>>) target(%dma_start3A_254 : memref<10240x64xbf16, #tpu.memory_space<vmem_shared>>) offsets(%dma_start3A_251 : memref<128xi32, #tpu.memory_space<vmem>>) semaphore(%arg20 : memref<!tpu.dma_semaphore, #tpu.memory_space<semaphore_mem>>) {add = true}
      %dma_start3A_255 = arith.constant 0 : i32
      %dma_start3A_256 = tpu.memref_slice %arg10[%add3A_245, %dma_start3A_255] : memref<80x128xi32, #tpu.memory_space<vmem>> -> memref<1x128xi32, #tpu.memory_space<vmem>>
      %dma_start3A_257 = tpu.memref_squeeze %dma_start3A_256 : memref<1x128xi32, #tpu.memory_space<vmem>> -> memref<128xi32, #tpu.memory_space<vmem>>
      %dma_start3A_258 = arith.constant 0 : i32
      %dma_start3A_259 = tpu.memref_slice %arg17[%dma_start3A_258] : memref<81920xf32, #tpu.memory_space<vmem_shared>> -> memref<81920xf32, #tpu.memory_space<vmem_shared>>
      tpu.enqueue_indirect_dma source(%arg13 : memref<128xf32, #tpu.memory_space<vmem>>) target(%dma_start3A_259 : memref<81920xf32, #tpu.memory_space<vmem_shared>>) offsets(%dma_start3A_257 : memref<128xi32, #tpu.memory_space<vmem>>) semaphore(%arg20 : memref<!tpu.dma_semaphore, #tpu.memory_space<semaphore_mem>>) {add = true}
      %mul3A_260 = arith.constant 4 : i32
      %mul3A_261 = arith.muli %mul3A_166, %mul3A_260 : i32
      %add3A_262 = arith.constant 3 : i32
      %add3A_263 = arith.addi %mul3A_261, %add3A_262 : i32
      %dma_start3A_264 = arith.constant 384 : i32
      %dma_start3A_265 = arith.constant 0 : i32
      %dma_start3A_266 = tpu.memref_slice %arg11[%dma_start3A_264, %dma_start3A_265] : memref<512x64xbf16, #tpu.memory_space<vmem>> -> memref<128x64xbf16, #tpu.memory_space<vmem>>
      %dma_start3A_267 = arith.constant 0 : i32
      %dma_start3A_268 = tpu.memref_slice %arg9[%add3A_263, %dma_start3A_267] : memref<80x128xi32, #tpu.memory_space<vmem>> -> memref<1x128xi32, #tpu.memory_space<vmem>>
      %dma_start3A_269 = tpu.memref_squeeze %dma_start3A_268 : memref<1x128xi32, #tpu.memory_space<vmem>> -> memref<128xi32, #tpu.memory_space<vmem>>
      %dma_start3A_270 = arith.constant 0 : i32
      %dma_start3A_271 = arith.constant 0 : i32
      %dma_start3A_272 = tpu.memref_slice %arg16[%dma_start3A_270, %dma_start3A_271] : memref<10240x64xbf16, #tpu.memory_space<vmem_shared>> -> memref<10240x64xbf16, #tpu.memory_space<vmem_shared>>
      tpu.enqueue_indirect_dma source(%dma_start3A_266 : memref<128x64xbf16, #tpu.memory_space<vmem>>) target(%dma_start3A_272 : memref<10240x64xbf16, #tpu.memory_space<vmem_shared>>) offsets(%dma_start3A_269 : memref<128xi32, #tpu.memory_space<vmem>>) semaphore(%arg20 : memref<!tpu.dma_semaphore, #tpu.memory_space<semaphore_mem>>) {add = true}
      %dma_start3A_273 = arith.constant 0 : i32
      %dma_start3A_274 = tpu.memref_slice %arg10[%add3A_263, %dma_start3A_273] : memref<80x128xi32, #tpu.memory_space<vmem>> -> memref<1x128xi32, #tpu.memory_space<vmem>>
      %dma_start3A_275 = tpu.memref_squeeze %dma_start3A_274 : memref<1x128xi32, #tpu.memory_space<vmem>> -> memref<128xi32, #tpu.memory_space<vmem>>
      %dma_start3A_276 = arith.constant 0 : i32
      %dma_start3A_277 = tpu.memref_slice %arg17[%dma_start3A_276] : memref<81920xf32, #tpu.memory_space<vmem_shared>> -> memref<81920xf32, #tpu.memory_space<vmem_shared>>
      tpu.enqueue_indirect_dma source(%arg13 : memref<128xf32, #tpu.memory_space<vmem>>) target(%dma_start3A_277 : memref<81920xf32, #tpu.memory_space<vmem_shared>>) offsets(%dma_start3A_275 : memref<128xi32, #tpu.memory_space<vmem>>) semaphore(%arg20 : memref<!tpu.dma_semaphore, #tpu.memory_space<semaphore_mem>>) {add = true}
      %dma_wait3A_278 = arith.constant 0 : i32
      %dma_wait3A_279 = arith.constant 0 : i32
      %dma_wait3A_280 = arith.constant 0 : i32
      %dma_wait3A_281 = tpu.memref_slice %arg12[%dma_wait3A_279, %dma_wait3A_280] : memref<512x64xbf16, #tpu.memory_space<vmem>> -> memref<128x64xbf16, #tpu.memory_space<vmem>>
      %dma_wait3A_282 = arith.constant 0 : i32
      %dma_wait3A_283 = tpu.memref_slice %arg8[%dma_wait3A_278, %dma_wait3A_282] : memref<80x128xi32, #tpu.memory_space<vmem>> -> memref<1x128xi32, #tpu.memory_space<vmem>>
      %dma_wait3A_284 = tpu.memref_squeeze %dma_wait3A_283 : memref<1x128xi32, #tpu.memory_space<vmem>> -> memref<128xi32, #tpu.memory_space<vmem>>
      %dma_wait3A_285 = arith.constant 0 : i32
      %dma_wait3A_286 = arith.constant 0 : i32
      %dma_wait3A_287 = tpu.memref_slice %arg15[%dma_wait3A_285, %dma_wait3A_286] : memref<10240x64xbf16, #tpu.memory_space<vmem_shared>> -> memref<10240x64xbf16, #tpu.memory_space<vmem_shared>>
      tpu.wait_indirect_dma semaphore(%arg19 : memref<!tpu.dma_semaphore, #tpu.memory_space<semaphore_mem>>) src(%dma_wait3A_287 : memref<10240x64xbf16, #tpu.memory_space<vmem_shared>>) dst(%dma_wait3A_281 : memref<128x64xbf16, #tpu.memory_space<vmem>>)
      %dma_wait3A_288 = arith.constant 0 : i32
      %dma_wait3A_289 = arith.constant 128 : i32
      %dma_wait3A_290 = arith.constant 0 : i32
      %dma_wait3A_291 = tpu.memref_slice %arg12[%dma_wait3A_289, %dma_wait3A_290] : memref<512x64xbf16, #tpu.memory_space<vmem>> -> memref<128x64xbf16, #tpu.memory_space<vmem>>
      %dma_wait3A_292 = arith.constant 0 : i32
      %dma_wait3A_293 = tpu.memref_slice %arg8[%dma_wait3A_288, %dma_wait3A_292] : memref<80x128xi32, #tpu.memory_space<vmem>> -> memref<1x128xi32, #tpu.memory_space<vmem>>
      %dma_wait3A_294 = tpu.memref_squeeze %dma_wait3A_293 : memref<1x128xi32, #tpu.memory_space<vmem>> -> memref<128xi32, #tpu.memory_space<vmem>>
      %dma_wait3A_295 = arith.constant 0 : i32
      %dma_wait3A_296 = arith.constant 0 : i32
      %dma_wait3A_297 = tpu.memref_slice %arg15[%dma_wait3A_295, %dma_wait3A_296] : memref<10240x64xbf16, #tpu.memory_space<vmem_shared>> -> memref<10240x64xbf16, #tpu.memory_space<vmem_shared>>
      tpu.wait_indirect_dma semaphore(%arg19 : memref<!tpu.dma_semaphore, #tpu.memory_space<semaphore_mem>>) src(%dma_wait3A_297 : memref<10240x64xbf16, #tpu.memory_space<vmem_shared>>) dst(%dma_wait3A_291 : memref<128x64xbf16, #tpu.memory_space<vmem>>)
      %dma_wait3A_298 = arith.constant 0 : i32
      %dma_wait3A_299 = arith.constant 256 : i32
      %dma_wait3A_300 = arith.constant 0 : i32
      %dma_wait3A_301 = tpu.memref_slice %arg12[%dma_wait3A_299, %dma_wait3A_300] : memref<512x64xbf16, #tpu.memory_space<vmem>> -> memref<128x64xbf16, #tpu.memory_space<vmem>>
      %dma_wait3A_302 = arith.constant 0 : i32
      %dma_wait3A_303 = tpu.memref_slice %arg8[%dma_wait3A_298, %dma_wait3A_302] : memref<80x128xi32, #tpu.memory_space<vmem>> -> memref<1x128xi32, #tpu.memory_space<vmem>>
      %dma_wait3A_304 = tpu.memref_squeeze %dma_wait3A_303 : memref<1x128xi32, #tpu.memory_space<vmem>> -> memref<128xi32, #tpu.memory_space<vmem>>
      %dma_wait3A_305 = arith.constant 0 : i32
      %dma_wait3A_306 = arith.constant 0 : i32
      %dma_wait3A_307 = tpu.memref_slice %arg15[%dma_wait3A_305, %dma_wait3A_306] : memref<10240x64xbf16, #tpu.memory_space<vmem_shared>> -> memref<10240x64xbf16, #tpu.memory_space<vmem_shared>>
      tpu.wait_indirect_dma semaphore(%arg19 : memref<!tpu.dma_semaphore, #tpu.memory_space<semaphore_mem>>) src(%dma_wait3A_307 : memref<10240x64xbf16, #tpu.memory_space<vmem_shared>>) dst(%dma_wait3A_301 : memref<128x64xbf16, #tpu.memory_space<vmem>>)
      %dma_wait3A_308 = arith.constant 0 : i32
      %dma_wait3A_309 = arith.constant 384 : i32
      %dma_wait3A_310 = arith.constant 0 : i32
      %dma_wait3A_311 = tpu.memref_slice %arg12[%dma_wait3A_309, %dma_wait3A_310] : memref<512x64xbf16, #tpu.memory_space<vmem>> -> memref<128x64xbf16, #tpu.memory_space<vmem>>
      %dma_wait3A_312 = arith.constant 0 : i32
      %dma_wait3A_313 = tpu.memref_slice %arg8[%dma_wait3A_308, %dma_wait3A_312] : memref<80x128xi32, #tpu.memory_space<vmem>> -> memref<1x128xi32, #tpu.memory_space<vmem>>
      %dma_wait3A_314 = tpu.memref_squeeze %dma_wait3A_313 : memref<1x128xi32, #tpu.memory_space<vmem>> -> memref<128xi32, #tpu.memory_space<vmem>>
      %dma_wait3A_315 = arith.constant 0 : i32
      %dma_wait3A_316 = arith.constant 0 : i32
      %dma_wait3A_317 = tpu.memref_slice %arg15[%dma_wait3A_315, %dma_wait3A_316] : memref<10240x64xbf16, #tpu.memory_space<vmem_shared>> -> memref<10240x64xbf16, #tpu.memory_space<vmem_shared>>
      tpu.wait_indirect_dma semaphore(%arg19 : memref<!tpu.dma_semaphore, #tpu.memory_space<semaphore_mem>>) src(%dma_wait3A_317 : memref<10240x64xbf16, #tpu.memory_space<vmem_shared>>) dst(%dma_wait3A_311 : memref<128x64xbf16, #tpu.memory_space<vmem>>)
      %dma_wait3A_318 = arith.constant 0 : i32
      %dma_wait3A_319 = arith.constant 0 : i32
      %dma_wait3A_320 = arith.constant 0 : i32
      %dma_wait3A_321 = tpu.memref_slice %arg11[%dma_wait3A_319, %dma_wait3A_320] : memref<512x64xbf16, #tpu.memory_space<vmem>> -> memref<128x64xbf16, #tpu.memory_space<vmem>>
      %dma_wait3A_322 = arith.constant 0 : i32
      %dma_wait3A_323 = tpu.memref_slice %arg9[%dma_wait3A_318, %dma_wait3A_322] : memref<80x128xi32, #tpu.memory_space<vmem>> -> memref<1x128xi32, #tpu.memory_space<vmem>>
      %dma_wait3A_324 = tpu.memref_squeeze %dma_wait3A_323 : memref<1x128xi32, #tpu.memory_space<vmem>> -> memref<128xi32, #tpu.memory_space<vmem>>
      %dma_wait3A_325 = arith.constant 0 : i32
      %dma_wait3A_326 = arith.constant 0 : i32
      %dma_wait3A_327 = tpu.memref_slice %arg16[%dma_wait3A_325, %dma_wait3A_326] : memref<10240x64xbf16, #tpu.memory_space<vmem_shared>> -> memref<10240x64xbf16, #tpu.memory_space<vmem_shared>>
      tpu.wait_indirect_dma semaphore(%arg20 : memref<!tpu.dma_semaphore, #tpu.memory_space<semaphore_mem>>) src(%dma_wait3A_321 : memref<128x64xbf16, #tpu.memory_space<vmem>>) dst(%dma_wait3A_327 : memref<10240x64xbf16, #tpu.memory_space<vmem_shared>>)
      %dma_wait3A_328 = arith.constant 0 : i32
      %dma_wait3A_329 = arith.constant 0 : i32
      %dma_wait3A_330 = tpu.memref_slice %arg10[%dma_wait3A_328, %dma_wait3A_329] : memref<80x128xi32, #tpu.memory_space<vmem>> -> memref<1x128xi32, #tpu.memory_space<vmem>>
      %dma_wait3A_331 = tpu.memref_squeeze %dma_wait3A_330 : memref<1x128xi32, #tpu.memory_space<vmem>> -> memref<128xi32, #tpu.memory_space<vmem>>
      %dma_wait3A_332 = arith.constant 0 : i32
      %dma_wait3A_333 = tpu.memref_slice %arg17[%dma_wait3A_332] : memref<81920xf32, #tpu.memory_space<vmem_shared>> -> memref<81920xf32, #tpu.memory_space<vmem_shared>>
      tpu.wait_indirect_dma semaphore(%arg20 : memref<!tpu.dma_semaphore, #tpu.memory_space<semaphore_mem>>) src(%arg13 : memref<128xf32, #tpu.memory_space<vmem>>) dst(%dma_wait3A_333 : memref<81920xf32, #tpu.memory_space<vmem_shared>>)
      %dma_wait3A_334 = arith.constant 0 : i32
      %dma_wait3A_335 = arith.constant 128 : i32
      %dma_wait3A_336 = arith.constant 0 : i32
      %dma_wait3A_337 = tpu.memref_slice %arg11[%dma_wait3A_335, %dma_wait3A_336] : memref<512x64xbf16, #tpu.memory_space<vmem>> -> memref<128x64xbf16, #tpu.memory_space<vmem>>
      %dma_wait3A_338 = arith.constant 0 : i32
      %dma_wait3A_339 = tpu.memref_slice %arg9[%dma_wait3A_334, %dma_wait3A_338] : memref<80x128xi32, #tpu.memory_space<vmem>> -> memref<1x128xi32, #tpu.memory_space<vmem>>
      %dma_wait3A_340 = tpu.memref_squeeze %dma_wait3A_339 : memref<1x128xi32, #tpu.memory_space<vmem>> -> memref<128xi32, #tpu.memory_space<vmem>>
      %dma_wait3A_341 = arith.constant 0 : i32
      %dma_wait3A_342 = arith.constant 0 : i32
      %dma_wait3A_343 = tpu.memref_slice %arg16[%dma_wait3A_341, %dma_wait3A_342] : memref<10240x64xbf16, #tpu.memory_space<vmem_shared>> -> memref<10240x64xbf16, #tpu.memory_space<vmem_shared>>
      tpu.wait_indirect_dma semaphore(%arg20 : memref<!tpu.dma_semaphore, #tpu.memory_space<semaphore_mem>>) src(%dma_wait3A_337 : memref<128x64xbf16, #tpu.memory_space<vmem>>) dst(%dma_wait3A_343 : memref<10240x64xbf16, #tpu.memory_space<vmem_shared>>)
      %dma_wait3A_344 = arith.constant 0 : i32
      %dma_wait3A_345 = arith.constant 0 : i32
      %dma_wait3A_346 = tpu.memref_slice %arg10[%dma_wait3A_344, %dma_wait3A_345] : memref<80x128xi32, #tpu.memory_space<vmem>> -> memref<1x128xi32, #tpu.memory_space<vmem>>
      %dma_wait3A_347 = tpu.memref_squeeze %dma_wait3A_346 : memref<1x128xi32, #tpu.memory_space<vmem>> -> memref<128xi32, #tpu.memory_space<vmem>>
      %dma_wait3A_348 = arith.constant 0 : i32
      %dma_wait3A_349 = tpu.memref_slice %arg17[%dma_wait3A_348] : memref<81920xf32, #tpu.memory_space<vmem_shared>> -> memref<81920xf32, #tpu.memory_space<vmem_shared>>
      tpu.wait_indirect_dma semaphore(%arg20 : memref<!tpu.dma_semaphore, #tpu.memory_space<semaphore_mem>>) src(%arg13 : memref<128xf32, #tpu.memory_space<vmem>>) dst(%dma_wait3A_349 : memref<81920xf32, #tpu.memory_space<vmem_shared>>)
      %dma_wait3A_350 = arith.constant 0 : i32
      %dma_wait3A_351 = arith.constant 256 : i32
      %dma_wait3A_352 = arith.constant 0 : i32
      %dma_wait3A_353 = tpu.memref_slice %arg11[%dma_wait3A_351, %dma_wait3A_352] : memref<512x64xbf16, #tpu.memory_space<vmem>> -> memref<128x64xbf16, #tpu.memory_space<vmem>>
      %dma_wait3A_354 = arith.constant 0 : i32
      %dma_wait3A_355 = tpu.memref_slice %arg9[%dma_wait3A_350, %dma_wait3A_354] : memref<80x128xi32, #tpu.memory_space<vmem>> -> memref<1x128xi32, #tpu.memory_space<vmem>>
      %dma_wait3A_356 = tpu.memref_squeeze %dma_wait3A_355 : memref<1x128xi32, #tpu.memory_space<vmem>> -> memref<128xi32, #tpu.memory_space<vmem>>
      %dma_wait3A_357 = arith.constant 0 : i32
      %dma_wait3A_358 = arith.constant 0 : i32
      %dma_wait3A_359 = tpu.memref_slice %arg16[%dma_wait3A_357, %dma_wait3A_358] : memref<10240x64xbf16, #tpu.memory_space<vmem_shared>> -> memref<10240x64xbf16, #tpu.memory_space<vmem_shared>>
      tpu.wait_indirect_dma semaphore(%arg20 : memref<!tpu.dma_semaphore, #tpu.memory_space<semaphore_mem>>) src(%dma_wait3A_353 : memref<128x64xbf16, #tpu.memory_space<vmem>>) dst(%dma_wait3A_359 : memref<10240x64xbf16, #tpu.memory_space<vmem_shared>>)
      %dma_wait3A_360 = arith.constant 0 : i32
      %dma_wait3A_361 = arith.constant 0 : i32
      %dma_wait3A_362 = tpu.memref_slice %arg10[%dma_wait3A_360, %dma_wait3A_361] : memref<80x128xi32, #tpu.memory_space<vmem>> -> memref<1x128xi32, #tpu.memory_space<vmem>>
      %dma_wait3A_363 = tpu.memref_squeeze %dma_wait3A_362 : memref<1x128xi32, #tpu.memory_space<vmem>> -> memref<128xi32, #tpu.memory_space<vmem>>
      %dma_wait3A_364 = arith.constant 0 : i32
      %dma_wait3A_365 = tpu.memref_slice %arg17[%dma_wait3A_364] : memref<81920xf32, #tpu.memory_space<vmem_shared>> -> memref<81920xf32, #tpu.memory_space<vmem_shared>>
      tpu.wait_indirect_dma semaphore(%arg20 : memref<!tpu.dma_semaphore, #tpu.memory_space<semaphore_mem>>) src(%arg13 : memref<128xf32, #tpu.memory_space<vmem>>) dst(%dma_wait3A_365 : memref<81920xf32, #tpu.memory_space<vmem_shared>>)
      %dma_wait3A_366 = arith.constant 0 : i32
      %dma_wait3A_367 = arith.constant 384 : i32
      %dma_wait3A_368 = arith.constant 0 : i32
      %dma_wait3A_369 = tpu.memref_slice %arg11[%dma_wait3A_367, %dma_wait3A_368] : memref<512x64xbf16, #tpu.memory_space<vmem>> -> memref<128x64xbf16, #tpu.memory_space<vmem>>
      %dma_wait3A_370 = arith.constant 0 : i32
      %dma_wait3A_371 = tpu.memref_slice %arg9[%dma_wait3A_366, %dma_wait3A_370] : memref<80x128xi32, #tpu.memory_space<vmem>> -> memref<1x128xi32, #tpu.memory_space<vmem>>
      %dma_wait3A_372 = tpu.memref_squeeze %dma_wait3A_371 : memref<1x128xi32, #tpu.memory_space<vmem>> -> memref<128xi32, #tpu.memory_space<vmem>>
      %dma_wait3A_373 = arith.constant 0 : i32
      %dma_wait3A_374 = arith.constant 0 : i32
      %dma_wait3A_375 = tpu.memref_slice %arg16[%dma_wait3A_373, %dma_wait3A_374] : memref<10240x64xbf16, #tpu.memory_space<vmem_shared>> -> memref<10240x64xbf16, #tpu.memory_space<vmem_shared>>
      tpu.wait_indirect_dma semaphore(%arg20 : memref<!tpu.dma_semaphore, #tpu.memory_space<semaphore_mem>>) src(%dma_wait3A_369 : memref<128x64xbf16, #tpu.memory_space<vmem>>) dst(%dma_wait3A_375 : memref<10240x64xbf16, #tpu.memory_space<vmem_shared>>)
      %dma_wait3A_376 = arith.constant 0 : i32
      %dma_wait3A_377 = arith.constant 0 : i32
      %dma_wait3A_378 = tpu.memref_slice %arg10[%dma_wait3A_376, %dma_wait3A_377] : memref<80x128xi32, #tpu.memory_space<vmem>> -> memref<1x128xi32, #tpu.memory_space<vmem>>
      %dma_wait3A_379 = tpu.memref_squeeze %dma_wait3A_378 : memref<1x128xi32, #tpu.memory_space<vmem>> -> memref<128xi32, #tpu.memory_space<vmem>>
      %dma_wait3A_380 = arith.constant 0 : i32
      %dma_wait3A_381 = tpu.memref_slice %arg17[%dma_wait3A_380] : memref<81920xf32, #tpu.memory_space<vmem_shared>> -> memref<81920xf32, #tpu.memory_space<vmem_shared>>
      tpu.wait_indirect_dma semaphore(%arg20 : memref<!tpu.dma_semaphore, #tpu.memory_space<semaphore_mem>>) src(%arg13 : memref<128xf32, #tpu.memory_space<vmem>>) dst(%dma_wait3A_381 : memref<81920xf32, #tpu.memory_space<vmem_shared>>)
      %add3A_382 = arith.constant 2 : i32
      %add3A_383 = arith.addi %mul3A_166, %add3A_382 : i32
      %lt3A_384 = arith.constant 20 : i32
      %lt3A_385 = arith.cmpi slt, %add3A_383, %lt3A_384 : i32
      %convert_element_type3A_386 = arith.extui %lt3A_385 : i1 to i32
      %cond3A_387 = arith.constant 0 : i32
      %cond3A_388 = arith.cmpi ne, %convert_element_type3A_386, %cond3A_387 : i32
      scf.if %cond3A_388 {
        %add3A_534 = arith.constant 2 : i32
        %add3A_535 = arith.addi %mul3A_166, %add3A_534 : i32
        %mul3A_536 = arith.constant 4 : i32
        %mul3A_537 = arith.muli %add3A_535, %mul3A_536 : i32
        %add3A_538 = arith.constant 0 : i32
        %add3A_539 = arith.addi %mul3A_537, %add3A_538 : i32
        %dma_start3A_540 = arith.constant 0 : i32
        %dma_start3A_541 = arith.constant 0 : i32
        %dma_start3A_542 = tpu.memref_slice %arg11[%dma_start3A_540, %dma_start3A_541] : memref<512x64xbf16, #tpu.memory_space<vmem>> -> memref<128x64xbf16, #tpu.memory_space<vmem>>
        %dma_start3A_543 = arith.constant 0 : i32
        %dma_start3A_544 = tpu.memref_slice %arg8[%add3A_539, %dma_start3A_543] : memref<80x128xi32, #tpu.memory_space<vmem>> -> memref<1x128xi32, #tpu.memory_space<vmem>>
        %dma_start3A_545 = tpu.memref_squeeze %dma_start3A_544 : memref<1x128xi32, #tpu.memory_space<vmem>> -> memref<128xi32, #tpu.memory_space<vmem>>
        %dma_start3A_546 = arith.constant 0 : i32
        %dma_start3A_547 = arith.constant 0 : i32
        %dma_start3A_548 = tpu.memref_slice %arg15[%dma_start3A_546, %dma_start3A_547] : memref<10240x64xbf16, #tpu.memory_space<vmem_shared>> -> memref<10240x64xbf16, #tpu.memory_space<vmem_shared>>
        tpu.enqueue_indirect_dma source(%dma_start3A_548 : memref<10240x64xbf16, #tpu.memory_space<vmem_shared>>) target(%dma_start3A_542 : memref<128x64xbf16, #tpu.memory_space<vmem>>) offsets(%dma_start3A_545 : memref<128xi32, #tpu.memory_space<vmem>>) semaphore(%arg18 : memref<!tpu.dma_semaphore, #tpu.memory_space<semaphore_mem>>)
        %mul3A_549 = arith.constant 4 : i32
        %mul3A_550 = arith.muli %add3A_535, %mul3A_549 : i32
        %add3A_551 = arith.constant 1 : i32
        %add3A_552 = arith.addi %mul3A_550, %add3A_551 : i32
        %dma_start3A_553 = arith.constant 128 : i32
        %dma_start3A_554 = arith.constant 0 : i32
        %dma_start3A_555 = tpu.memref_slice %arg11[%dma_start3A_553, %dma_start3A_554] : memref<512x64xbf16, #tpu.memory_space<vmem>> -> memref<128x64xbf16, #tpu.memory_space<vmem>>
        %dma_start3A_556 = arith.constant 0 : i32
        %dma_start3A_557 = tpu.memref_slice %arg8[%add3A_552, %dma_start3A_556] : memref<80x128xi32, #tpu.memory_space<vmem>> -> memref<1x128xi32, #tpu.memory_space<vmem>>
        %dma_start3A_558 = tpu.memref_squeeze %dma_start3A_557 : memref<1x128xi32, #tpu.memory_space<vmem>> -> memref<128xi32, #tpu.memory_space<vmem>>
        %dma_start3A_559 = arith.constant 0 : i32
        %dma_start3A_560 = arith.constant 0 : i32
        %dma_start3A_561 = tpu.memref_slice %arg15[%dma_start3A_559, %dma_start3A_560] : memref<10240x64xbf16, #tpu.memory_space<vmem_shared>> -> memref<10240x64xbf16, #tpu.memory_space<vmem_shared>>
        tpu.enqueue_indirect_dma source(%dma_start3A_561 : memref<10240x64xbf16, #tpu.memory_space<vmem_shared>>) target(%dma_start3A_555 : memref<128x64xbf16, #tpu.memory_space<vmem>>) offsets(%dma_start3A_558 : memref<128xi32, #tpu.memory_space<vmem>>) semaphore(%arg18 : memref<!tpu.dma_semaphore, #tpu.memory_space<semaphore_mem>>)
        %mul3A_562 = arith.constant 4 : i32
        %mul3A_563 = arith.muli %add3A_535, %mul3A_562 : i32
        %add3A_564 = arith.constant 2 : i32
        %add3A_565 = arith.addi %mul3A_563, %add3A_564 : i32
        %dma_start3A_566 = arith.constant 256 : i32
        %dma_start3A_567 = arith.constant 0 : i32
        %dma_start3A_568 = tpu.memref_slice %arg11[%dma_start3A_566, %dma_start3A_567] : memref<512x64xbf16, #tpu.memory_space<vmem>> -> memref<128x64xbf16, #tpu.memory_space<vmem>>
        %dma_start3A_569 = arith.constant 0 : i32
        %dma_start3A_570 = tpu.memref_slice %arg8[%add3A_565, %dma_start3A_569] : memref<80x128xi32, #tpu.memory_space<vmem>> -> memref<1x128xi32, #tpu.memory_space<vmem>>
        %dma_start3A_571 = tpu.memref_squeeze %dma_start3A_570 : memref<1x128xi32, #tpu.memory_space<vmem>> -> memref<128xi32, #tpu.memory_space<vmem>>
        %dma_start3A_572 = arith.constant 0 : i32
        %dma_start3A_573 = arith.constant 0 : i32
        %dma_start3A_574 = tpu.memref_slice %arg15[%dma_start3A_572, %dma_start3A_573] : memref<10240x64xbf16, #tpu.memory_space<vmem_shared>> -> memref<10240x64xbf16, #tpu.memory_space<vmem_shared>>
        tpu.enqueue_indirect_dma source(%dma_start3A_574 : memref<10240x64xbf16, #tpu.memory_space<vmem_shared>>) target(%dma_start3A_568 : memref<128x64xbf16, #tpu.memory_space<vmem>>) offsets(%dma_start3A_571 : memref<128xi32, #tpu.memory_space<vmem>>) semaphore(%arg18 : memref<!tpu.dma_semaphore, #tpu.memory_space<semaphore_mem>>)
        %mul3A_575 = arith.constant 4 : i32
        %mul3A_576 = arith.muli %add3A_535, %mul3A_575 : i32
        %add3A_577 = arith.constant 3 : i32
        %add3A_578 = arith.addi %mul3A_576, %add3A_577 : i32
        %dma_start3A_579 = arith.constant 384 : i32
        %dma_start3A_580 = arith.constant 0 : i32
        %dma_start3A_581 = tpu.memref_slice %arg11[%dma_start3A_579, %dma_start3A_580] : memref<512x64xbf16, #tpu.memory_space<vmem>> -> memref<128x64xbf16, #tpu.memory_space<vmem>>
        %dma_start3A_582 = arith.constant 0 : i32
        %dma_start3A_583 = tpu.memref_slice %arg8[%add3A_578, %dma_start3A_582] : memref<80x128xi32, #tpu.memory_space<vmem>> -> memref<1x128xi32, #tpu.memory_space<vmem>>
        %dma_start3A_584 = tpu.memref_squeeze %dma_start3A_583 : memref<1x128xi32, #tpu.memory_space<vmem>> -> memref<128xi32, #tpu.memory_space<vmem>>
        %dma_start3A_585 = arith.constant 0 : i32
        %dma_start3A_586 = arith.constant 0 : i32
        %dma_start3A_587 = tpu.memref_slice %arg15[%dma_start3A_585, %dma_start3A_586] : memref<10240x64xbf16, #tpu.memory_space<vmem_shared>> -> memref<10240x64xbf16, #tpu.memory_space<vmem_shared>>
        tpu.enqueue_indirect_dma source(%dma_start3A_587 : memref<10240x64xbf16, #tpu.memory_space<vmem_shared>>) target(%dma_start3A_581 : memref<128x64xbf16, #tpu.memory_space<vmem>>) offsets(%dma_start3A_584 : memref<128xi32, #tpu.memory_space<vmem>>) semaphore(%arg18 : memref<!tpu.dma_semaphore, #tpu.memory_space<semaphore_mem>>)
      } else {
      }
      %add3A_389 = arith.constant 1 : i32
      %add3A_390 = arith.addi %mul3A_166, %add3A_389 : i32
      %mul3A_391 = arith.constant 4 : i32
      %mul3A_392 = arith.muli %add3A_390, %mul3A_391 : i32
      %add3A_393 = arith.constant 0 : i32
      %add3A_394 = arith.addi %mul3A_392, %add3A_393 : i32
      %dma_start3A_395 = arith.constant 0 : i32
      %dma_start3A_396 = arith.constant 0 : i32
      %dma_start3A_397 = tpu.memref_slice %arg12[%dma_start3A_395, %dma_start3A_396] : memref<512x64xbf16, #tpu.memory_space<vmem>> -> memref<128x64xbf16, #tpu.memory_space<vmem>>
      %dma_start3A_398 = arith.constant 0 : i32
      %dma_start3A_399 = tpu.memref_slice %arg9[%add3A_394, %dma_start3A_398] : memref<80x128xi32, #tpu.memory_space<vmem>> -> memref<1x128xi32, #tpu.memory_space<vmem>>
      %dma_start3A_400 = tpu.memref_squeeze %dma_start3A_399 : memref<1x128xi32, #tpu.memory_space<vmem>> -> memref<128xi32, #tpu.memory_space<vmem>>
      %dma_start3A_401 = arith.constant 0 : i32
      %dma_start3A_402 = arith.constant 0 : i32
      %dma_start3A_403 = tpu.memref_slice %arg16[%dma_start3A_401, %dma_start3A_402] : memref<10240x64xbf16, #tpu.memory_space<vmem_shared>> -> memref<10240x64xbf16, #tpu.memory_space<vmem_shared>>
      tpu.enqueue_indirect_dma source(%dma_start3A_397 : memref<128x64xbf16, #tpu.memory_space<vmem>>) target(%dma_start3A_403 : memref<10240x64xbf16, #tpu.memory_space<vmem_shared>>) offsets(%dma_start3A_400 : memref<128xi32, #tpu.memory_space<vmem>>) semaphore(%arg21 : memref<!tpu.dma_semaphore, #tpu.memory_space<semaphore_mem>>) {add = true}
      %dma_start3A_404 = arith.constant 0 : i32
      %dma_start3A_405 = tpu.memref_slice %arg10[%add3A_394, %dma_start3A_404] : memref<80x128xi32, #tpu.memory_space<vmem>> -> memref<1x128xi32, #tpu.memory_space<vmem>>
      %dma_start3A_406 = tpu.memref_squeeze %dma_start3A_405 : memref<1x128xi32, #tpu.memory_space<vmem>> -> memref<128xi32, #tpu.memory_space<vmem>>
      %dma_start3A_407 = arith.constant 0 : i32
      %dma_start3A_408 = tpu.memref_slice %arg17[%dma_start3A_407] : memref<81920xf32, #tpu.memory_space<vmem_shared>> -> memref<81920xf32, #tpu.memory_space<vmem_shared>>
      tpu.enqueue_indirect_dma source(%arg13 : memref<128xf32, #tpu.memory_space<vmem>>) target(%dma_start3A_408 : memref<81920xf32, #tpu.memory_space<vmem_shared>>) offsets(%dma_start3A_406 : memref<128xi32, #tpu.memory_space<vmem>>) semaphore(%arg21 : memref<!tpu.dma_semaphore, #tpu.memory_space<semaphore_mem>>) {add = true}
      %mul3A_409 = arith.constant 4 : i32
      %mul3A_410 = arith.muli %add3A_390, %mul3A_409 : i32
      %add3A_411 = arith.constant 1 : i32
      %add3A_412 = arith.addi %mul3A_410, %add3A_411 : i32
      %dma_start3A_413 = arith.constant 128 : i32
      %dma_start3A_414 = arith.constant 0 : i32
      %dma_start3A_415 = tpu.memref_slice %arg12[%dma_start3A_413, %dma_start3A_414] : memref<512x64xbf16, #tpu.memory_space<vmem>> -> memref<128x64xbf16, #tpu.memory_space<vmem>>
      %dma_start3A_416 = arith.constant 0 : i32
      %dma_start3A_417 = tpu.memref_slice %arg9[%add3A_412, %dma_start3A_416] : memref<80x128xi32, #tpu.memory_space<vmem>> -> memref<1x128xi32, #tpu.memory_space<vmem>>
      %dma_start3A_418 = tpu.memref_squeeze %dma_start3A_417 : memref<1x128xi32, #tpu.memory_space<vmem>> -> memref<128xi32, #tpu.memory_space<vmem>>
      %dma_start3A_419 = arith.constant 0 : i32
      %dma_start3A_420 = arith.constant 0 : i32
      %dma_start3A_421 = tpu.memref_slice %arg16[%dma_start3A_419, %dma_start3A_420] : memref<10240x64xbf16, #tpu.memory_space<vmem_shared>> -> memref<10240x64xbf16, #tpu.memory_space<vmem_shared>>
      tpu.enqueue_indirect_dma source(%dma_start3A_415 : memref<128x64xbf16, #tpu.memory_space<vmem>>) target(%dma_start3A_421 : memref<10240x64xbf16, #tpu.memory_space<vmem_shared>>) offsets(%dma_start3A_418 : memref<128xi32, #tpu.memory_space<vmem>>) semaphore(%arg21 : memref<!tpu.dma_semaphore, #tpu.memory_space<semaphore_mem>>) {add = true}
      %dma_start3A_422 = arith.constant 0 : i32
      %dma_start3A_423 = tpu.memref_slice %arg10[%add3A_412, %dma_start3A_422] : memref<80x128xi32, #tpu.memory_space<vmem>> -> memref<1x128xi32, #tpu.memory_space<vmem>>
      %dma_start3A_424 = tpu.memref_squeeze %dma_start3A_423 : memref<1x128xi32, #tpu.memory_space<vmem>> -> memref<128xi32, #tpu.memory_space<vmem>>
      %dma_start3A_425 = arith.constant 0 : i32
      %dma_start3A_426 = tpu.memref_slice %arg17[%dma_start3A_425] : memref<81920xf32, #tpu.memory_space<vmem_shared>> -> memref<81920xf32, #tpu.memory_space<vmem_shared>>
      tpu.enqueue_indirect_dma source(%arg13 : memref<128xf32, #tpu.memory_space<vmem>>) target(%dma_start3A_426 : memref<81920xf32, #tpu.memory_space<vmem_shared>>) offsets(%dma_start3A_424 : memref<128xi32, #tpu.memory_space<vmem>>) semaphore(%arg21 : memref<!tpu.dma_semaphore, #tpu.memory_space<semaphore_mem>>) {add = true}
      %mul3A_427 = arith.constant 4 : i32
      %mul3A_428 = arith.muli %add3A_390, %mul3A_427 : i32
      %add3A_429 = arith.constant 2 : i32
      %add3A_430 = arith.addi %mul3A_428, %add3A_429 : i32
      %dma_start3A_431 = arith.constant 256 : i32
      %dma_start3A_432 = arith.constant 0 : i32
      %dma_start3A_433 = tpu.memref_slice %arg12[%dma_start3A_431, %dma_start3A_432] : memref<512x64xbf16, #tpu.memory_space<vmem>> -> memref<128x64xbf16, #tpu.memory_space<vmem>>
      %dma_start3A_434 = arith.constant 0 : i32
      %dma_start3A_435 = tpu.memref_slice %arg9[%add3A_430, %dma_start3A_434] : memref<80x128xi32, #tpu.memory_space<vmem>> -> memref<1x128xi32, #tpu.memory_space<vmem>>
      %dma_start3A_436 = tpu.memref_squeeze %dma_start3A_435 : memref<1x128xi32, #tpu.memory_space<vmem>> -> memref<128xi32, #tpu.memory_space<vmem>>
      %dma_start3A_437 = arith.constant 0 : i32
      %dma_start3A_438 = arith.constant 0 : i32
      %dma_start3A_439 = tpu.memref_slice %arg16[%dma_start3A_437, %dma_start3A_438] : memref<10240x64xbf16, #tpu.memory_space<vmem_shared>> -> memref<10240x64xbf16, #tpu.memory_space<vmem_shared>>
      tpu.enqueue_indirect_dma source(%dma_start3A_433 : memref<128x64xbf16, #tpu.memory_space<vmem>>) target(%dma_start3A_439 : memref<10240x64xbf16, #tpu.memory_space<vmem_shared>>) offsets(%dma_start3A_436 : memref<128xi32, #tpu.memory_space<vmem>>) semaphore(%arg21 : memref<!tpu.dma_semaphore, #tpu.memory_space<semaphore_mem>>) {add = true}
      %dma_start3A_440 = arith.constant 0 : i32
      %dma_start3A_441 = tpu.memref_slice %arg10[%add3A_430, %dma_start3A_440] : memref<80x128xi32, #tpu.memory_space<vmem>> -> memref<1x128xi32, #tpu.memory_space<vmem>>
      %dma_start3A_442 = tpu.memref_squeeze %dma_start3A_441 : memref<1x128xi32, #tpu.memory_space<vmem>> -> memref<128xi32, #tpu.memory_space<vmem>>
      %dma_start3A_443 = arith.constant 0 : i32
      %dma_start3A_444 = tpu.memref_slice %arg17[%dma_start3A_443] : memref<81920xf32, #tpu.memory_space<vmem_shared>> -> memref<81920xf32, #tpu.memory_space<vmem_shared>>
      tpu.enqueue_indirect_dma source(%arg13 : memref<128xf32, #tpu.memory_space<vmem>>) target(%dma_start3A_444 : memref<81920xf32, #tpu.memory_space<vmem_shared>>) offsets(%dma_start3A_442 : memref<128xi32, #tpu.memory_space<vmem>>) semaphore(%arg21 : memref<!tpu.dma_semaphore, #tpu.memory_space<semaphore_mem>>) {add = true}
      %mul3A_445 = arith.constant 4 : i32
      %mul3A_446 = arith.muli %add3A_390, %mul3A_445 : i32
      %add3A_447 = arith.constant 3 : i32
      %add3A_448 = arith.addi %mul3A_446, %add3A_447 : i32
      %dma_start3A_449 = arith.constant 384 : i32
      %dma_start3A_450 = arith.constant 0 : i32
      %dma_start3A_451 = tpu.memref_slice %arg12[%dma_start3A_449, %dma_start3A_450] : memref<512x64xbf16, #tpu.memory_space<vmem>> -> memref<128x64xbf16, #tpu.memory_space<vmem>>
      %dma_start3A_452 = arith.constant 0 : i32
      %dma_start3A_453 = tpu.memref_slice %arg9[%add3A_448, %dma_start3A_452] : memref<80x128xi32, #tpu.memory_space<vmem>> -> memref<1x128xi32, #tpu.memory_space<vmem>>
      %dma_start3A_454 = tpu.memref_squeeze %dma_start3A_453 : memref<1x128xi32, #tpu.memory_space<vmem>> -> memref<128xi32, #tpu.memory_space<vmem>>
      %dma_start3A_455 = arith.constant 0 : i32
      %dma_start3A_456 = arith.constant 0 : i32
      %dma_start3A_457 = tpu.memref_slice %arg16[%dma_start3A_455, %dma_start3A_456] : memref<10240x64xbf16, #tpu.memory_space<vmem_shared>> -> memref<10240x64xbf16, #tpu.memory_space<vmem_shared>>
      tpu.enqueue_indirect_dma source(%dma_start3A_451 : memref<128x64xbf16, #tpu.memory_space<vmem>>) target(%dma_start3A_457 : memref<10240x64xbf16, #tpu.memory_space<vmem_shared>>) offsets(%dma_start3A_454 : memref<128xi32, #tpu.memory_space<vmem>>) semaphore(%arg21 : memref<!tpu.dma_semaphore, #tpu.memory_space<semaphore_mem>>) {add = true}
      %dma_start3A_458 = arith.constant 0 : i32
      %dma_start3A_459 = tpu.memref_slice %arg10[%add3A_448, %dma_start3A_458] : memref<80x128xi32, #tpu.memory_space<vmem>> -> memref<1x128xi32, #tpu.memory_space<vmem>>
      %dma_start3A_460 = tpu.memref_squeeze %dma_start3A_459 : memref<1x128xi32, #tpu.memory_space<vmem>> -> memref<128xi32, #tpu.memory_space<vmem>>
      %dma_start3A_461 = arith.constant 0 : i32
      %dma_start3A_462 = tpu.memref_slice %arg17[%dma_start3A_461] : memref<81920xf32, #tpu.memory_space<vmem_shared>> -> memref<81920xf32, #tpu.memory_space<vmem_shared>>
      tpu.enqueue_indirect_dma source(%arg13 : memref<128xf32, #tpu.memory_space<vmem>>) target(%dma_start3A_462 : memref<81920xf32, #tpu.memory_space<vmem_shared>>) offsets(%dma_start3A_460 : memref<128xi32, #tpu.memory_space<vmem>>) semaphore(%arg21 : memref<!tpu.dma_semaphore, #tpu.memory_space<semaphore_mem>>) {add = true}
      %dma_wait3A_463 = arith.constant 0 : i32
      %dma_wait3A_464 = arith.constant 0 : i32
      %dma_wait3A_465 = arith.constant 0 : i32
      %dma_wait3A_466 = tpu.memref_slice %arg12[%dma_wait3A_464, %dma_wait3A_465] : memref<512x64xbf16, #tpu.memory_space<vmem>> -> memref<128x64xbf16, #tpu.memory_space<vmem>>
      %dma_wait3A_467 = arith.constant 0 : i32
      %dma_wait3A_468 = tpu.memref_slice %arg9[%dma_wait3A_463, %dma_wait3A_467] : memref<80x128xi32, #tpu.memory_space<vmem>> -> memref<1x128xi32, #tpu.memory_space<vmem>>
      %dma_wait3A_469 = tpu.memref_squeeze %dma_wait3A_468 : memref<1x128xi32, #tpu.memory_space<vmem>> -> memref<128xi32, #tpu.memory_space<vmem>>
      %dma_wait3A_470 = arith.constant 0 : i32
      %dma_wait3A_471 = arith.constant 0 : i32
      %dma_wait3A_472 = tpu.memref_slice %arg16[%dma_wait3A_470, %dma_wait3A_471] : memref<10240x64xbf16, #tpu.memory_space<vmem_shared>> -> memref<10240x64xbf16, #tpu.memory_space<vmem_shared>>
      tpu.wait_indirect_dma semaphore(%arg21 : memref<!tpu.dma_semaphore, #tpu.memory_space<semaphore_mem>>) src(%dma_wait3A_466 : memref<128x64xbf16, #tpu.memory_space<vmem>>) dst(%dma_wait3A_472 : memref<10240x64xbf16, #tpu.memory_space<vmem_shared>>)
      %dma_wait3A_473 = arith.constant 0 : i32
      %dma_wait3A_474 = arith.constant 0 : i32
      %dma_wait3A_475 = tpu.memref_slice %arg10[%dma_wait3A_473, %dma_wait3A_474] : memref<80x128xi32, #tpu.memory_space<vmem>> -> memref<1x128xi32, #tpu.memory_space<vmem>>
      %dma_wait3A_476 = tpu.memref_squeeze %dma_wait3A_475 : memref<1x128xi32, #tpu.memory_space<vmem>> -> memref<128xi32, #tpu.memory_space<vmem>>
      %dma_wait3A_477 = arith.constant 0 : i32
      %dma_wait3A_478 = tpu.memref_slice %arg17[%dma_wait3A_477] : memref<81920xf32, #tpu.memory_space<vmem_shared>> -> memref<81920xf32, #tpu.memory_space<vmem_shared>>
      tpu.wait_indirect_dma semaphore(%arg21 : memref<!tpu.dma_semaphore, #tpu.memory_space<semaphore_mem>>) src(%arg13 : memref<128xf32, #tpu.memory_space<vmem>>) dst(%dma_wait3A_478 : memref<81920xf32, #tpu.memory_space<vmem_shared>>)
      %dma_wait3A_479 = arith.constant 0 : i32
      %dma_wait3A_480 = arith.constant 128 : i32
      %dma_wait3A_481 = arith.constant 0 : i32
      %dma_wait3A_482 = tpu.memref_slice %arg12[%dma_wait3A_480, %dma_wait3A_481] : memref<512x64xbf16, #tpu.memory_space<vmem>> -> memref<128x64xbf16, #tpu.memory_space<vmem>>
      %dma_wait3A_483 = arith.constant 0 : i32
      %dma_wait3A_484 = tpu.memref_slice %arg9[%dma_wait3A_479, %dma_wait3A_483] : memref<80x128xi32, #tpu.memory_space<vmem>> -> memref<1x128xi32, #tpu.memory_space<vmem>>
      %dma_wait3A_485 = tpu.memref_squeeze %dma_wait3A_484 : memref<1x128xi32, #tpu.memory_space<vmem>> -> memref<128xi32, #tpu.memory_space<vmem>>
      %dma_wait3A_486 = arith.constant 0 : i32
      %dma_wait3A_487 = arith.constant 0 : i32
      %dma_wait3A_488 = tpu.memref_slice %arg16[%dma_wait3A_486, %dma_wait3A_487] : memref<10240x64xbf16, #tpu.memory_space<vmem_shared>> -> memref<10240x64xbf16, #tpu.memory_space<vmem_shared>>
      tpu.wait_indirect_dma semaphore(%arg21 : memref<!tpu.dma_semaphore, #tpu.memory_space<semaphore_mem>>) src(%dma_wait3A_482 : memref<128x64xbf16, #tpu.memory_space<vmem>>) dst(%dma_wait3A_488 : memref<10240x64xbf16, #tpu.memory_space<vmem_shared>>)
      %dma_wait3A_489 = arith.constant 0 : i32
      %dma_wait3A_490 = arith.constant 0 : i32
      %dma_wait3A_491 = tpu.memref_slice %arg10[%dma_wait3A_489, %dma_wait3A_490] : memref<80x128xi32, #tpu.memory_space<vmem>> -> memref<1x128xi32, #tpu.memory_space<vmem>>
      %dma_wait3A_492 = tpu.memref_squeeze %dma_wait3A_491 : memref<1x128xi32, #tpu.memory_space<vmem>> -> memref<128xi32, #tpu.memory_space<vmem>>
      %dma_wait3A_493 = arith.constant 0 : i32
      %dma_wait3A_494 = tpu.memref_slice %arg17[%dma_wait3A_493] : memref<81920xf32, #tpu.memory_space<vmem_shared>> -> memref<81920xf32, #tpu.memory_space<vmem_shared>>
      tpu.wait_indirect_dma semaphore(%arg21 : memref<!tpu.dma_semaphore, #tpu.memory_space<semaphore_mem>>) src(%arg13 : memref<128xf32, #tpu.memory_space<vmem>>) dst(%dma_wait3A_494 : memref<81920xf32, #tpu.memory_space<vmem_shared>>)
      %dma_wait3A_495 = arith.constant 0 : i32
      %dma_wait3A_496 = arith.constant 256 : i32
      %dma_wait3A_497 = arith.constant 0 : i32
      %dma_wait3A_498 = tpu.memref_slice %arg12[%dma_wait3A_496, %dma_wait3A_497] : memref<512x64xbf16, #tpu.memory_space<vmem>> -> memref<128x64xbf16, #tpu.memory_space<vmem>>
      %dma_wait3A_499 = arith.constant 0 : i32
      %dma_wait3A_500 = tpu.memref_slice %arg9[%dma_wait3A_495, %dma_wait3A_499] : memref<80x128xi32, #tpu.memory_space<vmem>> -> memref<1x128xi32, #tpu.memory_space<vmem>>
      %dma_wait3A_501 = tpu.memref_squeeze %dma_wait3A_500 : memref<1x128xi32, #tpu.memory_space<vmem>> -> memref<128xi32, #tpu.memory_space<vmem>>
      %dma_wait3A_502 = arith.constant 0 : i32
      %dma_wait3A_503 = arith.constant 0 : i32
      %dma_wait3A_504 = tpu.memref_slice %arg16[%dma_wait3A_502, %dma_wait3A_503] : memref<10240x64xbf16, #tpu.memory_space<vmem_shared>> -> memref<10240x64xbf16, #tpu.memory_space<vmem_shared>>
      tpu.wait_indirect_dma semaphore(%arg21 : memref<!tpu.dma_semaphore, #tpu.memory_space<semaphore_mem>>) src(%dma_wait3A_498 : memref<128x64xbf16, #tpu.memory_space<vmem>>) dst(%dma_wait3A_504 : memref<10240x64xbf16, #tpu.memory_space<vmem_shared>>)
      %dma_wait3A_505 = arith.constant 0 : i32
      %dma_wait3A_506 = arith.constant 0 : i32
      %dma_wait3A_507 = tpu.memref_slice %arg10[%dma_wait3A_505, %dma_wait3A_506] : memref<80x128xi32, #tpu.memory_space<vmem>> -> memref<1x128xi32, #tpu.memory_space<vmem>>
      %dma_wait3A_508 = tpu.memref_squeeze %dma_wait3A_507 : memref<1x128xi32, #tpu.memory_space<vmem>> -> memref<128xi32, #tpu.memory_space<vmem>>
      %dma_wait3A_509 = arith.constant 0 : i32
      %dma_wait3A_510 = tpu.memref_slice %arg17[%dma_wait3A_509] : memref<81920xf32, #tpu.memory_space<vmem_shared>> -> memref<81920xf32, #tpu.memory_space<vmem_shared>>
      tpu.wait_indirect_dma semaphore(%arg21 : memref<!tpu.dma_semaphore, #tpu.memory_space<semaphore_mem>>) src(%arg13 : memref<128xf32, #tpu.memory_space<vmem>>) dst(%dma_wait3A_510 : memref<81920xf32, #tpu.memory_space<vmem_shared>>)
      %dma_wait3A_511 = arith.constant 0 : i32
      %dma_wait3A_512 = arith.constant 384 : i32
      %dma_wait3A_513 = arith.constant 0 : i32
      %dma_wait3A_514 = tpu.memref_slice %arg12[%dma_wait3A_512, %dma_wait3A_513] : memref<512x64xbf16, #tpu.memory_space<vmem>> -> memref<128x64xbf16, #tpu.memory_space<vmem>>
      %dma_wait3A_515 = arith.constant 0 : i32
      %dma_wait3A_516 = tpu.memref_slice %arg9[%dma_wait3A_511, %dma_wait3A_515] : memref<80x128xi32, #tpu.memory_space<vmem>> -> memref<1x128xi32, #tpu.memory_space<vmem>>
      %dma_wait3A_517 = tpu.memref_squeeze %dma_wait3A_516 : memref<1x128xi32, #tpu.memory_space<vmem>> -> memref<128xi32, #tpu.memory_space<vmem>>
      %dma_wait3A_518 = arith.constant 0 : i32
      %dma_wait3A_519 = arith.constant 0 : i32
      %dma_wait3A_520 = tpu.memref_slice %arg16[%dma_wait3A_518, %dma_wait3A_519] : memref<10240x64xbf16, #tpu.memory_space<vmem_shared>> -> memref<10240x64xbf16, #tpu.memory_space<vmem_shared>>
      tpu.wait_indirect_dma semaphore(%arg21 : memref<!tpu.dma_semaphore, #tpu.memory_space<semaphore_mem>>) src(%dma_wait3A_514 : memref<128x64xbf16, #tpu.memory_space<vmem>>) dst(%dma_wait3A_520 : memref<10240x64xbf16, #tpu.memory_space<vmem_shared>>)
      %dma_wait3A_521 = arith.constant 0 : i32
      %dma_wait3A_522 = arith.constant 0 : i32
      %dma_wait3A_523 = tpu.memref_slice %arg10[%dma_wait3A_521, %dma_wait3A_522] : memref<80x128xi32, #tpu.memory_space<vmem>> -> memref<1x128xi32, #tpu.memory_space<vmem>>
      %dma_wait3A_524 = tpu.memref_squeeze %dma_wait3A_523 : memref<1x128xi32, #tpu.memory_space<vmem>> -> memref<128xi32, #tpu.memory_space<vmem>>
      %dma_wait3A_525 = arith.constant 0 : i32
      %dma_wait3A_526 = tpu.memref_slice %arg17[%dma_wait3A_525] : memref<81920xf32, #tpu.memory_space<vmem_shared>> -> memref<81920xf32, #tpu.memory_space<vmem_shared>>
      tpu.wait_indirect_dma semaphore(%arg21 : memref<!tpu.dma_semaphore, #tpu.memory_space<semaphore_mem>>) src(%arg13 : memref<128xf32, #tpu.memory_space<vmem>>) dst(%dma_wait3A_526 : memref<81920xf32, #tpu.memory_space<vmem_shared>>)
      %add3A_527 = arith.constant 3 : i32
      %add3A_528 = arith.addi %mul3A_166, %add3A_527 : i32
      %lt3A_529 = arith.constant 20 : i32
      %lt3A_530 = arith.cmpi slt, %add3A_528, %lt3A_529 : i32
      %convert_element_type3A_531 = arith.extui %lt3A_530 : i1 to i32
      %cond3A_532 = arith.constant 0 : i32
      %cond3A_533 = arith.cmpi ne, %convert_element_type3A_531, %cond3A_532 : i32
      scf.if %cond3A_533 {
        %add3A_534 = arith.constant 3 : i32
        %add3A_535 = arith.addi %mul3A_166, %add3A_534 : i32
        %mul3A_536 = arith.constant 4 : i32
        %mul3A_537 = arith.muli %add3A_535, %mul3A_536 : i32
        %add3A_538 = arith.constant 0 : i32
        %add3A_539 = arith.addi %mul3A_537, %add3A_538 : i32
        %dma_start3A_540 = arith.constant 0 : i32
        %dma_start3A_541 = arith.constant 0 : i32
        %dma_start3A_542 = tpu.memref_slice %arg12[%dma_start3A_540, %dma_start3A_541] : memref<512x64xbf16, #tpu.memory_space<vmem>> -> memref<128x64xbf16, #tpu.memory_space<vmem>>
        %dma_start3A_543 = arith.constant 0 : i32
        %dma_start3A_544 = tpu.memref_slice %arg8[%add3A_539, %dma_start3A_543] : memref<80x128xi32, #tpu.memory_space<vmem>> -> memref<1x128xi32, #tpu.memory_space<vmem>>
        %dma_start3A_545 = tpu.memref_squeeze %dma_start3A_544 : memref<1x128xi32, #tpu.memory_space<vmem>> -> memref<128xi32, #tpu.memory_space<vmem>>
        %dma_start3A_546 = arith.constant 0 : i32
        %dma_start3A_547 = arith.constant 0 : i32
        %dma_start3A_548 = tpu.memref_slice %arg15[%dma_start3A_546, %dma_start3A_547] : memref<10240x64xbf16, #tpu.memory_space<vmem_shared>> -> memref<10240x64xbf16, #tpu.memory_space<vmem_shared>>
        tpu.enqueue_indirect_dma source(%dma_start3A_548 : memref<10240x64xbf16, #tpu.memory_space<vmem_shared>>) target(%dma_start3A_542 : memref<128x64xbf16, #tpu.memory_space<vmem>>) offsets(%dma_start3A_545 : memref<128xi32, #tpu.memory_space<vmem>>) semaphore(%arg19 : memref<!tpu.dma_semaphore, #tpu.memory_space<semaphore_mem>>)
        %mul3A_549 = arith.constant 4 : i32
        %mul3A_550 = arith.muli %add3A_535, %mul3A_549 : i32
        %add3A_551 = arith.constant 1 : i32
        %add3A_552 = arith.addi %mul3A_550, %add3A_551 : i32
        %dma_start3A_553 = arith.constant 128 : i32
        %dma_start3A_554 = arith.constant 0 : i32
        %dma_start3A_555 = tpu.memref_slice %arg12[%dma_start3A_553, %dma_start3A_554] : memref<512x64xbf16, #tpu.memory_space<vmem>> -> memref<128x64xbf16, #tpu.memory_space<vmem>>
        %dma_start3A_556 = arith.constant 0 : i32
        %dma_start3A_557 = tpu.memref_slice %arg8[%add3A_552, %dma_start3A_556] : memref<80x128xi32, #tpu.memory_space<vmem>> -> memref<1x128xi32, #tpu.memory_space<vmem>>
        %dma_start3A_558 = tpu.memref_squeeze %dma_start3A_557 : memref<1x128xi32, #tpu.memory_space<vmem>> -> memref<128xi32, #tpu.memory_space<vmem>>
        %dma_start3A_559 = arith.constant 0 : i32
        %dma_start3A_560 = arith.constant 0 : i32
        %dma_start3A_561 = tpu.memref_slice %arg15[%dma_start3A_559, %dma_start3A_560] : memref<10240x64xbf16, #tpu.memory_space<vmem_shared>> -> memref<10240x64xbf16, #tpu.memory_space<vmem_shared>>
        tpu.enqueue_indirect_dma source(%dma_start3A_561 : memref<10240x64xbf16, #tpu.memory_space<vmem_shared>>) target(%dma_start3A_555 : memref<128x64xbf16, #tpu.memory_space<vmem>>) offsets(%dma_start3A_558 : memref<128xi32, #tpu.memory_space<vmem>>) semaphore(%arg19 : memref<!tpu.dma_semaphore, #tpu.memory_space<semaphore_mem>>)
        %mul3A_562 = arith.constant 4 : i32
        %mul3A_563 = arith.muli %add3A_535, %mul3A_562 : i32
        %add3A_564 = arith.constant 2 : i32
        %add3A_565 = arith.addi %mul3A_563, %add3A_564 : i32
        %dma_start3A_566 = arith.constant 256 : i32
        %dma_start3A_567 = arith.constant 0 : i32
        %dma_start3A_568 = tpu.memref_slice %arg12[%dma_start3A_566, %dma_start3A_567] : memref<512x64xbf16, #tpu.memory_space<vmem>> -> memref<128x64xbf16, #tpu.memory_space<vmem>>
        %dma_start3A_569 = arith.constant 0 : i32
        %dma_start3A_570 = tpu.memref_slice %arg8[%add3A_565, %dma_start3A_569] : memref<80x128xi32, #tpu.memory_space<vmem>> -> memref<1x128xi32, #tpu.memory_space<vmem>>
        %dma_start3A_571 = tpu.memref_squeeze %dma_start3A_570 : memref<1x128xi32, #tpu.memory_space<vmem>> -> memref<128xi32, #tpu.memory_space<vmem>>
        %dma_start3A_572 = arith.constant 0 : i32
        %dma_start3A_573 = arith.constant 0 : i32
        %dma_start3A_574 = tpu.memref_slice %arg15[%dma_start3A_572, %dma_start3A_573] : memref<10240x64xbf16, #tpu.memory_space<vmem_shared>> -> memref<10240x64xbf16, #tpu.memory_space<vmem_shared>>
        tpu.enqueue_indirect_dma source(%dma_start3A_574 : memref<10240x64xbf16, #tpu.memory_space<vmem_shared>>) target(%dma_start3A_568 : memref<128x64xbf16, #tpu.memory_space<vmem>>) offsets(%dma_start3A_571 : memref<128xi32, #tpu.memory_space<vmem>>) semaphore(%arg19 : memref<!tpu.dma_semaphore, #tpu.memory_space<semaphore_mem>>)
        %mul3A_575 = arith.constant 4 : i32
        %mul3A_576 = arith.muli %add3A_535, %mul3A_575 : i32
        %add3A_577 = arith.constant 3 : i32
        %add3A_578 = arith.addi %mul3A_576, %add3A_577 : i32
        %dma_start3A_579 = arith.constant 384 : i32
        %dma_start3A_580 = arith.constant 0 : i32
        %dma_start3A_581 = tpu.memref_slice %arg12[%dma_start3A_579, %dma_start3A_580] : memref<512x64xbf16, #tpu.memory_space<vmem>> -> memref<128x64xbf16, #tpu.memory_space<vmem>>
        %dma_start3A_582 = arith.constant 0 : i32
        %dma_start3A_583 = tpu.memref_slice %arg8[%add3A_578, %dma_start3A_582] : memref<80x128xi32, #tpu.memory_space<vmem>> -> memref<1x128xi32, #tpu.memory_space<vmem>>
        %dma_start3A_584 = tpu.memref_squeeze %dma_start3A_583 : memref<1x128xi32, #tpu.memory_space<vmem>> -> memref<128xi32, #tpu.memory_space<vmem>>
        %dma_start3A_585 = arith.constant 0 : i32
        %dma_start3A_586 = arith.constant 0 : i32
        %dma_start3A_587 = tpu.memref_slice %arg15[%dma_start3A_585, %dma_start3A_586] : memref<10240x64xbf16, #tpu.memory_space<vmem_shared>> -> memref<10240x64xbf16, #tpu.memory_space<vmem_shared>>
        tpu.enqueue_indirect_dma source(%dma_start3A_587 : memref<10240x64xbf16, #tpu.memory_space<vmem_shared>>) target(%dma_start3A_581 : memref<128x64xbf16, #tpu.memory_space<vmem>>) offsets(%dma_start3A_584 : memref<128xi32, #tpu.memory_space<vmem>>) semaphore(%arg19 : memref<!tpu.dma_semaphore, #tpu.memory_space<semaphore_mem>>)
      } else {
      }
    }
    %scan3A_156 = arith.constant 10 : i32
    %barrier3A_157 = arith.constant 0 : index
    tpu.barrier barrier_id(%barrier3A_157)
    %lt3A = arith.constant 16 : i32
    %lt3A_158 = arith.cmpi slt, %arg1, %lt3A : i32
    %convert_element_type3A = arith.extui %lt3A_158 : i1 to i32
    %cond3A = arith.constant 0 : i32
    %cond3A_159 = arith.cmpi ne, %convert_element_type3A, %cond3A : i32
    scf.if %cond3A_159 {
      %mul3A_164 = arith.constant 640 : i32
      %mul3A_165 = arith.muli %arg1, %mul3A_164 : i32
      %mul3A_166 = arith.constant 640 : i32
      %mul3A_167 = arith.muli %arg1, %mul3A_166 : i32
      "tpu.region"() ({
        %run_scoped3A = tpu.sem_alloc : memref<!tpu.dma_semaphore, #tpu.memory_space<semaphore_mem>>
        %dma_start3A_168 = arith.constant 0 : i32
        %dma_start3A_169 = tpu.memref_slice %arg6[%arg0, %mul3A_167, %dma_start3A_168] : memref<2x10240x64xbf16, #tpu.memory_space<hbm>> -> memref<1x640x64xbf16, #tpu.memory_space<hbm>>
        %dma_start3A_170 = tpu.memref_squeeze %dma_start3A_169 : memref<1x640x64xbf16, #tpu.memory_space<hbm>> -> memref<640x64xbf16, #tpu.memory_space<hbm>>
        %dma_start3A_171 = arith.constant 0 : i32
        %dma_start3A_172 = tpu.memref_slice %arg16[%mul3A_165, %dma_start3A_171] : memref<10240x64xbf16, #tpu.memory_space<vmem_shared>> -> memref<640x64xbf16, #tpu.memory_space<vmem_shared>>
        tpu.enqueue_dma source(%dma_start3A_172 : memref<640x64xbf16, #tpu.memory_space<vmem_shared>>) target(%dma_start3A_170 : memref<640x64xbf16, #tpu.memory_space<hbm>>) target_semaphore(%run_scoped3A : memref<!tpu.dma_semaphore, #tpu.memory_space<semaphore_mem>>)
        %dma_wait3A = arith.constant 0 : i32
        %dma_wait3A_173 = tpu.memref_slice %arg6[%arg0, %mul3A_167, %dma_wait3A] : memref<2x10240x64xbf16, #tpu.memory_space<hbm>> -> memref<1x640x64xbf16, #tpu.memory_space<hbm>>
        %dma_wait3A_174 = tpu.memref_squeeze %dma_wait3A_173 : memref<1x640x64xbf16, #tpu.memory_space<hbm>> -> memref<640x64xbf16, #tpu.memory_space<hbm>>
        %dma_wait3A_175 = arith.constant 0 : i32
        %dma_wait3A_176 = tpu.memref_slice %arg16[%mul3A_165, %dma_wait3A_175] : memref<10240x64xbf16, #tpu.memory_space<vmem_shared>> -> memref<640x64xbf16, #tpu.memory_space<vmem_shared>>
        tpu.wait_dma2 semaphore(%run_scoped3A : memref<!tpu.dma_semaphore, #tpu.memory_space<semaphore_mem>>) src(%dma_wait3A_176 : memref<640x64xbf16, #tpu.memory_space<vmem_shared>>) dst(%dma_wait3A_174 : memref<640x64xbf16, #tpu.memory_space<hbm>>)
        tpu.yield
      }) : () -> ()
    } else {
    }
    %mul3A_160 = arith.constant 5120 : i32
    %mul3A_161 = arith.muli %arg1, %mul3A_160 : i32
    %mul3A_162 = arith.constant 5120 : i32
    %mul3A_163 = arith.muli %arg1, %mul3A_162 : i32
    "tpu.region"() ({
      %run_scoped3A = tpu.sem_alloc : memref<!tpu.dma_semaphore, #tpu.memory_space<semaphore_mem>>
      %dma_start3A_164 = tpu.memref_slice %arg7[%arg0, %mul3A_163] : memref<2x81920xf32, #tpu.memory_space<hbm>> -> memref<1x5120xf32, #tpu.memory_space<hbm>>
      %dma_start3A_165 = tpu.memref_squeeze %dma_start3A_164 : memref<1x5120xf32, #tpu.memory_space<hbm>> -> memref<5120xf32, #tpu.memory_space<hbm>>
      %dma_start3A_166 = tpu.memref_slice %arg17[%mul3A_161] : memref<81920xf32, #tpu.memory_space<vmem_shared>> -> memref<5120xf32, #tpu.memory_space<vmem_shared>>
      tpu.enqueue_dma source(%dma_start3A_166 : memref<5120xf32, #tpu.memory_space<vmem_shared>>) target(%dma_start3A_165 : memref<5120xf32, #tpu.memory_space<hbm>>) target_semaphore(%run_scoped3A : memref<!tpu.dma_semaphore, #tpu.memory_space<semaphore_mem>>)
      %dma_wait3A = tpu.memref_slice %arg7[%arg0, %mul3A_163] : memref<2x81920xf32, #tpu.memory_space<hbm>> -> memref<1x5120xf32, #tpu.memory_space<hbm>>
      %dma_wait3A_167 = tpu.memref_squeeze %dma_wait3A : memref<1x5120xf32, #tpu.memory_space<hbm>> -> memref<5120xf32, #tpu.memory_space<hbm>>
      %dma_wait3A_168 = tpu.memref_slice %arg17[%mul3A_161] : memref<81920xf32, #tpu.memory_space<vmem_shared>> -> memref<5120xf32, #tpu.memory_space<vmem_shared>>
      tpu.wait_dma2 semaphore(%run_scoped3A : memref<!tpu.dma_semaphore, #tpu.memory_space<semaphore_mem>>) src(%dma_wait3A_168 : memref<5120xf32, #tpu.memory_space<vmem_shared>>) dst(%dma_wait3A_167 : memref<5120xf32, #tpu.memory_space<hbm>>)
      tpu.yield
    }) : () -> ()
    return
  }
}

module attributes {stable_mosaic.version = 14 : i64} {
  func.func @_a_body(%arg0: memref<6000x128xf32, #tpu.memory_space<vmem>>, %arg1: memref<4000x256xf32, #tpu.memory_space<vmem>>, %arg2: memref<6000x64xf32, #tpu.memory_space<vmem>>, %arg3: memref<6000x64xf32, #tpu.memory_space<vmem>>, %arg4: memref<256x192xf32, #tpu.memory_space<vmem>>, %arg5: memref<192xf32, #tpu.memory_space<vmem>>, %arg6: memref<4x192xf32, #tpu.memory_space<vmem>>, %arg7: memref<192x64xf32, #tpu.memory_space<vmem>>, %arg8: memref<192x64xf32, #tpu.memory_space<vmem>>, %arg9: memref<192x64xf32, #tpu.memory_space<vmem>>, %arg10: memref<64x16xf32, #tpu.memory_space<vmem>>, %arg11: memref<2x2500x128xi32, #tpu.memory_space<vmem>>, %arg12: memref<2500x128xi32, #tpu.memory_space<vmem>>, %arg13: memref<10240x64xbf16, #tpu.memory_space<vmem>>, %arg14: memref<10240x64xf32, #tpu.memory_space<vmem>>, %arg15: memref<8x64xf32, #tpu.memory_space<vmem>>, %arg16: memref<8x16xf32, #tpu.memory_space<vmem>>, %arg17: memref<2560x128xi32, #tpu.memory_space<vmem>>, %arg18: memref<2560x128xi32, #tpu.memory_space<vmem>>, %arg19: memref<2560x128xi32, #tpu.memory_space<vmem>>) attributes {dimension_semantics = [], scalar_prefetch = 0 : i64, scratch_operands = 0 : i64, tpu.core_type = #tpu.core_type<tc>} {
    %get3A = arith.constant 0 : index
    %get3A_0 = arith.constant 0 : index
    %get3A_1 = vector.load %arg2[%get3A, %get3A_0] : memref<6000x64xf32, #tpu.memory_space<vmem>>, vector<6000x64xf32>
    %get3A_2 = arith.constant 0 : index
    %get3A_3 = arith.constant 0 : index
    %get3A_4 = vector.load %arg3[%get3A_2, %get3A_3] : memref<6000x64xf32, #tpu.memory_space<vmem>>, vector<6000x64xf32>
    %add3A = arith.addf %get3A_1, %get3A_4 : vector<6000x64xf32>
    %mul3A = arith.constant 5.000000e-01 : f32
    %mul3A_5 = vector.broadcast %mul3A : f32 to vector<6000x64xf32>
    %mul3A_6 = arith.mulf %add3A, %mul3A_5 : vector<6000x64xf32>
    %get3A_7 = arith.constant 0 : index
    %get3A_8 = arith.constant 0 : index
    %get3A_9 = vector.load %arg0[%get3A_7, %get3A_8] : memref<6000x128xf32, #tpu.memory_space<vmem>>, vector<6000x128xf32>
    %get3A_10 = arith.constant 0 : index
    %get3A_11 = arith.constant 0 : index
    %get3A_12 = vector.load %arg1[%get3A_10, %get3A_11] : memref<4000x256xf32, #tpu.memory_space<vmem>>, vector<4000x256xf32>
    %get3A_13 = arith.constant 0 : index
    %get3A_14 = arith.constant 0 : index
    %get3A_15 = vector.load %arg7[%get3A_13, %get3A_14] : memref<192x64xf32, #tpu.memory_space<vmem>>, vector<192x64xf32>
    %get3A_16 = arith.constant 0 : index
    %get3A_17 = arith.constant 0 : index
    %get3A_18 = vector.load %arg4[%get3A_16, %get3A_17] : memref<256x192xf32, #tpu.memory_space<vmem>>, vector<256x192xf32>
    %dot_general3A = arith.constant dense<0.000000e+00> : vector<256x64xf32>
    %dot_general3A_19 = tpu.matmul %get3A_18, %get3A_15, %dot_general3A {dimension_numbers = #tpu.dot_dimension_numbers<[1], [0], [0], [1], [0, 0, 1, 1], [], []>, transpose_lhs_hint = false} : vector<256x192xf32>, vector<192x64xf32>, vector<256x64xf32> -> vector<256x64xf32>
    %get3A_20 = arith.constant 0 : index
    %get3A_21 = vector.load %arg5[%get3A_20] : memref<192xf32, #tpu.memory_space<vmem>>, vector<192xf32>
    %broadcast_in_dim3A = vector.shape_cast %get3A_21 : vector<192xf32> to vector<1x192xf32>
    %dot_general3A_22 = arith.constant dense<0.000000e+00> : vector<1x64xf32>
    %dot_general3A_23 = tpu.matmul %broadcast_in_dim3A, %get3A_15, %dot_general3A_22 {dimension_numbers = #tpu.dot_dimension_numbers<[1], [0], [0], [1], [0, 0, 1, 1], [], []>, transpose_lhs_hint = false} : vector<1x192xf32>, vector<192x64xf32>, vector<1x64xf32> -> vector<1x64xf32>
    %slice3A = vector.extract_strided_slice %get3A_15 {offsets = [0, 0], sizes = [128, 64], strides = [1, 1]} : vector<192x64xf32> to vector<128x64xf32>
    %dot_general3A_24 = arith.constant dense<0.000000e+00> : vector<6000x64xf32>
    %dot_general3A_25 = tpu.matmul %get3A_9, %slice3A, %dot_general3A_24 {dimension_numbers = #tpu.dot_dimension_numbers<[1], [0], [0], [1], [0, 0, 1, 1], [], []>, transpose_lhs_hint = false} : vector<6000x128xf32>, vector<128x64xf32>, vector<6000x64xf32> -> vector<6000x64xf32>
    %slice3A_26 = vector.extract_strided_slice %get3A_15 {offsets = [128, 0], sizes = [64, 64], strides = [1, 1]} : vector<192x64xf32> to vector<64x64xf32>
    %dot_general3A_27 = arith.constant dense<0.000000e+00> : vector<6000x64xf32>
    %dot_general3A_28 = tpu.matmul %mul3A_6, %slice3A_26, %dot_general3A_27 {dimension_numbers = #tpu.dot_dimension_numbers<[1], [0], [0], [1], [0, 0, 1, 1], [], []>, transpose_lhs_hint = false} : vector<6000x64xf32>, vector<64x64xf32>, vector<6000x64xf32> -> vector<6000x64xf32>
    %add3A_29 = arith.addf %dot_general3A_25, %dot_general3A_28 : vector<6000x64xf32>
    %convert_element_type3A = arith.truncf %add3A_29 : vector<6000x64xf32> to vector<6000x64xbf16>
    %swap3A = arith.constant 0 : index
    %swap3A_30 = arith.constant 0 : index
    %swap3A_31 = vector.load %arg13[%swap3A, %swap3A_30] : memref<10240x64xbf16, #tpu.memory_space<vmem>>, vector<6000x64xbf16>
    tpu.vector_store %arg13[%swap3A, %swap3A_30], %convert_element_type3A {strides = array<i32>} : memref<10240x64xbf16, #tpu.memory_space<vmem>>, vector<6000x64xbf16>,
    %dot_general3A_32 = arith.constant dense<0.000000e+00> : vector<4000x64xf32>
    %dot_general3A_33 = tpu.matmul %get3A_12, %dot_general3A_19, %dot_general3A_32 {dimension_numbers = #tpu.dot_dimension_numbers<[1], [0], [0], [1], [0, 0, 1, 1], [], []>, transpose_lhs_hint = false} : vector<4000x256xf32>, vector<256x64xf32>, vector<4000x64xf32> -> vector<4000x64xf32>
    %add3A_34 = vector.broadcast %dot_general3A_23 : vector<1x64xf32> to vector<4000x64xf32>
    %add3A_35 = arith.addf %dot_general3A_33, %add3A_34 : vector<4000x64xf32>
    %convert_element_type3A_36 = arith.truncf %add3A_35 : vector<4000x64xf32> to vector<4000x64xbf16>
    %swap3A_37 = arith.constant 6000 : index
    %swap3A_38 = arith.constant 0 : index
    %swap3A_39 = vector.load %arg13[%swap3A_37, %swap3A_38] : memref<10240x64xbf16, #tpu.memory_space<vmem>>, vector<4000x64xbf16>
    tpu.vector_store %arg13[%swap3A_37, %swap3A_38], %convert_element_type3A_36 {strides = array<i32>} : memref<10240x64xbf16, #tpu.memory_space<vmem>>, vector<4000x64xbf16>,
    %broadcast_in_dim3A_40 = arith.constant 0.000000e+00 : bf16
    %broadcast_in_dim3A_41 = vector.broadcast %broadcast_in_dim3A_40 : bf16 to vector<240x64xbf16>
    %swap3A_42 = arith.constant 10000 : index
    %swap3A_43 = arith.constant 0 : index
    %swap3A_44 = vector.load %arg13[%swap3A_42, %swap3A_43] : memref<10240x64xbf16, #tpu.memory_space<vmem>>, vector<240x64xbf16>
    tpu.vector_store %arg13[%swap3A_42, %swap3A_43], %broadcast_in_dim3A_41 {strides = array<i32>} : memref<10240x64xbf16, #tpu.memory_space<vmem>>, vector<240x64xbf16>,
    %get3A_45 = arith.constant 0 : index
    %get3A_46 = arith.constant 0 : index
    %get3A_47 = vector.load %arg8[%get3A_45, %get3A_46] : memref<192x64xf32, #tpu.memory_space<vmem>>, vector<192x64xf32>
    %get3A_48 = arith.constant 0 : index
    %get3A_49 = arith.constant 0 : index
    %get3A_50 = vector.load %arg4[%get3A_48, %get3A_49] : memref<256x192xf32, #tpu.memory_space<vmem>>, vector<256x192xf32>
    %dot_general3A_51 = arith.constant dense<0.000000e+00> : vector<256x64xf32>
    %dot_general3A_52 = tpu.matmul %get3A_50, %get3A_47, %dot_general3A_51 {dimension_numbers = #tpu.dot_dimension_numbers<[1], [0], [0], [1], [0, 0, 1, 1], [], []>, transpose_lhs_hint = false} : vector<256x192xf32>, vector<192x64xf32>, vector<256x64xf32> -> vector<256x64xf32>
    %get3A_53 = arith.constant 0 : index
    %get3A_54 = vector.load %arg5[%get3A_53] : memref<192xf32, #tpu.memory_space<vmem>>, vector<192xf32>
    %broadcast_in_dim3A_55 = vector.shape_cast %get3A_54 : vector<192xf32> to vector<1x192xf32>
    %dot_general3A_56 = arith.constant dense<0.000000e+00> : vector<1x64xf32>
    %dot_general3A_57 = tpu.matmul %broadcast_in_dim3A_55, %get3A_47, %dot_general3A_56 {dimension_numbers = #tpu.dot_dimension_numbers<[1], [0], [0], [1], [0, 0, 1, 1], [], []>, transpose_lhs_hint = false} : vector<1x192xf32>, vector<192x64xf32>, vector<1x64xf32> -> vector<1x64xf32>
    %slice3A_58 = vector.extract_strided_slice %get3A_47 {offsets = [0, 0], sizes = [128, 64], strides = [1, 1]} : vector<192x64xf32> to vector<128x64xf32>
    %dot_general3A_59 = arith.constant dense<0.000000e+00> : vector<6000x64xf32>
    %dot_general3A_60 = tpu.matmul %get3A_9, %slice3A_58, %dot_general3A_59 {dimension_numbers = #tpu.dot_dimension_numbers<[1], [0], [0], [1], [0, 0, 1, 1], [], []>, transpose_lhs_hint = false} : vector<6000x128xf32>, vector<128x64xf32>, vector<6000x64xf32> -> vector<6000x64xf32>
    %slice3A_61 = vector.extract_strided_slice %get3A_47 {offsets = [128, 0], sizes = [64, 64], strides = [1, 1]} : vector<192x64xf32> to vector<64x64xf32>
    %dot_general3A_62 = arith.constant dense<0.000000e+00> : vector<6000x64xf32>
    %dot_general3A_63 = tpu.matmul %mul3A_6, %slice3A_61, %dot_general3A_62 {dimension_numbers = #tpu.dot_dimension_numbers<[1], [0], [0], [1], [0, 0, 1, 1], [], []>, transpose_lhs_hint = false} : vector<6000x64xf32>, vector<64x64xf32>, vector<6000x64xf32> -> vector<6000x64xf32>
    %add3A_64 = arith.addf %dot_general3A_60, %dot_general3A_63 : vector<6000x64xf32>
    %swap3A_65 = arith.constant 0 : index
    %swap3A_66 = arith.constant 0 : index
    %swap3A_67 = vector.load %arg14[%swap3A_65, %swap3A_66] : memref<10240x64xf32, #tpu.memory_space<vmem>>, vector<6000x64xf32>
    tpu.vector_store %arg14[%swap3A_65, %swap3A_66], %add3A_64 {strides = array<i32>} : memref<10240x64xf32, #tpu.memory_space<vmem>>, vector<6000x64xf32>,
    %dot_general3A_68 = arith.constant dense<0.000000e+00> : vector<4000x64xf32>
    %dot_general3A_69 = tpu.matmul %get3A_12, %dot_general3A_52, %dot_general3A_68 {dimension_numbers = #tpu.dot_dimension_numbers<[1], [0], [0], [1], [0, 0, 1, 1], [], []>, transpose_lhs_hint = false} : vector<4000x256xf32>, vector<256x64xf32>, vector<4000x64xf32> -> vector<4000x64xf32>
    %add3A_70 = vector.broadcast %dot_general3A_57 : vector<1x64xf32> to vector<4000x64xf32>
    %add3A_71 = arith.addf %dot_general3A_69, %add3A_70 : vector<4000x64xf32>
    %swap3A_72 = arith.constant 6000 : index
    %swap3A_73 = arith.constant 0 : index
    %swap3A_74 = vector.load %arg14[%swap3A_72, %swap3A_73] : memref<10240x64xf32, #tpu.memory_space<vmem>>, vector<4000x64xf32>
    tpu.vector_store %arg14[%swap3A_72, %swap3A_73], %add3A_71 {strides = array<i32>} : memref<10240x64xf32, #tpu.memory_space<vmem>>, vector<4000x64xf32>,
    %broadcast_in_dim3A_75 = arith.constant 0.000000e+00 : f32
    %broadcast_in_dim3A_76 = vector.broadcast %broadcast_in_dim3A_75 : f32 to vector<240x64xf32>
    %swap3A_77 = arith.constant 10000 : index
    %swap3A_78 = arith.constant 0 : index
    %swap3A_79 = vector.load %arg14[%swap3A_77, %swap3A_78] : memref<10240x64xf32, #tpu.memory_space<vmem>>, vector<240x64xf32>
    tpu.vector_store %arg14[%swap3A_77, %swap3A_78], %broadcast_in_dim3A_76 {strides = array<i32>} : memref<10240x64xf32, #tpu.memory_space<vmem>>, vector<240x64xf32>,
    %broadcast_in_dim3A_80 = arith.constant 0.000000e+00 : f32
    %broadcast_in_dim3A_81 = vector.broadcast %broadcast_in_dim3A_80 : f32 to vector<4x64xf32>
    %get3A_82 = arith.constant 0 : index
    %get3A_83 = arith.constant 0 : index
    %get3A_84 = vector.load %arg6[%get3A_82, %get3A_83] : memref<4x192xf32, #tpu.memory_space<vmem>>, vector<4x192xf32>
    %get3A_85 = arith.constant 0 : index
    %get3A_86 = arith.constant 0 : index
    %get3A_87 = vector.load %arg7[%get3A_85, %get3A_86] : memref<192x64xf32, #tpu.memory_space<vmem>>, vector<192x64xf32>
    %dot_general3A_88 = arith.constant dense<0.000000e+00> : vector<4x64xf32>
    %dot_general3A_89 = tpu.matmul %get3A_84, %get3A_87, %dot_general3A_88 {dimension_numbers = #tpu.dot_dimension_numbers<[1], [0], [0], [1], [0, 0, 1, 1], [], []>, transpose_lhs_hint = false} : vector<4x192xf32>, vector<192x64xf32>, vector<4x64xf32> -> vector<4x64xf32>
    %concatenate3A = tpu.concatenate %dot_general3A_89, %broadcast_in_dim3A_81 in 0 : vector<4x64xf32>, vector<4x64xf32> -> vector<8x64xf32>
    %swap3A_90 = arith.constant 0 : index
    %swap3A_91 = arith.constant 0 : index
    %swap3A_92 = vector.load %arg15[%swap3A_90, %swap3A_91] : memref<8x64xf32, #tpu.memory_space<vmem>>, vector<8x64xf32>
    tpu.vector_store %arg15[%swap3A_90, %swap3A_91], %concatenate3A {strides = array<i32>} : memref<8x64xf32, #tpu.memory_space<vmem>>, vector<8x64xf32>,
    %get3A_93 = arith.constant 0 : index
    %get3A_94 = arith.constant 0 : index
    %get3A_95 = vector.load %arg6[%get3A_93, %get3A_94] : memref<4x192xf32, #tpu.memory_space<vmem>>, vector<4x192xf32>
    %get3A_96 = arith.constant 0 : index
    %get3A_97 = arith.constant 0 : index
    %get3A_98 = vector.load %arg9[%get3A_96, %get3A_97] : memref<192x64xf32, #tpu.memory_space<vmem>>, vector<192x64xf32>
    %dot_general3A_99 = arith.constant dense<0.000000e+00> : vector<4x64xf32>
    %dot_general3A_100 = tpu.matmul %get3A_95, %get3A_98, %dot_general3A_99 {dimension_numbers = #tpu.dot_dimension_numbers<[1], [0], [0], [1], [0, 0, 1, 1], [], []>, transpose_lhs_hint = false} : vector<4x192xf32>, vector<192x64xf32>, vector<4x64xf32> -> vector<4x64xf32>
    %get3A_101 = arith.constant 0 : index
    %get3A_102 = arith.constant 0 : index
    %get3A_103 = vector.load %arg10[%get3A_101, %get3A_102] : memref<64x16xf32, #tpu.memory_space<vmem>>, vector<64x16xf32>
    %dot_general3A_104 = arith.constant dense<0.000000e+00> : vector<4x16xf32>
    %dot_general3A_105 = tpu.matmul %dot_general3A_100, %get3A_103, %dot_general3A_104 {dimension_numbers = #tpu.dot_dimension_numbers<[1], [0], [0], [1], [0, 0, 1, 1], [], []>, transpose_lhs_hint = false} : vector<4x64xf32>, vector<64x16xf32>, vector<4x16xf32> -> vector<4x16xf32>
    %broadcast_in_dim3A_106 = arith.constant 0.000000e+00 : f32
    %broadcast_in_dim3A_107 = vector.broadcast %broadcast_in_dim3A_106 : f32 to vector<4x16xf32>
    %concatenate3A_108 = tpu.concatenate %dot_general3A_105, %broadcast_in_dim3A_107 in 0 : vector<4x16xf32>, vector<4x16xf32> -> vector<8x16xf32>
    %swap3A_109 = arith.constant 0 : index
    %swap3A_110 = arith.constant 0 : index
    %swap3A_111 = vector.load %arg16[%swap3A_109, %swap3A_110] : memref<8x16xf32, #tpu.memory_space<vmem>>, vector<8x16xf32>
    tpu.vector_store %arg16[%swap3A_109, %swap3A_110], %concatenate3A_108 {strides = array<i32>} : memref<8x16xf32, #tpu.memory_space<vmem>>, vector<8x16xf32>,
    %get3A_112 = arith.constant 0 : index
    %get3A_113 = arith.constant 0 : index
    %get3A_114 = arith.constant 0 : index
    %get3A_115 = vector.load %arg11[%get3A_112, %get3A_113, %get3A_114] : memref<2x2500x128xi32, #tpu.memory_space<vmem>>, vector<1x2500x128xi32>
    %get3A_116 = vector.shape_cast %get3A_115 : vector<1x2500x128xi32> to vector<2500x128xi32>
    %get3A_117 = arith.constant 1 : index
    %get3A_118 = arith.constant 0 : index
    %get3A_119 = arith.constant 0 : index
    %get3A_120 = vector.load %arg11[%get3A_117, %get3A_118, %get3A_119] : memref<2x2500x128xi32, #tpu.memory_space<vmem>>, vector<1x2500x128xi32>
    %get3A_121 = vector.shape_cast %get3A_120 : vector<1x2500x128xi32> to vector<2500x128xi32>
    %swap3A_122 = arith.constant 0 : index
    %swap3A_123 = arith.constant 0 : index
    %swap3A_124 = vector.load %arg17[%swap3A_122, %swap3A_123] : memref<2560x128xi32, #tpu.memory_space<vmem>>, vector<2500x128xi32>
    tpu.vector_store %arg17[%swap3A_122, %swap3A_123], %get3A_116 {strides = array<i32>} : memref<2560x128xi32, #tpu.memory_space<vmem>>, vector<2500x128xi32>,
    %swap3A_125 = arith.constant 0 : index
    %swap3A_126 = arith.constant 0 : index
    %swap3A_127 = vector.load %arg18[%swap3A_125, %swap3A_126] : memref<2560x128xi32, #tpu.memory_space<vmem>>, vector<2500x128xi32>
    tpu.vector_store %arg18[%swap3A_125, %swap3A_126], %get3A_121 {strides = array<i32>} : memref<2560x128xi32, #tpu.memory_space<vmem>>, vector<2500x128xi32>,
    %mul3A_128 = arith.constant 8 : i32
    %mul3A_129 = vector.broadcast %mul3A_128 : i32 to vector<2500x128xi32>
    %mul3A_130 = arith.muli %get3A_121, %mul3A_129 : vector<2500x128xi32>
    %get3A_131 = arith.constant 0 : index
    %get3A_132 = arith.constant 0 : index
    %get3A_133 = vector.load %arg12[%get3A_131, %get3A_132] : memref<2500x128xi32, #tpu.memory_space<vmem>>, vector<2500x128xi32>
    %add3A_134 = arith.addi %mul3A_130, %get3A_133 : vector<2500x128xi32>
    %swap3A_135 = arith.constant 0 : index
    %swap3A_136 = arith.constant 0 : index
    %swap3A_137 = vector.load %arg19[%swap3A_135, %swap3A_136] : memref<2560x128xi32, #tpu.memory_space<vmem>>, vector<2500x128xi32>
    tpu.vector_store %arg19[%swap3A_135, %swap3A_136], %add3A_134 {strides = array<i32>} : memref<2560x128xi32, #tpu.memory_space<vmem>>, vector<2500x128xi32>,
    %iota3A = tpu.iota {dimensions = array<i32: 0>} : vector<60x128xi32>
    %mul3A_138 = arith.constant 128 : i32
    %mul3A_139 = vector.broadcast %mul3A_138 : i32 to vector<60x128xi32>
    %mul3A_140 = arith.muli %iota3A, %mul3A_139 : vector<60x128xi32>
    %iota3A_141 = tpu.iota {dimensions = array<i32: 1>} : vector<60x128xi32>
    %add3A_142 = arith.addi %mul3A_140, %iota3A_141 : vector<60x128xi32>
    %rem3A = arith.constant 240 : i32
    %rem3A_143 = vector.broadcast %rem3A : i32 to vector<60x128xi32>
    %rem3A_144 = arith.remsi %add3A_142, %rem3A_143 : vector<60x128xi32>
    %add3A_145 = arith.constant 10000 : i32
    %add3A_146 = vector.broadcast %add3A_145 : i32 to vector<60x128xi32>
    %add3A_147 = arith.addi %add3A_146, %rem3A_144 : vector<60x128xi32>
    %broadcast_in_dim3A_148 = arith.constant 0 : i32
    %broadcast_in_dim3A_149 = vector.broadcast %broadcast_in_dim3A_148 : i32 to vector<60x128xi32>
    %swap3A_150 = arith.constant 2500 : index
    %swap3A_151 = arith.constant 0 : index
    %swap3A_152 = vector.load %arg17[%swap3A_150, %swap3A_151] : memref<2560x128xi32, #tpu.memory_space<vmem>>, vector<60x128xi32>
    tpu.vector_store %arg17[%swap3A_150, %swap3A_151], %broadcast_in_dim3A_149 {strides = array<i32>} : memref<2560x128xi32, #tpu.memory_space<vmem>>, vector<60x128xi32>,
    %swap3A_153 = arith.constant 2500 : index
    %swap3A_154 = arith.constant 0 : index
    %swap3A_155 = vector.load %arg18[%swap3A_153, %swap3A_154] : memref<2560x128xi32, #tpu.memory_space<vmem>>, vector<60x128xi32>
    tpu.vector_store %arg18[%swap3A_153, %swap3A_154], %add3A_147 {strides = array<i32>} : memref<2560x128xi32, #tpu.memory_space<vmem>>, vector<60x128xi32>,
    %mul3A_156 = arith.constant 8 : i32
    %mul3A_157 = vector.broadcast %mul3A_156 : i32 to vector<60x128xi32>
    %mul3A_158 = arith.muli %add3A_147, %mul3A_157 : vector<60x128xi32>
    %swap3A_159 = arith.constant 2500 : index
    %swap3A_160 = arith.constant 0 : index
    %swap3A_161 = vector.load %arg19[%swap3A_159, %swap3A_160] : memref<2560x128xi32, #tpu.memory_space<vmem>>, vector<60x128xi32>
    tpu.vector_store %arg19[%swap3A_159, %swap3A_160], %mul3A_158 {strides = array<i32>} : memref<2560x128xi32, #tpu.memory_space<vmem>>, vector<60x128xi32>,
    return
  }
}

module attributes {stable_mosaic.version = 14 : i64} {
  func.func @_b0_body(%arg0: memref<2x640x128xf32, #tpu.memory_space<vmem>>, %arg1: memref<8x64xf32, #tpu.memory_space<vmem>>, %arg2: memref<8x16xf32, #tpu.memory_space<vmem>>, %arg3: memref<640x1024xf32, #tpu.memory_space<vmem>>, %arg4: memref<640x256xf32, #tpu.memory_space<vmem>>) attributes {dimension_semantics = [], scalar_prefetch = 0 : i64, scratch_operands = 0 : i64, tpu.core_type = #tpu.core_type<tc>} {
    %get3A = arith.constant 0 : index
    %get3A_0 = arith.constant 0 : index
    %get3A_1 = arith.constant 0 : index
    %get3A_2 = vector.load %arg0[%get3A, %get3A_0, %get3A_1] : memref<2x640x128xf32, #tpu.memory_space<vmem>>, vector<1x640x128xf32>
    %get3A_3 = vector.shape_cast %get3A_2 : vector<1x640x128xf32> to vector<640x128xf32>
    %get3A_4 = arith.constant 1 : index
    %get3A_5 = arith.constant 0 : index
    %get3A_6 = arith.constant 0 : index
    %get3A_7 = vector.load %arg0[%get3A_4, %get3A_5, %get3A_6] : memref<2x640x128xf32, #tpu.memory_space<vmem>>, vector<1x640x128xf32>
    %get3A_8 = vector.shape_cast %get3A_7 : vector<1x640x128xf32> to vector<640x128xf32>
    %add3A = arith.addf %get3A_3, %get3A_8 : vector<640x128xf32>
    %get3A_9 = arith.constant 0 : index
    %get3A_10 = arith.constant 0 : index
    %get3A_11 = vector.load %arg1[%get3A_9, %get3A_10] : memref<8x64xf32, #tpu.memory_space<vmem>>, vector<8x64xf32>
    %tile3A = tpu.concatenate %get3A_11, %get3A_11, %get3A_11, %get3A_11, %get3A_11, %get3A_11, %get3A_11, %get3A_11, %get3A_11, %get3A_11, %get3A_11, %get3A_11, %get3A_11, %get3A_11, %get3A_11, %get3A_11 in 0 : vector<8x64xf32>, vector<8x64xf32>, vector<8x64xf32>, vector<8x64xf32>, vector<8x64xf32>, vector<8x64xf32>, vector<8x64xf32>, vector<8x64xf32>, vector<8x64xf32>, vector<8x64xf32>, vector<8x64xf32>, vector<8x64xf32>, vector<8x64xf32>, vector<8x64xf32>, vector<8x64xf32>, vector<8x64xf32> -> vector<128x64xf32>
    %tile3A_12 = tpu.concatenate %tile3A, %tile3A, %tile3A, %tile3A, %tile3A, %tile3A, %tile3A, %tile3A, %tile3A, %tile3A, %tile3A, %tile3A, %tile3A, %tile3A, %tile3A, %tile3A in 1 : vector<128x64xf32>, vector<128x64xf32>, vector<128x64xf32>, vector<128x64xf32>, vector<128x64xf32>, vector<128x64xf32>, vector<128x64xf32>, vector<128x64xf32>, vector<128x64xf32>, vector<128x64xf32>, vector<128x64xf32>, vector<128x64xf32>, vector<128x64xf32>, vector<128x64xf32>, vector<128x64xf32>, vector<128x64xf32> -> vector<128x1024xf32>
    %iota3A = tpu.iota {dimensions = array<i32: 0>} : vector<128x1024xi32>
    %iota3A_13 = tpu.iota {dimensions = array<i32: 1>} : vector<128x1024xi32>
    %jit3A = arith.constant 8 : i32
    %div3A = vector.broadcast %jit3A : i32 to vector<128x1024xi32>
    %div3A_14 = arith.divsi %iota3A, %div3A : vector<128x1024xi32>
    %sign3A = arith.constant 0 : i32
    %sign3A_15 = vector.broadcast %sign3A : i32 to vector<128x1024xi32>
    %sign3A_16 = arith.cmpi sgt, %iota3A, %sign3A_15 : vector<128x1024xi32>
    %sign3A_17 = arith.extui %sign3A_16 : vector<128x1024xi1> to vector<128x1024xi32>
    %sign3A_18 = arith.constant 0 : i32
    %sign3A_19 = vector.broadcast %sign3A_18 : i32 to vector<128x1024xi32>
    %sign3A_20 = arith.cmpi slt, %iota3A, %sign3A_19 : vector<128x1024xi32>
    %sign3A_21 = arith.extui %sign3A_20 : vector<128x1024xi1> to vector<128x1024xi32>
    %sign3A_22 = arith.subi %sign3A_17, %sign3A_21 : vector<128x1024xi32>
    %sign3A_23 = arith.constant 0 : i32
    %sign3A_24 = arith.cmpi sgt, %jit3A, %sign3A_23 : i32
    %sign3A_25 = arith.extui %sign3A_24 : i1 to i32
    %sign3A_26 = arith.constant 0 : i32
    %sign3A_27 = arith.cmpi slt, %jit3A, %sign3A_26 : i32
    %sign3A_28 = arith.extui %sign3A_27 : i1 to i32
    %sign3A_29 = arith.subi %sign3A_25, %sign3A_28 : i32
    %ne3A = vector.broadcast %sign3A_29 : i32 to vector<128x1024xi32>
    %ne3A_30 = arith.cmpi ne, %sign3A_22, %ne3A : vector<128x1024xi32>
    %rem3A = vector.broadcast %jit3A : i32 to vector<128x1024xi32>
    %rem3A_31 = arith.remsi %iota3A, %rem3A : vector<128x1024xi32>
    %ne3A_32 = arith.constant 0 : i32
    %ne3A_33 = vector.broadcast %ne3A_32 : i32 to vector<128x1024xi32>
    %ne3A_34 = arith.cmpi ne, %rem3A_31, %ne3A_33 : vector<128x1024xi32>
    %and3A = arith.andi %ne3A_30, %ne3A_34 : vector<128x1024xi1>
    %sub3A = arith.constant 1 : i32
    %sub3A_35 = vector.broadcast %sub3A : i32 to vector<128x1024xi32>
    %sub3A_36 = arith.subi %div3A_14, %sub3A_35 : vector<128x1024xi32>
    %select_n3A = arith.select %and3A, %sub3A_36, %div3A_14 : vector<128x1024xi1>, vector<128x1024xi32>
    %jit3A_37 = arith.constant 64 : i32
    %div3A_38 = vector.broadcast %jit3A_37 : i32 to vector<128x1024xi32>
    %div3A_39 = arith.divsi %iota3A_13, %div3A_38 : vector<128x1024xi32>
    %sign3A_40 = arith.constant 0 : i32
    %sign3A_41 = vector.broadcast %sign3A_40 : i32 to vector<128x1024xi32>
    %sign3A_42 = arith.cmpi sgt, %iota3A_13, %sign3A_41 : vector<128x1024xi32>
    %sign3A_43 = arith.extui %sign3A_42 : vector<128x1024xi1> to vector<128x1024xi32>
    %sign3A_44 = arith.constant 0 : i32
    %sign3A_45 = vector.broadcast %sign3A_44 : i32 to vector<128x1024xi32>
    %sign3A_46 = arith.cmpi slt, %iota3A_13, %sign3A_45 : vector<128x1024xi32>
    %sign3A_47 = arith.extui %sign3A_46 : vector<128x1024xi1> to vector<128x1024xi32>
    %sign3A_48 = arith.subi %sign3A_43, %sign3A_47 : vector<128x1024xi32>
    %sign3A_49 = arith.constant 0 : i32
    %sign3A_50 = arith.cmpi sgt, %jit3A_37, %sign3A_49 : i32
    %sign3A_51 = arith.extui %sign3A_50 : i1 to i32
    %sign3A_52 = arith.constant 0 : i32
    %sign3A_53 = arith.cmpi slt, %jit3A_37, %sign3A_52 : i32
    %sign3A_54 = arith.extui %sign3A_53 : i1 to i32
    %sign3A_55 = arith.subi %sign3A_51, %sign3A_54 : i32
    %ne3A_56 = vector.broadcast %sign3A_55 : i32 to vector<128x1024xi32>
    %ne3A_57 = arith.cmpi ne, %sign3A_48, %ne3A_56 : vector<128x1024xi32>
    %rem3A_58 = vector.broadcast %jit3A_37 : i32 to vector<128x1024xi32>
    %rem3A_59 = arith.remsi %iota3A_13, %rem3A_58 : vector<128x1024xi32>
    %ne3A_60 = arith.constant 0 : i32
    %ne3A_61 = vector.broadcast %ne3A_60 : i32 to vector<128x1024xi32>
    %ne3A_62 = arith.cmpi ne, %rem3A_59, %ne3A_61 : vector<128x1024xi32>
    %and3A_63 = arith.andi %ne3A_57, %ne3A_62 : vector<128x1024xi1>
    %sub3A_64 = arith.constant 1 : i32
    %sub3A_65 = vector.broadcast %sub3A_64 : i32 to vector<128x1024xi32>
    %sub3A_66 = arith.subi %div3A_39, %sub3A_65 : vector<128x1024xi32>
    %select_n3A_67 = arith.select %and3A_63, %sub3A_66, %div3A_39 : vector<128x1024xi1>, vector<128x1024xi32>
    %eq3A = arith.cmpi eq, %select_n3A, %select_n3A_67 : vector<128x1024xi32>
    %jit3A_68 = arith.constant 0.000000e+00 : f32
    %broadcast_in_dim3A = vector.broadcast %jit3A_68 : f32 to vector<128x1024xf32>
    %select_n3A_69 = arith.select %eq3A, %tile3A_12, %broadcast_in_dim3A : vector<128x1024xi1>, vector<128x1024xf32>
    %dot_general3A = arith.constant dense<0.000000e+00> : vector<640x1024xf32>
    %dot_general3A_70 = tpu.matmul %add3A, %select_n3A_69, %dot_general3A {dimension_numbers = #tpu.dot_dimension_numbers<[1], [0], [0], [1], [0, 0, 1, 1], [], []>, transpose_lhs_hint = false} : vector<640x128xf32>, vector<128x1024xf32>, vector<640x1024xf32> -> vector<640x1024xf32>
    %swap3A = arith.constant 0 : index
    %swap3A_71 = arith.constant 0 : index
    %swap3A_72 = vector.load %arg3[%swap3A, %swap3A_71] : memref<640x1024xf32, #tpu.memory_space<vmem>>, vector<640x1024xf32>
    tpu.vector_store %arg3[%swap3A, %swap3A_71], %dot_general3A_70 {strides = array<i32>} : memref<640x1024xf32, #tpu.memory_space<vmem>>, vector<640x1024xf32>,
    %get3A_73 = arith.constant 0 : index
    %get3A_74 = arith.constant 0 : index
    %get3A_75 = vector.load %arg2[%get3A_73, %get3A_74] : memref<8x16xf32, #tpu.memory_space<vmem>>, vector<8x16xf32>
    %tile3A_76 = tpu.concatenate %get3A_75, %get3A_75, %get3A_75, %get3A_75, %get3A_75, %get3A_75, %get3A_75, %get3A_75, %get3A_75, %get3A_75, %get3A_75, %get3A_75, %get3A_75, %get3A_75, %get3A_75, %get3A_75 in 0 : vector<8x16xf32>, vector<8x16xf32>, vector<8x16xf32>, vector<8x16xf32>, vector<8x16xf32>, vector<8x16xf32>, vector<8x16xf32>, vector<8x16xf32>, vector<8x16xf32>, vector<8x16xf32>, vector<8x16xf32>, vector<8x16xf32>, vector<8x16xf32>, vector<8x16xf32>, vector<8x16xf32>, vector<8x16xf32> -> vector<128x16xf32>
    %tile3A_77 = tpu.concatenate %tile3A_76, %tile3A_76, %tile3A_76, %tile3A_76, %tile3A_76, %tile3A_76, %tile3A_76, %tile3A_76, %tile3A_76, %tile3A_76, %tile3A_76, %tile3A_76, %tile3A_76, %tile3A_76, %tile3A_76, %tile3A_76 in 1 : vector<128x16xf32>, vector<128x16xf32>, vector<128x16xf32>, vector<128x16xf32>, vector<128x16xf32>, vector<128x16xf32>, vector<128x16xf32>, vector<128x16xf32>, vector<128x16xf32>, vector<128x16xf32>, vector<128x16xf32>, vector<128x16xf32>, vector<128x16xf32>, vector<128x16xf32>, vector<128x16xf32>, vector<128x16xf32> -> vector<128x256xf32>
    %iota3A_78 = tpu.iota {dimensions = array<i32: 0>} : vector<128x256xi32>
    %iota3A_79 = tpu.iota {dimensions = array<i32: 1>} : vector<128x256xi32>
    %jit3A_80 = arith.constant 8 : i32
    %div3A_81 = vector.broadcast %jit3A_80 : i32 to vector<128x256xi32>
    %div3A_82 = arith.divsi %iota3A_78, %div3A_81 : vector<128x256xi32>
    %sign3A_83 = arith.constant 0 : i32
    %sign3A_84 = vector.broadcast %sign3A_83 : i32 to vector<128x256xi32>
    %sign3A_85 = arith.cmpi sgt, %iota3A_78, %sign3A_84 : vector<128x256xi32>
    %sign3A_86 = arith.extui %sign3A_85 : vector<128x256xi1> to vector<128x256xi32>
    %sign3A_87 = arith.constant 0 : i32
    %sign3A_88 = vector.broadcast %sign3A_87 : i32 to vector<128x256xi32>
    %sign3A_89 = arith.cmpi slt, %iota3A_78, %sign3A_88 : vector<128x256xi32>
    %sign3A_90 = arith.extui %sign3A_89 : vector<128x256xi1> to vector<128x256xi32>
    %sign3A_91 = arith.subi %sign3A_86, %sign3A_90 : vector<128x256xi32>
    %sign3A_92 = arith.constant 0 : i32
    %sign3A_93 = arith.cmpi sgt, %jit3A_80, %sign3A_92 : i32
    %sign3A_94 = arith.extui %sign3A_93 : i1 to i32
    %sign3A_95 = arith.constant 0 : i32
    %sign3A_96 = arith.cmpi slt, %jit3A_80, %sign3A_95 : i32
    %sign3A_97 = arith.extui %sign3A_96 : i1 to i32
    %sign3A_98 = arith.subi %sign3A_94, %sign3A_97 : i32
    %ne3A_99 = vector.broadcast %sign3A_98 : i32 to vector<128x256xi32>
    %ne3A_100 = arith.cmpi ne, %sign3A_91, %ne3A_99 : vector<128x256xi32>
    %rem3A_101 = vector.broadcast %jit3A_80 : i32 to vector<128x256xi32>
    %rem3A_102 = arith.remsi %iota3A_78, %rem3A_101 : vector<128x256xi32>
    %ne3A_103 = arith.constant 0 : i32
    %ne3A_104 = vector.broadcast %ne3A_103 : i32 to vector<128x256xi32>
    %ne3A_105 = arith.cmpi ne, %rem3A_102, %ne3A_104 : vector<128x256xi32>
    %and3A_106 = arith.andi %ne3A_100, %ne3A_105 : vector<128x256xi1>
    %sub3A_107 = arith.constant 1 : i32
    %sub3A_108 = vector.broadcast %sub3A_107 : i32 to vector<128x256xi32>
    %sub3A_109 = arith.subi %div3A_82, %sub3A_108 : vector<128x256xi32>
    %select_n3A_110 = arith.select %and3A_106, %sub3A_109, %div3A_82 : vector<128x256xi1>, vector<128x256xi32>
    %jit3A_111 = arith.constant 16 : i32
    %div3A_112 = vector.broadcast %jit3A_111 : i32 to vector<128x256xi32>
    %div3A_113 = arith.divsi %iota3A_79, %div3A_112 : vector<128x256xi32>
    %sign3A_114 = arith.constant 0 : i32
    %sign3A_115 = vector.broadcast %sign3A_114 : i32 to vector<128x256xi32>
    %sign3A_116 = arith.cmpi sgt, %iota3A_79, %sign3A_115 : vector<128x256xi32>
    %sign3A_117 = arith.extui %sign3A_116 : vector<128x256xi1> to vector<128x256xi32>
    %sign3A_118 = arith.constant 0 : i32
    %sign3A_119 = vector.broadcast %sign3A_118 : i32 to vector<128x256xi32>
    %sign3A_120 = arith.cmpi slt, %iota3A_79, %sign3A_119 : vector<128x256xi32>
    %sign3A_121 = arith.extui %sign3A_120 : vector<128x256xi1> to vector<128x256xi32>
    %sign3A_122 = arith.subi %sign3A_117, %sign3A_121 : vector<128x256xi32>
    %sign3A_123 = arith.constant 0 : i32
    %sign3A_124 = arith.cmpi sgt, %jit3A_111, %sign3A_123 : i32
    %sign3A_125 = arith.extui %sign3A_124 : i1 to i32
    %sign3A_126 = arith.constant 0 : i32
    %sign3A_127 = arith.cmpi slt, %jit3A_111, %sign3A_126 : i32
    %sign3A_128 = arith.extui %sign3A_127 : i1 to i32
    %sign3A_129 = arith.subi %sign3A_125, %sign3A_128 : i32
    %ne3A_130 = vector.broadcast %sign3A_129 : i32 to vector<128x256xi32>
    %ne3A_131 = arith.cmpi ne, %sign3A_122, %ne3A_130 : vector<128x256xi32>
    %rem3A_132 = vector.broadcast %jit3A_111 : i32 to vector<128x256xi32>
    %rem3A_133 = arith.remsi %iota3A_79, %rem3A_132 : vector<128x256xi32>
    %ne3A_134 = arith.constant 0 : i32
    %ne3A_135 = vector.broadcast %ne3A_134 : i32 to vector<128x256xi32>
    %ne3A_136 = arith.cmpi ne, %rem3A_133, %ne3A_135 : vector<128x256xi32>
    %and3A_137 = arith.andi %ne3A_131, %ne3A_136 : vector<128x256xi1>
    %sub3A_138 = arith.constant 1 : i32
    %sub3A_139 = vector.broadcast %sub3A_138 : i32 to vector<128x256xi32>
    %sub3A_140 = arith.subi %div3A_113, %sub3A_139 : vector<128x256xi32>
    %select_n3A_141 = arith.select %and3A_137, %sub3A_140, %div3A_113 : vector<128x256xi1>, vector<128x256xi32>
    %eq3A_142 = arith.cmpi eq, %select_n3A_110, %select_n3A_141 : vector<128x256xi32>
    %jit3A_143 = arith.constant 0.000000e+00 : f32
    %broadcast_in_dim3A_144 = vector.broadcast %jit3A_143 : f32 to vector<128x256xf32>
    %select_n3A_145 = arith.select %eq3A_142, %tile3A_77, %broadcast_in_dim3A_144 : vector<128x256xi1>, vector<128x256xf32>
    %dot_general3A_146 = arith.constant dense<0.000000e+00> : vector<640x256xf32>
    %dot_general3A_147 = tpu.matmul %add3A, %select_n3A_145, %dot_general3A_146 {dimension_numbers = #tpu.dot_dimension_numbers<[1], [0], [0], [1], [0, 0, 1, 1], [], []>, transpose_lhs_hint = false} : vector<640x128xf32>, vector<128x256xf32>, vector<640x256xf32> -> vector<640x256xf32>
    %swap3A_148 = arith.constant 0 : index
    %swap3A_149 = arith.constant 0 : index
    %swap3A_150 = vector.load %arg4[%swap3A_148, %swap3A_149] : memref<640x256xf32, #tpu.memory_space<vmem>>, vector<640x256xf32>
    tpu.vector_store %arg4[%swap3A_148, %swap3A_149], %dot_general3A_147 {strides = array<i32>} : memref<640x256xf32, #tpu.memory_space<vmem>>, vector<640x256xf32>,
    return
  }
}

module attributes {stable_mosaic.version = 14 : i64} {
  func.func @_b1_body(%arg0: memref<2x10240x64xbf16, #tpu.memory_space<vmem>>, %arg1: memref<10240x64xf32, #tpu.memory_space<vmem>>, %arg2: memref<10240x64xf32, #tpu.memory_space<vmem>>, %arg3: memref<64x16xf32, #tpu.memory_space<vmem>>, %arg4: memref<64x16xf32, #tpu.memory_space<vmem>>, %arg5: memref<10240x16xf32, #tpu.memory_space<vmem>>, %arg6: memref<10240x16xbf16, #tpu.memory_space<vmem>>, %arg7: memref<10240x16xf32, #tpu.memory_space<vmem>>) attributes {dimension_semantics = [], scalar_prefetch = 0 : i64, scratch_operands = 0 : i64, tpu.core_type = #tpu.core_type<tc>} {
    %get3A = arith.constant 0 : index
    %get3A_0 = arith.constant 0 : index
    %get3A_1 = arith.constant 0 : index
    %get3A_2 = vector.load %arg0[%get3A, %get3A_0, %get3A_1] : memref<2x10240x64xbf16, #tpu.memory_space<vmem>>, vector<1x10240x64xbf16>
    %get3A_3 = vector.shape_cast %get3A_2 : vector<1x10240x64xbf16> to vector<10240x64xbf16>
    %convert_element_type3A = arith.extf %get3A_3 : vector<10240x64xbf16> to vector<10240x64xf32>
    %get3A_4 = arith.constant 1 : index
    %get3A_5 = arith.constant 0 : index
    %get3A_6 = arith.constant 0 : index
    %get3A_7 = vector.load %arg0[%get3A_4, %get3A_5, %get3A_6] : memref<2x10240x64xbf16, #tpu.memory_space<vmem>>, vector<1x10240x64xbf16>
    %get3A_8 = vector.shape_cast %get3A_7 : vector<1x10240x64xbf16> to vector<10240x64xbf16>
    %convert_element_type3A_9 = arith.extf %get3A_8 : vector<10240x64xbf16> to vector<10240x64xf32>
    %add3A = arith.addf %convert_element_type3A, %convert_element_type3A_9 : vector<10240x64xf32>
    %get3A_10 = arith.constant 0 : index
    %get3A_11 = arith.constant 0 : index
    %get3A_12 = vector.load %arg1[%get3A_10, %get3A_11] : memref<10240x64xf32, #tpu.memory_space<vmem>>, vector<10240x64xf32>
    %add3A_13 = arith.addf %add3A, %get3A_12 : vector<10240x64xf32>
    %get3A_14 = arith.constant 0 : index
    %get3A_15 = arith.constant 0 : index
    %get3A_16 = vector.load %arg2[%get3A_14, %get3A_15] : memref<10240x64xf32, #tpu.memory_space<vmem>>, vector<10240x64xf32>
    %sub3A = arith.subf %add3A_13, %get3A_16 : vector<10240x64xf32>
    %max3A = arith.constant 0.000000e+00 : f32
    %max3A_17 = vector.broadcast %max3A : f32 to vector<10240x64xf32>
    %max3A_18 = arith.maximumf %sub3A, %max3A_17 : vector<10240x64xf32>
    %get3A_19 = arith.constant 0 : index
    %get3A_20 = arith.constant 0 : index
    %get3A_21 = vector.load %arg3[%get3A_19, %get3A_20] : memref<64x16xf32, #tpu.memory_space<vmem>>, vector<64x16xf32>
    %dot_general3A = arith.constant dense<0.000000e+00> : vector<10240x16xf32>
    %dot_general3A_22 = tpu.matmul %max3A_18, %get3A_21, %dot_general3A {dimension_numbers = #tpu.dot_dimension_numbers<[1], [0], [0], [1], [0, 0, 1, 1], [], []>, transpose_lhs_hint = false} : vector<10240x64xf32>, vector<64x16xf32>, vector<10240x16xf32> -> vector<10240x16xf32>
    %convert_element_type3A_23 = arith.truncf %dot_general3A_22 : vector<10240x16xf32> to vector<10240x16xbf16>
    %swap3A = arith.constant 0 : index
    %swap3A_24 = arith.constant 0 : index
    %swap3A_25 = vector.load %arg6[%swap3A, %swap3A_24] : memref<10240x16xbf16, #tpu.memory_space<vmem>>, vector<10240x16xbf16>
    tpu.vector_store %arg6[%swap3A, %swap3A_24], %convert_element_type3A_23 {strides = array<i32>} : memref<10240x16xbf16, #tpu.memory_space<vmem>>, vector<10240x16xbf16>,
    %get3A_26 = arith.constant 0 : index
    %get3A_27 = arith.constant 0 : index
    %get3A_28 = vector.load %arg4[%get3A_26, %get3A_27] : memref<64x16xf32, #tpu.memory_space<vmem>>, vector<64x16xf32>
    %dot_general3A_29 = arith.constant dense<0.000000e+00> : vector<10240x16xf32>
    %dot_general3A_30 = tpu.matmul %max3A_18, %get3A_28, %dot_general3A_29 {dimension_numbers = #tpu.dot_dimension_numbers<[1], [0], [0], [1], [0, 0, 1, 1], [], []>, transpose_lhs_hint = false} : vector<10240x64xf32>, vector<64x16xf32>, vector<10240x16xf32> -> vector<10240x16xf32>
    %get3A_31 = arith.constant 0 : index
    %get3A_32 = arith.constant 0 : index
    %get3A_33 = vector.load %arg5[%get3A_31, %get3A_32] : memref<10240x16xf32, #tpu.memory_space<vmem>>, vector<10240x16xf32>
    %sub3A_34 = arith.subf %dot_general3A_30, %get3A_33 : vector<10240x16xf32>
    %swap3A_35 = arith.constant 0 : index
    %swap3A_36 = arith.constant 0 : index
    %swap3A_37 = vector.load %arg7[%swap3A_35, %swap3A_36] : memref<10240x16xf32, #tpu.memory_space<vmem>>, vector<10240x16xf32>
    tpu.vector_store %arg7[%swap3A_35, %swap3A_36], %sub3A_34 {strides = array<i32>} : memref<10240x16xf32, #tpu.memory_space<vmem>>, vector<10240x16xf32>,
    return
  }
}

module attributes {stable_mosaic.version = 14 : i64} {
  func.func @_c_body(%arg0: memref<2x6400x16xbf16, #tpu.memory_space<vmem>>, %arg1: memref<10240x16xf32, #tpu.memory_space<vmem>>, %arg2: memref<6000x16xf32, #tpu.memory_space<vmem>>) attributes {dimension_semantics = [], scalar_prefetch = 0 : i64, scratch_operands = 0 : i64, tpu.core_type = #tpu.core_type<tc>} {
    %get3A = arith.constant 0 : index
    %get3A_0 = arith.constant 0 : index
    %get3A_1 = arith.constant 0 : index
    %get3A_2 = vector.load %arg0[%get3A, %get3A_0, %get3A_1] : memref<2x6400x16xbf16, #tpu.memory_space<vmem>>, vector<1x6000x16xbf16>
    %get3A_3 = vector.shape_cast %get3A_2 : vector<1x6000x16xbf16> to vector<6000x16xbf16>
    %convert_element_type3A = arith.extf %get3A_3 : vector<6000x16xbf16> to vector<6000x16xf32>
    %get3A_4 = arith.constant 1 : index
    %get3A_5 = arith.constant 0 : index
    %get3A_6 = arith.constant 0 : index
    %get3A_7 = vector.load %arg0[%get3A_4, %get3A_5, %get3A_6] : memref<2x6400x16xbf16, #tpu.memory_space<vmem>>, vector<1x6000x16xbf16>
    %get3A_8 = vector.shape_cast %get3A_7 : vector<1x6000x16xbf16> to vector<6000x16xbf16>
    %convert_element_type3A_9 = arith.extf %get3A_8 : vector<6000x16xbf16> to vector<6000x16xf32>
    %add3A = arith.addf %convert_element_type3A, %convert_element_type3A_9 : vector<6000x16xf32>
    %get3A_10 = arith.constant 0 : index
    %get3A_11 = arith.constant 0 : index
    %get3A_12 = vector.load %arg1[%get3A_10, %get3A_11] : memref<10240x16xf32, #tpu.memory_space<vmem>>, vector<6000x16xf32>
    %add3A_13 = arith.addf %add3A, %get3A_12 : vector<6000x16xf32>
    %swap3A = arith.constant 0 : index
    %swap3A_14 = arith.constant 0 : index
    %swap3A_15 = vector.load %arg2[%swap3A, %swap3A_14] : memref<6000x16xf32, #tpu.memory_space<vmem>>, vector<6000x16xf32>
    tpu.vector_store %arg2[%swap3A, %swap3A_14], %add3A_13 {strides = array<i32>} : memref<6000x16xf32, #tpu.memory_space<vmem>>, vector<6000x16xf32>,
    return
  }
}

</mosaic_0001>

<sc_bundles>
// kernel: kernel.11.cloned.1.call-start
scs
__scs_entry_jumppad:
0x0: {  	(pc) =	sbr.rel $0x88, $3  }
0x1: {  	(tag) =	ssettag $0x0;
	lr =	simm.s32 $0x1  }
0x2: {  	[smem:$0x3F93] =	sst lr;
	_ =	strace $0xD0000000  }
0x3: {  	_ = 	snop  }
0x4: {  	_ = 	snop  }
0x5: {  	_ = 	snop  }
0x6: {  	_ = 	snop  }
0x7: {  	_ = 	snop  }
__scs_overlays_trampoline_lowered:
0x8: {  	[smem:$0x3FA2] =	sst s0  }
0x9: {  	[smem:$0x3FA3] =	sst s1  }
0xa: {  	[smem:$0x3FA4] =	sst s2  }
0xb: {  	[smem:$0x3FA5] =	sst s3  }
0xc: {  	[smem:$0x3FA6] =	sst s4  }
0xd: {  	[smem:$0x3FA7] =	sst s5  }
0xe: {  	[smem:$0x3FA8] =	sst s6  }
0xf: {  	[smem:$0x3FA9] =	sst s7  }
0x10: {  	[smem:$0x3FAA] =	sst s8  }
0x11: {  	[smem:$0x3FAB] =	sst s9;
	s0 =	simm.s32 @!p0 $0x0  }
0x12: {  	s1 =	sld [smem:$0x3F91];
	s0 =	simm.s32 @p0 $0x1  }
0x13: {  	[smem:$0x3FAC] =	sst s0;
	s0 =	simm.s32 @!p1 $0x0  }
0x14: {  	s2 =	sld [smem:$0x3F90];
	s0 =	simm.s32 @p1 $0x1  }
0x15: {  	[smem:$0x3FAD] =	sst s0;
	s0 =	simm.s32 @!p2 $0x0  }
0x16: {  	s3 =	sld [smem:$0x3FDB];
	s0 =	simm.s32 @p2 $0x1  }
0x17: {  	s4 =	simm.s32 $0x1BF5;
	[smem:$0x3FAF] =	sst s0  }
0x18: {  	s0 =	sld [smem:$0x3F92];
	_ =	swait.ge [sflag:s4], $0x0  }
0x19: {  	s7 =	sld [smem:$0x3F93]  }
0x1a: {  	s8 =	sadd.s32 $0xFFFFE003, lr  }
0x1b: {  	s9 =	sadd.s32 $0xFFFFFEF7, lr;
	s5 =	simm.s32 $0xFFFFFFFF;
	p2 =	slt.u32 s8, $0xFFFFF086  }
0x1c: {  	p1 =	slt.u32 s9, $0xF7A;
	s5 =	simm.s32 @!p2 $0x0  }
0x1d: {  	s5 =	simm.s32 @p1 $0x1;
	p0 =	seq.s32 s7, s2  }
0x1e: {  	s7 =	smul.u32 @!p0 $0xF7A, s2;
	p2 =	seq.s32 @!p0 s5, $0x0  }
0x1f: {  	s9 =	smul.u32 $0xF7A, s1;
	s8 =	simm.s32 @!p0 $0x1BF5;
	p2 =	por !p2, p0  }
0x20: {  	[sflag:s8] =	ssyncset.s32 @!p0 $0xFFFFF086;
	s6 =	sadd.s32 @!p0 s3, s7;
	s7 =	simm.s32 @!p0 $0x108  }
0x21: {  	s3 =	sadd.s32 s3, s9;
	s6 =	sadd.s32 @!p0 $0x88, s6;
	s7 =	simm.s32 @p2 $0x1082  }
0x22: {  	[simem:s7], [sflag:s8] =	dma.local @!p0 [hbm:s6], $0xF7A  }
0x23: {  	s9 =	sor.u32 $0xD0000000, s2;
	s6 =	simm.s32 $0x108;
	_ =	swait.ge @!p0 [sflag:s8], $0x0  }
0x24: {  	s3 =	sadd.s32 $0x88, s3;
	s6 =	simm.s32 @!p1 $0x1082;
	[sflag:s4] =	ssyncset.s32 $0xFFFFF086  }
0x25: {  	[simem:s6], [sflag:s4] =	dma.local [hbm:s3], $0xF7A  }
0x26: {  	[smem:$0x3F93] =	sst s1;
	(tag) =	ssettag s2;
	_ =	strace s9  }
0x27: {  	s1 =	sld [smem:$0x3FA3]  }
0x28: {  	s2 =	sld [smem:$0x3FA4]  }
0x29: {  	s4 =	sld [smem:$0x3FA6]  }
0x2a: {  	p0 =	seq.s32 s5, $0x0;
	s5 =	sld [smem:$0x3FA7]  }
0x2b: {  	s6 =	sld [smem:$0x3FA8]  }
0x2c: {  	s7 =	sld [smem:$0x3FA9]  }
0x2d: {  	s3 =	simm.s32 $0x108;
	s8 =	sld [smem:$0x3FAA]  }
0x2e: {  	s3 =	simm.s32 @!p0 $0x1082;
	s9 =	sld [smem:$0x3FAB]  }
0x2f: {  	lr =	sadd.s32 s0, s3;
	s0 =	sld [smem:$0x3FA2]  }
0x30: {  	s3 =	sld [smem:$0x3FA5]  }
0x31: {  	[smem:$0x3FAE] =	sst s10  }
0x32: {  	s10 =	sld [smem:$0x3FAC];
	_ =	sdelay $0x3  }
0x33: {  	p0 =	seq.s32 s10, $0x1;
	s10 =	sld [smem:$0x3FAE];
	_ =	sdelay $0x3  }
0x34: {  	[smem:$0x3FAE] =	sst s10  }
0x35: {  	s10 =	sld [smem:$0x3FAD];
	_ =	sdelay $0x3  }
0x36: {  	p1 =	seq.s32 s10, $0x1;
	s10 =	sld [smem:$0x3FAE];
	_ =	sdelay $0x3  }
0x37: {  	[smem:$0x3FAE] =	sst s10  }
0x38: {  	s10 =	sld [smem:$0x3FAF]  }
0x39: {  	_ = 	snop;
	(pc) =	sbr.ind lr, $3  }
0x3a: {  	_ = 	snop  }
0x3b: {  	_ = 	snop  }
0x3c: {  	p2 =	seq.s32 s10, $0x1;
	s10 =	sld [smem:$0x3FAE]  }
0x3d: {  	_ =	shalt  }
0x3e: {  	_ =	shalt  }
0x3f: {  	_ =	shalt  }
0x40: {  	_ =	shalt  }
0x41: {  	_ =	shalt  }
0x42: {  	_ =	shalt  }
0x43: {  	_ =	shalt  }
0x44: {  	_ =	shalt  }
0x45: {  	_ =	shalt  }
0x46: {  	_ =	shalt  }
0x47: {  	_ =	shalt  }
0x48: {  	_ =	shalt  }
0x49: {  	_ =	shalt  }
0x4a: {  	_ =	shalt  }
0x4b: {  	_ =	shalt  }
0x4c: {  	_ =	shalt  }
0x4d: {  	_ =	shalt  }
0x4e: {  	_ =	shalt  }
0x4f: {  	_ =	shalt  }
0x50: {  	_ =	shalt  }
0x51: {  	_ =	shalt  }
0x52: {  	_ =	shalt  }
0x53: {  	_ =	shalt  }
0x54: {  	_ =	shalt  }
0x55: {  	_ =	shalt  }
0x56: {  	_ =	shalt  }
0x57: {  	_ =	shalt  }
0x58: {  	_ =	shalt  }
0x59: {  	_ =	shalt  }
0x5a: {  	_ =	shalt  }
0x5b: {  	_ =	shalt  }
0x5c: {  	_ =	shalt  }
0x5d: {  	_ =	shalt  }
0x5e: {  	_ =	shalt  }
0x5f: {  	_ =	shalt  }
0x60: {  	_ =	shalt  }
0x61: {  	_ =	shalt  }
0x62: {  	_ =	shalt  }
0x63: {  	_ =	shalt  }
0x64: {  	_ =	shalt  }
0x65: {  	_ =	shalt  }
0x66: {  	_ =	shalt  }
0x67: {  	_ =	shalt  }
0x68: {  	_ =	shalt  }
0x69: {  	_ =	shalt  }
0x6a: {  	_ =	shalt  }
0x6b: {  	_ =	shalt  }
0x6c: {  	_ =	shalt  }
0x6d: {  	_ =	shalt  }
0x6e: {  	_ =	shalt  }
0x6f: {  	_ =	shalt  }
0x70: {  	_ =	shalt  }
0x71: {  	_ =	shalt  }
0x72: {  	_ =	shalt  }
0x73: {  	_ =	shalt  }
0x74: {  	_ =	shalt  }
0x75: {  	_ =	shalt  }
0x76: {  	_ =	shalt  }
0x77: {  	_ =	shalt  }
0x78: {  	_ =	shalt  }
0x79: {  	_ =	shalt  }
0x7a: {  	_ =	shalt  }
0x7b: {  	_ =	shalt  }
0x7c: {  	_ =	shalt  }
0x7d: {  	_ =	shalt  }
0x7e: {  	_ =	shalt  }
0x7f: {  	_ =	shalt  }
0x80: {  	_ =	shalt  }
0x81: {  	_ =	shalt  }
0x82: {  	_ =	shalt  }
0x83: {  	_ =	shalt  }
0x84: {  	_ =	shalt  }
0x85: {  	_ =	shalt  }
0x86: {  	_ =	shalt  }
0x87: {  	_ =	shalt  }
.Lfunc_end0:
.L_simem_size_0:
called_computation.1_lowered:
.L_overlay_start_0:
0x88: {  	s2 =	sld [smem:$0x3FD9]  }
0x89: {  	s3 =	sld [smem:$0x3FFE];
	_ =	sdelay $0x1  }
0x8a: {  	s1 =	srdreg.scid  }
0x8b: {  	s0 =	sand.u32 $0x1, s1  }
0x8c: {  	s17 =	sshll.u32 s0, $0xA;
	s2 =	sadd.s32 s3, s2  }
0x8d: {  	s2 =	sadd.s32 s2, s17  }
0x8e: {  	[smem:$0x3FBA] =	sst s2  }
0x8f: {  	_ = 	snop  }
0x90: {  	s2 =	sld [smem:$0x3FD0];
	(tm) =	ssettm $0x1  }
0x91: {  	s18 =	sld [smem:$0x3FFB];
	_ =	sdelay $0x3  }
0x92: {  	_ =	strace s18  }
0x93: {  	s3 =	sld [smem:$0x3FFC];
	_ =	sdelay $0x3  }
0x94: {  	_ =	strace s3  }
0x95: {  	s3 =	sld [smem:$0x3FFD];
	_ =	sdelay $0x3  }
0x96: {  	_ =	strace s3  }
0x97: {  	_ =	strace $0x8FFFFFFF  }
0x98: {  	s19 =	sld [smem:$0x3FDB];
	_ =	sdelay $0x1  }
0x99: {  	s4 =	simm.s32 $_scs_section_size  }
0x9a: {  	s5 =	simm.s32 $_size__tile_overlayer_lowered;
	s6 =	simm.s32 $_tile_overlayer_lowered  }
0x9b: {  	s22 =	simm.s32 $0x1BFF;
	s21 =	sshll.u32 s6, $0x1;
	s3 =	sadd.s32 s4, s19  }
0x9c: {  	s7 =	simm.s32 $0x0;
	s20 =	sshll.u32 s5, $0x1;
	s5 =	sadd.s32 s21, s3  }
0x9d: {  	[timem:s7], [sflag:s22] =	dma.local [hbm:s5], s20  }
0x9e: {  	_ =	swait.ge [sflag:s22], s20  }
0x9f: {  	s4 =	ssub.s32 $0x0, s20;
	[sflag:s22] =	ssyncset.done $0x0  }
0xa0: {  	[sflag:s22] =	ssyncadd.s32 s4;
	_ =	sdelay $0x1  }
0xa1: {  	s23 =	simm.s32 $0x1B8B  }
0xa2: {  	_ =	swait.ge [sflag:s23], $0x1  }
0xa3: {  	[sflag:s23] =	ssyncset.done $0x0  }
0xa4: {  	s25 =	simm.s32 $0x1B8E;
	s24 =	sld [smem:$0x3FFE];
	[sflag:s23] =	ssyncadd.s32 $0xFFFFFFFF  }
0xa5: {  	s26 =	simm.s32 $execute0_lowered;
	[smem:$0x3FD2] =	sst s25  }
0xa6: {  	s5 =	sshll.u32 s26, $0x1;
	_ =	strace $0x80000049;
	[dreg:$0x1] =	wrdreg $0xFFFFFFFF  }
0xa7: {  	s28 =	simm.s32 $_size_execute0_lowered;
	s3 =	sadd.s32 s3, s5;
	[dreg:$0x0] =	wrdreg $0x0  }
0xa8: {  	s5 =	sshll.u32 s28, $0x1;
	[dreg:$0x2] =	wrdreg s3  }
0xa9: {  	[dreg:$0x3] =	wrdreg s5  }
0xaa: {  	[dreg:$0x4] =	wrdreg $0xC0  }
0xab: {  	_ =	task [dreg:s7], $0x5FFFF  }
0xac: {  	[dreg:$0x1] =	wrdreg $0xFFFFFFFF  }
0xad: {  	[dreg:$0x0] =	wrdreg $0x60  }
0xae: {  	[dreg:$0x2] =	wrdreg s24  }
0xaf: {  	[dreg:$0x3] =	wrdreg s2  }
0xb0: {  	[dreg:$0x4] =	wrdreg $0x90000  }
0xb1: {  	[dreg:$0x5] =	wrdreg $0xA4000  }
0xb2: {  	[dreg:$0x6] =	wrdreg $0x9  }
0xb3: {  	_ =	task.clear_ibuf [dreg:s7], $0x7FFFF;
	_ =	strace $0x90000049  }
0xb4: {  	s29 =	simm.s32 $0x9;
	_ =	strace $0x8000004B  }
0xb5: {  	_ =	swait.ge [sflag:s29], $0x1  }
0xb6: {  	[sflag:s29] =	ssyncadd.s32 $0xFFFFFFFF  }
0xb7: {  	_ =	strace $0x9000004B  }
0xb8: {  	_ =	sfence  }
0xb9: {  	s30 =	sld [smem:$0x0];
	_ =	sdelay $0x2  }
0xba: {  	s31 =	sshll.u32 s1, $0xD;
	s1 =	sshrl.u32 s1, $0x2  }
0xbb: {  	s3 =	sand.u32 $0x4000, s31;
	s1 =	sadd.s32 s1, s30  }
0xbc: {  	s0 =	sor.u32 s3, s0;
	s1 =	sshll.u32 s1, $0x11  }
0xbd: {  	s0 =	sor.u32 s1, s0  }
0xbe: {  	s0 =	sadd.s32 $0x8F2B, s0  }
0xbf: {  	[sflag:s0] =	ssyncadd.remote.s32 $0x1  }
0xc0: {  	_ =	sfence.sel $0xFFFF  }
0xc1: {  	[dreg:$0x0] =	wrdreg $0xFFFFFFFF;
	(pc) =	sbr.abs _section_cstart, $3  }
0xc2: {  	[dreg:$0x1] =	wrdreg $0xFFFFFFFF  }
0xc3: {  	_ =	task.clear_ibuf [dreg:s7], $0x2FFFF;
	_ =	strace $0x9FFFFFFF  }
0xc4: {  	(tm) =	ssettm $0x7FFFFFFF  }
0xc5: {  	_ =	shalt  }
tec
execute0_lowered:
.L_overlay_start_1:
0x0: {  	(tag) =	ssettag $0x1  }
0x1: {  	s0 =	rddreg [dreg:$0x0]  }
0x2: {  	s1 =	rddreg [dreg:$0x1];
	s3 =	srdreg.scid  }
0x3: {  	s10 =	stileid.u32;
	s2 =	rddreg [dreg:$0x2];
	s4 =	simm.s32 $0x0  }
0x4: {  	s13 =	simm.s32 $0x5;
	s14 =	simm.s32 $0x5000;
	s16 =	simm.s32 $0x80  }
0x5: {  	s17 =	simm.s32 $0x5400;
	s28 =	simm.s32 $0x6800;
	s30 =	simm.s32 $0x6C00  }
0x6: {  	s15 =	simm.s32 $0x7400;
	s29 =	simm.s32 $0x8000;
	s31 =	simm.s32 $0x8C00  }
0x7: {  	s18 =	simm.s32 $0x1;
	s5 =	sand.u32 $0x1, s3;
	s3 =	rddreg [dreg:$0x3]  }
0x8: {  	s6 =	smul.u32 $0x2800, s10;
	[smem:$0x7FF] =	sst s4;
	s22 =	sshll.u32 s10, $0x6  }
0x9: {  	p0 =	sgt.u32 s10, $0x9;
	s7 =	sshll.u32 s5, $0x4;
	s8 =	smul.u32 $0x19000, s5  }
0xa: {  	_ =	strace $0x8000004A;
	s5 =	ssub.s32 $0x2, s5;
	s11 =	sor.u32 $0x1C05, s22  }
0xb: {  	s22 =	simm.s32 $0x8800;
	s7 =	sor.u32 s10, s7;
	s19 =	sshrl.u32 s5, $0x1  }
0xc: {  	s20 =	sshrl.u32 s6, $0x1;
	[dreg:$0x6] =	wrdreg s11;
	s7 =	smul.u32 $0x500, s7  }
0xd: {  	s8 =	sadd.s32 s6, s8;
	s5 =	ssub.s32 s5, s19;
	s6 =	sshrl.u32 s6, $0x4  }
0xe: {  	s21 =	sadd.s32 s20, s2;
	s19 =	simm.s32 $0x5800;
	s8 =	sshrl.u32 s8, $0x4  }
0xf: {  	s1 =	sadd.s32 s1, s6;
	s25 =	smax.u32 s5, $0x1;
	s26 =	sshrl.u32 s21, $0x3  }
0x10: {  	s21 =	simm.s32 $0x5C00;
	s5 =	simm.s32 $0x3;
	[dreg:$0x5] =	wrdreg s1  }
0x11: {  	s9 =	sadd.s32 s7, s0;
	s0 =	sadd.s32 s8, s0;
	[dreg:$0xb] =	wrdreg s25  }
0x12: {  	s7 =	sadd.s32 s20, s3;
	[dreg:$0xc] =	wrdreg s26;
	s25 =	simm.s32 $0x6400  }
.Ltmp0:
0x13: {  	s23 =	sadd.s32 $0x2B000, s9;
	[dreg:$0x7] =	wrdreg s7;
	(pc) =	sbr.rel .LBB2_1-.Ltmp0, $4  }
0x14: {  	s1 =	simm.s32 $0x7000;
	s24 =	sadd.s32 $0x35000, s9;
	[dreg:$0x8] =	wrdreg s23  }
0x15: {  	s20 =	simm.s32 $0x7800;
	s0 =	sadd.s32 $0x3000, s0;
	[dreg:$0x9] =	wrdreg s24  }
0x16: {  	s26 =	simm.s32 $0x2;
	s8 =	simm.s32 $0x4;
	[dreg:$0xa] =	wrdreg s0  }
0x17: {  	v0 =	vimm.bf16 $0.0e+00;
	s23 =	simm.s32 $0x6000;
	s24 =	simm.s32 $0x7C00;
	s0 =	simm.s32 $0x8400  }
.LBB2_6:
0x18: {  	[bflag:$0x0] =	sbarrier.arrive $0xFFFF  }
0x19: {  	s7 =	rddreg [dreg:$0x7]  }
0x1a: {  	s11 =	rddreg [dreg:$0x6]  }
0x1b: {  	s9 =	rddreg [dreg:$0xa];
	s6 =	sshrl.u32 @!p0 s7, $0x3  }
0x1c: {  	[hbm:s9], [sflag:s11] =	dma.local @!p0 [spmem:s6], $0x280  }
0x1d: {  	s6 =	simm.s32 @!p0 $0x5  }
0x1e: {  	_ =	swait.ge @!p0 [sflag:s6], $0x280  }
0x1f: {  	s4 =	sadd.s32 $0x1, s4;
	s12 =	rddreg [dreg:$0xb]  }
0x20: {  	p1 =	sne.s32 s4, s12  }
.Ltmp1:
0x21: {  	_ = 	snop;
	(pc) =	sbr.rel @!p1 .LBB2_7-.Ltmp1, $3  }
0x22: {  	_ =	sdelay $0x1  }
0x23: {  	[sflag:s6] =	ssyncset.done @!p0 $0x0  }
0x24: {  	[sflag:s6] =	ssyncadd.s32 @!p0 $0xFFFFFD80  }
.LBB2_1:
0x25: {  	s6 =	rddreg [dreg:$0x5]  }
0x26: {  	s9 =	rddreg [dreg:$0xc]  }
0x27: {  	[spmem:s9], [sflag:s11] =	dma.local [hbm:s6], $0x280  }
0x28: {  	_ =	swait.ge [sflag:s13], $0x280  }
0x29: {  	[sflag:s13] =	ssyncset.done $0x0  }
0x2a: {  	s10 =	simm.s32 $0x0;
	s9 =	simm.s32 $0x40;
	[sflag:s13] =	ssyncadd.s32 $0xFFFFFD80  }
.LBB2_2:
0x2b: {  	p1 =	sne.s32 s9, $0x7FC0;
	[tilespmem:s10+$0x5000] =	vst.msk $0xff, v0;
	s11 =	smov.u32 s9;
	s9 =	sadd.s32 $0x40, s9  }
.Ltmp2:
0x2c: {  	[tilespmem:s10+$0x5008] =	vst.msk $0xff, v0;
	(pc) =	sbr.rel @p1 .LBB2_2-.Ltmp2, $2  }
0x2d: {  	_ =	sdelay $0x2  }
0x2e: {  	s10 =	sshra.s32 s11, $0x2  }
0x2f: {  	[tilespmem:s10+$0x5000] =	vst.msk $0xff, v0  }
0x30: {  	[tilespmem:s10+$0x5008] =	vst.msk $0xff, v0  }
0x31: {  	[spmem:s7] =	stream.linear.scatter [tilespmem:s14], [sflag:$0x5], $0x1400, $0x38;
	[tilespmem:$0xB800] =	vst v63  }
0x32: {  	_ =	swait.ge [sflag:s13], $0x1400  }
0x33: {  	[sflag:s13] =	ssyncset.done $0x0  }
0x34: {  	[sflag:s13] =	ssyncadd.s32 $0xFFFFEC00  }
0x35: {  	[bflag:$0x0] =	sbarrier.arrive $0xFFFF  }
0x36: {  	s9 =	simm.s32 $0x0;
	s6 =	rddreg [dreg:$0x8]  }
0x37: {  	[tilespmem:s9], [sflag:$0x5] =	stream.linear.gather [hbm4b:s6+s9], $0x2800, $0x38;
	[tilespmem:$0xB800] =	vst v63  }
0x38: {  	_ =	swait.ge [sflag:s13], $0x2800  }
0x39: {  	[sflag:s13] =	ssyncset.done $0x0  }
0x3a: {  	s10 =	simm.s32 $0x2800;
	s7 =	rddreg [dreg:$0x9];
	[sflag:s13] =	ssyncadd.s32 $0xFFFFD800  }
0x3b: {  	[tilespmem:s10], [sflag:$0x5] =	stream.linear.gather [hbm4b:s7+s9], $0x2800, $0x38;
	[tilespmem:$0xB800] =	vst v63  }
0x3c: {  	_ =	swait.ge [sflag:s13], $0x2800  }
0x3d: {  	[sflag:s13] =	ssyncset.done $0x0  }
0x3e: {  	[sflag:s13] =	ssyncadd.s32 $0xFFFFD800  }
0x3f: {  	[tilespmem:s14], [sflag:$0x1] =	stream.indirect.gather [spmem:s2], $0x8, s9, s16, $0xb8;
	[tilespmem:$0xB800] =	vst v63  }
0x40: {  	_ = 	snop  }
0x41: {  	[tilespmem:s17], [sflag:$0x1] =	stream.indirect.gather [spmem:s2], $0x8, s16, s16, $0xb8;
	[tilespmem:$0xB800] =	vst v63  }
0x42: {  	s11 =	simm.s32 $0x100  }
0x43: {  	[tilespmem:s19], [sflag:$0x1] =	stream.indirect.gather [spmem:s2], $0x8, s11, s16, $0xb8;
	[tilespmem:$0xB800] =	vst v63  }
0x44: {  	s12 =	simm.s32 $0x180  }
0x45: {  	[tilespmem:s21], [sflag:$0x1] =	stream.indirect.gather [spmem:s2], $0x8, s12, s16, $0xb8;
	[tilespmem:$0xB800] =	vst v63  }
0x46: {  	s7 =	simm.s32 $0x200  }
0x47: {  	[tilespmem:s23], [sflag:$0x1] =	stream.indirect.gather [spmem:s2], $0x8, s7, s16, $0xb8;
	[tilespmem:$0xB800] =	vst v63  }
0x48: {  	s10 =	simm.s32 $0x280  }
0x49: {  	[tilespmem:s25], [sflag:$0x1] =	stream.indirect.gather [spmem:s2], $0x8, s10, s16, $0xb8;
	[tilespmem:$0xB800] =	vst v63  }
0x4a: {  	s11 =	simm.s32 $0x300  }
0x4b: {  	[tilespmem:s28], [sflag:$0x1] =	stream.indirect.gather [spmem:s2], $0x8, s11, s16, $0xb8;
	[tilespmem:$0xB800] =	vst v63  }
0x4c: {  	s12 =	simm.s32 $0x380  }
0x4d: {  	[tilespmem:s30], [sflag:$0x1] =	stream.indirect.gather [spmem:s2], $0x8, s12, s16, $0xb8;
	[tilespmem:$0xB800] =	vst v63  }
0x4e: {  	s7 =	simm.s32 $0x400  }
0x4f: {  	[tilespmem:s1], [sflag:$0x2] =	stream.indirect.gather [spmem:s2], $0x8, s7, s16, $0xb8;
	[tilespmem:$0xB800] =	vst v63  }
0x50: {  	s10 =	simm.s32 $0x480  }
0x51: {  	[tilespmem:s15], [sflag:$0x2] =	stream.indirect.gather [spmem:s2], $0x8, s10, s16, $0xb8;
	[tilespmem:$0xB800] =	vst v63  }
0x52: {  	s11 =	simm.s32 $0x500  }
0x53: {  	[tilespmem:s20], [sflag:$0x2] =	stream.indirect.gather [spmem:s2], $0x8, s11, s16, $0xb8;
	[tilespmem:$0xB800] =	vst v63  }
0x54: {  	s12 =	simm.s32 $0x580  }
0x55: {  	[tilespmem:s24], [sflag:$0x2] =	stream.indirect.gather [spmem:s2], $0x8, s12, s16, $0xb8;
	[tilespmem:$0xB800] =	vst v63  }
0x56: {  	s7 =	simm.s32 $0x600  }
0x57: {  	[tilespmem:s29], [sflag:$0x2] =	stream.indirect.gather [spmem:s2], $0x8, s7, s16, $0xb8;
	[tilespmem:$0xB800] =	vst v63  }
0x58: {  	s10 =	simm.s32 $0x680  }
0x59: {  	[tilespmem:s0], [sflag:$0x2] =	stream.indirect.gather [spmem:s2], $0x8, s10, s16, $0xb8;
	[tilespmem:$0xB800] =	vst v63  }
0x5a: {  	s11 =	simm.s32 $0x700  }
0x5b: {  	[tilespmem:s22], [sflag:$0x2] =	stream.indirect.gather [spmem:s2], $0x8, s11, s16, $0xb8;
	[tilespmem:$0xB800] =	vst v63  }
0x5c: {  	s12 =	simm.s32 $0x780  }
0x5d: {  	[tilespmem:s31], [sflag:$0x2] =	stream.indirect.gather [spmem:s2], $0x8, s12, s16, $0xb8;
	[tilespmem:$0xB800] =	vst v63  }
.LBB2_4:
0x5e: {  	_ =	swait.ge [sflag:s18], $0x400  }
0x5f: {  	[sflag:s18] =	ssyncset.done $0x0  }
0x60: {  	[sflag:s18] =	ssyncadd.s32 $0xFFFFFC00  }
0x61: {  	_ =	swait.ge [sflag:s18], $0x400  }
0x62: {  	[sflag:s18] =	ssyncset.done $0x0  }
0x63: {  	[sflag:s18] =	ssyncadd.s32 $0xFFFFFC00  }
0x64: {  	_ =	swait.ge [sflag:s18], $0x400  }
0x65: {  	[sflag:s18] =	ssyncset.done $0x0  }
0x66: {  	[sflag:s18] =	ssyncadd.s32 $0xFFFFFC00  }
0x67: {  	_ =	swait.ge [sflag:s18], $0x400  }
0x68: {  	[sflag:s18] =	ssyncset.done $0x0  }
0x69: {  	[sflag:s18] =	ssyncadd.s32 $0xFFFFFC00  }
0x6a: {  	_ =	swait.ge [sflag:s18], $0x400  }
0x6b: {  	[sflag:s18] =	ssyncset.done $0x0  }
0x6c: {  	[sflag:s18] =	ssyncadd.s32 $0xFFFFFC00  }
0x6d: {  	_ =	swait.ge [sflag:s18], $0x400  }
0x6e: {  	[sflag:s18] =	ssyncset.done $0x0  }
0x6f: {  	[sflag:s18] =	ssyncadd.s32 $0xFFFFFC00  }
0x70: {  	_ =	swait.ge [sflag:s18], $0x400  }
0x71: {  	[sflag:s18] =	ssyncset.done $0x0  }
0x72: {  	[sflag:s18] =	ssyncadd.s32 $0xFFFFFC00  }
0x73: {  	_ =	swait.ge [sflag:s18], $0x400  }
0x74: {  	s10 =	sshra.s32 s9, $0x2;
	[sflag:s18] =	ssyncset.done $0x0  }
0x75: {  	s11 =	sadd.s32 $0x2800, s10;
	[sflag:s18] =	ssyncadd.s32 $0xFFFFFC00  }
0x76: {  	[spmem:s3] =	stream.indirect.scatter.add.bf16 [tilespmem:s14], [sflag:$0x3], $0x8, s11, s16, $0xb8;
	[tilespmem:$0xB800] =	vst v63  }
0x77: {  	s7 =	sadd.s32 $0x2880, s10  }
0x78: {  	[spmem:s3] =	stream.indirect.scatter.add.bf16 [tilespmem:s17], [sflag:$0x3], $0x8, s7, s16, $0xb8;
	[tilespmem:$0xB800] =	vst v63  }
0x79: {  	s12 =	sadd.s32 $0x2900, s10  }
0x7a: {  	[spmem:s3] =	stream.indirect.scatter.add.bf16 [tilespmem:s19], [sflag:$0x3], $0x8, s12, s16, $0xb8;
	[tilespmem:$0xB800] =	vst v63  }
0x7b: {  	s6 =	sadd.s32 $0x2980, s10  }
0x7c: {  	[spmem:s3] =	stream.indirect.scatter.add.bf16 [tilespmem:s21], [sflag:$0x3], $0x8, s6, s16, $0xb8;
	[tilespmem:$0xB800] =	vst v63  }
0x7d: {  	s7 =	sadd.s32 $0x2A00, s10  }
0x7e: {  	[spmem:s3] =	stream.indirect.scatter.add.bf16 [tilespmem:s23], [sflag:$0x3], $0x8, s7, s16, $0xb8;
	[tilespmem:$0xB800] =	vst v63  }
0x7f: {  	s12 =	sadd.s32 $0x2A80, s10  }
0x80: {  	[spmem:s3] =	stream.indirect.scatter.add.bf16 [tilespmem:s25], [sflag:$0x3], $0x8, s12, s16, $0xb8;
	[tilespmem:$0xB800] =	vst v63  }
0x81: {  	s6 =	sadd.s32 $0x2B00, s10  }
0x82: {  	[spmem:s3] =	stream.indirect.scatter.add.bf16 [tilespmem:s28], [sflag:$0x3], $0x8, s6, s16, $0xb8;
	[tilespmem:$0xB800] =	vst v63  }
0x83: {  	s7 =	sadd.s32 $0x2B80, s10  }
0x84: {  	[spmem:s3] =	stream.indirect.scatter.add.bf16 [tilespmem:s30], [sflag:$0x3], $0x8, s7, s16, $0xb8;
	[tilespmem:$0xB800] =	vst v63  }
0x85: {  	_ =	swait.ge [sflag:s26], $0x400  }
0x86: {  	[sflag:s26] =	ssyncset.done $0x0  }
0x87: {  	[sflag:s26] =	ssyncadd.s32 $0xFFFFFC00  }
0x88: {  	_ =	swait.ge [sflag:s26], $0x400  }
0x89: {  	[sflag:s26] =	ssyncset.done $0x0  }
0x8a: {  	[sflag:s26] =	ssyncadd.s32 $0xFFFFFC00  }
0x8b: {  	_ =	swait.ge [sflag:s26], $0x400  }
0x8c: {  	[sflag:s26] =	ssyncset.done $0x0  }
0x8d: {  	[sflag:s26] =	ssyncadd.s32 $0xFFFFFC00  }
0x8e: {  	_ =	swait.ge [sflag:s26], $0x400  }
0x8f: {  	[sflag:s26] =	ssyncset.done $0x0  }
0x90: {  	[sflag:s26] =	ssyncadd.s32 $0xFFFFFC00  }
0x91: {  	_ =	swait.ge [sflag:s26], $0x400  }
0x92: {  	[sflag:s26] =	ssyncset.done $0x0  }
0x93: {  	[sflag:s26] =	ssyncadd.s32 $0xFFFFFC00  }
0x94: {  	_ =	swait.ge [sflag:s26], $0x400  }
0x95: {  	[sflag:s26] =	ssyncset.done $0x0  }
0x96: {  	[sflag:s26] =	ssyncadd.s32 $0xFFFFFC00  }
0x97: {  	_ =	swait.ge [sflag:s26], $0x400  }
0x98: {  	[sflag:s26] =	ssyncset.done $0x0  }
0x99: {  	[sflag:s26] =	ssyncadd.s32 $0xFFFFFC00  }
0x9a: {  	_ =	swait.ge [sflag:s26], $0x400  }
0x9b: {  	[sflag:s26] =	ssyncset.done $0x0  }
0x9c: {  	[sflag:s26] =	ssyncadd.s32 $0xFFFFFC00  }
0x9d: {  	_ =	swait.ge [sflag:s5], $0x400  }
0x9e: {  	[sflag:s5] =	ssyncset.done $0x0  }
0x9f: {  	[sflag:s5] =	ssyncadd.s32 $0xFFFFFC00  }
0xa0: {  	_ =	swait.ge [sflag:s5], $0x400  }
0xa1: {  	[sflag:s5] =	ssyncset.done $0x0  }
0xa2: {  	[sflag:s5] =	ssyncadd.s32 $0xFFFFFC00  }
0xa3: {  	_ =	swait.ge [sflag:s5], $0x400  }
0xa4: {  	[sflag:s5] =	ssyncset.done $0x0  }
0xa5: {  	[sflag:s5] =	ssyncadd.s32 $0xFFFFFC00  }
0xa6: {  	_ =	swait.ge [sflag:s5], $0x400  }
0xa7: {  	[sflag:s5] =	ssyncset.done $0x0  }
0xa8: {  	[sflag:s5] =	ssyncadd.s32 $0xFFFFFC00  }
0xa9: {  	_ =	swait.ge [sflag:s5], $0x400  }
0xaa: {  	[sflag:s5] =	ssyncset.done $0x0  }
0xab: {  	[sflag:s5] =	ssyncadd.s32 $0xFFFFFC00  }
0xac: {  	_ =	swait.ge [sflag:s5], $0x400  }
0xad: {  	[sflag:s5] =	ssyncset.done $0x0  }
0xae: {  	[sflag:s5] =	ssyncadd.s32 $0xFFFFFC00  }
0xaf: {  	_ =	swait.ge [sflag:s5], $0x400  }
0xb0: {  	[sflag:s5] =	ssyncset.done $0x0  }
0xb1: {  	p1 =	seq.s32 s9, $0x8000;
	[sflag:s5] =	ssyncadd.s32 $0xFFFFFC00  }
0xb2: {  	s11 =	sshra.s32 @!p1 s9, $0x2;
	_ =	swait.ge [sflag:s5], $0x400  }
0xb3: {  	s12 =	sadd.s32 @!p1 $0x800, s11;
	[sflag:s5] =	ssyncset.done $0x0  }
0xb4: {  	s6 =	simm.s32 @!p1 $0x80;
	s7 =	simm.s32 @!p1 $0x5000;
	[sflag:s5] =	ssyncadd.s32 $0xFFFFFC00  }
0xb5: {  	[tilespmem:s7], [sflag:$0x1] =	stream.indirect.gather @!p1 [spmem:s2], $0x8, s12, s6, $0xb8;
	[tilespmem:$0xB800] =	vst v63  }
0xb6: {  	s7 =	sadd.s32 @!p1 $0x880, s11;
	s12 =	simm.s32 @!p1 $0x5400  }
0xb7: {  	[tilespmem:s12], [sflag:$0x1] =	stream.indirect.gather @!p1 [spmem:s2], $0x8, s7, s6, $0xb8;
	[tilespmem:$0xB800] =	vst v63  }
0xb8: {  	s7 =	sadd.s32 @!p1 $0x900, s11;
	s12 =	simm.s32 @!p1 $0x5800  }
0xb9: {  	[tilespmem:s12], [sflag:$0x1] =	stream.indirect.gather @!p1 [spmem:s2], $0x8, s7, s6, $0xb8;
	[tilespmem:$0xB800] =	vst v63  }
0xba: {  	s7 =	sadd.s32 @!p1 $0x980, s11;
	s12 =	simm.s32 @!p1 $0x5C00  }
0xbb: {  	[tilespmem:s12], [sflag:$0x1] =	stream.indirect.gather @!p1 [spmem:s2], $0x8, s7, s6, $0xb8;
	[tilespmem:$0xB800] =	vst v63  }
0xbc: {  	s7 =	sadd.s32 @!p1 $0xA00, s11;
	s12 =	simm.s32 @!p1 $0x6000  }
0xbd: {  	[tilespmem:s12], [sflag:$0x1] =	stream.indirect.gather @!p1 [spmem:s2], $0x8, s7, s6, $0xb8;
	[tilespmem:$0xB800] =	vst v63  }
0xbe: {  	s7 =	sadd.s32 @!p1 $0xA80, s11;
	s12 =	simm.s32 @!p1 $0x6400  }
0xbf: {  	[tilespmem:s12], [sflag:$0x1] =	stream.indirect.gather @!p1 [spmem:s2], $0x8, s7, s6, $0xb8;
	[tilespmem:$0xB800] =	vst v63  }
0xc0: {  	s7 =	sadd.s32 @!p1 $0xB00, s11;
	s12 =	simm.s32 @!p1 $0x6800  }
0xc1: {  	[tilespmem:s12], [sflag:$0x1] =	stream.indirect.gather @!p1 [spmem:s2], $0x8, s7, s6, $0xb8;
	[tilespmem:$0xB800] =	vst v63  }
0xc2: {  	s7 =	sadd.s32 @!p1 $0xB80, s11;
	s11 =	simm.s32 @!p1 $0x6C00  }
0xc3: {  	[tilespmem:s11], [sflag:$0x1] =	stream.indirect.gather @!p1 [spmem:s2], $0x8, s7, s6, $0xb8;
	[tilespmem:$0xB800] =	vst v63  }
0xc4: {  	s11 =	sadd.s32 $0x2C00, s10  }
0xc5: {  	[spmem:s3] =	stream.indirect.scatter.add.bf16 [tilespmem:s1], [sflag:$0x4], $0x8, s11, s16, $0xb8;
	[tilespmem:$0xB800] =	vst v63  }
0xc6: {  	s12 =	sadd.s32 $0x2C80, s10  }
0xc7: {  	[spmem:s3] =	stream.indirect.scatter.add.bf16 [tilespmem:s15], [sflag:$0x4], $0x8, s12, s16, $0xb8;
	[tilespmem:$0xB800] =	vst v63  }
0xc8: {  	s7 =	sadd.s32 $0x2D00, s10  }
0xc9: {  	[spmem:s3] =	stream.indirect.scatter.add.bf16 [tilespmem:s20], [sflag:$0x4], $0x8, s7, s16, $0xb8;
	[tilespmem:$0xB800] =	vst v63  }
0xca: {  	s11 =	sadd.s32 $0x2D80, s10  }
0xcb: {  	[spmem:s3] =	stream.indirect.scatter.add.bf16 [tilespmem:s24], [sflag:$0x4], $0x8, s11, s16, $0xb8;
	[tilespmem:$0xB800] =	vst v63  }
0xcc: {  	s12 =	sadd.s32 $0x2E00, s10  }
0xcd: {  	[spmem:s3] =	stream.indirect.scatter.add.bf16 [tilespmem:s29], [sflag:$0x4], $0x8, s12, s16, $0xb8;
	[tilespmem:$0xB800] =	vst v63  }
0xce: {  	s7 =	sadd.s32 $0x2E80, s10  }
0xcf: {  	[spmem:s3] =	stream.indirect.scatter.add.bf16 [tilespmem:s0], [sflag:$0x4], $0x8, s7, s16, $0xb8;
	[tilespmem:$0xB800] =	vst v63  }
0xd0: {  	s11 =	sadd.s32 $0x2F00, s10  }
0xd1: {  	[spmem:s3] =	stream.indirect.scatter.add.bf16 [tilespmem:s22], [sflag:$0x4], $0x8, s11, s16, $0xb8;
	[tilespmem:$0xB800] =	vst v63  }
0xd2: {  	s12 =	sadd.s32 $0x2F80, s10  }
0xd3: {  	[spmem:s3] =	stream.indirect.scatter.add.bf16 [tilespmem:s31], [sflag:$0x4], $0x8, s12, s16, $0xb8;
	[tilespmem:$0xB800] =	vst v63  }
0xd4: {  	_ =	swait.ge [sflag:s8], $0x400  }
0xd5: {  	[sflag:s8] =	ssyncset.done $0x0  }
0xd6: {  	[sflag:s8] =	ssyncadd.s32 $0xFFFFFC00  }
0xd7: {  	_ =	swait.ge [sflag:s8], $0x400  }
0xd8: {  	[sflag:s8] =	ssyncset.done $0x0  }
0xd9: {  	[sflag:s8] =	ssyncadd.s32 $0xFFFFFC00  }
0xda: {  	_ =	swait.ge [sflag:s8], $0x400  }
0xdb: {  	[sflag:s8] =	ssyncset.done $0x0  }
0xdc: {  	[sflag:s8] =	ssyncadd.s32 $0xFFFFFC00  }
0xdd: {  	_ =	swait.ge [sflag:s8], $0x400  }
0xde: {  	[sflag:s8] =	ssyncset.done $0x0  }
0xdf: {  	[sflag:s8] =	ssyncadd.s32 $0xFFFFFC00  }
0xe0: {  	_ =	swait.ge [sflag:s8], $0x400  }
0xe1: {  	[sflag:s8] =	ssyncset.done $0x0  }
0xe2: {  	[sflag:s8] =	ssyncadd.s32 $0xFFFFFC00  }
0xe3: {  	_ =	swait.ge [sflag:s8], $0x400  }
0xe4: {  	[sflag:s8] =	ssyncset.done $0x0  }
0xe5: {  	[sflag:s8] =	ssyncadd.s32 $0xFFFFFC00  }
0xe6: {  	_ =	swait.ge [sflag:s8], $0x400  }
.Ltmp3:
0xe7: {  	[sflag:s8] =	ssyncset.done $0x0;
	(pc) =	sbr.rel @p1 .LBB2_6-.Ltmp3, $4  }
0xe8: {  	[sflag:s8] =	ssyncadd.s32 $0xFFFFFC00  }
0xe9: {  	_ =	swait.ge [sflag:s8], $0x400  }
0xea: {  	[sflag:s8] =	ssyncset.done $0x0  }
0xeb: {  	[sflag:s8] =	ssyncadd.s32 $0xFFFFFC00  }
0xec: {  	s6 =	sadd.s32 $0xC00, s10  }
0xed: {  	[tilespmem:s1], [sflag:$0x2] =	stream.indirect.gather [spmem:s2], $0x8, s6, s16, $0xb8;
	[tilespmem:$0xB800] =	vst v63  }
0xee: {  	s12 =	sadd.s32 $0xC80, s10  }
0xef: {  	[tilespmem:s15], [sflag:$0x2] =	stream.indirect.gather [spmem:s2], $0x8, s12, s16, $0xb8;
	[tilespmem:$0xB800] =	vst v63  }
0xf0: {  	s7 =	sadd.s32 $0xD00, s10  }
0xf1: {  	[tilespmem:s20], [sflag:$0x2] =	stream.indirect.gather [spmem:s2], $0x8, s7, s16, $0xb8;
	[tilespmem:$0xB800] =	vst v63  }
0xf2: {  	s11 =	sadd.s32 $0xD80, s10  }
0xf3: {  	[tilespmem:s24], [sflag:$0x2] =	stream.indirect.gather [spmem:s2], $0x8, s11, s16, $0xb8;
	[tilespmem:$0xB800] =	vst v63  }
0xf4: {  	s12 =	sadd.s32 $0xE00, s10  }
0xf5: {  	[tilespmem:s29], [sflag:$0x2] =	stream.indirect.gather [spmem:s2], $0x8, s12, s16, $0xb8;
	[tilespmem:$0xB800] =	vst v63  }
0xf6: {  	s7 =	sadd.s32 $0xE80, s10  }
0xf7: {  	[tilespmem:s0], [sflag:$0x2] =	stream.indirect.gather [spmem:s2], $0x8, s7, s16, $0xb8;
	[tilespmem:$0xB800] =	vst v63  }
.Ltmp4:
0xf8: {  	_ = 	snop;
	(pc) =	sbr.rel .LBB2_4-.Ltmp4, $4  }
0xf9: {  	s11 =	sadd.s32 $0xF00, s10  }
0xfa: {  	[tilespmem:s22], [sflag:$0x2] =	stream.indirect.gather [spmem:s2], $0x8, s11, s16, $0xb8;
	[tilespmem:$0xB800] =	vst v63  }
0xfb: {  	s9 =	sadd.s32 $0x2000, s9;
	s12 =	sadd.s32 $0xF80, s10  }
0xfc: {  	[tilespmem:s31], [sflag:$0x2] =	stream.indirect.gather [spmem:s2], $0x8, s12, s16, $0xb8;
	[tilespmem:$0xB800] =	vst v63  }
.LBB2_7:
0xfd: {  	_ =	sfence.sel $0x180000  }
0xfe: {  	[bflag:$0x0] =	sbarrier.arrive $0xFFFF  }
0xff: {  	_ =	strace $0x9000004A  }
0x100: {  	s0 =	stileid.u32;
	[bflag:$0x2] =	sbarrier.arrive $0xFFFF  }
0x101: {  	p0 =	sne.s32 s0, $0x0;
	s0 =	rddreg [dreg:$0x4]  }
0x102: {  	s0 =	sadd.s32 @!p0 $0x100000, s0  }
0x103: {  	[sflag:s0] =	ssyncadd.tile.s32 @!p0 $0x1;
	_ =	shalt  }
.Lfunc_end2:
_tile_overlayer_lowered:
.L_overlay_start_2:
0x104: {  	(tag) =	ssettag $0x2  }
0x105: {  	s0 =	rddreg [dreg:$0x0];
	s2 =	stileid.u32  }
0x106: {  	s1 =	rddreg [dreg:$0x1];
	p0 =	sne.s32 s2, $0x0  }
0x107: {  	s3 =	rddreg [dreg:$0x2];
	[bflag:$0x3] =	sbarrier.arrive $0xFFFF;
	s2 =	simm.s32 @!p0 $0x1C05  }
0x108: {  	[timem:s3], [sflag:s2] =	dma.local @!p0 [hbm:s0], s1  }
0x109: {  	s0 =	simm.s32 @!p0 $0x5  }
0x10a: {  	_ =	swait.ge @!p0 [sflag:s0], s1  }
0x10b: {  	s1 =	ssub.s32 @!p0 $0x0, s1;
	[sflag:s0] =	ssyncset.done @!p0 $0x0  }
0x10c: {  	[sflag:s0] =	ssyncadd.s32 @!p0 s1  }
0x10d: {  	[bflag:$0x3] =	sbarrier.arrive $0xFFFF  }
0x10e: {  	_ =	shalt  }

// kernel: kernel.8.cloned.1.call-start
scs
__scs_entry_jumppad:
0x0: {  	(pc) =	sbr.rel $0x88, $3  }
0x1: {  	(tag) =	ssettag $0x0;
	lr =	simm.s32 $0x1  }
0x2: {  	[smem:$0x3F93] =	sst lr;
	_ =	strace $0xD0000000  }
0x3: {  	_ = 	snop  }
0x4: {  	_ = 	snop  }
0x5: {  	_ = 	snop  }
0x6: {  	_ = 	snop  }
0x7: {  	_ = 	snop  }
__scs_overlays_trampoline_lowered:
0x8: {  	[smem:$0x3FA2] =	sst s0  }
0x9: {  	[smem:$0x3FA3] =	sst s1  }
0xa: {  	[smem:$0x3FA4] =	sst s2  }
0xb: {  	[smem:$0x3FA5] =	sst s3  }
0xc: {  	[smem:$0x3FA6] =	sst s4  }
0xd: {  	[smem:$0x3FA7] =	sst s5  }
0xe: {  	[smem:$0x3FA8] =	sst s6  }
0xf: {  	[smem:$0x3FA9] =	sst s7  }
0x10: {  	[smem:$0x3FAA] =	sst s8  }
0x11: {  	[smem:$0x3FAB] =	sst s9;
	s0 =	simm.s32 @!p0 $0x0  }
0x12: {  	s1 =	sld [smem:$0x3F91];
	s0 =	simm.s32 @p0 $0x1  }
0x13: {  	[smem:$0x3FAC] =	sst s0;
	s0 =	simm.s32 @!p1 $0x0  }
0x14: {  	s2 =	sld [smem:$0x3F90];
	s0 =	simm.s32 @p1 $0x1  }
0x15: {  	[smem:$0x3FAD] =	sst s0;
	s0 =	simm.s32 @!p2 $0x0  }
0x16: {  	s3 =	sld [smem:$0x3FDB];
	s0 =	simm.s32 @p2 $0x1  }
0x17: {  	s4 =	simm.s32 $0x1BF5;
	[smem:$0x3FAF] =	sst s0  }
0x18: {  	s0 =	sld [smem:$0x3F92];
	_ =	swait.ge [sflag:s4], $0x0  }
0x19: {  	s7 =	sld [smem:$0x3F93]  }
0x1a: {  	s8 =	sadd.s32 $0xFFFFE003, lr  }
0x1b: {  	s9 =	sadd.s32 $0xFFFFFEF7, lr;
	s5 =	simm.s32 $0xFFFFFFFF;
	p2 =	slt.u32 s8, $0xFFFFF086  }
0x1c: {  	p1 =	slt.u32 s9, $0xF7A;
	s5 =	simm.s32 @!p2 $0x0  }
0x1d: {  	s5 =	simm.s32 @p1 $0x1;
	p0 =	seq.s32 s7, s2  }
0x1e: {  	s7 =	smul.u32 @!p0 $0xF7A, s2;
	p2 =	seq.s32 @!p0 s5, $0x0  }
0x1f: {  	s9 =	smul.u32 $0xF7A, s1;
	s8 =	simm.s32 @!p0 $0x1BF5;
	p2 =	por !p2, p0  }
0x20: {  	[sflag:s8] =	ssyncset.s32 @!p0 $0xFFFFF086;
	s6 =	sadd.s32 @!p0 s3, s7;
	s7 =	simm.s32 @!p0 $0x108  }
0x21: {  	s3 =	sadd.s32 s3, s9;
	s6 =	sadd.s32 @!p0 $0x88, s6;
	s7 =	simm.s32 @p2 $0x1082  }
0x22: {  	[simem:s7], [sflag:s8] =	dma.local @!p0 [hbm:s6], $0xF7A  }
0x23: {  	s9 =	sor.u32 $0xD0000000, s2;
	s6 =	simm.s32 $0x108;
	_ =	swait.ge @!p0 [sflag:s8], $0x0  }
0x24: {  	s3 =	sadd.s32 $0x88, s3;
	s6 =	simm.s32 @!p1 $0x1082;
	[sflag:s4] =	ssyncset.s32 $0xFFFFF086  }
0x25: {  	[simem:s6], [sflag:s4] =	dma.local [hbm:s3], $0xF7A  }
0x26: {  	[smem:$0x3F93] =	sst s1;
	(tag) =	ssettag s2;
	_ =	strace s9  }
0x27: {  	s1 =	sld [smem:$0x3FA3]  }
0x28: {  	s2 =	sld [smem:$0x3FA4]  }
0x29: {  	s4 =	sld [smem:$0x3FA6]  }
0x2a: {  	p0 =	seq.s32 s5, $0x0;
	s5 =	sld [smem:$0x3FA7]  }
0x2b: {  	s6 =	sld [smem:$0x3FA8]  }
0x2c: {  	s7 =	sld [smem:$0x3FA9]  }
0x2d: {  	s3 =	simm.s32 $0x108;
	s8 =	sld [smem:$0x3FAA]  }
0x2e: {  	s3 =	simm.s32 @!p0 $0x1082;
	s9 =	sld [smem:$0x3FAB]  }
0x2f: {  	lr =	sadd.s32 s0, s3;
	s0 =	sld [smem:$0x3FA2]  }
0x30: {  	s3 =	sld [smem:$0x3FA5]  }
0x31: {  	[smem:$0x3FAE] =	sst s10  }
0x32: {  	s10 =	sld [smem:$0x3FAC];
	_ =	sdelay $0x3  }
0x33: {  	p0 =	seq.s32 s10, $0x1;
	s10 =	sld [smem:$0x3FAE];
	_ =	sdelay $0x3  }
0x34: {  	[smem:$0x3FAE] =	sst s10  }
0x35: {  	s10 =	sld [smem:$0x3FAD];
	_ =	sdelay $0x3  }
0x36: {  	p1 =	seq.s32 s10, $0x1;
	s10 =	sld [smem:$0x3FAE];
	_ =	sdelay $0x3  }
0x37: {  	[smem:$0x3FAE] =	sst s10  }
0x38: {  	s10 =	sld [smem:$0x3FAF]  }
0x39: {  	_ = 	snop;
	(pc) =	sbr.ind lr, $3  }
0x3a: {  	_ = 	snop  }
0x3b: {  	_ = 	snop  }
0x3c: {  	p2 =	seq.s32 s10, $0x1;
	s10 =	sld [smem:$0x3FAE]  }
0x3d: {  	_ =	shalt  }
0x3e: {  	_ =	shalt  }
0x3f: {  	_ =	shalt  }
0x40: {  	_ =	shalt  }
0x41: {  	_ =	shalt  }
0x42: {  	_ =	shalt  }
0x43: {  	_ =	shalt  }
0x44: {  	_ =	shalt  }
0x45: {  	_ =	shalt  }
0x46: {  	_ =	shalt  }
0x47: {  	_ =	shalt  }
0x48: {  	_ =	shalt  }
0x49: {  	_ =	shalt  }
0x4a: {  	_ =	shalt  }
0x4b: {  	_ =	shalt  }
0x4c: {  	_ =	shalt  }
0x4d: {  	_ =	shalt  }
0x4e: {  	_ =	shalt  }
0x4f: {  	_ =	shalt  }
0x50: {  	_ =	shalt  }
0x51: {  	_ =	shalt  }
0x52: {  	_ =	shalt  }
0x53: {  	_ =	shalt  }
0x54: {  	_ =	shalt  }
0x55: {  	_ =	shalt  }
0x56: {  	_ =	shalt  }
0x57: {  	_ =	shalt  }
0x58: {  	_ =	shalt  }
0x59: {  	_ =	shalt  }
0x5a: {  	_ =	shalt  }
0x5b: {  	_ =	shalt  }
0x5c: {  	_ =	shalt  }
0x5d: {  	_ =	shalt  }
0x5e: {  	_ =	shalt  }
0x5f: {  	_ =	shalt  }
0x60: {  	_ =	shalt  }
0x61: {  	_ =	shalt  }
0x62: {  	_ =	shalt  }
0x63: {  	_ =	shalt  }
0x64: {  	_ =	shalt  }
0x65: {  	_ =	shalt  }
0x66: {  	_ =	shalt  }
0x67: {  	_ =	shalt  }
0x68: {  	_ =	shalt  }
0x69: {  	_ =	shalt  }
0x6a: {  	_ =	shalt  }
0x6b: {  	_ =	shalt  }
0x6c: {  	_ =	shalt  }
0x6d: {  	_ =	shalt  }
0x6e: {  	_ =	shalt  }
0x6f: {  	_ =	shalt  }
0x70: {  	_ =	shalt  }
0x71: {  	_ =	shalt  }
0x72: {  	_ =	shalt  }
0x73: {  	_ =	shalt  }
0x74: {  	_ =	shalt  }
0x75: {  	_ =	shalt  }
0x76: {  	_ =	shalt  }
0x77: {  	_ =	shalt  }
0x78: {  	_ =	shalt  }
0x79: {  	_ =	shalt  }
0x7a: {  	_ =	shalt  }
0x7b: {  	_ =	shalt  }
0x7c: {  	_ =	shalt  }
0x7d: {  	_ =	shalt  }
0x7e: {  	_ =	shalt  }
0x7f: {  	_ =	shalt  }
0x80: {  	_ =	shalt  }
0x81: {  	_ =	shalt  }
0x82: {  	_ =	shalt  }
0x83: {  	_ =	shalt  }
0x84: {  	_ =	shalt  }
0x85: {  	_ =	shalt  }
0x86: {  	_ =	shalt  }
0x87: {  	_ =	shalt  }
.Lfunc_end0:
.L_simem_size_0:
called_computation_lowered:
.L_overlay_start_0:
0x88: {  	s2 =	sld [smem:$0x3FD9]  }
0x89: {  	s3 =	sld [smem:$0x3FFE];
	_ =	sdelay $0x1  }
0x8a: {  	s1 =	srdreg.scid  }
0x8b: {  	s0 =	sand.u32 $0x1, s1  }
0x8c: {  	s16 =	sshll.u32 s0, $0xA;
	s2 =	sadd.s32 s3, s2  }
0x8d: {  	s2 =	sadd.s32 s2, s16  }
0x8e: {  	[smem:$0x3FBA] =	sst s2  }
0x8f: {  	_ = 	snop  }
0x90: {  	(tm) =	ssettm $0x1  }
0x91: {  	s17 =	sld [smem:$0x3FFB];
	_ =	sdelay $0x3  }
0x92: {  	_ =	strace s17  }
0x93: {  	s2 =	sld [smem:$0x3FFC];
	_ =	sdelay $0x3  }
0x94: {  	_ =	strace s2  }
0x95: {  	s2 =	sld [smem:$0x3FFD];
	_ =	sdelay $0x3  }
0x96: {  	_ =	strace s2  }
0x97: {  	_ =	strace $0x8FFFFFFF  }
0x98: {  	s18 =	sld [smem:$0x3FDB];
	_ =	sdelay $0x1  }
0x99: {  	s19 =	simm.s32 $_scs_section_size  }
0x9a: {  	s4 =	simm.s32 $_size__tile_overlayer_lowered;
	s5 =	simm.s32 $_tile_overlayer_lowered  }
0x9b: {  	s22 =	simm.s32 $0x1BFF;
	s21 =	sshll.u32 s5, $0x1;
	s2 =	sadd.s32 s19, s18  }
0x9c: {  	s6 =	simm.s32 $0x0;
	s20 =	sshll.u32 s4, $0x1;
	s4 =	sadd.s32 s21, s2  }
0x9d: {  	[timem:s6], [sflag:s22] =	dma.local [hbm:s4], s20  }
0x9e: {  	_ =	swait.ge [sflag:s22], s20  }
0x9f: {  	s3 =	ssub.s32 $0x0, s20;
	[sflag:s22] =	ssyncset.done $0x0  }
0xa0: {  	[sflag:s22] =	ssyncadd.s32 s3;
	_ =	sdelay $0x1  }
0xa1: {  	s23 =	simm.s32 $0x1B8B  }
0xa2: {  	_ =	swait.ge [sflag:s23], $0x1  }
0xa3: {  	[sflag:s23] =	ssyncset.done $0x0  }
0xa4: {  	s25 =	simm.s32 $0x1B8E;
	s24 =	sld [smem:$0x3FFE];
	[sflag:s23] =	ssyncadd.s32 $0xFFFFFFFF  }
0xa5: {  	s26 =	simm.s32 $execute0_lowered;
	[smem:$0x3FD2] =	sst s25  }
0xa6: {  	s4 =	sshll.u32 s26, $0x1;
	_ =	strace $0x80000046;
	[dreg:$0x1] =	wrdreg $0xFFFFFFFF  }
0xa7: {  	s28 =	simm.s32 $_size_execute0_lowered;
	s2 =	sadd.s32 s2, s4;
	[dreg:$0x0] =	wrdreg $0x0  }
0xa8: {  	s4 =	sshll.u32 s28, $0x1;
	[dreg:$0x2] =	wrdreg s2  }
0xa9: {  	[dreg:$0x3] =	wrdreg s4  }
0xaa: {  	[dreg:$0x4] =	wrdreg $0xC0  }
0xab: {  	_ =	task [dreg:s6], $0x5FFFF  }
0xac: {  	[dreg:$0x1] =	wrdreg $0xFFFFFFFF  }
0xad: {  	[dreg:$0x0] =	wrdreg $0x60  }
0xae: {  	[dreg:$0x2] =	wrdreg s24  }
0xaf: {  	[dreg:$0x3] =	wrdreg $0x10C800  }
0xb0: {  	[dreg:$0x4] =	wrdreg $0x15C800  }
0xb1: {  	[dreg:$0x5] =	wrdreg $0x1AC800  }
0xb2: {  	[dreg:$0x6] =	wrdreg $0x9  }
0xb3: {  	_ =	task.clear_ibuf [dreg:s6], $0x7FFFF;
	_ =	strace $0x90000046  }
0xb4: {  	s29 =	simm.s32 $0x9;
	_ =	strace $0x80000048  }
0xb5: {  	_ =	swait.ge [sflag:s29], $0x1  }
0xb6: {  	[sflag:s29] =	ssyncadd.s32 $0xFFFFFFFF  }
0xb7: {  	_ =	strace $0x90000048  }
0xb8: {  	_ =	sfence  }
0xb9: {  	s30 =	sld [smem:$0x0];
	_ =	sdelay $0x2  }
0xba: {  	s31 =	sshll.u32 s1, $0xD;
	s1 =	sshrl.u32 s1, $0x2  }
0xbb: {  	s3 =	sand.u32 $0x4000, s31;
	s1 =	sadd.s32 s1, s30  }
0xbc: {  	s0 =	sor.u32 s3, s0;
	s1 =	sshll.u32 s1, $0x11  }
0xbd: {  	s0 =	sor.u32 s1, s0  }
0xbe: {  	s0 =	sadd.s32 $0x8F2B, s0  }
0xbf: {  	[sflag:s0] =	ssyncadd.remote.s32 $0x1  }
0xc0: {  	_ =	sfence.sel $0xFFFF  }
0xc1: {  	[dreg:$0x0] =	wrdreg $0xFFFFFFFF;
	(pc) =	sbr.abs _section_cstart, $3  }
0xc2: {  	[dreg:$0x1] =	wrdreg $0xFFFFFFFF  }
0xc3: {  	_ =	task.clear_ibuf [dreg:s6], $0x2FFFF;
	_ =	strace $0x9FFFFFFF  }
0xc4: {  	(tm) =	ssettm $0x7FFFFFFF  }
0xc5: {  	_ =	shalt  }
tec
execute0_lowered:
.L_overlay_start_1:
0x0: {  	(tag) =	ssettag $0x1  }
0x1: {  	s0 =	srdreg.scid  }
0x2: {  	s1 =	rddreg [dreg:$0x0];
	s13 =	stileid.u32  }
0x3: {  	s2 =	rddreg [dreg:$0x1];
	s5 =	simm.s32 $0x0;
	s7 =	smul.u32 $0xA000, s13  }
0x4: {  	s29 =	simm.s32 $0xA800;
	s31 =	simm.s32 $0xB800;
	s9 =	smul.u32 $0x1400, s13  }
0x5: {  	s28 =	simm.s32 $0x1;
	s0 =	sand.u32 $0x1, s0;
	s20 =	smul.u32 $0x14000, s13  }
0x6: {  	s30 =	simm.s32 $0xF800;
	[smem:$0x7FF] =	sst s5;
	s8 =	smul.u32 $0xA0000, s0  }
0x7: {  	s22 =	sshll.u32 s13, $0x6;
	s3 =	sshll.u32 s0, $0x4;
	s10 =	smul.u32 $0x14000, s0  }
0x8: {  	s0 =	ssub.s32 $0x2, s0;
	s4 =	sor.u32 s13, s3;
	s3 =	rddreg [dreg:$0x2]  }
0x9: {  	s11 =	sshrl.u32 s7, $0x4;
	s19 =	sshrl.u32 s0, $0x1;
	s12 =	sshrl.u32 s7, $0x1  }
0xa: {  	s23 =	sshrl.u32 s20, $0x2;
	s20 =	simm.s32 $0x3;
	s6 =	smul.u32 $0x500, s4  }
0xb: {  	s4 =	rddreg [dreg:$0x3];
	_ =	strace $0x80000047;
	s8 =	sadd.s32 s7, s8  }
0xc: {  	s11 =	sadd.s32 s11, s1;
	s10 =	sadd.s32 s9, s10;
	s0 =	ssub.s32 s0, s19  }
0xd: {  	s17 =	sadd.s32 s12, s2;
	s7 =	sor.u32 $0x1C05, s22;
	s19 =	simm.s32 $0x7800  }
0xe: {  	s22 =	simm.s32 $0x4;
	s8 =	sshrl.u32 s8, $0x4;
	s18 =	sshrl.u32 s10, $0x3  }
0xf: {  	s21 =	sadd.s32 $0x49000, s11;
	s10 =	sadd.s32 s23, s3;
	s16 =	smax.u32 s0, $0x1  }
0x10: {  	s17 =	sshrl.u32 s17, $0x3;
	s23 =	simm.s32 $0x80;
	s0 =	simm.s32 $0xC800  }
0x11: {  	s6 =	sadd.s32 s6, s1;
	s14 =	sadd.s32 s8, s1;
	s1 =	sadd.s32 s18, s1  }
0x12: {  	[dreg:$0x5] =	wrdreg s21;
	s8 =	sadd.s32 s12, s3;
	s10 =	sadd.s32 $0x4000, s10  }
0x13: {  	s18 =	simm.s32 $0x5;
	[dreg:$0x6] =	wrdreg s10;
	s24 =	sadd.s32 $0x2B000, s6  }
.Ltmp0:
0x14: {  	s25 =	sadd.s32 $0x35000, s6;
	[dreg:$0x7] =	wrdreg s24;
	(pc) =	sbr.rel .LBB2_1-.Ltmp0, $4  }
0x15: {  	s21 =	simm.s32 $0xD800;
	s6 =	sadd.s32 $0x3F000, s6;
	[dreg:$0x8] =	wrdreg s25  }
0x16: {  	s10 =	sadd.s32 s9, s4;
	s26 =	sadd.s32 $0x53000, s14;
	[dreg:$0x9] =	wrdreg s6  }
0x17: {  	s15 =	sadd.s32 $0x67000, s1;
	s1 =	simm.s32 $0x2;
	[dreg:$0xa] =	wrdreg s26  }
0x18: {  	v0 =	vimm.bf16 $0.0e+00;
	v1 =	vimm.f32 $0.0e+00;
	v2 =	vimm.f32 $1.000000000e+00;
	s24 =	simm.s32 $0x8800;
	s26 =	simm.s32 $0x9800;
	s25 =	simm.s32 $0xE800  }
.LBB2_8:
0x19: {  	[bflag:$0x0] =	sbarrier.arrive $0xFFFF  }
0x1a: {  	s6 =	sshrl.u32 s8, $0x3;
	s9 =	rddreg [dreg:$0xa]  }
0x1b: {  	[hbm:s9], [sflag:s7] =	dma.local [spmem:s6], $0xA00  }
0x1c: {  	s5 =	sadd.s32 $0x1, s5;
	_ =	swait.ge [sflag:s18], $0xA00  }
0x1d: {  	p0 =	sne.s32 s5, s16;
	[sflag:s18] =	ssyncset.done $0x0  }
.Ltmp1:
0x1e: {  	s14 =	sshrl.u32 s10, $0x3;
	[sflag:s18] =	ssyncadd.s32 $0xFFFFF600;
	(pc) =	sbr.rel @!p0 .LBB2_9-.Ltmp1, $4  }
0x1f: {  	[hbm:s15], [sflag:s7] =	dma.local [spmem:s14], $0x280  }
0x20: {  	_ =	swait.ge [sflag:s18], $0x280  }
0x21: {  	[sflag:s18] =	ssyncset.done $0x0  }
0x22: {  	[sflag:s18] =	ssyncadd.s32 $0xFFFFFD80  }
.LBB2_1:
0x23: {  	s6 =	rddreg [dreg:$0x5]  }
0x24: {  	[spmem:s17], [sflag:s7] =	dma.local [hbm:s6], $0xA00  }
0x25: {  	_ =	swait.ge [sflag:s18], $0xA00  }
0x26: {  	[sflag:s18] =	ssyncset.done $0x0  }
0x27: {  	s9 =	simm.s32 $0x0;
	s6 =	simm.s32 $0x80;
	[sflag:s18] =	ssyncadd.s32 $0xFFFFF600  }
.LBB2_2:
0x28: {  	p0 =	sne.s32 s6, $0xFF80;
	[tilespmem:s9+$0x7800] =	vst v0;
	s11 =	smov.u32 s6;
	s6 =	sadd.s32 $0x80, s6  }
.Ltmp2:
0x29: {  	[tilespmem:s9+$0x7810] =	vst v0;
	(pc) =	sbr.rel @p0 .LBB2_2-.Ltmp2, $2  }
0x2a: {  	_ =	sdelay $0x2  }
0x2b: {  	s9 =	sshra.s32 s11, $0x2  }
0x2c: {  	[tilespmem:s9+$0x7800] =	vst v0  }
0x2d: {  	[tilespmem:s9+$0x7810] =	vst v0  }
0x2e: {  	[spmem:s8] =	stream.linear.scatter [tilespmem:s19], [sflag:$0x5], $0x4000, $0x38;
	[tilespmem:$0x1C080] =	vst v63  }
0x2f: {  	_ =	swait.ge [sflag:s18], $0x4000  }
0x30: {  	[sflag:s18] =	ssyncset.done $0x0  }
0x31: {  	s6 =	rddreg [dreg:$0x6];
	[sflag:s18] =	ssyncadd.s32 $0xFFFFC000  }
0x32: {  	[spmem:s6] =	stream.linear.scatter [tilespmem:s19], [sflag:$0x5], $0x1000, $0x38;
	[tilespmem:$0x1C080] =	vst v63  }
0x33: {  	_ =	swait.ge [sflag:s18], $0x1000  }
0x34: {  	[sflag:s18] =	ssyncset.done $0x0  }
0x35: {  	s9 =	simm.s32 $0x0;
	s6 =	simm.s32 $0x40;
	[sflag:s18] =	ssyncadd.s32 $0xFFFFF000  }
.LBB2_4:
0x36: {  	p0 =	sne.s32 s6, $0x4FC0;
	[tilespmem:s9+$0xF880] =	vst v1;
	s9 =	smov.u32 s6;
	s6 =	sadd.s32 $0x40, s6  }
.Ltmp3:
0x37: {  	(pc) =	sbr.rel @p0 .LBB2_4-.Ltmp3, $2  }
0x38: {  	_ =	sdelay $0x2  }
0x39: {  	s9 =	sshra.s32 s9, $0x2  }
0x3a: {  	[tilespmem:s9+$0xF880] =	vst v1;
	s6 =	simm.s32 $0xF880  }
0x3b: {  	[spmem:s10] =	stream.linear.scatter [tilespmem:s6], [sflag:$0x5], $0x1400, $0x38;
	[tilespmem:$0x1C080] =	vst v63  }
0x3c: {  	_ =	swait.ge [sflag:s18], $0x1400  }
0x3d: {  	[sflag:s18] =	ssyncset.done $0x0  }
0x3e: {  	[sflag:s18] =	ssyncadd.s32 $0xFFFFEC00  }
0x3f: {  	[tilespmem:$0xF800] =	vst v2  }
0x40: {  	[tilespmem:$0xF810] =	vst v2  }
0x41: {  	[tilespmem:$0xF820] =	vst v2  }
0x42: {  	[tilespmem:$0xF830] =	vst v2  }
0x43: {  	[tilespmem:$0xF840] =	vst v2  }
0x44: {  	[tilespmem:$0xF850] =	vst v2  }
0x45: {  	[tilespmem:$0xF860] =	vst v2  }
0x46: {  	[tilespmem:$0xF870] =	vst v2  }
0x47: {  	[bflag:$0x0] =	sbarrier.arrive $0xFFFF  }
0x48: {  	s6 =	simm.s32 $0x0;
	s13 =	rddreg [dreg:$0x7]  }
0x49: {  	[tilespmem:s6], [sflag:$0x5] =	stream.linear.gather [hbm4b:s13+s6], $0x2800, $0x38;
	[tilespmem:$0x1C080] =	vst v63  }
0x4a: {  	_ =	swait.ge [sflag:s18], $0x2800  }
0x4b: {  	[sflag:s18] =	ssyncset.done $0x0  }
0x4c: {  	s11 =	simm.s32 $0x2800;
	s14 =	rddreg [dreg:$0x8];
	[sflag:s18] =	ssyncadd.s32 $0xFFFFD800  }
0x4d: {  	[tilespmem:s11], [sflag:$0x5] =	stream.linear.gather [hbm4b:s14+s6], $0x2800, $0x38;
	[tilespmem:$0x1C080] =	vst v63  }
0x4e: {  	_ =	swait.ge [sflag:s18], $0x2800  }
0x4f: {  	[sflag:s18] =	ssyncset.done $0x0  }
0x50: {  	s12 =	simm.s32 $0x5000;
	s11 =	rddreg [dreg:$0x9];
	[sflag:s18] =	ssyncadd.s32 $0xFFFFD800  }
0x51: {  	[tilespmem:s12], [sflag:$0x5] =	stream.linear.gather [hbm4b:s11+s6], $0x2800, $0x38;
	[tilespmem:$0x1C080] =	vst v63  }
0x52: {  	_ =	swait.ge [sflag:s18], $0x2800  }
0x53: {  	[sflag:s18] =	ssyncset.done $0x0  }
0x54: {  	[sflag:s18] =	ssyncadd.s32 $0xFFFFD800  }
0x55: {  	[tilespmem:s19], [sflag:$0x1] =	stream.indirect.gather [spmem:s2], $0x20, s6, s23, $0xb8;
	[tilespmem:$0x1C080] =	vst v63  }
0x56: {  	_ = 	snop  }
0x57: {  	[tilespmem:s24], [sflag:$0x1] =	stream.indirect.gather [spmem:s2], $0x20, s23, s23, $0xb8;
	[tilespmem:$0x1C080] =	vst v63  }
0x58: {  	s13 =	simm.s32 $0x100  }
0x59: {  	[tilespmem:s26], [sflag:$0x1] =	stream.indirect.gather [spmem:s2], $0x20, s13, s23, $0xb8;
	[tilespmem:$0x1C080] =	vst v63  }
0x5a: {  	s14 =	simm.s32 $0x180  }
0x5b: {  	[tilespmem:s29], [sflag:$0x1] =	stream.indirect.gather [spmem:s2], $0x20, s14, s23, $0xb8;
	[tilespmem:$0x1C080] =	vst v63  }
0x5c: {  	s11 =	simm.s32 $0x200  }
0x5d: {  	[tilespmem:s31], [sflag:$0x2] =	stream.indirect.gather [spmem:s2], $0x20, s11, s23, $0xb8;
	[tilespmem:$0x1C080] =	vst v63  }
0x5e: {  	s12 =	simm.s32 $0x280  }
0x5f: {  	[tilespmem:s0], [sflag:$0x2] =	stream.indirect.gather [spmem:s2], $0x20, s12, s23, $0xb8;
	[tilespmem:$0x1C080] =	vst v63  }
0x60: {  	s13 =	simm.s32 $0x300  }
0x61: {  	[tilespmem:s21], [sflag:$0x2] =	stream.indirect.gather [spmem:s2], $0x20, s13, s23, $0xb8;
	[tilespmem:$0x1C080] =	vst v63  }
0x62: {  	s14 =	simm.s32 $0x380  }
0x63: {  	[tilespmem:s25], [sflag:$0x2] =	stream.indirect.gather [spmem:s2], $0x20, s14, s23, $0xb8;
	[tilespmem:$0x1C080] =	vst v63  }
.LBB2_6:
0x64: {  	_ =	swait.ge [sflag:s28], $0x1000  }
0x65: {  	[sflag:s28] =	ssyncset.done $0x0  }
0x66: {  	[sflag:s28] =	ssyncadd.s32 $0xFFFFF000  }
0x67: {  	_ =	swait.ge [sflag:s28], $0x1000  }
0x68: {  	[sflag:s28] =	ssyncset.done $0x0  }
0x69: {  	[sflag:s28] =	ssyncadd.s32 $0xFFFFF000  }
0x6a: {  	_ =	swait.ge [sflag:s28], $0x1000  }
0x6b: {  	[sflag:s28] =	ssyncset.done $0x0  }
0x6c: {  	[sflag:s28] =	ssyncadd.s32 $0xFFFFF000  }
0x6d: {  	_ =	swait.ge [sflag:s28], $0x1000  }
0x6e: {  	s9 =	sshra.s32 s6, $0x2;
	[sflag:s28] =	ssyncset.done $0x0  }
0x6f: {  	s11 =	sadd.s32 $0x2800, s9;
	[sflag:s28] =	ssyncadd.s32 $0xFFFFF000  }
0x70: {  	[spmem:s3] =	stream.indirect.scatter.add.bf16 [tilespmem:s19], [sflag:$0x3], $0x20, s11, s23, $0xb8;
	[tilespmem:$0x1C080] =	vst v63  }
0x71: {  	s12 =	sadd.s32 $0x5000, s9  }
0x72: {  	[spmem:s4] =	stream.indirect.scatter.add.f32 [tilespmem:s30], [sflag:$0x3], $0x1, s12, s23, $0xb8;
	[tilespmem:$0x1C080] =	vst v63  }
0x73: {  	s13 =	sadd.s32 $0x2880, s9  }
0x74: {  	[spmem:s3] =	stream.indirect.scatter.add.bf16 [tilespmem:s24], [sflag:$0x3], $0x20, s13, s23, $0xb8;
	[tilespmem:$0x1C080] =	vst v63  }
0x75: {  	s14 =	sadd.s32 $0x5080, s9  }
0x76: {  	[spmem:s4] =	stream.indirect.scatter.add.f32 [tilespmem:s30], [sflag:$0x3], $0x1, s14, s23, $0xb8;
	[tilespmem:$0x1C080] =	vst v63  }
0x77: {  	s12 =	sadd.s32 $0x2900, s9  }
0x78: {  	[spmem:s3] =	stream.indirect.scatter.add.bf16 [tilespmem:s26], [sflag:$0x3], $0x20, s12, s23, $0xb8;
	[tilespmem:$0x1C080] =	vst v63  }
0x79: {  	s13 =	sadd.s32 $0x5100, s9  }
0x7a: {  	[spmem:s4] =	stream.indirect.scatter.add.f32 [tilespmem:s30], [sflag:$0x3], $0x1, s13, s23, $0xb8;
	[tilespmem:$0x1C080] =	vst v63  }
0x7b: {  	s14 =	sadd.s32 $0x2980, s9  }
0x7c: {  	[spmem:s3] =	stream.indirect.scatter.add.bf16 [tilespmem:s29], [sflag:$0x3], $0x20, s14, s23, $0xb8;
	[tilespmem:$0x1C080] =	vst v63  }
0x7d: {  	s12 =	sadd.s32 $0x5180, s9  }
0x7e: {  	[spmem:s4] =	stream.indirect.scatter.add.f32 [tilespmem:s30], [sflag:$0x3], $0x1, s12, s23, $0xb8;
	[tilespmem:$0x1C080] =	vst v63  }
0x7f: {  	_ =	swait.ge [sflag:s1], $0x1000  }
0x80: {  	[sflag:s1] =	ssyncset.done $0x0  }
0x81: {  	[sflag:s1] =	ssyncadd.s32 $0xFFFFF000  }
0x82: {  	_ =	swait.ge [sflag:s1], $0x1000  }
0x83: {  	[sflag:s1] =	ssyncset.done $0x0  }
0x84: {  	[sflag:s1] =	ssyncadd.s32 $0xFFFFF000  }
0x85: {  	_ =	swait.ge [sflag:s1], $0x1000  }
0x86: {  	[sflag:s1] =	ssyncset.done $0x0  }
0x87: {  	[sflag:s1] =	ssyncadd.s32 $0xFFFFF000  }
0x88: {  	_ =	swait.ge [sflag:s1], $0x1000  }
0x89: {  	[sflag:s1] =	ssyncset.done $0x0  }
0x8a: {  	[sflag:s1] =	ssyncadd.s32 $0xFFFFF000  }
0x8b: {  	_ =	swait.ge [sflag:s20], $0x1000  }
0x8c: {  	[sflag:s20] =	ssyncset.done $0x0  }
0x8d: {  	[sflag:s20] =	ssyncadd.s32 $0xFFFFF000  }
0x8e: {  	_ =	swait.ge [sflag:s20], $0x80  }
0x8f: {  	[sflag:s20] =	ssyncset.done $0x0  }
0x90: {  	[sflag:s20] =	ssyncadd.s32 $0xFFFFFF80  }
0x91: {  	_ =	swait.ge [sflag:s20], $0x1000  }
0x92: {  	[sflag:s20] =	ssyncset.done $0x0  }
0x93: {  	[sflag:s20] =	ssyncadd.s32 $0xFFFFF000  }
0x94: {  	_ =	swait.ge [sflag:s20], $0x80  }
0x95: {  	[sflag:s20] =	ssyncset.done $0x0  }
0x96: {  	[sflag:s20] =	ssyncadd.s32 $0xFFFFFF80  }
0x97: {  	_ =	swait.ge [sflag:s20], $0x1000  }
0x98: {  	[sflag:s20] =	ssyncset.done $0x0  }
0x99: {  	[sflag:s20] =	ssyncadd.s32 $0xFFFFF000  }
0x9a: {  	_ =	swait.ge [sflag:s20], $0x80  }
0x9b: {  	[sflag:s20] =	ssyncset.done $0x0  }
0x9c: {  	[sflag:s20] =	ssyncadd.s32 $0xFFFFFF80  }
0x9d: {  	_ =	swait.ge [sflag:s20], $0x1000  }
0x9e: {  	[sflag:s20] =	ssyncset.done $0x0  }
0x9f: {  	[sflag:s20] =	ssyncadd.s32 $0xFFFFF000  }
0xa0: {  	p0 =	seq.s32 s6, $0x9000;
	_ =	swait.ge [sflag:s20], $0x80  }
0xa1: {  	s11 =	sshra.s32 @!p0 s6, $0x2;
	s13 =	simm.s32 @!p0 $0x80;
	[sflag:s20] =	ssyncset.done $0x0  }
0xa2: {  	s14 =	simm.s32 @!p0 $0x7800;
	s12 =	sadd.s32 @!p0 $0x400, s11;
	[sflag:s20] =	ssyncadd.s32 $0xFFFFFF80  }
0xa3: {  	[tilespmem:s14], [sflag:$0x1] =	stream.indirect.gather @!p0 [spmem:s2], $0x20, s12, s13, $0xb8;
	[tilespmem:$0x1C080] =	vst v63  }
0xa4: {  	s12 =	sadd.s32 @!p0 $0x480, s11;
	s14 =	simm.s32 @!p0 $0x8800  }
0xa5: {  	[tilespmem:s14], [sflag:$0x1] =	stream.indirect.gather @!p0 [spmem:s2], $0x20, s12, s13, $0xb8;
	[tilespmem:$0x1C080] =	vst v63  }
0xa6: {  	s12 =	sadd.s32 @!p0 $0x500, s11;
	s14 =	simm.s32 @!p0 $0x9800  }
0xa7: {  	[tilespmem:s14], [sflag:$0x1] =	stream.indirect.gather @!p0 [spmem:s2], $0x20, s12, s13, $0xb8;
	[tilespmem:$0x1C080] =	vst v63  }
0xa8: {  	s11 =	sadd.s32 @!p0 $0x580, s11;
	s12 =	simm.s32 @!p0 $0xA800  }
0xa9: {  	[tilespmem:s12], [sflag:$0x1] =	stream.indirect.gather @!p0 [spmem:s2], $0x20, s11, s13, $0xb8;
	[tilespmem:$0x1C080] =	vst v63  }
0xaa: {  	s13 =	sadd.s32 $0x2A00, s9  }
0xab: {  	[spmem:s3] =	stream.indirect.scatter.add.bf16 [tilespmem:s31], [sflag:$0x4], $0x20, s13, s23, $0xb8;
	[tilespmem:$0x1C080] =	vst v63  }
0xac: {  	s14 =	sadd.s32 $0x5200, s9  }
0xad: {  	[spmem:s4] =	stream.indirect.scatter.add.f32 [tilespmem:s30], [sflag:$0x4], $0x1, s14, s23, $0xb8;
	[tilespmem:$0x1C080] =	vst v63  }
0xae: {  	s12 =	sadd.s32 $0x2A80, s9  }
0xaf: {  	[spmem:s3] =	stream.indirect.scatter.add.bf16 [tilespmem:s0], [sflag:$0x4], $0x20, s12, s23, $0xb8;
	[tilespmem:$0x1C080] =	vst v63  }
0xb0: {  	s13 =	sadd.s32 $0x5280, s9  }
0xb1: {  	[spmem:s4] =	stream.indirect.scatter.add.f32 [tilespmem:s30], [sflag:$0x4], $0x1, s13, s23, $0xb8;
	[tilespmem:$0x1C080] =	vst v63  }
0xb2: {  	s14 =	sadd.s32 $0x2B00, s9  }
0xb3: {  	[spmem:s3] =	stream.indirect.scatter.add.bf16 [tilespmem:s21], [sflag:$0x4], $0x20, s14, s23, $0xb8;
	[tilespmem:$0x1C080] =	vst v63  }
0xb4: {  	s12 =	sadd.s32 $0x5300, s9  }
0xb5: {  	[spmem:s4] =	stream.indirect.scatter.add.f32 [tilespmem:s30], [sflag:$0x4], $0x1, s12, s23, $0xb8;
	[tilespmem:$0x1C080] =	vst v63  }
0xb6: {  	s13 =	sadd.s32 $0x2B80, s9  }
0xb7: {  	[spmem:s3] =	stream.indirect.scatter.add.bf16 [tilespmem:s25], [sflag:$0x4], $0x20, s13, s23, $0xb8;
	[tilespmem:$0x1C080] =	vst v63  }
0xb8: {  	s14 =	sadd.s32 $0x5380, s9  }
0xb9: {  	[spmem:s4] =	stream.indirect.scatter.add.f32 [tilespmem:s30], [sflag:$0x4], $0x1, s14, s23, $0xb8;
	[tilespmem:$0x1C080] =	vst v63  }
0xba: {  	_ =	swait.ge [sflag:s22], $0x1000  }
0xbb: {  	[sflag:s22] =	ssyncset.done $0x0  }
0xbc: {  	[sflag:s22] =	ssyncadd.s32 $0xFFFFF000  }
0xbd: {  	_ =	swait.ge [sflag:s22], $0x80  }
0xbe: {  	[sflag:s22] =	ssyncset.done $0x0  }
0xbf: {  	[sflag:s22] =	ssyncadd.s32 $0xFFFFFF80  }
0xc0: {  	_ =	swait.ge [sflag:s22], $0x1000  }
0xc1: {  	[sflag:s22] =	ssyncset.done $0x0  }
0xc2: {  	[sflag:s22] =	ssyncadd.s32 $0xFFFFF000  }
0xc3: {  	_ =	swait.ge [sflag:s22], $0x80  }
0xc4: {  	[sflag:s22] =	ssyncset.done $0x0  }
0xc5: {  	[sflag:s22] =	ssyncadd.s32 $0xFFFFFF80  }
0xc6: {  	_ =	swait.ge [sflag:s22], $0x1000  }
0xc7: {  	[sflag:s22] =	ssyncset.done $0x0  }
0xc8: {  	[sflag:s22] =	ssyncadd.s32 $0xFFFFF000  }
0xc9: {  	_ =	swait.ge [sflag:s22], $0x80  }
0xca: {  	[sflag:s22] =	ssyncset.done $0x0  }
0xcb: {  	[sflag:s22] =	ssyncadd.s32 $0xFFFFFF80  }
0xcc: {  	_ =	swait.ge [sflag:s22], $0x1000  }
.Ltmp4:
0xcd: {  	[sflag:s22] =	ssyncset.done $0x0;
	(pc) =	sbr.rel @p0 .LBB2_8-.Ltmp4, $4  }
0xce: {  	[sflag:s22] =	ssyncadd.s32 $0xFFFFF000  }
0xcf: {  	_ =	swait.ge [sflag:s22], $0x80  }
0xd0: {  	[sflag:s22] =	ssyncset.done $0x0  }
0xd1: {  	[sflag:s22] =	ssyncadd.s32 $0xFFFFFF80  }
0xd2: {  	s11 =	sadd.s32 $0x600, s9  }
0xd3: {  	[tilespmem:s31], [sflag:$0x2] =	stream.indirect.gather [spmem:s2], $0x20, s11, s23, $0xb8;
	[tilespmem:$0x1C080] =	vst v63  }
0xd4: {  	s12 =	sadd.s32 $0x680, s9  }
0xd5: {  	[tilespmem:s0], [sflag:$0x2] =	stream.indirect.gather [spmem:s2], $0x20, s12, s23, $0xb8;
	[tilespmem:$0x1C080] =	vst v63  }
.Ltmp5:
0xd6: {  	_ = 	snop;
	(pc) =	sbr.rel .LBB2_6-.Ltmp5, $4  }
0xd7: {  	s13 =	sadd.s32 $0x700, s9  }
0xd8: {  	[tilespmem:s21], [sflag:$0x2] =	stream.indirect.gather [spmem:s2], $0x20, s13, s23, $0xb8;
	[tilespmem:$0x1C080] =	vst v63  }
0xd9: {  	s14 =	sadd.s32 $0x780, s9;
	s6 =	sadd.s32 $0x1000, s6  }
0xda: {  	[tilespmem:s25], [sflag:$0x2] =	stream.indirect.gather [spmem:s2], $0x20, s14, s23, $0xb8;
	[tilespmem:$0x1C080] =	vst v63  }
.LBB2_9:
0xdb: {  	_ =	sfence.sel $0x180000  }
0xdc: {  	[bflag:$0x0] =	sbarrier.arrive $0xFFFF  }
0xdd: {  	_ =	strace $0x90000047  }
0xde: {  	s0 =	stileid.u32;
	[bflag:$0x2] =	sbarrier.arrive $0xFFFF  }
0xdf: {  	p0 =	sne.s32 s0, $0x0;
	s0 =	rddreg [dreg:$0x4]  }
0xe0: {  	s0 =	sadd.s32 @!p0 $0x100000, s0  }
0xe1: {  	[sflag:s0] =	ssyncadd.tile.s32 @!p0 $0x1;
	_ =	shalt  }
.Lfunc_end2:
_tile_overlayer_lowered:
.L_overlay_start_2:
0xe2: {  	(tag) =	ssettag $0x2  }
0xe3: {  	s0 =	rddreg [dreg:$0x0];
	s2 =	stileid.u32  }
0xe4: {  	s1 =	rddreg [dreg:$0x1];
	p0 =	sne.s32 s2, $0x0  }
0xe5: {  	s3 =	rddreg [dreg:$0x2];
	[bflag:$0x3] =	sbarrier.arrive $0xFFFF;
	s2 =	simm.s32 @!p0 $0x1C05  }
0xe6: {  	[timem:s3], [sflag:s2] =	dma.local @!p0 [hbm:s0], s1  }
0xe7: {  	s0 =	simm.s32 @!p0 $0x5  }
0xe8: {  	_ =	swait.ge @!p0 [sflag:s0], s1  }
0xe9: {  	s1 =	ssub.s32 @!p0 $0x0, s1;
	[sflag:s0] =	ssyncset.done @!p0 $0x0  }
0xea: {  	[sflag:s0] =	ssyncadd.s32 @!p0 s1  }
0xeb: {  	[bflag:$0x3] =	sbarrier.arrive $0xFFFF  }
0xec: {  	_ =	shalt  }

</sc_bundles>
